<compile_context>
chip_gen: v7x
topology: tpu7x:2x2x1
jax: 0.10.2.dev20260603
libtpu: 0.0.44.dev20260713+nightly
codegen_flags: <defaults>
</compile_context>

<pallas_src>
import functools

import jax
import jax.numpy as jnp
from jax import lax
from jax.experimental import pallas as pl
from jax.experimental.pallas import tpu as pltpu
from jax.experimental.pallas import tpu_sc as plsc

_VOCAB = 1000000
_D = 32
_B = 16384
_H = 50
_N = _B * _H
_NC = 2
_NS = 16
_NW = _NC * _NS
_U = 256
_UNITS = _N // _U
_UPW = _UNITS // _NW
_GPH = _B // _U
_BT = _U // 128
_NBUF = 4


def _transpose_unit(src_v, tb, iota16):

    def _lg_body(lg, carry):
        rows = (lg << 4) + iota16
        base = ((lg >> 3) << 10) + ((lg & 7) << 4)
        for half in range(2):
            vecs = [
                plsc.load_gather(
                    src_v,
                    [rows, jnp.full((16,), half * 16 + s, dtype=jnp.int32)])
                for s in range(16)
            ]
            for s in range(16):
                f = half * 16 + s
                off = base + (f // 8) * (_BT * 1024) + (f % 8) * 128
                tb[pl.ds(pl.multiple_of(off, 8), 16)] = vecs[s]
        return carry

    lax.fori_loop(0, _U // 16, _lg_body, 0)


def _emb_body(w_hbm, xcm_hbm, out_hbm, idx_v, srcs, tbs, gsems, wsems):
    wid = lax.axis_index("s") * _NC + lax.axis_index("c")
    u0 = wid * _UPW
    iota16 = lax.iota(jnp.int32, 16)

    pltpu.sync_copy(
        xcm_hbm.at[pl.ds(pl.multiple_of(u0 * _U, 8), _UPW * _U)], idx_v)

    def start_gather(ul, k):
        off = pl.multiple_of(ul * _U, 8)
        pltpu.async_copy(
            w_hbm.at[idx_v.at[pl.ds(off, _U)]], srcs[k], gsems[k])

    def unit_out_base(uu, fg):
        h = uu // _GPH
        g = uu % _GPH
        return pl.multiple_of(((h * 4 + fg) * 128 + _BT * g) * 1024, 8)

    def writes(uu, k, wait):
        for fg in range(4):
            cp = pltpu.make_async_copy(
                tbs[k].at[pl.ds(fg * _BT * 1024, _BT * 1024)],
                out_hbm.at[pl.ds(unit_out_base(uu, fg), _BT * 1024)],
                wsems[k])
            if wait:
                cp.wait()
            else:
                cp.start()

    for k in range(_NBUF - 1):
        start_gather(k, k)

    def quad_body(i, carry):
        for k in range(_NBUF):
            ul = _NBUF * i + k
            uu = u0 + ul

            @pl.when(ul + _NBUF - 1 < _UPW)
            def _():
                start_gather(ul + _NBUF - 1, (k + _NBUF - 1) % _NBUF)

            pltpu.make_async_copy(
                w_hbm.at[idx_v.at[pl.ds(pl.multiple_of(ul * _U, 8), _U)]],
                srcs[k], gsems[k]).wait()

            @pl.when(ul >= _NBUF)
            def _():
                writes(uu - _NBUF, k, wait=True)

            _transpose_unit(srcs[k], tbs[k], iota16)
            writes(uu, k, wait=False)
        return carry

    lax.fori_loop(0, _UPW // _NBUF, quad_body, 0)

    for k in range(_NBUF):
        writes(u0 + _UPW - _NBUF + k, k, wait=True)


def _emb_wrapper(w_hbm, xcm_hbm, out_hbm, idx_v,
                 s0, s1, s2, s3, t0, t1, t2, t3,
                 g0, g1, g2, g3, w0, w1, w2, w3):
    _emb_body(w_hbm, xcm_hbm, out_hbm, idx_v,
              (s0, s1, s2, s3), (t0, t1, t2, t3),
              (g0, g1, g2, g3), (w0, w1, w2, w3))


@jax.jit
def _emb_lookup(weight, xcm):
    mesh = plsc.VectorSubcoreMesh(core_axis_name="c", subcore_axis_name="s")
    return pl.kernel(
        _emb_wrapper,
        out_type=jax.ShapeDtypeStruct((_N * _D,), jnp.float32),
        mesh=mesh,
        compiler_params=pltpu.CompilerParams(
            use_tc_tiling_on_sc=False, needs_layout_passes=False),
        scratch_types=(
            [pltpu.VMEM((_UPW * _U,), jnp.int32)]
            + [pltpu.VMEM((_U, _D), jnp.float32)] * _NBUF
            + [pltpu.VMEM((_U * _D,), jnp.float32)] * _NBUF
            + [pltpu.SemaphoreType.DMA] * (2 * _NBUF)
        ),
    )(weight, xcm)


def kernel(x, weight):
    xcm = x.astype(jnp.int32).T.reshape(-1)
    out1d = _emb_lookup(weight, xcm)
    ko = out1d.reshape(_H, 4, _B // 128, 8, 128)
    return ko.transpose(2, 4, 0, 1, 3).reshape(_B, _H, _D)

# --- scband reference (transcript-rebuilt; emitter-appended) ---
"""Pipeline reference for scband-expandable-embedding-82222853915108 (READ-ONLY COPY).

The authoritative reference and input builder live on the scoring server;
editing this copy changes nothing except your own understanding.
"""

import jax, jax.numpy as jnp
import numpy as np

VOCAB = 1000000
EMBED_DIM = 32
BATCH = 16384
HIST = 50

def setup_inputs(seed: int = 0) -> dict:
    key = jax.random.key(seed)
    k_idx, k_w = jax.random.split(key)
    x = jax.random.randint(k_idx, (BATCH, HIST), 0, VOCAB, dtype=jnp.int64 if jax.config.read('jax_enable_x64') else jnp.int32)
    weight = jax.random.normal(k_w, (VOCAB, EMBED_DIM), dtype=jnp.float32)
    return {"x": x, "weight": weight}

def reference(x, weight):
    # F.embedding(x, weight) == gather rows of weight by x
    return jnp.take(weight, x, axis=0)

if __name__ == "__main__":
    import jax
    _d = setup_inputs()
    print(jax.jit(kernel)(*tuple(_d.values())))

</pallas_src>

<mosaic_0001>
#map = affine_map<(d0, d1) -> (0, 0)>
#map1 = affine_map<(d0, d1) -> (0)>
module attributes {stable_mosaic.version = 14 : i64} {
  func.func @_emb_wrapper(%arg0: i32, %arg1: i32, %arg2: memref<1000000x32xf32, #tpu.memory_space<hbm>>, %arg3: memref<819200xi32, #tpu.memory_space<hbm>>, %arg4: memref<26214400xf32, #tpu.memory_space<hbm>>, %arg5: memref<25600xi32, #tpu.memory_space<vmem>>, %arg6: memref<256x32xf32, #tpu.memory_space<vmem>>, %arg7: memref<256x32xf32, #tpu.memory_space<vmem>>, %arg8: memref<256x32xf32, #tpu.memory_space<vmem>>, %arg9: memref<256x32xf32, #tpu.memory_space<vmem>>, %arg10: memref<8192xf32, #tpu.memory_space<vmem>>, %arg11: memref<8192xf32, #tpu.memory_space<vmem>>, %arg12: memref<8192xf32, #tpu.memory_space<vmem>>, %arg13: memref<8192xf32, #tpu.memory_space<vmem>>, %arg14: memref<!tpu.dma_semaphore, #tpu.memory_space<semaphore_mem>>, %arg15: memref<!tpu.dma_semaphore, #tpu.memory_space<semaphore_mem>>, %arg16: memref<!tpu.dma_semaphore, #tpu.memory_space<semaphore_mem>>, %arg17: memref<!tpu.dma_semaphore, #tpu.memory_space<semaphore_mem>>, %arg18: memref<!tpu.dma_semaphore, #tpu.memory_space<semaphore_mem>>, %arg19: memref<!tpu.dma_semaphore, #tpu.memory_space<semaphore_mem>>, %arg20: memref<!tpu.dma_semaphore, #tpu.memory_space<semaphore_mem>>, %arg21: memref<!tpu.dma_semaphore, #tpu.memory_space<semaphore_mem>>) attributes {dimension_semantics = [#tpu.dimension_semantics<core_parallel>, #tpu.dimension_semantics<subcore_parallel>], iteration_bounds = array<i64: 2, 16>, scalar_prefetch = 0 : i64, scratch_operands = 17 : i64, tpu.core_type = #tpu.core_type<sc_vector_subcore>, window_params = [{transform_indices = #map}, {transform_indices = #map1}, {transform_indices = #map1}]} {
    %mul3A = arith.constant 2 : i32
    %mul3A_0 = arith.muli %arg1, %mul3A : i32
    %add3A = arith.addi %mul3A_0, %arg0 : i32
    %mul3A_1 = arith.constant 100 : i32
    %mul3A_2 = arith.muli %add3A, %mul3A_1 : i32
    %iota3A = tpu.iota {dimensions = array<i32: 0>} : vector<16xi32>
    %mul3A_3 = arith.constant 256 : i32
    %mul3A_4 = arith.muli %mul3A_2, %mul3A_3 : i32
    %multiple_of3A = tpu.assume_multiple %mul3A_4, 8 : i32
    "tpu.region"() ({
      %run_scoped3A = tpu.sem_alloc : memref<!tpu.dma_semaphore, #tpu.memory_space<semaphore_mem>>
      %dma_start3A_968 = tpu.memref_slice %arg3[%multiple_of3A] : memref<819200xi32, #tpu.memory_space<hbm>> -> memref<25600xi32, #tpu.memory_space<hbm>>
      %dma_start3A_969 = tpu.memref_slice %arg3[%multiple_of3A] : memref<819200xi32, #tpu.memory_space<hbm>> -> memref<25600xi32, #tpu.memory_space<hbm>>
      tpu.enqueue_dma source(%dma_start3A_969 : memref<25600xi32, #tpu.memory_space<hbm>>) target(%arg5 : memref<25600xi32, #tpu.memory_space<vmem>>) target_semaphore(%run_scoped3A : memref<!tpu.dma_semaphore, #tpu.memory_space<semaphore_mem>>)
      %dma_wait3A_970 = tpu.memref_slice %arg3[%multiple_of3A] : memref<819200xi32, #tpu.memory_space<hbm>> -> memref<25600xi32, #tpu.memory_space<hbm>>
      %dma_wait3A_971 = tpu.memref_slice %arg3[%multiple_of3A] : memref<819200xi32, #tpu.memory_space<hbm>> -> memref<25600xi32, #tpu.memory_space<hbm>>
      tpu.wait_dma2 semaphore(%run_scoped3A : memref<!tpu.dma_semaphore, #tpu.memory_space<semaphore_mem>>) src(%dma_wait3A_971 : memref<25600xi32, #tpu.memory_space<hbm>>) dst(%arg5 : memref<25600xi32, #tpu.memory_space<vmem>>)
      tpu.yield
    }) : () -> ()
    %multiple_of3A_5 = arith.constant 0 : i32
    %multiple_of3A_6 = tpu.assume_multiple %multiple_of3A_5, 8 : i32
    %dma_start3A = tpu.memref_slice %arg5[%multiple_of3A_6] : memref<25600xi32, #tpu.memory_space<vmem>> -> memref<256xi32, #tpu.memory_space<vmem>>
    %dma_start3A_7 = arith.constant 0 : i32
    %dma_start3A_8 = arith.constant 0 : i32
    %dma_start3A_9 = tpu.memref_slice %arg2[%dma_start3A_7, %dma_start3A_8] : memref<1000000x32xf32, #tpu.memory_space<hbm>> -> memref<1000000x32xf32, #tpu.memory_space<hbm>>
    tpu.enqueue_indirect_dma source(%dma_start3A_9 : memref<1000000x32xf32, #tpu.memory_space<hbm>>) target(%arg6 : memref<256x32xf32, #tpu.memory_space<vmem>>) offsets(%dma_start3A : memref<256xi32, #tpu.memory_space<vmem>>) semaphore(%arg14 : memref<!tpu.dma_semaphore, #tpu.memory_space<semaphore_mem>>)
    %multiple_of3A_10 = arith.constant 256 : i32
    %multiple_of3A_11 = tpu.assume_multiple %multiple_of3A_10, 8 : i32
    %dma_start3A_12 = tpu.memref_slice %arg5[%multiple_of3A_11] : memref<25600xi32, #tpu.memory_space<vmem>> -> memref<256xi32, #tpu.memory_space<vmem>>
    %dma_start3A_13 = arith.constant 0 : i32
    %dma_start3A_14 = arith.constant 0 : i32
    %dma_start3A_15 = tpu.memref_slice %arg2[%dma_start3A_13, %dma_start3A_14] : memref<1000000x32xf32, #tpu.memory_space<hbm>> -> memref<1000000x32xf32, #tpu.memory_space<hbm>>
    tpu.enqueue_indirect_dma source(%dma_start3A_15 : memref<1000000x32xf32, #tpu.memory_space<hbm>>) target(%arg7 : memref<256x32xf32, #tpu.memory_space<vmem>>) offsets(%dma_start3A_12 : memref<256xi32, #tpu.memory_space<vmem>>) semaphore(%arg15 : memref<!tpu.dma_semaphore, #tpu.memory_space<semaphore_mem>>)
    %multiple_of3A_16 = arith.constant 512 : i32
    %multiple_of3A_17 = tpu.assume_multiple %multiple_of3A_16, 8 : i32
    %dma_start3A_18 = tpu.memref_slice %arg5[%multiple_of3A_17] : memref<25600xi32, #tpu.memory_space<vmem>> -> memref<256xi32, #tpu.memory_space<vmem>>
    %dma_start3A_19 = arith.constant 0 : i32
    %dma_start3A_20 = arith.constant 0 : i32
    %dma_start3A_21 = tpu.memref_slice %arg2[%dma_start3A_19, %dma_start3A_20] : memref<1000000x32xf32, #tpu.memory_space<hbm>> -> memref<1000000x32xf32, #tpu.memory_space<hbm>>
    tpu.enqueue_indirect_dma source(%dma_start3A_21 : memref<1000000x32xf32, #tpu.memory_space<hbm>>) target(%arg8 : memref<256x32xf32, #tpu.memory_space<vmem>>) offsets(%dma_start3A_18 : memref<256xi32, #tpu.memory_space<vmem>>) semaphore(%arg16 : memref<!tpu.dma_semaphore, #tpu.memory_space<semaphore_mem>>)
    %scan3A = arith.constant 0 : i32
    %scan3A_22 = arith.constant 0 : i32
    %scan3A_23 = arith.constant 25 : i32
    %scan3A_24 = arith.addi %scan3A_22, %scan3A_23 : i32
    %scan3A_25 = arith.constant 1 : i32
    scf.for %scan3A_968 = %scan3A_22 to %scan3A_24 step %scan3A_25  : i32 {
      %mul3A_969 = arith.constant 4 : i32
      %mul3A_970 = arith.muli %mul3A_969, %scan3A_968 : i32
      %add3A_971 = arith.constant 0 : i32
      %add3A_972 = arith.addi %mul3A_970, %add3A_971 : i32
      %add3A_973 = arith.addi %mul3A_2, %add3A_972 : i32
      %add3A_974 = arith.constant 4 : i32
      %add3A_975 = arith.addi %add3A_972, %add3A_974 : i32
      %sub3A_976 = arith.constant 1 : i32
      %sub3A_977 = arith.subi %add3A_975, %sub3A_976 : i32
      %lt3A_978 = arith.constant 100 : i32
      %lt3A_979 = arith.cmpi slt, %sub3A_977, %lt3A_978 : i32
      %convert_element_type3A = arith.extui %lt3A_979 : i1 to i32
      %cond3A = arith.constant 0 : i32
      %cond3A_980 = arith.cmpi ne, %convert_element_type3A, %cond3A : i32
      scf.if %cond3A_980 {
        %add3A_2022 = arith.constant 4 : i32
        %add3A_2023 = arith.addi %add3A_972, %add3A_2022 : i32
        %sub3A_2024 = arith.constant 1 : i32
        %sub3A_2025 = arith.subi %add3A_2023, %sub3A_2024 : i32
        %mul3A_2026 = arith.constant 256 : i32
        %mul3A_2027 = arith.muli %sub3A_2025, %mul3A_2026 : i32
        %multiple_of3A_2028 = tpu.assume_multiple %mul3A_2027, 8 : i32
        %dma_start3A_2029 = tpu.memref_slice %arg5[%multiple_of3A_2028] : memref<25600xi32, #tpu.memory_space<vmem>> -> memref<256xi32, #tpu.memory_space<vmem>>
        %dma_start3A_2030 = arith.constant 0 : i32
        %dma_start3A_2031 = arith.constant 0 : i32
        %dma_start3A_2032 = tpu.memref_slice %arg2[%dma_start3A_2030, %dma_start3A_2031] : memref<1000000x32xf32, #tpu.memory_space<hbm>> -> memref<1000000x32xf32, #tpu.memory_space<hbm>>
        tpu.enqueue_indirect_dma source(%dma_start3A_2032 : memref<1000000x32xf32, #tpu.memory_space<hbm>>) target(%arg9 : memref<256x32xf32, #tpu.memory_space<vmem>>) offsets(%dma_start3A_2029 : memref<256xi32, #tpu.memory_space<vmem>>) semaphore(%arg17 : memref<!tpu.dma_semaphore, #tpu.memory_space<semaphore_mem>>)
      } else {
      }
      %mul3A_981 = arith.constant 256 : i32
      %mul3A_982 = arith.muli %add3A_972, %mul3A_981 : i32
      %multiple_of3A_983 = tpu.assume_multiple %mul3A_982, 8 : i32
      %dma_wait3A_984 = tpu.memref_slice %arg5[%multiple_of3A_983] : memref<25600xi32, #tpu.memory_space<vmem>> -> memref<256xi32, #tpu.memory_space<vmem>>
      %dma_wait3A_985 = arith.constant 0 : i32
      %dma_wait3A_986 = arith.constant 0 : i32
      %dma_wait3A_987 = tpu.memref_slice %arg2[%dma_wait3A_985, %dma_wait3A_986] : memref<1000000x32xf32, #tpu.memory_space<hbm>> -> memref<1000000x32xf32, #tpu.memory_space<hbm>>
      tpu.wait_indirect_dma semaphore(%arg14 : memref<!tpu.dma_semaphore, #tpu.memory_space<semaphore_mem>>) src(%dma_wait3A_987 : memref<1000000x32xf32, #tpu.memory_space<hbm>>) dst(%arg6 : memref<256x32xf32, #tpu.memory_space<vmem>>)
      %ge3A = arith.constant 4 : i32
      %ge3A_988 = arith.cmpi sge, %add3A_972, %ge3A : i32
      %convert_element_type3A_989 = arith.extui %ge3A_988 : i1 to i32
      %cond3A_990 = arith.constant 0 : i32
      %cond3A_991 = arith.cmpi ne, %convert_element_type3A_989, %cond3A_990 : i32
      scf.if %cond3A_991 {
        %sub3A_2022 = arith.constant 4 : i32
        %sub3A_2023 = arith.subi %add3A_973, %sub3A_2022 : i32
        %jit3A_2024 = arith.constant 64 : i32
        %div3A_2025 = arith.divsi %sub3A_2023, %jit3A_2024 : i32
        %sign3A_2026 = arith.constant 0 : i32
        %sign3A_2027 = arith.cmpi sgt, %sub3A_2023, %sign3A_2026 : i32
        %sign3A_2028 = arith.extui %sign3A_2027 : i1 to i32
        %sign3A_2029 = arith.constant 0 : i32
        %sign3A_2030 = arith.cmpi slt, %sub3A_2023, %sign3A_2029 : i32
        %sign3A_2031 = arith.extui %sign3A_2030 : i1 to i32
        %sign3A_2032 = arith.subi %sign3A_2028, %sign3A_2031 : i32
        %sign3A_2033 = arith.constant 0 : i32
        %sign3A_2034 = arith.cmpi sgt, %jit3A_2024, %sign3A_2033 : i32
        %sign3A_2035 = arith.extui %sign3A_2034 : i1 to i32
        %sign3A_2036 = arith.constant 0 : i32
        %sign3A_2037 = arith.cmpi slt, %jit3A_2024, %sign3A_2036 : i32
        %sign3A_2038 = arith.extui %sign3A_2037 : i1 to i32
        %sign3A_2039 = arith.subi %sign3A_2035, %sign3A_2038 : i32
        %ne3A_2040 = arith.cmpi ne, %sign3A_2032, %sign3A_2039 : i32
        %rem3A_2041 = arith.remsi %sub3A_2023, %jit3A_2024 : i32
        %ne3A_2042 = arith.constant 0 : i32
        %ne3A_2043 = arith.cmpi ne, %rem3A_2041, %ne3A_2042 : i32
        %and3A_2044 = arith.andi %ne3A_2040, %ne3A_2043 : i1
        %sub3A_2045 = arith.constant 1 : i32
        %sub3A_2046 = arith.subi %div3A_2025, %sub3A_2045 : i32
        %select_n3A_2047 = arith.select %and3A_2044, %sub3A_2046, %div3A_2025 : i32
        %jit3A_2048 = arith.constant 64 : i32
        %eq3A_2049 = arith.constant 0 : i32
        %eq3A_2050 = arith.cmpi eq, %jit3A_2048, %eq3A_2049 : i32
        %jit3A_2051 = arith.constant 1 : i32
        %select_n3A_2052 = arith.select %eq3A_2050, %jit3A_2051, %jit3A_2048 : i32
        %rem3A_2053 = arith.remsi %sub3A_2023, %select_n3A_2052 : i32
        %ne3A_2054 = arith.constant 0 : i32
        %ne3A_2055 = arith.cmpi ne, %rem3A_2053, %ne3A_2054 : i32
        %lt3A_2056 = arith.constant 0 : i32
        %lt3A_2057 = arith.cmpi slt, %rem3A_2053, %lt3A_2056 : i32
        %lt3A_2058 = arith.constant 0 : i32
        %lt3A_2059 = arith.cmpi slt, %select_n3A_2052, %lt3A_2058 : i32
        %ne3A_2060 = arith.xori %lt3A_2057, %lt3A_2059 : i1
        %and3A_2061 = arith.andi %ne3A_2060, %ne3A_2055 : i1
        %add3A_2062 = arith.addi %rem3A_2053, %select_n3A_2052 : i32
        %select_n3A_2063 = arith.select %and3A_2061, %add3A_2062, %rem3A_2053 : i32
        %mul3A_2064 = arith.constant 4 : i32
        %mul3A_2065 = arith.muli %select_n3A_2047, %mul3A_2064 : i32
        %add3A_2066 = arith.constant 0 : i32
        %add3A_2067 = arith.addi %mul3A_2065, %add3A_2066 : i32
        %mul3A_2068 = arith.constant 128 : i32
        %mul3A_2069 = arith.muli %add3A_2067, %mul3A_2068 : i32
        %mul3A_2070 = arith.constant 2 : i32
        %mul3A_2071 = arith.muli %mul3A_2070, %select_n3A_2063 : i32
        %add3A_2072 = arith.addi %mul3A_2069, %mul3A_2071 : i32
        %mul3A_2073 = arith.constant 1024 : i32
        %mul3A_2074 = arith.muli %add3A_2072, %mul3A_2073 : i32
        %multiple_of3A_2075 = tpu.assume_multiple %mul3A_2074, 8 : i32
        %dma_wait3A_2076 = arith.constant 0 : i32
        %dma_wait3A_2077 = tpu.memref_slice %arg10[%dma_wait3A_2076] : memref<8192xf32, #tpu.memory_space<vmem>> -> memref<2048xf32, #tpu.memory_space<vmem>>
        %dma_wait3A_2078 = tpu.memref_slice %arg4[%multiple_of3A_2075] : memref<26214400xf32, #tpu.memory_space<hbm>> -> memref<2048xf32, #tpu.memory_space<hbm>>
        %dma_wait3A_2079 = tpu.memref_slice %arg4[%multiple_of3A_2075] : memref<26214400xf32, #tpu.memory_space<hbm>> -> memref<2048xf32, #tpu.memory_space<hbm>>
        %dma_wait3A_2080 = arith.constant 0 : i32
        %dma_wait3A_2081 = tpu.memref_slice %arg10[%dma_wait3A_2080] : memref<8192xf32, #tpu.memory_space<vmem>> -> memref<2048xf32, #tpu.memory_space<vmem>>
        tpu.wait_dma2 semaphore(%arg18 : memref<!tpu.dma_semaphore, #tpu.memory_space<semaphore_mem>>) src(%dma_wait3A_2081 : memref<2048xf32, #tpu.memory_space<vmem>>) dst(%dma_wait3A_2079 : memref<2048xf32, #tpu.memory_space<hbm>>)
        %jit3A_2082 = arith.constant 64 : i32
        %div3A_2083 = arith.divsi %sub3A_2023, %jit3A_2082 : i32
        %sign3A_2084 = arith.constant 0 : i32
        %sign3A_2085 = arith.cmpi sgt, %sub3A_2023, %sign3A_2084 : i32
        %sign3A_2086 = arith.extui %sign3A_2085 : i1 to i32
        %sign3A_2087 = arith.constant 0 : i32
        %sign3A_2088 = arith.cmpi slt, %sub3A_2023, %sign3A_2087 : i32
        %sign3A_2089 = arith.extui %sign3A_2088 : i1 to i32
        %sign3A_2090 = arith.subi %sign3A_2086, %sign3A_2089 : i32
        %sign3A_2091 = arith.constant 0 : i32
        %sign3A_2092 = arith.cmpi sgt, %jit3A_2082, %sign3A_2091 : i32
        %sign3A_2093 = arith.extui %sign3A_2092 : i1 to i32
        %sign3A_2094 = arith.constant 0 : i32
        %sign3A_2095 = arith.cmpi slt, %jit3A_2082, %sign3A_2094 : i32
        %sign3A_2096 = arith.extui %sign3A_2095 : i1 to i32
        %sign3A_2097 = arith.subi %sign3A_2093, %sign3A_2096 : i32
        %ne3A_2098 = arith.cmpi ne, %sign3A_2090, %sign3A_2097 : i32
        %rem3A_2099 = arith.remsi %sub3A_2023, %jit3A_2082 : i32
        %ne3A_2100 = arith.constant 0 : i32
        %ne3A_2101 = arith.cmpi ne, %rem3A_2099, %ne3A_2100 : i32
        %and3A_2102 = arith.andi %ne3A_2098, %ne3A_2101 : i1
        %sub3A_2103 = arith.constant 1 : i32
        %sub3A_2104 = arith.subi %div3A_2083, %sub3A_2103 : i32
        %select_n3A_2105 = arith.select %and3A_2102, %sub3A_2104, %div3A_2083 : i32
        %jit3A_2106 = arith.constant 64 : i32
        %eq3A_2107 = arith.constant 0 : i32
        %eq3A_2108 = arith.cmpi eq, %jit3A_2106, %eq3A_2107 : i32
        %jit3A_2109 = arith.constant 1 : i32
        %select_n3A_2110 = arith.select %eq3A_2108, %jit3A_2109, %jit3A_2106 : i32
        %rem3A_2111 = arith.remsi %sub3A_2023, %select_n3A_2110 : i32
        %ne3A_2112 = arith.constant 0 : i32
        %ne3A_2113 = arith.cmpi ne, %rem3A_2111, %ne3A_2112 : i32
        %lt3A_2114 = arith.constant 0 : i32
        %lt3A_2115 = arith.cmpi slt, %rem3A_2111, %lt3A_2114 : i32
        %lt3A_2116 = arith.constant 0 : i32
        %lt3A_2117 = arith.cmpi slt, %select_n3A_2110, %lt3A_2116 : i32
        %ne3A_2118 = arith.xori %lt3A_2115, %lt3A_2117 : i1
        %and3A_2119 = arith.andi %ne3A_2118, %ne3A_2113 : i1
        %add3A_2120 = arith.addi %rem3A_2111, %select_n3A_2110 : i32
        %select_n3A_2121 = arith.select %and3A_2119, %add3A_2120, %rem3A_2111 : i32
        %mul3A_2122 = arith.constant 4 : i32
        %mul3A_2123 = arith.muli %select_n3A_2105, %mul3A_2122 : i32
        %add3A_2124 = arith.constant 1 : i32
        %add3A_2125 = arith.addi %mul3A_2123, %add3A_2124 : i32
        %mul3A_2126 = arith.constant 128 : i32
        %mul3A_2127 = arith.muli %add3A_2125, %mul3A_2126 : i32
        %mul3A_2128 = arith.constant 2 : i32
        %mul3A_2129 = arith.muli %mul3A_2128, %select_n3A_2121 : i32
        %add3A_2130 = arith.addi %mul3A_2127, %mul3A_2129 : i32
        %mul3A_2131 = arith.constant 1024 : i32
        %mul3A_2132 = arith.muli %add3A_2130, %mul3A_2131 : i32
        %multiple_of3A_2133 = tpu.assume_multiple %mul3A_2132, 8 : i32
        %dma_wait3A_2134 = arith.constant 2048 : i32
        %dma_wait3A_2135 = tpu.memref_slice %arg10[%dma_wait3A_2134] : memref<8192xf32, #tpu.memory_space<vmem>> -> memref<2048xf32, #tpu.memory_space<vmem>>
        %dma_wait3A_2136 = tpu.memref_slice %arg4[%multiple_of3A_2133] : memref<26214400xf32, #tpu.memory_space<hbm>> -> memref<2048xf32, #tpu.memory_space<hbm>>
        %dma_wait3A_2137 = tpu.memref_slice %arg4[%multiple_of3A_2133] : memref<26214400xf32, #tpu.memory_space<hbm>> -> memref<2048xf32, #tpu.memory_space<hbm>>
        %dma_wait3A_2138 = arith.constant 2048 : i32
        %dma_wait3A_2139 = tpu.memref_slice %arg10[%dma_wait3A_2138] : memref<8192xf32, #tpu.memory_space<vmem>> -> memref<2048xf32, #tpu.memory_space<vmem>>
        tpu.wait_dma2 semaphore(%arg18 : memref<!tpu.dma_semaphore, #tpu.memory_space<semaphore_mem>>) src(%dma_wait3A_2139 : memref<2048xf32, #tpu.memory_space<vmem>>) dst(%dma_wait3A_2137 : memref<2048xf32, #tpu.memory_space<hbm>>)
        %jit3A_2140 = arith.constant 64 : i32
        %div3A_2141 = arith.divsi %sub3A_2023, %jit3A_2140 : i32
        %sign3A_2142 = arith.constant 0 : i32
        %sign3A_2143 = arith.cmpi sgt, %sub3A_2023, %sign3A_2142 : i32
        %sign3A_2144 = arith.extui %sign3A_2143 : i1 to i32
        %sign3A_2145 = arith.constant 0 : i32
        %sign3A_2146 = arith.cmpi slt, %sub3A_2023, %sign3A_2145 : i32
        %sign3A_2147 = arith.extui %sign3A_2146 : i1 to i32
        %sign3A_2148 = arith.subi %sign3A_2144, %sign3A_2147 : i32
        %sign3A_2149 = arith.constant 0 : i32
        %sign3A_2150 = arith.cmpi sgt, %jit3A_2140, %sign3A_2149 : i32
        %sign3A_2151 = arith.extui %sign3A_2150 : i1 to i32
        %sign3A_2152 = arith.constant 0 : i32
        %sign3A_2153 = arith.cmpi slt, %jit3A_2140, %sign3A_2152 : i32
        %sign3A_2154 = arith.extui %sign3A_2153 : i1 to i32
        %sign3A_2155 = arith.subi %sign3A_2151, %sign3A_2154 : i32
        %ne3A_2156 = arith.cmpi ne, %sign3A_2148, %sign3A_2155 : i32
        %rem3A_2157 = arith.remsi %sub3A_2023, %jit3A_2140 : i32
        %ne3A_2158 = arith.constant 0 : i32
        %ne3A_2159 = arith.cmpi ne, %rem3A_2157, %ne3A_2158 : i32
        %and3A_2160 = arith.andi %ne3A_2156, %ne3A_2159 : i1
        %sub3A_2161 = arith.constant 1 : i32
        %sub3A_2162 = arith.subi %div3A_2141, %sub3A_2161 : i32
        %select_n3A_2163 = arith.select %and3A_2160, %sub3A_2162, %div3A_2141 : i32
        %jit3A_2164 = arith.constant 64 : i32
        %eq3A_2165 = arith.constant 0 : i32
        %eq3A_2166 = arith.cmpi eq, %jit3A_2164, %eq3A_2165 : i32
        %jit3A_2167 = arith.constant 1 : i32
        %select_n3A_2168 = arith.select %eq3A_2166, %jit3A_2167, %jit3A_2164 : i32
        %rem3A_2169 = arith.remsi %sub3A_2023, %select_n3A_2168 : i32
        %ne3A_2170 = arith.constant 0 : i32
        %ne3A_2171 = arith.cmpi ne, %rem3A_2169, %ne3A_2170 : i32
        %lt3A_2172 = arith.constant 0 : i32
        %lt3A_2173 = arith.cmpi slt, %rem3A_2169, %lt3A_2172 : i32
        %lt3A_2174 = arith.constant 0 : i32
        %lt3A_2175 = arith.cmpi slt, %select_n3A_2168, %lt3A_2174 : i32
        %ne3A_2176 = arith.xori %lt3A_2173, %lt3A_2175 : i1
        %and3A_2177 = arith.andi %ne3A_2176, %ne3A_2171 : i1
        %add3A_2178 = arith.addi %rem3A_2169, %select_n3A_2168 : i32
        %select_n3A_2179 = arith.select %and3A_2177, %add3A_2178, %rem3A_2169 : i32
        %mul3A_2180 = arith.constant 4 : i32
        %mul3A_2181 = arith.muli %select_n3A_2163, %mul3A_2180 : i32
        %add3A_2182 = arith.constant 2 : i32
        %add3A_2183 = arith.addi %mul3A_2181, %add3A_2182 : i32
        %mul3A_2184 = arith.constant 128 : i32
        %mul3A_2185 = arith.muli %add3A_2183, %mul3A_2184 : i32
        %mul3A_2186 = arith.constant 2 : i32
        %mul3A_2187 = arith.muli %mul3A_2186, %select_n3A_2179 : i32
        %add3A_2188 = arith.addi %mul3A_2185, %mul3A_2187 : i32
        %mul3A_2189 = arith.constant 1024 : i32
        %mul3A_2190 = arith.muli %add3A_2188, %mul3A_2189 : i32
        %multiple_of3A_2191 = tpu.assume_multiple %mul3A_2190, 8 : i32
        %dma_wait3A_2192 = arith.constant 4096 : i32
        %dma_wait3A_2193 = tpu.memref_slice %arg10[%dma_wait3A_2192] : memref<8192xf32, #tpu.memory_space<vmem>> -> memref<2048xf32, #tpu.memory_space<vmem>>
        %dma_wait3A_2194 = tpu.memref_slice %arg4[%multiple_of3A_2191] : memref<26214400xf32, #tpu.memory_space<hbm>> -> memref<2048xf32, #tpu.memory_space<hbm>>
        %dma_wait3A_2195 = tpu.memref_slice %arg4[%multiple_of3A_2191] : memref<26214400xf32, #tpu.memory_space<hbm>> -> memref<2048xf32, #tpu.memory_space<hbm>>
        %dma_wait3A_2196 = arith.constant 4096 : i32
        %dma_wait3A_2197 = tpu.memref_slice %arg10[%dma_wait3A_2196] : memref<8192xf32, #tpu.memory_space<vmem>> -> memref<2048xf32, #tpu.memory_space<vmem>>
        tpu.wait_dma2 semaphore(%arg18 : memref<!tpu.dma_semaphore, #tpu.memory_space<semaphore_mem>>) src(%dma_wait3A_2197 : memref<2048xf32, #tpu.memory_space<vmem>>) dst(%dma_wait3A_2195 : memref<2048xf32, #tpu.memory_space<hbm>>)
        %jit3A_2198 = arith.constant 64 : i32
        %div3A_2199 = arith.divsi %sub3A_2023, %jit3A_2198 : i32
        %sign3A_2200 = arith.constant 0 : i32
        %sign3A_2201 = arith.cmpi sgt, %sub3A_2023, %sign3A_2200 : i32
        %sign3A_2202 = arith.extui %sign3A_2201 : i1 to i32
        %sign3A_2203 = arith.constant 0 : i32
        %sign3A_2204 = arith.cmpi slt, %sub3A_2023, %sign3A_2203 : i32
        %sign3A_2205 = arith.extui %sign3A_2204 : i1 to i32
        %sign3A_2206 = arith.subi %sign3A_2202, %sign3A_2205 : i32
        %sign3A_2207 = arith.constant 0 : i32
        %sign3A_2208 = arith.cmpi sgt, %jit3A_2198, %sign3A_2207 : i32
        %sign3A_2209 = arith.extui %sign3A_2208 : i1 to i32
        %sign3A_2210 = arith.constant 0 : i32
        %sign3A_2211 = arith.cmpi slt, %jit3A_2198, %sign3A_2210 : i32
        %sign3A_2212 = arith.extui %sign3A_2211 : i1 to i32
        %sign3A_2213 = arith.subi %sign3A_2209, %sign3A_2212 : i32
        %ne3A_2214 = arith.cmpi ne, %sign3A_2206, %sign3A_2213 : i32
        %rem3A_2215 = arith.remsi %sub3A_2023, %jit3A_2198 : i32
        %ne3A_2216 = arith.constant 0 : i32
        %ne3A_2217 = arith.cmpi ne, %rem3A_2215, %ne3A_2216 : i32
        %and3A_2218 = arith.andi %ne3A_2214, %ne3A_2217 : i1
        %sub3A_2219 = arith.constant 1 : i32
        %sub3A_2220 = arith.subi %div3A_2199, %sub3A_2219 : i32
        %select_n3A_2221 = arith.select %and3A_2218, %sub3A_2220, %div3A_2199 : i32
        %jit3A_2222 = arith.constant 64 : i32
        %eq3A_2223 = arith.constant 0 : i32
        %eq3A_2224 = arith.cmpi eq, %jit3A_2222, %eq3A_2223 : i32
        %jit3A_2225 = arith.constant 1 : i32
        %select_n3A_2226 = arith.select %eq3A_2224, %jit3A_2225, %jit3A_2222 : i32
        %rem3A_2227 = arith.remsi %sub3A_2023, %select_n3A_2226 : i32
        %ne3A_2228 = arith.constant 0 : i32
        %ne3A_2229 = arith.cmpi ne, %rem3A_2227, %ne3A_2228 : i32
        %lt3A_2230 = arith.constant 0 : i32
        %lt3A_2231 = arith.cmpi slt, %rem3A_2227, %lt3A_2230 : i32
        %lt3A_2232 = arith.constant 0 : i32
        %lt3A_2233 = arith.cmpi slt, %select_n3A_2226, %lt3A_2232 : i32
        %ne3A_2234 = arith.xori %lt3A_2231, %lt3A_2233 : i1
        %and3A_2235 = arith.andi %ne3A_2234, %ne3A_2229 : i1
        %add3A_2236 = arith.addi %rem3A_2227, %select_n3A_2226 : i32
        %select_n3A_2237 = arith.select %and3A_2235, %add3A_2236, %rem3A_2227 : i32
        %mul3A_2238 = arith.constant 4 : i32
        %mul3A_2239 = arith.muli %select_n3A_2221, %mul3A_2238 : i32
        %add3A_2240 = arith.constant 3 : i32
        %add3A_2241 = arith.addi %mul3A_2239, %add3A_2240 : i32
        %mul3A_2242 = arith.constant 128 : i32
        %mul3A_2243 = arith.muli %add3A_2241, %mul3A_2242 : i32
        %mul3A_2244 = arith.constant 2 : i32
        %mul3A_2245 = arith.muli %mul3A_2244, %select_n3A_2237 : i32
        %add3A_2246 = arith.addi %mul3A_2243, %mul3A_2245 : i32
        %mul3A_2247 = arith.constant 1024 : i32
        %mul3A_2248 = arith.muli %add3A_2246, %mul3A_2247 : i32
        %multiple_of3A_2249 = tpu.assume_multiple %mul3A_2248, 8 : i32
        %dma_wait3A_2250 = arith.constant 6144 : i32
        %dma_wait3A_2251 = tpu.memref_slice %arg10[%dma_wait3A_2250] : memref<8192xf32, #tpu.memory_space<vmem>> -> memref<2048xf32, #tpu.memory_space<vmem>>
        %dma_wait3A_2252 = tpu.memref_slice %arg4[%multiple_of3A_2249] : memref<26214400xf32, #tpu.memory_space<hbm>> -> memref<2048xf32, #tpu.memory_space<hbm>>
        %dma_wait3A_2253 = tpu.memref_slice %arg4[%multiple_of3A_2249] : memref<26214400xf32, #tpu.memory_space<hbm>> -> memref<2048xf32, #tpu.memory_space<hbm>>
        %dma_wait3A_2254 = arith.constant 6144 : i32
        %dma_wait3A_2255 = tpu.memref_slice %arg10[%dma_wait3A_2254] : memref<8192xf32, #tpu.memory_space<vmem>> -> memref<2048xf32, #tpu.memory_space<vmem>>
        tpu.wait_dma2 semaphore(%arg18 : memref<!tpu.dma_semaphore, #tpu.memory_space<semaphore_mem>>) src(%dma_wait3A_2255 : memref<2048xf32, #tpu.memory_space<vmem>>) dst(%dma_wait3A_2253 : memref<2048xf32, #tpu.memory_space<hbm>>)
      } else {
      }
      %scan3A_992 = arith.constant 0 : i32
      %scan3A_993 = arith.constant 0 : i32
      %scan3A_994 = arith.constant 16 : i32
      %scan3A_995 = arith.addi %scan3A_993, %scan3A_994 : i32
      %scan3A_996 = arith.constant 1 : i32
      scf.for %scan3A_2022 = %scan3A_993 to %scan3A_995 step %scan3A_996  : i32 {
        %shift_left3A = arith.constant 4 : i32
        %shift_left3A_2023 = arith.shli %scan3A_2022, %shift_left3A : i32
        %add3A_2024 = vector.broadcast %shift_left3A_2023 : i32 to vector<16xi32>
        %add3A_2025 = arith.addi %add3A_2024, %iota3A : vector<16xi32>
        %shift_right_arithmetic3A = arith.constant 3 : i32
        %shift_right_arithmetic3A_2026 = arith.shrsi %scan3A_2022, %shift_right_arithmetic3A : i32
        %shift_left3A_2027 = arith.constant 10 : i32
        %shift_left3A_2028 = arith.shli %shift_right_arithmetic3A_2026, %shift_left3A_2027 : i32
        %and3A_2029 = arith.constant 7 : i32
        %and3A_2030 = arith.andi %scan3A_2022, %and3A_2029 : i32
        %shift_left3A_2031 = arith.constant 4 : i32
        %shift_left3A_2032 = arith.shli %and3A_2030, %shift_left3A_2031 : i32
        %add3A_2033 = arith.addi %shift_left3A_2028, %shift_left3A_2032 : i32
        %broadcast_in_dim3A = arith.constant 0 : i32
        %broadcast_in_dim3A_2034 = vector.broadcast %broadcast_in_dim3A : i32 to vector<16xi32>
        %gather3A = tpu.vector_load_idx %arg6[%add3A_2025, %broadcast_in_dim3A_2034] : memref<256x32xf32, #tpu.memory_space<vmem>>[vector<16xi32>, vector<16xi32>], vector<16xf32>,
        %broadcast_in_dim3A_2035 = arith.constant 1 : i32
        %broadcast_in_dim3A_2036 = vector.broadcast %broadcast_in_dim3A_2035 : i32 to vector<16xi32>
        %gather3A_2037 = tpu.vector_load_idx %arg6[%add3A_2025, %broadcast_in_dim3A_2036] : memref<256x32xf32, #tpu.memory_space<vmem>>[vector<16xi32>, vector<16xi32>], vector<16xf32>,
        %broadcast_in_dim3A_2038 = arith.constant 2 : i32
        %broadcast_in_dim3A_2039 = vector.broadcast %broadcast_in_dim3A_2038 : i32 to vector<16xi32>
        %gather3A_2040 = tpu.vector_load_idx %arg6[%add3A_2025, %broadcast_in_dim3A_2039] : memref<256x32xf32, #tpu.memory_space<vmem>>[vector<16xi32>, vector<16xi32>], vector<16xf32>,
        %broadcast_in_dim3A_2041 = arith.constant 3 : i32
        %broadcast_in_dim3A_2042 = vector.broadcast %broadcast_in_dim3A_2041 : i32 to vector<16xi32>
        %gather3A_2043 = tpu.vector_load_idx %arg6[%add3A_2025, %broadcast_in_dim3A_2042] : memref<256x32xf32, #tpu.memory_space<vmem>>[vector<16xi32>, vector<16xi32>], vector<16xf32>,
        %broadcast_in_dim3A_2044 = arith.constant 4 : i32
        %broadcast_in_dim3A_2045 = vector.broadcast %broadcast_in_dim3A_2044 : i32 to vector<16xi32>
        %gather3A_2046 = tpu.vector_load_idx %arg6[%add3A_2025, %broadcast_in_dim3A_2045] : memref<256x32xf32, #tpu.memory_space<vmem>>[vector<16xi32>, vector<16xi32>], vector<16xf32>,
        %broadcast_in_dim3A_2047 = arith.constant 5 : i32
        %broadcast_in_dim3A_2048 = vector.broadcast %broadcast_in_dim3A_2047 : i32 to vector<16xi32>
        %gather3A_2049 = tpu.vector_load_idx %arg6[%add3A_2025, %broadcast_in_dim3A_2048] : memref<256x32xf32, #tpu.memory_space<vmem>>[vector<16xi32>, vector<16xi32>], vector<16xf32>,
        %broadcast_in_dim3A_2050 = arith.constant 6 : i32
        %broadcast_in_dim3A_2051 = vector.broadcast %broadcast_in_dim3A_2050 : i32 to vector<16xi32>
        %gather3A_2052 = tpu.vector_load_idx %arg6[%add3A_2025, %broadcast_in_dim3A_2051] : memref<256x32xf32, #tpu.memory_space<vmem>>[vector<16xi32>, vector<16xi32>], vector<16xf32>,
        %broadcast_in_dim3A_2053 = arith.constant 7 : i32
        %broadcast_in_dim3A_2054 = vector.broadcast %broadcast_in_dim3A_2053 : i32 to vector<16xi32>
        %gather3A_2055 = tpu.vector_load_idx %arg6[%add3A_2025, %broadcast_in_dim3A_2054] : memref<256x32xf32, #tpu.memory_space<vmem>>[vector<16xi32>, vector<16xi32>], vector<16xf32>,
        %broadcast_in_dim3A_2056 = arith.constant 8 : i32
        %broadcast_in_dim3A_2057 = vector.broadcast %broadcast_in_dim3A_2056 : i32 to vector<16xi32>
        %gather3A_2058 = tpu.vector_load_idx %arg6[%add3A_2025, %broadcast_in_dim3A_2057] : memref<256x32xf32, #tpu.memory_space<vmem>>[vector<16xi32>, vector<16xi32>], vector<16xf32>,
        %broadcast_in_dim3A_2059 = arith.constant 9 : i32
        %broadcast_in_dim3A_2060 = vector.broadcast %broadcast_in_dim3A_2059 : i32 to vector<16xi32>
        %gather3A_2061 = tpu.vector_load_idx %arg6[%add3A_2025, %broadcast_in_dim3A_2060] : memref<256x32xf32, #tpu.memory_space<vmem>>[vector<16xi32>, vector<16xi32>], vector<16xf32>,
        %broadcast_in_dim3A_2062 = arith.constant 10 : i32
        %broadcast_in_dim3A_2063 = vector.broadcast %broadcast_in_dim3A_2062 : i32 to vector<16xi32>
        %gather3A_2064 = tpu.vector_load_idx %arg6[%add3A_2025, %broadcast_in_dim3A_2063] : memref<256x32xf32, #tpu.memory_space<vmem>>[vector<16xi32>, vector<16xi32>], vector<16xf32>,
        %broadcast_in_dim3A_2065 = arith.constant 11 : i32
        %broadcast_in_dim3A_2066 = vector.broadcast %broadcast_in_dim3A_2065 : i32 to vector<16xi32>
        %gather3A_2067 = tpu.vector_load_idx %arg6[%add3A_2025, %broadcast_in_dim3A_2066] : memref<256x32xf32, #tpu.memory_space<vmem>>[vector<16xi32>, vector<16xi32>], vector<16xf32>,
        %broadcast_in_dim3A_2068 = arith.constant 12 : i32
        %broadcast_in_dim3A_2069 = vector.broadcast %broadcast_in_dim3A_2068 : i32 to vector<16xi32>
        %gather3A_2070 = tpu.vector_load_idx %arg6[%add3A_2025, %broadcast_in_dim3A_2069] : memref<256x32xf32, #tpu.memory_space<vmem>>[vector<16xi32>, vector<16xi32>], vector<16xf32>,
        %broadcast_in_dim3A_2071 = arith.constant 13 : i32
        %broadcast_in_dim3A_2072 = vector.broadcast %broadcast_in_dim3A_2071 : i32 to vector<16xi32>
        %gather3A_2073 = tpu.vector_load_idx %arg6[%add3A_2025, %broadcast_in_dim3A_2072] : memref<256x32xf32, #tpu.memory_space<vmem>>[vector<16xi32>, vector<16xi32>], vector<16xf32>,
        %broadcast_in_dim3A_2074 = arith.constant 14 : i32
        %broadcast_in_dim3A_2075 = vector.broadcast %broadcast_in_dim3A_2074 : i32 to vector<16xi32>
        %gather3A_2076 = tpu.vector_load_idx %arg6[%add3A_2025, %broadcast_in_dim3A_2075] : memref<256x32xf32, #tpu.memory_space<vmem>>[vector<16xi32>, vector<16xi32>], vector<16xf32>,
        %broadcast_in_dim3A_2077 = arith.constant 15 : i32
        %broadcast_in_dim3A_2078 = vector.broadcast %broadcast_in_dim3A_2077 : i32 to vector<16xi32>
        %gather3A_2079 = tpu.vector_load_idx %arg6[%add3A_2025, %broadcast_in_dim3A_2078] : memref<256x32xf32, #tpu.memory_space<vmem>>[vector<16xi32>, vector<16xi32>], vector<16xf32>,
        %add3A_2080 = arith.constant 0 : i32
        %add3A_2081 = arith.addi %add3A_2033, %add3A_2080 : i32
        %add3A_2082 = arith.constant 0 : i32
        %add3A_2083 = arith.addi %add3A_2081, %add3A_2082 : i32
        %multiple_of3A_2084 = tpu.assume_multiple %add3A_2083, 8 : i32
        %swap3A = arith.index_cast %multiple_of3A_2084 : i32 to index
        %swap3A_2085 = tpu.vector_load %arg10[%swap3A] {strides = array<i32>} : memref<8192xf32, #tpu.memory_space<vmem>>, vector<16xf32>,
        tpu.vector_store %arg10[%swap3A], %gather3A {strides = array<i32>} : memref<8192xf32, #tpu.memory_space<vmem>>, vector<16xf32>,
        %add3A_2086 = arith.constant 0 : i32
        %add3A_2087 = arith.addi %add3A_2033, %add3A_2086 : i32
        %add3A_2088 = arith.constant 128 : i32
        %add3A_2089 = arith.addi %add3A_2087, %add3A_2088 : i32
        %multiple_of3A_2090 = tpu.assume_multiple %add3A_2089, 8 : i32
        %swap3A_2091 = arith.index_cast %multiple_of3A_2090 : i32 to index
        %swap3A_2092 = tpu.vector_load %arg10[%swap3A_2091] {strides = array<i32>} : memref<8192xf32, #tpu.memory_space<vmem>>, vector<16xf32>,
        tpu.vector_store %arg10[%swap3A_2091], %gather3A_2037 {strides = array<i32>} : memref<8192xf32, #tpu.memory_space<vmem>>, vector<16xf32>,
        %add3A_2093 = arith.constant 0 : i32
        %add3A_2094 = arith.addi %add3A_2033, %add3A_2093 : i32
        %add3A_2095 = arith.constant 256 : i32
        %add3A_2096 = arith.addi %add3A_2094, %add3A_2095 : i32
        %multiple_of3A_2097 = tpu.assume_multiple %add3A_2096, 8 : i32
        %swap3A_2098 = arith.index_cast %multiple_of3A_2097 : i32 to index
        %swap3A_2099 = tpu.vector_load %arg10[%swap3A_2098] {strides = array<i32>} : memref<8192xf32, #tpu.memory_space<vmem>>, vector<16xf32>,
        tpu.vector_store %arg10[%swap3A_2098], %gather3A_2040 {strides = array<i32>} : memref<8192xf32, #tpu.memory_space<vmem>>, vector<16xf32>,
        %add3A_2100 = arith.constant 0 : i32
        %add3A_2101 = arith.addi %add3A_2033, %add3A_2100 : i32
        %add3A_2102 = arith.constant 384 : i32
        %add3A_2103 = arith.addi %add3A_2101, %add3A_2102 : i32
        %multiple_of3A_2104 = tpu.assume_multiple %add3A_2103, 8 : i32
        %swap3A_2105 = arith.index_cast %multiple_of3A_2104 : i32 to index
        %swap3A_2106 = tpu.vector_load %arg10[%swap3A_2105] {strides = array<i32>} : memref<8192xf32, #tpu.memory_space<vmem>>, vector<16xf32>,
        tpu.vector_store %arg10[%swap3A_2105], %gather3A_2043 {strides = array<i32>} : memref<8192xf32, #tpu.memory_space<vmem>>, vector<16xf32>,
        %add3A_2107 = arith.constant 0 : i32
        %add3A_2108 = arith.addi %add3A_2033, %add3A_2107 : i32
        %add3A_2109 = arith.constant 512 : i32
        %add3A_2110 = arith.addi %add3A_2108, %add3A_2109 : i32
        %multiple_of3A_2111 = tpu.assume_multiple %add3A_2110, 8 : i32
        %swap3A_2112 = arith.index_cast %multiple_of3A_2111 : i32 to index
        %swap3A_2113 = tpu.vector_load %arg10[%swap3A_2112] {strides = array<i32>} : memref<8192xf32, #tpu.memory_space<vmem>>, vector<16xf32>,
        tpu.vector_store %arg10[%swap3A_2112], %gather3A_2046 {strides = array<i32>} : memref<8192xf32, #tpu.memory_space<vmem>>, vector<16xf32>,
        %add3A_2114 = arith.constant 0 : i32
        %add3A_2115 = arith.addi %add3A_2033, %add3A_2114 : i32
        %add3A_2116 = arith.constant 640 : i32
        %add3A_2117 = arith.addi %add3A_2115, %add3A_2116 : i32
        %multiple_of3A_2118 = tpu.assume_multiple %add3A_2117, 8 : i32
        %swap3A_2119 = arith.index_cast %multiple_of3A_2118 : i32 to index
        %swap3A_2120 = tpu.vector_load %arg10[%swap3A_2119] {strides = array<i32>} : memref<8192xf32, #tpu.memory_space<vmem>>, vector<16xf32>,
        tpu.vector_store %arg10[%swap3A_2119], %gather3A_2049 {strides = array<i32>} : memref<8192xf32, #tpu.memory_space<vmem>>, vector<16xf32>,
        %add3A_2121 = arith.constant 0 : i32
        %add3A_2122 = arith.addi %add3A_2033, %add3A_2121 : i32
        %add3A_2123 = arith.constant 768 : i32
        %add3A_2124 = arith.addi %add3A_2122, %add3A_2123 : i32
        %multiple_of3A_2125 = tpu.assume_multiple %add3A_2124, 8 : i32
        %swap3A_2126 = arith.index_cast %multiple_of3A_2125 : i32 to index
        %swap3A_2127 = tpu.vector_load %arg10[%swap3A_2126] {strides = array<i32>} : memref<8192xf32, #tpu.memory_space<vmem>>, vector<16xf32>,
        tpu.vector_store %arg10[%swap3A_2126], %gather3A_2052 {strides = array<i32>} : memref<8192xf32, #tpu.memory_space<vmem>>, vector<16xf32>,
        %add3A_2128 = arith.constant 0 : i32
        %add3A_2129 = arith.addi %add3A_2033, %add3A_2128 : i32
        %add3A_2130 = arith.constant 896 : i32
        %add3A_2131 = arith.addi %add3A_2129, %add3A_2130 : i32
        %multiple_of3A_2132 = tpu.assume_multiple %add3A_2131, 8 : i32
        %swap3A_2133 = arith.index_cast %multiple_of3A_2132 : i32 to index
        %swap3A_2134 = tpu.vector_load %arg10[%swap3A_2133] {strides = array<i32>} : memref<8192xf32, #tpu.memory_space<vmem>>, vector<16xf32>,
        tpu.vector_store %arg10[%swap3A_2133], %gather3A_2055 {strides = array<i32>} : memref<8192xf32, #tpu.memory_space<vmem>>, vector<16xf32>,
        %add3A_2135 = arith.constant 2048 : i32
        %add3A_2136 = arith.addi %add3A_2033, %add3A_2135 : i32
        %add3A_2137 = arith.constant 0 : i32
        %add3A_2138 = arith.addi %add3A_2136, %add3A_2137 : i32
        %multiple_of3A_2139 = tpu.assume_multiple %add3A_2138, 8 : i32
        %swap3A_2140 = arith.index_cast %multiple_of3A_2139 : i32 to index
        %swap3A_2141 = tpu.vector_load %arg10[%swap3A_2140] {strides = array<i32>} : memref<8192xf32, #tpu.memory_space<vmem>>, vector<16xf32>,
        tpu.vector_store %arg10[%swap3A_2140], %gather3A_2058 {strides = array<i32>} : memref<8192xf32, #tpu.memory_space<vmem>>, vector<16xf32>,
        %add3A_2142 = arith.constant 2048 : i32
        %add3A_2143 = arith.addi %add3A_2033, %add3A_2142 : i32
        %add3A_2144 = arith.constant 128 : i32
        %add3A_2145 = arith.addi %add3A_2143, %add3A_2144 : i32
        %multiple_of3A_2146 = tpu.assume_multiple %add3A_2145, 8 : i32
        %swap3A_2147 = arith.index_cast %multiple_of3A_2146 : i32 to index
        %swap3A_2148 = tpu.vector_load %arg10[%swap3A_2147] {strides = array<i32>} : memref<8192xf32, #tpu.memory_space<vmem>>, vector<16xf32>,
        tpu.vector_store %arg10[%swap3A_2147], %gather3A_2061 {strides = array<i32>} : memref<8192xf32, #tpu.memory_space<vmem>>, vector<16xf32>,
        %add3A_2149 = arith.constant 2048 : i32
        %add3A_2150 = arith.addi %add3A_2033, %add3A_2149 : i32
        %add3A_2151 = arith.constant 256 : i32
        %add3A_2152 = arith.addi %add3A_2150, %add3A_2151 : i32
        %multiple_of3A_2153 = tpu.assume_multiple %add3A_2152, 8 : i32
        %swap3A_2154 = arith.index_cast %multiple_of3A_2153 : i32 to index
        %swap3A_2155 = tpu.vector_load %arg10[%swap3A_2154] {strides = array<i32>} : memref<8192xf32, #tpu.memory_space<vmem>>, vector<16xf32>,
        tpu.vector_store %arg10[%swap3A_2154], %gather3A_2064 {strides = array<i32>} : memref<8192xf32, #tpu.memory_space<vmem>>, vector<16xf32>,
        %add3A_2156 = arith.constant 2048 : i32
        %add3A_2157 = arith.addi %add3A_2033, %add3A_2156 : i32
        %add3A_2158 = arith.constant 384 : i32
        %add3A_2159 = arith.addi %add3A_2157, %add3A_2158 : i32
        %multiple_of3A_2160 = tpu.assume_multiple %add3A_2159, 8 : i32
        %swap3A_2161 = arith.index_cast %multiple_of3A_2160 : i32 to index
        %swap3A_2162 = tpu.vector_load %arg10[%swap3A_2161] {strides = array<i32>} : memref<8192xf32, #tpu.memory_space<vmem>>, vector<16xf32>,
        tpu.vector_store %arg10[%swap3A_2161], %gather3A_2067 {strides = array<i32>} : memref<8192xf32, #tpu.memory_space<vmem>>, vector<16xf32>,
        %add3A_2163 = arith.constant 2048 : i32
        %add3A_2164 = arith.addi %add3A_2033, %add3A_2163 : i32
        %add3A_2165 = arith.constant 512 : i32
        %add3A_2166 = arith.addi %add3A_2164, %add3A_2165 : i32
        %multiple_of3A_2167 = tpu.assume_multiple %add3A_2166, 8 : i32
        %swap3A_2168 = arith.index_cast %multiple_of3A_2167 : i32 to index
        %swap3A_2169 = tpu.vector_load %arg10[%swap3A_2168] {strides = array<i32>} : memref<8192xf32, #tpu.memory_space<vmem>>, vector<16xf32>,
        tpu.vector_store %arg10[%swap3A_2168], %gather3A_2070 {strides = array<i32>} : memref<8192xf32, #tpu.memory_space<vmem>>, vector<16xf32>,
        %add3A_2170 = arith.constant 2048 : i32
        %add3A_2171 = arith.addi %add3A_2033, %add3A_2170 : i32
        %add3A_2172 = arith.constant 640 : i32
        %add3A_2173 = arith.addi %add3A_2171, %add3A_2172 : i32
        %multiple_of3A_2174 = tpu.assume_multiple %add3A_2173, 8 : i32
        %swap3A_2175 = arith.index_cast %multiple_of3A_2174 : i32 to index
        %swap3A_2176 = tpu.vector_load %arg10[%swap3A_2175] {strides = array<i32>} : memref<8192xf32, #tpu.memory_space<vmem>>, vector<16xf32>,
        tpu.vector_store %arg10[%swap3A_2175], %gather3A_2073 {strides = array<i32>} : memref<8192xf32, #tpu.memory_space<vmem>>, vector<16xf32>,
        %add3A_2177 = arith.constant 2048 : i32
        %add3A_2178 = arith.addi %add3A_2033, %add3A_2177 : i32
        %add3A_2179 = arith.constant 768 : i32
        %add3A_2180 = arith.addi %add3A_2178, %add3A_2179 : i32
        %multiple_of3A_2181 = tpu.assume_multiple %add3A_2180, 8 : i32
        %swap3A_2182 = arith.index_cast %multiple_of3A_2181 : i32 to index
        %swap3A_2183 = tpu.vector_load %arg10[%swap3A_2182] {strides = array<i32>} : memref<8192xf32, #tpu.memory_space<vmem>>, vector<16xf32>,
        tpu.vector_store %arg10[%swap3A_2182], %gather3A_2076 {strides = array<i32>} : memref<8192xf32, #tpu.memory_space<vmem>>, vector<16xf32>,
        %add3A_2184 = arith.constant 2048 : i32
        %add3A_2185 = arith.addi %add3A_2033, %add3A_2184 : i32
        %add3A_2186 = arith.constant 896 : i32
        %add3A_2187 = arith.addi %add3A_2185, %add3A_2186 : i32
        %multiple_of3A_2188 = tpu.assume_multiple %add3A_2187, 8 : i32
        %swap3A_2189 = arith.index_cast %multiple_of3A_2188 : i32 to index
        %swap3A_2190 = tpu.vector_load %arg10[%swap3A_2189] {strides = array<i32>} : memref<8192xf32, #tpu.memory_space<vmem>>, vector<16xf32>,
        tpu.vector_store %arg10[%swap3A_2189], %gather3A_2079 {strides = array<i32>} : memref<8192xf32, #tpu.memory_space<vmem>>, vector<16xf32>,
        %broadcast_in_dim3A_2191 = arith.constant 16 : i32
        %broadcast_in_dim3A_2192 = vector.broadcast %broadcast_in_dim3A_2191 : i32 to vector<16xi32>
        %gather3A_2193 = tpu.vector_load_idx %arg6[%add3A_2025, %broadcast_in_dim3A_2192] : memref<256x32xf32, #tpu.memory_space<vmem>>[vector<16xi32>, vector<16xi32>], vector<16xf32>,
        %broadcast_in_dim3A_2194 = arith.constant 17 : i32
        %broadcast_in_dim3A_2195 = vector.broadcast %broadcast_in_dim3A_2194 : i32 to vector<16xi32>
        %gather3A_2196 = tpu.vector_load_idx %arg6[%add3A_2025, %broadcast_in_dim3A_2195] : memref<256x32xf32, #tpu.memory_space<vmem>>[vector<16xi32>, vector<16xi32>], vector<16xf32>,
        %broadcast_in_dim3A_2197 = arith.constant 18 : i32
        %broadcast_in_dim3A_2198 = vector.broadcast %broadcast_in_dim3A_2197 : i32 to vector<16xi32>
        %gather3A_2199 = tpu.vector_load_idx %arg6[%add3A_2025, %broadcast_in_dim3A_2198] : memref<256x32xf32, #tpu.memory_space<vmem>>[vector<16xi32>, vector<16xi32>], vector<16xf32>,
        %broadcast_in_dim3A_2200 = arith.constant 19 : i32
        %broadcast_in_dim3A_2201 = vector.broadcast %broadcast_in_dim3A_2200 : i32 to vector<16xi32>
        %gather3A_2202 = tpu.vector_load_idx %arg6[%add3A_2025, %broadcast_in_dim3A_2201] : memref<256x32xf32, #tpu.memory_space<vmem>>[vector<16xi32>, vector<16xi32>], vector<16xf32>,
        %broadcast_in_dim3A_2203 = arith.constant 20 : i32
        %broadcast_in_dim3A_2204 = vector.broadcast %broadcast_in_dim3A_2203 : i32 to vector<16xi32>
        %gather3A_2205 = tpu.vector_load_idx %arg6[%add3A_2025, %broadcast_in_dim3A_2204] : memref<256x32xf32, #tpu.memory_space<vmem>>[vector<16xi32>, vector<16xi32>], vector<16xf32>,
        %broadcast_in_dim3A_2206 = arith.constant 21 : i32
        %broadcast_in_dim3A_2207 = vector.broadcast %broadcast_in_dim3A_2206 : i32 to vector<16xi32>
        %gather3A_2208 = tpu.vector_load_idx %arg6[%add3A_2025, %broadcast_in_dim3A_2207] : memref<256x32xf32, #tpu.memory_space<vmem>>[vector<16xi32>, vector<16xi32>], vector<16xf32>,
        %broadcast_in_dim3A_2209 = arith.constant 22 : i32
        %broadcast_in_dim3A_2210 = vector.broadcast %broadcast_in_dim3A_2209 : i32 to vector<16xi32>
        %gather3A_2211 = tpu.vector_load_idx %arg6[%add3A_2025, %broadcast_in_dim3A_2210] : memref<256x32xf32, #tpu.memory_space<vmem>>[vector<16xi32>, vector<16xi32>], vector<16xf32>,
        %broadcast_in_dim3A_2212 = arith.constant 23 : i32
        %broadcast_in_dim3A_2213 = vector.broadcast %broadcast_in_dim3A_2212 : i32 to vector<16xi32>
        %gather3A_2214 = tpu.vector_load_idx %arg6[%add3A_2025, %broadcast_in_dim3A_2213] : memref<256x32xf32, #tpu.memory_space<vmem>>[vector<16xi32>, vector<16xi32>], vector<16xf32>,
        %broadcast_in_dim3A_2215 = arith.constant 24 : i32
        %broadcast_in_dim3A_2216 = vector.broadcast %broadcast_in_dim3A_2215 : i32 to vector<16xi32>
        %gather3A_2217 = tpu.vector_load_idx %arg6[%add3A_2025, %broadcast_in_dim3A_2216] : memref<256x32xf32, #tpu.memory_space<vmem>>[vector<16xi32>, vector<16xi32>], vector<16xf32>,
        %broadcast_in_dim3A_2218 = arith.constant 25 : i32
        %broadcast_in_dim3A_2219 = vector.broadcast %broadcast_in_dim3A_2218 : i32 to vector<16xi32>
        %gather3A_2220 = tpu.vector_load_idx %arg6[%add3A_2025, %broadcast_in_dim3A_2219] : memref<256x32xf32, #tpu.memory_space<vmem>>[vector<16xi32>, vector<16xi32>], vector<16xf32>,
        %broadcast_in_dim3A_2221 = arith.constant 26 : i32
        %broadcast_in_dim3A_2222 = vector.broadcast %broadcast_in_dim3A_2221 : i32 to vector<16xi32>
        %gather3A_2223 = tpu.vector_load_idx %arg6[%add3A_2025, %broadcast_in_dim3A_2222] : memref<256x32xf32, #tpu.memory_space<vmem>>[vector<16xi32>, vector<16xi32>], vector<16xf32>,
        %broadcast_in_dim3A_2224 = arith.constant 27 : i32
        %broadcast_in_dim3A_2225 = vector.broadcast %broadcast_in_dim3A_2224 : i32 to vector<16xi32>
        %gather3A_2226 = tpu.vector_load_idx %arg6[%add3A_2025, %broadcast_in_dim3A_2225] : memref<256x32xf32, #tpu.memory_space<vmem>>[vector<16xi32>, vector<16xi32>], vector<16xf32>,
        %broadcast_in_dim3A_2227 = arith.constant 28 : i32
        %broadcast_in_dim3A_2228 = vector.broadcast %broadcast_in_dim3A_2227 : i32 to vector<16xi32>
        %gather3A_2229 = tpu.vector_load_idx %arg6[%add3A_2025, %broadcast_in_dim3A_2228] : memref<256x32xf32, #tpu.memory_space<vmem>>[vector<16xi32>, vector<16xi32>], vector<16xf32>,
        %broadcast_in_dim3A_2230 = arith.constant 29 : i32
        %broadcast_in_dim3A_2231 = vector.broadcast %broadcast_in_dim3A_2230 : i32 to vector<16xi32>
        %gather3A_2232 = tpu.vector_load_idx %arg6[%add3A_2025, %broadcast_in_dim3A_2231] : memref<256x32xf32, #tpu.memory_space<vmem>>[vector<16xi32>, vector<16xi32>], vector<16xf32>,
        %broadcast_in_dim3A_2233 = arith.constant 30 : i32
        %broadcast_in_dim3A_2234 = vector.broadcast %broadcast_in_dim3A_2233 : i32 to vector<16xi32>
        %gather3A_2235 = tpu.vector_load_idx %arg6[%add3A_2025, %broadcast_in_dim3A_2234] : memref<256x32xf32, #tpu.memory_space<vmem>>[vector<16xi32>, vector<16xi32>], vector<16xf32>,
        %broadcast_in_dim3A_2236 = arith.constant 31 : i32
        %broadcast_in_dim3A_2237 = vector.broadcast %broadcast_in_dim3A_2236 : i32 to vector<16xi32>
        %gather3A_2238 = tpu.vector_load_idx %arg6[%add3A_2025, %broadcast_in_dim3A_2237] : memref<256x32xf32, #tpu.memory_space<vmem>>[vector<16xi32>, vector<16xi32>], vector<16xf32>,
        %add3A_2239 = arith.constant 4096 : i32
        %add3A_2240 = arith.addi %add3A_2033, %add3A_2239 : i32
        %add3A_2241 = arith.constant 0 : i32
        %add3A_2242 = arith.addi %add3A_2240, %add3A_2241 : i32
        %multiple_of3A_2243 = tpu.assume_multiple %add3A_2242, 8 : i32
        %swap3A_2244 = arith.index_cast %multiple_of3A_2243 : i32 to index
        %swap3A_2245 = tpu.vector_load %arg10[%swap3A_2244] {strides = array<i32>} : memref<8192xf32, #tpu.memory_space<vmem>>, vector<16xf32>,
        tpu.vector_store %arg10[%swap3A_2244], %gather3A_2193 {strides = array<i32>} : memref<8192xf32, #tpu.memory_space<vmem>>, vector<16xf32>,
        %add3A_2246 = arith.constant 4096 : i32
        %add3A_2247 = arith.addi %add3A_2033, %add3A_2246 : i32
        %add3A_2248 = arith.constant 128 : i32
        %add3A_2249 = arith.addi %add3A_2247, %add3A_2248 : i32
        %multiple_of3A_2250 = tpu.assume_multiple %add3A_2249, 8 : i32
        %swap3A_2251 = arith.index_cast %multiple_of3A_2250 : i32 to index
        %swap3A_2252 = tpu.vector_load %arg10[%swap3A_2251] {strides = array<i32>} : memref<8192xf32, #tpu.memory_space<vmem>>, vector<16xf32>,
        tpu.vector_store %arg10[%swap3A_2251], %gather3A_2196 {strides = array<i32>} : memref<8192xf32, #tpu.memory_space<vmem>>, vector<16xf32>,
        %add3A_2253 = arith.constant 4096 : i32
        %add3A_2254 = arith.addi %add3A_2033, %add3A_2253 : i32
        %add3A_2255 = arith.constant 256 : i32
        %add3A_2256 = arith.addi %add3A_2254, %add3A_2255 : i32
        %multiple_of3A_2257 = tpu.assume_multiple %add3A_2256, 8 : i32
        %swap3A_2258 = arith.index_cast %multiple_of3A_2257 : i32 to index
        %swap3A_2259 = tpu.vector_load %arg10[%swap3A_2258] {strides = array<i32>} : memref<8192xf32, #tpu.memory_space<vmem>>, vector<16xf32>,
        tpu.vector_store %arg10[%swap3A_2258], %gather3A_2199 {strides = array<i32>} : memref<8192xf32, #tpu.memory_space<vmem>>, vector<16xf32>,
        %add3A_2260 = arith.constant 4096 : i32
        %add3A_2261 = arith.addi %add3A_2033, %add3A_2260 : i32
        %add3A_2262 = arith.constant 384 : i32
        %add3A_2263 = arith.addi %add3A_2261, %add3A_2262 : i32
        %multiple_of3A_2264 = tpu.assume_multiple %add3A_2263, 8 : i32
        %swap3A_2265 = arith.index_cast %multiple_of3A_2264 : i32 to index
        %swap3A_2266 = tpu.vector_load %arg10[%swap3A_2265] {strides = array<i32>} : memref<8192xf32, #tpu.memory_space<vmem>>, vector<16xf32>,
        tpu.vector_store %arg10[%swap3A_2265], %gather3A_2202 {strides = array<i32>} : memref<8192xf32, #tpu.memory_space<vmem>>, vector<16xf32>,
        %add3A_2267 = arith.constant 4096 : i32
        %add3A_2268 = arith.addi %add3A_2033, %add3A_2267 : i32
        %add3A_2269 = arith.constant 512 : i32
        %add3A_2270 = arith.addi %add3A_2268, %add3A_2269 : i32
        %multiple_of3A_2271 = tpu.assume_multiple %add3A_2270, 8 : i32
        %swap3A_2272 = arith.index_cast %multiple_of3A_2271 : i32 to index
        %swap3A_2273 = tpu.vector_load %arg10[%swap3A_2272] {strides = array<i32>} : memref<8192xf32, #tpu.memory_space<vmem>>, vector<16xf32>,
        tpu.vector_store %arg10[%swap3A_2272], %gather3A_2205 {strides = array<i32>} : memref<8192xf32, #tpu.memory_space<vmem>>, vector<16xf32>,
        %add3A_2274 = arith.constant 4096 : i32
        %add3A_2275 = arith.addi %add3A_2033, %add3A_2274 : i32
        %add3A_2276 = arith.constant 640 : i32
        %add3A_2277 = arith.addi %add3A_2275, %add3A_2276 : i32
        %multiple_of3A_2278 = tpu.assume_multiple %add3A_2277, 8 : i32
        %swap3A_2279 = arith.index_cast %multiple_of3A_2278 : i32 to index
        %swap3A_2280 = tpu.vector_load %arg10[%swap3A_2279] {strides = array<i32>} : memref<8192xf32, #tpu.memory_space<vmem>>, vector<16xf32>,
        tpu.vector_store %arg10[%swap3A_2279], %gather3A_2208 {strides = array<i32>} : memref<8192xf32, #tpu.memory_space<vmem>>, vector<16xf32>,
        %add3A_2281 = arith.constant 4096 : i32
        %add3A_2282 = arith.addi %add3A_2033, %add3A_2281 : i32
        %add3A_2283 = arith.constant 768 : i32
        %add3A_2284 = arith.addi %add3A_2282, %add3A_2283 : i32
        %multiple_of3A_2285 = tpu.assume_multiple %add3A_2284, 8 : i32
        %swap3A_2286 = arith.index_cast %multiple_of3A_2285 : i32 to index
        %swap3A_2287 = tpu.vector_load %arg10[%swap3A_2286] {strides = array<i32>} : memref<8192xf32, #tpu.memory_space<vmem>>, vector<16xf32>,
        tpu.vector_store %arg10[%swap3A_2286], %gather3A_2211 {strides = array<i32>} : memref<8192xf32, #tpu.memory_space<vmem>>, vector<16xf32>,
        %add3A_2288 = arith.constant 4096 : i32
        %add3A_2289 = arith.addi %add3A_2033, %add3A_2288 : i32
        %add3A_2290 = arith.constant 896 : i32
        %add3A_2291 = arith.addi %add3A_2289, %add3A_2290 : i32
        %multiple_of3A_2292 = tpu.assume_multiple %add3A_2291, 8 : i32
        %swap3A_2293 = arith.index_cast %multiple_of3A_2292 : i32 to index
        %swap3A_2294 = tpu.vector_load %arg10[%swap3A_2293] {strides = array<i32>} : memref<8192xf32, #tpu.memory_space<vmem>>, vector<16xf32>,
        tpu.vector_store %arg10[%swap3A_2293], %gather3A_2214 {strides = array<i32>} : memref<8192xf32, #tpu.memory_space<vmem>>, vector<16xf32>,
        %add3A_2295 = arith.constant 6144 : i32
        %add3A_2296 = arith.addi %add3A_2033, %add3A_2295 : i32
        %add3A_2297 = arith.constant 0 : i32
        %add3A_2298 = arith.addi %add3A_2296, %add3A_2297 : i32
        %multiple_of3A_2299 = tpu.assume_multiple %add3A_2298, 8 : i32
        %swap3A_2300 = arith.index_cast %multiple_of3A_2299 : i32 to index
        %swap3A_2301 = tpu.vector_load %arg10[%swap3A_2300] {strides = array<i32>} : memref<8192xf32, #tpu.memory_space<vmem>>, vector<16xf32>,
        tpu.vector_store %arg10[%swap3A_2300], %gather3A_2217 {strides = array<i32>} : memref<8192xf32, #tpu.memory_space<vmem>>, vector<16xf32>,
        %add3A_2302 = arith.constant 6144 : i32
        %add3A_2303 = arith.addi %add3A_2033, %add3A_2302 : i32
        %add3A_2304 = arith.constant 128 : i32
        %add3A_2305 = arith.addi %add3A_2303, %add3A_2304 : i32
        %multiple_of3A_2306 = tpu.assume_multiple %add3A_2305, 8 : i32
        %swap3A_2307 = arith.index_cast %multiple_of3A_2306 : i32 to index
        %swap3A_2308 = tpu.vector_load %arg10[%swap3A_2307] {strides = array<i32>} : memref<8192xf32, #tpu.memory_space<vmem>>, vector<16xf32>,
        tpu.vector_store %arg10[%swap3A_2307], %gather3A_2220 {strides = array<i32>} : memref<8192xf32, #tpu.memory_space<vmem>>, vector<16xf32>,
        %add3A_2309 = arith.constant 6144 : i32
        %add3A_2310 = arith.addi %add3A_2033, %add3A_2309 : i32
        %add3A_2311 = arith.constant 256 : i32
        %add3A_2312 = arith.addi %add3A_2310, %add3A_2311 : i32
        %multiple_of3A_2313 = tpu.assume_multiple %add3A_2312, 8 : i32
        %swap3A_2314 = arith.index_cast %multiple_of3A_2313 : i32 to index
        %swap3A_2315 = tpu.vector_load %arg10[%swap3A_2314] {strides = array<i32>} : memref<8192xf32, #tpu.memory_space<vmem>>, vector<16xf32>,
        tpu.vector_store %arg10[%swap3A_2314], %gather3A_2223 {strides = array<i32>} : memref<8192xf32, #tpu.memory_space<vmem>>, vector<16xf32>,
        %add3A_2316 = arith.constant 6144 : i32
        %add3A_2317 = arith.addi %add3A_2033, %add3A_2316 : i32
        %add3A_2318 = arith.constant 384 : i32
        %add3A_2319 = arith.addi %add3A_2317, %add3A_2318 : i32
        %multiple_of3A_2320 = tpu.assume_multiple %add3A_2319, 8 : i32
        %swap3A_2321 = arith.index_cast %multiple_of3A_2320 : i32 to index
        %swap3A_2322 = tpu.vector_load %arg10[%swap3A_2321] {strides = array<i32>} : memref<8192xf32, #tpu.memory_space<vmem>>, vector<16xf32>,
        tpu.vector_store %arg10[%swap3A_2321], %gather3A_2226 {strides = array<i32>} : memref<8192xf32, #tpu.memory_space<vmem>>, vector<16xf32>,
        %add3A_2323 = arith.constant 6144 : i32
        %add3A_2324 = arith.addi %add3A_2033, %add3A_2323 : i32
        %add3A_2325 = arith.constant 512 : i32
        %add3A_2326 = arith.addi %add3A_2324, %add3A_2325 : i32
        %multiple_of3A_2327 = tpu.assume_multiple %add3A_2326, 8 : i32
        %swap3A_2328 = arith.index_cast %multiple_of3A_2327 : i32 to index
        %swap3A_2329 = tpu.vector_load %arg10[%swap3A_2328] {strides = array<i32>} : memref<8192xf32, #tpu.memory_space<vmem>>, vector<16xf32>,
        tpu.vector_store %arg10[%swap3A_2328], %gather3A_2229 {strides = array<i32>} : memref<8192xf32, #tpu.memory_space<vmem>>, vector<16xf32>,
        %add3A_2330 = arith.constant 6144 : i32
        %add3A_2331 = arith.addi %add3A_2033, %add3A_2330 : i32
        %add3A_2332 = arith.constant 640 : i32
        %add3A_2333 = arith.addi %add3A_2331, %add3A_2332 : i32
        %multiple_of3A_2334 = tpu.assume_multiple %add3A_2333, 8 : i32
        %swap3A_2335 = arith.index_cast %multiple_of3A_2334 : i32 to index
        %swap3A_2336 = tpu.vector_load %arg10[%swap3A_2335] {strides = array<i32>} : memref<8192xf32, #tpu.memory_space<vmem>>, vector<16xf32>,
        tpu.vector_store %arg10[%swap3A_2335], %gather3A_2232 {strides = array<i32>} : memref<8192xf32, #tpu.memory_space<vmem>>, vector<16xf32>,
        %add3A_2337 = arith.constant 6144 : i32
        %add3A_2338 = arith.addi %add3A_2033, %add3A_2337 : i32
        %add3A_2339 = arith.constant 768 : i32
        %add3A_2340 = arith.addi %add3A_2338, %add3A_2339 : i32
        %multiple_of3A_2341 = tpu.assume_multiple %add3A_2340, 8 : i32
        %swap3A_2342 = arith.index_cast %multiple_of3A_2341 : i32 to index
        %swap3A_2343 = tpu.vector_load %arg10[%swap3A_2342] {strides = array<i32>} : memref<8192xf32, #tpu.memory_space<vmem>>, vector<16xf32>,
        tpu.vector_store %arg10[%swap3A_2342], %gather3A_2235 {strides = array<i32>} : memref<8192xf32, #tpu.memory_space<vmem>>, vector<16xf32>,
        %add3A_2344 = arith.constant 6144 : i32
        %add3A_2345 = arith.addi %add3A_2033, %add3A_2344 : i32
        %add3A_2346 = arith.constant 896 : i32
        %add3A_2347 = arith.addi %add3A_2345, %add3A_2346 : i32
        %multiple_of3A_2348 = tpu.assume_multiple %add3A_2347, 8 : i32
        %swap3A_2349 = arith.index_cast %multiple_of3A_2348 : i32 to index
        %swap3A_2350 = tpu.vector_load %arg10[%swap3A_2349] {strides = array<i32>} : memref<8192xf32, #tpu.memory_space<vmem>>, vector<16xf32>,
        tpu.vector_store %arg10[%swap3A_2349], %gather3A_2238 {strides = array<i32>} : memref<8192xf32, #tpu.memory_space<vmem>>, vector<16xf32>,
      }
      %scan3A_997 = arith.constant 16 : i32
      %jit3A_998 = arith.constant 64 : i32
      %div3A_999 = arith.divsi %add3A_973, %jit3A_998 : i32
      %sign3A_1000 = arith.constant 0 : i32
      %sign3A_1001 = arith.cmpi sgt, %add3A_973, %sign3A_1000 : i32
      %sign3A_1002 = arith.extui %sign3A_1001 : i1 to i32
      %sign3A_1003 = arith.constant 0 : i32
      %sign3A_1004 = arith.cmpi slt, %add3A_973, %sign3A_1003 : i32
      %sign3A_1005 = arith.extui %sign3A_1004 : i1 to i32
      %sign3A_1006 = arith.subi %sign3A_1002, %sign3A_1005 : i32
      %sign3A_1007 = arith.constant 0 : i32
      %sign3A_1008 = arith.cmpi sgt, %jit3A_998, %sign3A_1007 : i32
      %sign3A_1009 = arith.extui %sign3A_1008 : i1 to i32
      %sign3A_1010 = arith.constant 0 : i32
      %sign3A_1011 = arith.cmpi slt, %jit3A_998, %sign3A_1010 : i32
      %sign3A_1012 = arith.extui %sign3A_1011 : i1 to i32
      %sign3A_1013 = arith.subi %sign3A_1009, %sign3A_1012 : i32
      %ne3A_1014 = arith.cmpi ne, %sign3A_1006, %sign3A_1013 : i32
      %rem3A_1015 = arith.remsi %add3A_973, %jit3A_998 : i32
      %ne3A_1016 = arith.constant 0 : i32
      %ne3A_1017 = arith.cmpi ne, %rem3A_1015, %ne3A_1016 : i32
      %and3A_1018 = arith.andi %ne3A_1014, %ne3A_1017 : i1
      %sub3A_1019 = arith.constant 1 : i32
      %sub3A_1020 = arith.subi %div3A_999, %sub3A_1019 : i32
      %select_n3A_1021 = arith.select %and3A_1018, %sub3A_1020, %div3A_999 : i32
      %jit3A_1022 = arith.constant 64 : i32
      %eq3A_1023 = arith.constant 0 : i32
      %eq3A_1024 = arith.cmpi eq, %jit3A_1022, %eq3A_1023 : i32
      %jit3A_1025 = arith.constant 1 : i32
      %select_n3A_1026 = arith.select %eq3A_1024, %jit3A_1025, %jit3A_1022 : i32
      %rem3A_1027 = arith.remsi %add3A_973, %select_n3A_1026 : i32
      %ne3A_1028 = arith.constant 0 : i32
      %ne3A_1029 = arith.cmpi ne, %rem3A_1027, %ne3A_1028 : i32
      %lt3A_1030 = arith.constant 0 : i32
      %lt3A_1031 = arith.cmpi slt, %rem3A_1027, %lt3A_1030 : i32
      %lt3A_1032 = arith.constant 0 : i32
      %lt3A_1033 = arith.cmpi slt, %select_n3A_1026, %lt3A_1032 : i32
      %ne3A_1034 = arith.xori %lt3A_1031, %lt3A_1033 : i1
      %and3A_1035 = arith.andi %ne3A_1034, %ne3A_1029 : i1
      %add3A_1036 = arith.addi %rem3A_1027, %select_n3A_1026 : i32
      %select_n3A_1037 = arith.select %and3A_1035, %add3A_1036, %rem3A_1027 : i32
      %mul3A_1038 = arith.constant 4 : i32
      %mul3A_1039 = arith.muli %select_n3A_1021, %mul3A_1038 : i32
      %add3A_1040 = arith.constant 0 : i32
      %add3A_1041 = arith.addi %mul3A_1039, %add3A_1040 : i32
      %mul3A_1042 = arith.constant 128 : i32
      %mul3A_1043 = arith.muli %add3A_1041, %mul3A_1042 : i32
      %mul3A_1044 = arith.constant 2 : i32
      %mul3A_1045 = arith.muli %mul3A_1044, %select_n3A_1037 : i32
      %add3A_1046 = arith.addi %mul3A_1043, %mul3A_1045 : i32
      %mul3A_1047 = arith.constant 1024 : i32
      %mul3A_1048 = arith.muli %add3A_1046, %mul3A_1047 : i32
      %multiple_of3A_1049 = tpu.assume_multiple %mul3A_1048, 8 : i32
      %dma_start3A_1050 = arith.constant 0 : i32
      %dma_start3A_1051 = tpu.memref_slice %arg10[%dma_start3A_1050] : memref<8192xf32, #tpu.memory_space<vmem>> -> memref<2048xf32, #tpu.memory_space<vmem>>
      %dma_start3A_1052 = tpu.memref_slice %arg4[%multiple_of3A_1049] : memref<26214400xf32, #tpu.memory_space<hbm>> -> memref<2048xf32, #tpu.memory_space<hbm>>
      %dma_start3A_1053 = tpu.memref_slice %arg4[%multiple_of3A_1049] : memref<26214400xf32, #tpu.memory_space<hbm>> -> memref<2048xf32, #tpu.memory_space<hbm>>
      %dma_start3A_1054 = arith.constant 0 : i32
      %dma_start3A_1055 = tpu.memref_slice %arg10[%dma_start3A_1054] : memref<8192xf32, #tpu.memory_space<vmem>> -> memref<2048xf32, #tpu.memory_space<vmem>>
      tpu.enqueue_dma source(%dma_start3A_1055 : memref<2048xf32, #tpu.memory_space<vmem>>) target(%dma_start3A_1053 : memref<2048xf32, #tpu.memory_space<hbm>>) target_semaphore(%arg18 : memref<!tpu.dma_semaphore, #tpu.memory_space<semaphore_mem>>)
      %jit3A_1056 = arith.constant 64 : i32
      %div3A_1057 = arith.divsi %add3A_973, %jit3A_1056 : i32
      %sign3A_1058 = arith.constant 0 : i32
      %sign3A_1059 = arith.cmpi sgt, %add3A_973, %sign3A_1058 : i32
      %sign3A_1060 = arith.extui %sign3A_1059 : i1 to i32
      %sign3A_1061 = arith.constant 0 : i32
      %sign3A_1062 = arith.cmpi slt, %add3A_973, %sign3A_1061 : i32
      %sign3A_1063 = arith.extui %sign3A_1062 : i1 to i32
      %sign3A_1064 = arith.subi %sign3A_1060, %sign3A_1063 : i32
      %sign3A_1065 = arith.constant 0 : i32
      %sign3A_1066 = arith.cmpi sgt, %jit3A_1056, %sign3A_1065 : i32
      %sign3A_1067 = arith.extui %sign3A_1066 : i1 to i32
      %sign3A_1068 = arith.constant 0 : i32
      %sign3A_1069 = arith.cmpi slt, %jit3A_1056, %sign3A_1068 : i32
      %sign3A_1070 = arith.extui %sign3A_1069 : i1 to i32
      %sign3A_1071 = arith.subi %sign3A_1067, %sign3A_1070 : i32
      %ne3A_1072 = arith.cmpi ne, %sign3A_1064, %sign3A_1071 : i32
      %rem3A_1073 = arith.remsi %add3A_973, %jit3A_1056 : i32
      %ne3A_1074 = arith.constant 0 : i32
      %ne3A_1075 = arith.cmpi ne, %rem3A_1073, %ne3A_1074 : i32
      %and3A_1076 = arith.andi %ne3A_1072, %ne3A_1075 : i1
      %sub3A_1077 = arith.constant 1 : i32
      %sub3A_1078 = arith.subi %div3A_1057, %sub3A_1077 : i32
      %select_n3A_1079 = arith.select %and3A_1076, %sub3A_1078, %div3A_1057 : i32
      %jit3A_1080 = arith.constant 64 : i32
      %eq3A_1081 = arith.constant 0 : i32
      %eq3A_1082 = arith.cmpi eq, %jit3A_1080, %eq3A_1081 : i32
      %jit3A_1083 = arith.constant 1 : i32
      %select_n3A_1084 = arith.select %eq3A_1082, %jit3A_1083, %jit3A_1080 : i32
      %rem3A_1085 = arith.remsi %add3A_973, %select_n3A_1084 : i32
      %ne3A_1086 = arith.constant 0 : i32
      %ne3A_1087 = arith.cmpi ne, %rem3A_1085, %ne3A_1086 : i32
      %lt3A_1088 = arith.constant 0 : i32
      %lt3A_1089 = arith.cmpi slt, %rem3A_1085, %lt3A_1088 : i32
      %lt3A_1090 = arith.constant 0 : i32
      %lt3A_1091 = arith.cmpi slt, %select_n3A_1084, %lt3A_1090 : i32
      %ne3A_1092 = arith.xori %lt3A_1089, %lt3A_1091 : i1
      %and3A_1093 = arith.andi %ne3A_1092, %ne3A_1087 : i1
      %add3A_1094 = arith.addi %rem3A_1085, %select_n3A_1084 : i32
      %select_n3A_1095 = arith.select %and3A_1093, %add3A_1094, %rem3A_1085 : i32
      %mul3A_1096 = arith.constant 4 : i32
      %mul3A_1097 = arith.muli %select_n3A_1079, %mul3A_1096 : i32
      %add3A_1098 = arith.constant 1 : i32
      %add3A_1099 = arith.addi %mul3A_1097, %add3A_1098 : i32
      %mul3A_1100 = arith.constant 128 : i32
      %mul3A_1101 = arith.muli %add3A_1099, %mul3A_1100 : i32
      %mul3A_1102 = arith.constant 2 : i32
      %mul3A_1103 = arith.muli %mul3A_1102, %select_n3A_1095 : i32
      %add3A_1104 = arith.addi %mul3A_1101, %mul3A_1103 : i32
      %mul3A_1105 = arith.constant 1024 : i32
      %mul3A_1106 = arith.muli %add3A_1104, %mul3A_1105 : i32
      %multiple_of3A_1107 = tpu.assume_multiple %mul3A_1106, 8 : i32
      %dma_start3A_1108 = arith.constant 2048 : i32
      %dma_start3A_1109 = tpu.memref_slice %arg10[%dma_start3A_1108] : memref<8192xf32, #tpu.memory_space<vmem>> -> memref<2048xf32, #tpu.memory_space<vmem>>
      %dma_start3A_1110 = tpu.memref_slice %arg4[%multiple_of3A_1107] : memref<26214400xf32, #tpu.memory_space<hbm>> -> memref<2048xf32, #tpu.memory_space<hbm>>
      %dma_start3A_1111 = tpu.memref_slice %arg4[%multiple_of3A_1107] : memref<26214400xf32, #tpu.memory_space<hbm>> -> memref<2048xf32, #tpu.memory_space<hbm>>
      %dma_start3A_1112 = arith.constant 2048 : i32
      %dma_start3A_1113 = tpu.memref_slice %arg10[%dma_start3A_1112] : memref<8192xf32, #tpu.memory_space<vmem>> -> memref<2048xf32, #tpu.memory_space<vmem>>
      tpu.enqueue_dma source(%dma_start3A_1113 : memref<2048xf32, #tpu.memory_space<vmem>>) target(%dma_start3A_1111 : memref<2048xf32, #tpu.memory_space<hbm>>) target_semaphore(%arg18 : memref<!tpu.dma_semaphore, #tpu.memory_space<semaphore_mem>>)
      %jit3A_1114 = arith.constant 64 : i32
      %div3A_1115 = arith.divsi %add3A_973, %jit3A_1114 : i32
      %sign3A_1116 = arith.constant 0 : i32
      %sign3A_1117 = arith.cmpi sgt, %add3A_973, %sign3A_1116 : i32
      %sign3A_1118 = arith.extui %sign3A_1117 : i1 to i32
      %sign3A_1119 = arith.constant 0 : i32
      %sign3A_1120 = arith.cmpi slt, %add3A_973, %sign3A_1119 : i32
      %sign3A_1121 = arith.extui %sign3A_1120 : i1 to i32
      %sign3A_1122 = arith.subi %sign3A_1118, %sign3A_1121 : i32
      %sign3A_1123 = arith.constant 0 : i32
      %sign3A_1124 = arith.cmpi sgt, %jit3A_1114, %sign3A_1123 : i32
      %sign3A_1125 = arith.extui %sign3A_1124 : i1 to i32
      %sign3A_1126 = arith.constant 0 : i32
      %sign3A_1127 = arith.cmpi slt, %jit3A_1114, %sign3A_1126 : i32
      %sign3A_1128 = arith.extui %sign3A_1127 : i1 to i32
      %sign3A_1129 = arith.subi %sign3A_1125, %sign3A_1128 : i32
      %ne3A_1130 = arith.cmpi ne, %sign3A_1122, %sign3A_1129 : i32
      %rem3A_1131 = arith.remsi %add3A_973, %jit3A_1114 : i32
      %ne3A_1132 = arith.constant 0 : i32
      %ne3A_1133 = arith.cmpi ne, %rem3A_1131, %ne3A_1132 : i32
      %and3A_1134 = arith.andi %ne3A_1130, %ne3A_1133 : i1
      %sub3A_1135 = arith.constant 1 : i32
      %sub3A_1136 = arith.subi %div3A_1115, %sub3A_1135 : i32
      %select_n3A_1137 = arith.select %and3A_1134, %sub3A_1136, %div3A_1115 : i32
      %jit3A_1138 = arith.constant 64 : i32
      %eq3A_1139 = arith.constant 0 : i32
      %eq3A_1140 = arith.cmpi eq, %jit3A_1138, %eq3A_1139 : i32
      %jit3A_1141 = arith.constant 1 : i32
      %select_n3A_1142 = arith.select %eq3A_1140, %jit3A_1141, %jit3A_1138 : i32
      %rem3A_1143 = arith.remsi %add3A_973, %select_n3A_1142 : i32
      %ne3A_1144 = arith.constant 0 : i32
      %ne3A_1145 = arith.cmpi ne, %rem3A_1143, %ne3A_1144 : i32
      %lt3A_1146 = arith.constant 0 : i32
      %lt3A_1147 = arith.cmpi slt, %rem3A_1143, %lt3A_1146 : i32
      %lt3A_1148 = arith.constant 0 : i32
      %lt3A_1149 = arith.cmpi slt, %select_n3A_1142, %lt3A_1148 : i32
      %ne3A_1150 = arith.xori %lt3A_1147, %lt3A_1149 : i1
      %and3A_1151 = arith.andi %ne3A_1150, %ne3A_1145 : i1
      %add3A_1152 = arith.addi %rem3A_1143, %select_n3A_1142 : i32
      %select_n3A_1153 = arith.select %and3A_1151, %add3A_1152, %rem3A_1143 : i32
      %mul3A_1154 = arith.constant 4 : i32
      %mul3A_1155 = arith.muli %select_n3A_1137, %mul3A_1154 : i32
      %add3A_1156 = arith.constant 2 : i32
      %add3A_1157 = arith.addi %mul3A_1155, %add3A_1156 : i32
      %mul3A_1158 = arith.constant 128 : i32
      %mul3A_1159 = arith.muli %add3A_1157, %mul3A_1158 : i32
      %mul3A_1160 = arith.constant 2 : i32
      %mul3A_1161 = arith.muli %mul3A_1160, %select_n3A_1153 : i32
      %add3A_1162 = arith.addi %mul3A_1159, %mul3A_1161 : i32
      %mul3A_1163 = arith.constant 1024 : i32
      %mul3A_1164 = arith.muli %add3A_1162, %mul3A_1163 : i32
      %multiple_of3A_1165 = tpu.assume_multiple %mul3A_1164, 8 : i32
      %dma_start3A_1166 = arith.constant 4096 : i32
      %dma_start3A_1167 = tpu.memref_slice %arg10[%dma_start3A_1166] : memref<8192xf32, #tpu.memory_space<vmem>> -> memref<2048xf32, #tpu.memory_space<vmem>>
      %dma_start3A_1168 = tpu.memref_slice %arg4[%multiple_of3A_1165] : memref<26214400xf32, #tpu.memory_space<hbm>> -> memref<2048xf32, #tpu.memory_space<hbm>>
      %dma_start3A_1169 = tpu.memref_slice %arg4[%multiple_of3A_1165] : memref<26214400xf32, #tpu.memory_space<hbm>> -> memref<2048xf32, #tpu.memory_space<hbm>>
      %dma_start3A_1170 = arith.constant 4096 : i32
      %dma_start3A_1171 = tpu.memref_slice %arg10[%dma_start3A_1170] : memref<8192xf32, #tpu.memory_space<vmem>> -> memref<2048xf32, #tpu.memory_space<vmem>>
      tpu.enqueue_dma source(%dma_start3A_1171 : memref<2048xf32, #tpu.memory_space<vmem>>) target(%dma_start3A_1169 : memref<2048xf32, #tpu.memory_space<hbm>>) target_semaphore(%arg18 : memref<!tpu.dma_semaphore, #tpu.memory_space<semaphore_mem>>)
      %jit3A_1172 = arith.constant 64 : i32
      %div3A_1173 = arith.divsi %add3A_973, %jit3A_1172 : i32
      %sign3A_1174 = arith.constant 0 : i32
      %sign3A_1175 = arith.cmpi sgt, %add3A_973, %sign3A_1174 : i32
      %sign3A_1176 = arith.extui %sign3A_1175 : i1 to i32
      %sign3A_1177 = arith.constant 0 : i32
      %sign3A_1178 = arith.cmpi slt, %add3A_973, %sign3A_1177 : i32
      %sign3A_1179 = arith.extui %sign3A_1178 : i1 to i32
      %sign3A_1180 = arith.subi %sign3A_1176, %sign3A_1179 : i32
      %sign3A_1181 = arith.constant 0 : i32
      %sign3A_1182 = arith.cmpi sgt, %jit3A_1172, %sign3A_1181 : i32
      %sign3A_1183 = arith.extui %sign3A_1182 : i1 to i32
      %sign3A_1184 = arith.constant 0 : i32
      %sign3A_1185 = arith.cmpi slt, %jit3A_1172, %sign3A_1184 : i32
      %sign3A_1186 = arith.extui %sign3A_1185 : i1 to i32
      %sign3A_1187 = arith.subi %sign3A_1183, %sign3A_1186 : i32
      %ne3A_1188 = arith.cmpi ne, %sign3A_1180, %sign3A_1187 : i32
      %rem3A_1189 = arith.remsi %add3A_973, %jit3A_1172 : i32
      %ne3A_1190 = arith.constant 0 : i32
      %ne3A_1191 = arith.cmpi ne, %rem3A_1189, %ne3A_1190 : i32
      %and3A_1192 = arith.andi %ne3A_1188, %ne3A_1191 : i1
      %sub3A_1193 = arith.constant 1 : i32
      %sub3A_1194 = arith.subi %div3A_1173, %sub3A_1193 : i32
      %select_n3A_1195 = arith.select %and3A_1192, %sub3A_1194, %div3A_1173 : i32
      %jit3A_1196 = arith.constant 64 : i32
      %eq3A_1197 = arith.constant 0 : i32
      %eq3A_1198 = arith.cmpi eq, %jit3A_1196, %eq3A_1197 : i32
      %jit3A_1199 = arith.constant 1 : i32
      %select_n3A_1200 = arith.select %eq3A_1198, %jit3A_1199, %jit3A_1196 : i32
      %rem3A_1201 = arith.remsi %add3A_973, %select_n3A_1200 : i32
      %ne3A_1202 = arith.constant 0 : i32
      %ne3A_1203 = arith.cmpi ne, %rem3A_1201, %ne3A_1202 : i32
      %lt3A_1204 = arith.constant 0 : i32
      %lt3A_1205 = arith.cmpi slt, %rem3A_1201, %lt3A_1204 : i32
      %lt3A_1206 = arith.constant 0 : i32
      %lt3A_1207 = arith.cmpi slt, %select_n3A_1200, %lt3A_1206 : i32
      %ne3A_1208 = arith.xori %lt3A_1205, %lt3A_1207 : i1
      %and3A_1209 = arith.andi %ne3A_1208, %ne3A_1203 : i1
      %add3A_1210 = arith.addi %rem3A_1201, %select_n3A_1200 : i32
      %select_n3A_1211 = arith.select %and3A_1209, %add3A_1210, %rem3A_1201 : i32
      %mul3A_1212 = arith.constant 4 : i32
      %mul3A_1213 = arith.muli %select_n3A_1195, %mul3A_1212 : i32
      %add3A_1214 = arith.constant 3 : i32
      %add3A_1215 = arith.addi %mul3A_1213, %add3A_1214 : i32
      %mul3A_1216 = arith.constant 128 : i32
      %mul3A_1217 = arith.muli %add3A_1215, %mul3A_1216 : i32
      %mul3A_1218 = arith.constant 2 : i32
      %mul3A_1219 = arith.muli %mul3A_1218, %select_n3A_1211 : i32
      %add3A_1220 = arith.addi %mul3A_1217, %mul3A_1219 : i32
      %mul3A_1221 = arith.constant 1024 : i32
      %mul3A_1222 = arith.muli %add3A_1220, %mul3A_1221 : i32
      %multiple_of3A_1223 = tpu.assume_multiple %mul3A_1222, 8 : i32
      %dma_start3A_1224 = arith.constant 6144 : i32
      %dma_start3A_1225 = tpu.memref_slice %arg10[%dma_start3A_1224] : memref<8192xf32, #tpu.memory_space<vmem>> -> memref<2048xf32, #tpu.memory_space<vmem>>
      %dma_start3A_1226 = tpu.memref_slice %arg4[%multiple_of3A_1223] : memref<26214400xf32, #tpu.memory_space<hbm>> -> memref<2048xf32, #tpu.memory_space<hbm>>
      %dma_start3A_1227 = tpu.memref_slice %arg4[%multiple_of3A_1223] : memref<26214400xf32, #tpu.memory_space<hbm>> -> memref<2048xf32, #tpu.memory_space<hbm>>
      %dma_start3A_1228 = arith.constant 6144 : i32
      %dma_start3A_1229 = tpu.memref_slice %arg10[%dma_start3A_1228] : memref<8192xf32, #tpu.memory_space<vmem>> -> memref<2048xf32, #tpu.memory_space<vmem>>
      tpu.enqueue_dma source(%dma_start3A_1229 : memref<2048xf32, #tpu.memory_space<vmem>>) target(%dma_start3A_1227 : memref<2048xf32, #tpu.memory_space<hbm>>) target_semaphore(%arg18 : memref<!tpu.dma_semaphore, #tpu.memory_space<semaphore_mem>>)
      %mul3A_1230 = arith.constant 4 : i32
      %mul3A_1231 = arith.muli %mul3A_1230, %scan3A_968 : i32
      %add3A_1232 = arith.constant 1 : i32
      %add3A_1233 = arith.addi %mul3A_1231, %add3A_1232 : i32
      %add3A_1234 = arith.addi %mul3A_2, %add3A_1233 : i32
      %add3A_1235 = arith.constant 4 : i32
      %add3A_1236 = arith.addi %add3A_1233, %add3A_1235 : i32
      %sub3A_1237 = arith.constant 1 : i32
      %sub3A_1238 = arith.subi %add3A_1236, %sub3A_1237 : i32
      %lt3A_1239 = arith.constant 100 : i32
      %lt3A_1240 = arith.cmpi slt, %sub3A_1238, %lt3A_1239 : i32
      %convert_element_type3A_1241 = arith.extui %lt3A_1240 : i1 to i32
      %cond3A_1242 = arith.constant 0 : i32
      %cond3A_1243 = arith.cmpi ne, %convert_element_type3A_1241, %cond3A_1242 : i32
      scf.if %cond3A_1243 {
        %add3A_2022 = arith.constant 4 : i32
        %add3A_2023 = arith.addi %add3A_1233, %add3A_2022 : i32
        %sub3A_2024 = arith.constant 1 : i32
        %sub3A_2025 = arith.subi %add3A_2023, %sub3A_2024 : i32
        %mul3A_2026 = arith.constant 256 : i32
        %mul3A_2027 = arith.muli %sub3A_2025, %mul3A_2026 : i32
        %multiple_of3A_2028 = tpu.assume_multiple %mul3A_2027, 8 : i32
        %dma_start3A_2029 = tpu.memref_slice %arg5[%multiple_of3A_2028] : memref<25600xi32, #tpu.memory_space<vmem>> -> memref<256xi32, #tpu.memory_space<vmem>>
        %dma_start3A_2030 = arith.constant 0 : i32
        %dma_start3A_2031 = arith.constant 0 : i32
        %dma_start3A_2032 = tpu.memref_slice %arg2[%dma_start3A_2030, %dma_start3A_2031] : memref<1000000x32xf32, #tpu.memory_space<hbm>> -> memref<1000000x32xf32, #tpu.memory_space<hbm>>
        tpu.enqueue_indirect_dma source(%dma_start3A_2032 : memref<1000000x32xf32, #tpu.memory_space<hbm>>) target(%arg6 : memref<256x32xf32, #tpu.memory_space<vmem>>) offsets(%dma_start3A_2029 : memref<256xi32, #tpu.memory_space<vmem>>) semaphore(%arg14 : memref<!tpu.dma_semaphore, #tpu.memory_space<semaphore_mem>>)
      } else {
      }
      %mul3A_1244 = arith.constant 256 : i32
      %mul3A_1245 = arith.muli %add3A_1233, %mul3A_1244 : i32
      %multiple_of3A_1246 = tpu.assume_multiple %mul3A_1245, 8 : i32
      %dma_wait3A_1247 = tpu.memref_slice %arg5[%multiple_of3A_1246] : memref<25600xi32, #tpu.memory_space<vmem>> -> memref<256xi32, #tpu.memory_space<vmem>>
      %dma_wait3A_1248 = arith.constant 0 : i32
      %dma_wait3A_1249 = arith.constant 0 : i32
      %dma_wait3A_1250 = tpu.memref_slice %arg2[%dma_wait3A_1248, %dma_wait3A_1249] : memref<1000000x32xf32, #tpu.memory_space<hbm>> -> memref<1000000x32xf32, #tpu.memory_space<hbm>>
      tpu.wait_indirect_dma semaphore(%arg15 : memref<!tpu.dma_semaphore, #tpu.memory_space<semaphore_mem>>) src(%dma_wait3A_1250 : memref<1000000x32xf32, #tpu.memory_space<hbm>>) dst(%arg7 : memref<256x32xf32, #tpu.memory_space<vmem>>)
      %ge3A_1251 = arith.constant 4 : i32
      %ge3A_1252 = arith.cmpi sge, %add3A_1233, %ge3A_1251 : i32
      %convert_element_type3A_1253 = arith.extui %ge3A_1252 : i1 to i32
      %cond3A_1254 = arith.constant 0 : i32
      %cond3A_1255 = arith.cmpi ne, %convert_element_type3A_1253, %cond3A_1254 : i32
      scf.if %cond3A_1255 {
        %sub3A_2022 = arith.constant 4 : i32
        %sub3A_2023 = arith.subi %add3A_1234, %sub3A_2022 : i32
        %jit3A_2024 = arith.constant 64 : i32
        %div3A_2025 = arith.divsi %sub3A_2023, %jit3A_2024 : i32
        %sign3A_2026 = arith.constant 0 : i32
        %sign3A_2027 = arith.cmpi sgt, %sub3A_2023, %sign3A_2026 : i32
        %sign3A_2028 = arith.extui %sign3A_2027 : i1 to i32
        %sign3A_2029 = arith.constant 0 : i32
        %sign3A_2030 = arith.cmpi slt, %sub3A_2023, %sign3A_2029 : i32
        %sign3A_2031 = arith.extui %sign3A_2030 : i1 to i32
        %sign3A_2032 = arith.subi %sign3A_2028, %sign3A_2031 : i32
        %sign3A_2033 = arith.constant 0 : i32
        %sign3A_2034 = arith.cmpi sgt, %jit3A_2024, %sign3A_2033 : i32
        %sign3A_2035 = arith.extui %sign3A_2034 : i1 to i32
        %sign3A_2036 = arith.constant 0 : i32
        %sign3A_2037 = arith.cmpi slt, %jit3A_2024, %sign3A_2036 : i32
        %sign3A_2038 = arith.extui %sign3A_2037 : i1 to i32
        %sign3A_2039 = arith.subi %sign3A_2035, %sign3A_2038 : i32
        %ne3A_2040 = arith.cmpi ne, %sign3A_2032, %sign3A_2039 : i32
        %rem3A_2041 = arith.remsi %sub3A_2023, %jit3A_2024 : i32
        %ne3A_2042 = arith.constant 0 : i32
        %ne3A_2043 = arith.cmpi ne, %rem3A_2041, %ne3A_2042 : i32
        %and3A_2044 = arith.andi %ne3A_2040, %ne3A_2043 : i1
        %sub3A_2045 = arith.constant 1 : i32
        %sub3A_2046 = arith.subi %div3A_2025, %sub3A_2045 : i32
        %select_n3A_2047 = arith.select %and3A_2044, %sub3A_2046, %div3A_2025 : i32
        %jit3A_2048 = arith.constant 64 : i32
        %eq3A_2049 = arith.constant 0 : i32
        %eq3A_2050 = arith.cmpi eq, %jit3A_2048, %eq3A_2049 : i32
        %jit3A_2051 = arith.constant 1 : i32
        %select_n3A_2052 = arith.select %eq3A_2050, %jit3A_2051, %jit3A_2048 : i32
        %rem3A_2053 = arith.remsi %sub3A_2023, %select_n3A_2052 : i32
        %ne3A_2054 = arith.constant 0 : i32
        %ne3A_2055 = arith.cmpi ne, %rem3A_2053, %ne3A_2054 : i32
        %lt3A_2056 = arith.constant 0 : i32
        %lt3A_2057 = arith.cmpi slt, %rem3A_2053, %lt3A_2056 : i32
        %lt3A_2058 = arith.constant 0 : i32
        %lt3A_2059 = arith.cmpi slt, %select_n3A_2052, %lt3A_2058 : i32
        %ne3A_2060 = arith.xori %lt3A_2057, %lt3A_2059 : i1
        %and3A_2061 = arith.andi %ne3A_2060, %ne3A_2055 : i1
        %add3A_2062 = arith.addi %rem3A_2053, %select_n3A_2052 : i32
        %select_n3A_2063 = arith.select %and3A_2061, %add3A_2062, %rem3A_2053 : i32
        %mul3A_2064 = arith.constant 4 : i32
        %mul3A_2065 = arith.muli %select_n3A_2047, %mul3A_2064 : i32
        %add3A_2066 = arith.constant 0 : i32
        %add3A_2067 = arith.addi %mul3A_2065, %add3A_2066 : i32
        %mul3A_2068 = arith.constant 128 : i32
        %mul3A_2069 = arith.muli %add3A_2067, %mul3A_2068 : i32
        %mul3A_2070 = arith.constant 2 : i32
        %mul3A_2071 = arith.muli %mul3A_2070, %select_n3A_2063 : i32
        %add3A_2072 = arith.addi %mul3A_2069, %mul3A_2071 : i32
        %mul3A_2073 = arith.constant 1024 : i32
        %mul3A_2074 = arith.muli %add3A_2072, %mul3A_2073 : i32
        %multiple_of3A_2075 = tpu.assume_multiple %mul3A_2074, 8 : i32
        %dma_wait3A_2076 = arith.constant 0 : i32
        %dma_wait3A_2077 = tpu.memref_slice %arg11[%dma_wait3A_2076] : memref<8192xf32, #tpu.memory_space<vmem>> -> memref<2048xf32, #tpu.memory_space<vmem>>
        %dma_wait3A_2078 = tpu.memref_slice %arg4[%multiple_of3A_2075] : memref<26214400xf32, #tpu.memory_space<hbm>> -> memref<2048xf32, #tpu.memory_space<hbm>>
        %dma_wait3A_2079 = tpu.memref_slice %arg4[%multiple_of3A_2075] : memref<26214400xf32, #tpu.memory_space<hbm>> -> memref<2048xf32, #tpu.memory_space<hbm>>
        %dma_wait3A_2080 = arith.constant 0 : i32
        %dma_wait3A_2081 = tpu.memref_slice %arg11[%dma_wait3A_2080] : memref<8192xf32, #tpu.memory_space<vmem>> -> memref<2048xf32, #tpu.memory_space<vmem>>
        tpu.wait_dma2 semaphore(%arg19 : memref<!tpu.dma_semaphore, #tpu.memory_space<semaphore_mem>>) src(%dma_wait3A_2081 : memref<2048xf32, #tpu.memory_space<vmem>>) dst(%dma_wait3A_2079 : memref<2048xf32, #tpu.memory_space<hbm>>)
        %jit3A_2082 = arith.constant 64 : i32
        %div3A_2083 = arith.divsi %sub3A_2023, %jit3A_2082 : i32
        %sign3A_2084 = arith.constant 0 : i32
        %sign3A_2085 = arith.cmpi sgt, %sub3A_2023, %sign3A_2084 : i32
        %sign3A_2086 = arith.extui %sign3A_2085 : i1 to i32
        %sign3A_2087 = arith.constant 0 : i32
        %sign3A_2088 = arith.cmpi slt, %sub3A_2023, %sign3A_2087 : i32
        %sign3A_2089 = arith.extui %sign3A_2088 : i1 to i32
        %sign3A_2090 = arith.subi %sign3A_2086, %sign3A_2089 : i32
        %sign3A_2091 = arith.constant 0 : i32
        %sign3A_2092 = arith.cmpi sgt, %jit3A_2082, %sign3A_2091 : i32
        %sign3A_2093 = arith.extui %sign3A_2092 : i1 to i32
        %sign3A_2094 = arith.constant 0 : i32
        %sign3A_2095 = arith.cmpi slt, %jit3A_2082, %sign3A_2094 : i32
        %sign3A_2096 = arith.extui %sign3A_2095 : i1 to i32
        %sign3A_2097 = arith.subi %sign3A_2093, %sign3A_2096 : i32
        %ne3A_2098 = arith.cmpi ne, %sign3A_2090, %sign3A_2097 : i32
        %rem3A_2099 = arith.remsi %sub3A_2023, %jit3A_2082 : i32
        %ne3A_2100 = arith.constant 0 : i32
        %ne3A_2101 = arith.cmpi ne, %rem3A_2099, %ne3A_2100 : i32
        %and3A_2102 = arith.andi %ne3A_2098, %ne3A_2101 : i1
        %sub3A_2103 = arith.constant 1 : i32
        %sub3A_2104 = arith.subi %div3A_2083, %sub3A_2103 : i32
        %select_n3A_2105 = arith.select %and3A_2102, %sub3A_2104, %div3A_2083 : i32
        %jit3A_2106 = arith.constant 64 : i32
        %eq3A_2107 = arith.constant 0 : i32
        %eq3A_2108 = arith.cmpi eq, %jit3A_2106, %eq3A_2107 : i32
        %jit3A_2109 = arith.constant 1 : i32
        %select_n3A_2110 = arith.select %eq3A_2108, %jit3A_2109, %jit3A_2106 : i32
        %rem3A_2111 = arith.remsi %sub3A_2023, %select_n3A_2110 : i32
        %ne3A_2112 = arith.constant 0 : i32
        %ne3A_2113 = arith.cmpi ne, %rem3A_2111, %ne3A_2112 : i32
        %lt3A_2114 = arith.constant 0 : i32
        %lt3A_2115 = arith.cmpi slt, %rem3A_2111, %lt3A_2114 : i32
        %lt3A_2116 = arith.constant 0 : i32
        %lt3A_2117 = arith.cmpi slt, %select_n3A_2110, %lt3A_2116 : i32
        %ne3A_2118 = arith.xori %lt3A_2115, %lt3A_2117 : i1
        %and3A_2119 = arith.andi %ne3A_2118, %ne3A_2113 : i1
        %add3A_2120 = arith.addi %rem3A_2111, %select_n3A_2110 : i32
        %select_n3A_2121 = arith.select %and3A_2119, %add3A_2120, %rem3A_2111 : i32
        %mul3A_2122 = arith.constant 4 : i32
        %mul3A_2123 = arith.muli %select_n3A_2105, %mul3A_2122 : i32
        %add3A_2124 = arith.constant 1 : i32
        %add3A_2125 = arith.addi %mul3A_2123, %add3A_2124 : i32
        %mul3A_2126 = arith.constant 128 : i32
        %mul3A_2127 = arith.muli %add3A_2125, %mul3A_2126 : i32
        %mul3A_2128 = arith.constant 2 : i32
        %mul3A_2129 = arith.muli %mul3A_2128, %select_n3A_2121 : i32
        %add3A_2130 = arith.addi %mul3A_2127, %mul3A_2129 : i32
        %mul3A_2131 = arith.constant 1024 : i32
        %mul3A_2132 = arith.muli %add3A_2130, %mul3A_2131 : i32
        %multiple_of3A_2133 = tpu.assume_multiple %mul3A_2132, 8 : i32
        %dma_wait3A_2134 = arith.constant 2048 : i32
        %dma_wait3A_2135 = tpu.memref_slice %arg11[%dma_wait3A_2134] : memref<8192xf32, #tpu.memory_space<vmem>> -> memref<2048xf32, #tpu.memory_space<vmem>>
        %dma_wait3A_2136 = tpu.memref_slice %arg4[%multiple_of3A_2133] : memref<26214400xf32, #tpu.memory_space<hbm>> -> memref<2048xf32, #tpu.memory_space<hbm>>
        %dma_wait3A_2137 = tpu.memref_slice %arg4[%multiple_of3A_2133] : memref<26214400xf32, #tpu.memory_space<hbm>> -> memref<2048xf32, #tpu.memory_space<hbm>>
        %dma_wait3A_2138 = arith.constant 2048 : i32
        %dma_wait3A_2139 = tpu.memref_slice %arg11[%dma_wait3A_2138] : memref<8192xf32, #tpu.memory_space<vmem>> -> memref<2048xf32, #tpu.memory_space<vmem>>
        tpu.wait_dma2 semaphore(%arg19 : memref<!tpu.dma_semaphore, #tpu.memory_space<semaphore_mem>>) src(%dma_wait3A_2139 : memref<2048xf32, #tpu.memory_space<vmem>>) dst(%dma_wait3A_2137 : memref<2048xf32, #tpu.memory_space<hbm>>)
        %jit3A_2140 = arith.constant 64 : i32
        %div3A_2141 = arith.divsi %sub3A_2023, %jit3A_2140 : i32
        %sign3A_2142 = arith.constant 0 : i32
        %sign3A_2143 = arith.cmpi sgt, %sub3A_2023, %sign3A_2142 : i32
        %sign3A_2144 = arith.extui %sign3A_2143 : i1 to i32
        %sign3A_2145 = arith.constant 0 : i32
        %sign3A_2146 = arith.cmpi slt, %sub3A_2023, %sign3A_2145 : i32
        %sign3A_2147 = arith.extui %sign3A_2146 : i1 to i32
        %sign3A_2148 = arith.subi %sign3A_2144, %sign3A_2147 : i32
        %sign3A_2149 = arith.constant 0 : i32
        %sign3A_2150 = arith.cmpi sgt, %jit3A_2140, %sign3A_2149 : i32
        %sign3A_2151 = arith.extui %sign3A_2150 : i1 to i32
        %sign3A_2152 = arith.constant 0 : i32
        %sign3A_2153 = arith.cmpi slt, %jit3A_2140, %sign3A_2152 : i32
        %sign3A_2154 = arith.extui %sign3A_2153 : i1 to i32
        %sign3A_2155 = arith.subi %sign3A_2151, %sign3A_2154 : i32
        %ne3A_2156 = arith.cmpi ne, %sign3A_2148, %sign3A_2155 : i32
        %rem3A_2157 = arith.remsi %sub3A_2023, %jit3A_2140 : i32
        %ne3A_2158 = arith.constant 0 : i32
        %ne3A_2159 = arith.cmpi ne, %rem3A_2157, %ne3A_2158 : i32
        %and3A_2160 = arith.andi %ne3A_2156, %ne3A_2159 : i1
        %sub3A_2161 = arith.constant 1 : i32
        %sub3A_2162 = arith.subi %div3A_2141, %sub3A_2161 : i32
        %select_n3A_2163 = arith.select %and3A_2160, %sub3A_2162, %div3A_2141 : i32
        %jit3A_2164 = arith.constant 64 : i32
        %eq3A_2165 = arith.constant 0 : i32
        %eq3A_2166 = arith.cmpi eq, %jit3A_2164, %eq3A_2165 : i32
        %jit3A_2167 = arith.constant 1 : i32
        %select_n3A_2168 = arith.select %eq3A_2166, %jit3A_2167, %jit3A_2164 : i32
        %rem3A_2169 = arith.remsi %sub3A_2023, %select_n3A_2168 : i32
        %ne3A_2170 = arith.constant 0 : i32
        %ne3A_2171 = arith.cmpi ne, %rem3A_2169, %ne3A_2170 : i32
        %lt3A_2172 = arith.constant 0 : i32
        %lt3A_2173 = arith.cmpi slt, %rem3A_2169, %lt3A_2172 : i32
        %lt3A_2174 = arith.constant 0 : i32
        %lt3A_2175 = arith.cmpi slt, %select_n3A_2168, %lt3A_2174 : i32
        %ne3A_2176 = arith.xori %lt3A_2173, %lt3A_2175 : i1
        %and3A_2177 = arith.andi %ne3A_2176, %ne3A_2171 : i1
        %add3A_2178 = arith.addi %rem3A_2169, %select_n3A_2168 : i32
        %select_n3A_2179 = arith.select %and3A_2177, %add3A_2178, %rem3A_2169 : i32
        %mul3A_2180 = arith.constant 4 : i32
        %mul3A_2181 = arith.muli %select_n3A_2163, %mul3A_2180 : i32
        %add3A_2182 = arith.constant 2 : i32
        %add3A_2183 = arith.addi %mul3A_2181, %add3A_2182 : i32
        %mul3A_2184 = arith.constant 128 : i32
        %mul3A_2185 = arith.muli %add3A_2183, %mul3A_2184 : i32
        %mul3A_2186 = arith.constant 2 : i32
        %mul3A_2187 = arith.muli %mul3A_2186, %select_n3A_2179 : i32
        %add3A_2188 = arith.addi %mul3A_2185, %mul3A_2187 : i32
        %mul3A_2189 = arith.constant 1024 : i32
        %mul3A_2190 = arith.muli %add3A_2188, %mul3A_2189 : i32
        %multiple_of3A_2191 = tpu.assume_multiple %mul3A_2190, 8 : i32
        %dma_wait3A_2192 = arith.constant 4096 : i32
        %dma_wait3A_2193 = tpu.memref_slice %arg11[%dma_wait3A_2192] : memref<8192xf32, #tpu.memory_space<vmem>> -> memref<2048xf32, #tpu.memory_space<vmem>>
        %dma_wait3A_2194 = tpu.memref_slice %arg4[%multiple_of3A_2191] : memref<26214400xf32, #tpu.memory_space<hbm>> -> memref<2048xf32, #tpu.memory_space<hbm>>
        %dma_wait3A_2195 = tpu.memref_slice %arg4[%multiple_of3A_2191] : memref<26214400xf32, #tpu.memory_space<hbm>> -> memref<2048xf32, #tpu.memory_space<hbm>>
        %dma_wait3A_2196 = arith.constant 4096 : i32
        %dma_wait3A_2197 = tpu.memref_slice %arg11[%dma_wait3A_2196] : memref<8192xf32, #tpu.memory_space<vmem>> -> memref<2048xf32, #tpu.memory_space<vmem>>
        tpu.wait_dma2 semaphore(%arg19 : memref<!tpu.dma_semaphore, #tpu.memory_space<semaphore_mem>>) src(%dma_wait3A_2197 : memref<2048xf32, #tpu.memory_space<vmem>>) dst(%dma_wait3A_2195 : memref<2048xf32, #tpu.memory_space<hbm>>)
        %jit3A_2198 = arith.constant 64 : i32
        %div3A_2199 = arith.divsi %sub3A_2023, %jit3A_2198 : i32
        %sign3A_2200 = arith.constant 0 : i32
        %sign3A_2201 = arith.cmpi sgt, %sub3A_2023, %sign3A_2200 : i32
        %sign3A_2202 = arith.extui %sign3A_2201 : i1 to i32
        %sign3A_2203 = arith.constant 0 : i32
        %sign3A_2204 = arith.cmpi slt, %sub3A_2023, %sign3A_2203 : i32
        %sign3A_2205 = arith.extui %sign3A_2204 : i1 to i32
        %sign3A_2206 = arith.subi %sign3A_2202, %sign3A_2205 : i32
        %sign3A_2207 = arith.constant 0 : i32
        %sign3A_2208 = arith.cmpi sgt, %jit3A_2198, %sign3A_2207 : i32
        %sign3A_2209 = arith.extui %sign3A_2208 : i1 to i32
        %sign3A_2210 = arith.constant 0 : i32
        %sign3A_2211 = arith.cmpi slt, %jit3A_2198, %sign3A_2210 : i32
        %sign3A_2212 = arith.extui %sign3A_2211 : i1 to i32
        %sign3A_2213 = arith.subi %sign3A_2209, %sign3A_2212 : i32
        %ne3A_2214 = arith.cmpi ne, %sign3A_2206, %sign3A_2213 : i32
        %rem3A_2215 = arith.remsi %sub3A_2023, %jit3A_2198 : i32
        %ne3A_2216 = arith.constant 0 : i32
        %ne3A_2217 = arith.cmpi ne, %rem3A_2215, %ne3A_2216 : i32
        %and3A_2218 = arith.andi %ne3A_2214, %ne3A_2217 : i1
        %sub3A_2219 = arith.constant 1 : i32
        %sub3A_2220 = arith.subi %div3A_2199, %sub3A_2219 : i32
        %select_n3A_2221 = arith.select %and3A_2218, %sub3A_2220, %div3A_2199 : i32
        %jit3A_2222 = arith.constant 64 : i32
        %eq3A_2223 = arith.constant 0 : i32
        %eq3A_2224 = arith.cmpi eq, %jit3A_2222, %eq3A_2223 : i32
        %jit3A_2225 = arith.constant 1 : i32
        %select_n3A_2226 = arith.select %eq3A_2224, %jit3A_2225, %jit3A_2222 : i32
        %rem3A_2227 = arith.remsi %sub3A_2023, %select_n3A_2226 : i32
        %ne3A_2228 = arith.constant 0 : i32
        %ne3A_2229 = arith.cmpi ne, %rem3A_2227, %ne3A_2228 : i32
        %lt3A_2230 = arith.constant 0 : i32
        %lt3A_2231 = arith.cmpi slt, %rem3A_2227, %lt3A_2230 : i32
        %lt3A_2232 = arith.constant 0 : i32
        %lt3A_2233 = arith.cmpi slt, %select_n3A_2226, %lt3A_2232 : i32
        %ne3A_2234 = arith.xori %lt3A_2231, %lt3A_2233 : i1
        %and3A_2235 = arith.andi %ne3A_2234, %ne3A_2229 : i1
        %add3A_2236 = arith.addi %rem3A_2227, %select_n3A_2226 : i32
        %select_n3A_2237 = arith.select %and3A_2235, %add3A_2236, %rem3A_2227 : i32
        %mul3A_2238 = arith.constant 4 : i32
        %mul3A_2239 = arith.muli %select_n3A_2221, %mul3A_2238 : i32
        %add3A_2240 = arith.constant 3 : i32
        %add3A_2241 = arith.addi %mul3A_2239, %add3A_2240 : i32
        %mul3A_2242 = arith.constant 128 : i32
        %mul3A_2243 = arith.muli %add3A_2241, %mul3A_2242 : i32
        %mul3A_2244 = arith.constant 2 : i32
        %mul3A_2245 = arith.muli %mul3A_2244, %select_n3A_2237 : i32
        %add3A_2246 = arith.addi %mul3A_2243, %mul3A_2245 : i32
        %mul3A_2247 = arith.constant 1024 : i32
        %mul3A_2248 = arith.muli %add3A_2246, %mul3A_2247 : i32
        %multiple_of3A_2249 = tpu.assume_multiple %mul3A_2248, 8 : i32
        %dma_wait3A_2250 = arith.constant 6144 : i32
        %dma_wait3A_2251 = tpu.memref_slice %arg11[%dma_wait3A_2250] : memref<8192xf32, #tpu.memory_space<vmem>> -> memref<2048xf32, #tpu.memory_space<vmem>>
        %dma_wait3A_2252 = tpu.memref_slice %arg4[%multiple_of3A_2249] : memref<26214400xf32, #tpu.memory_space<hbm>> -> memref<2048xf32, #tpu.memory_space<hbm>>
        %dma_wait3A_2253 = tpu.memref_slice %arg4[%multiple_of3A_2249] : memref<26214400xf32, #tpu.memory_space<hbm>> -> memref<2048xf32, #tpu.memory_space<hbm>>
        %dma_wait3A_2254 = arith.constant 6144 : i32
        %dma_wait3A_2255 = tpu.memref_slice %arg11[%dma_wait3A_2254] : memref<8192xf32, #tpu.memory_space<vmem>> -> memref<2048xf32, #tpu.memory_space<vmem>>
        tpu.wait_dma2 semaphore(%arg19 : memref<!tpu.dma_semaphore, #tpu.memory_space<semaphore_mem>>) src(%dma_wait3A_2255 : memref<2048xf32, #tpu.memory_space<vmem>>) dst(%dma_wait3A_2253 : memref<2048xf32, #tpu.memory_space<hbm>>)
      } else {
      }
      %scan3A_1256 = arith.constant 0 : i32
      %scan3A_1257 = arith.constant 0 : i32
      %scan3A_1258 = arith.constant 16 : i32
      %scan3A_1259 = arith.addi %scan3A_1257, %scan3A_1258 : i32
      %scan3A_1260 = arith.constant 1 : i32
      scf.for %scan3A_2022 = %scan3A_1257 to %scan3A_1259 step %scan3A_1260  : i32 {
        %shift_left3A = arith.constant 4 : i32
        %shift_left3A_2023 = arith.shli %scan3A_2022, %shift_left3A : i32
        %add3A_2024 = vector.broadcast %shift_left3A_2023 : i32 to vector<16xi32>
        %add3A_2025 = arith.addi %add3A_2024, %iota3A : vector<16xi32>
        %shift_right_arithmetic3A = arith.constant 3 : i32
        %shift_right_arithmetic3A_2026 = arith.shrsi %scan3A_2022, %shift_right_arithmetic3A : i32
        %shift_left3A_2027 = arith.constant 10 : i32
        %shift_left3A_2028 = arith.shli %shift_right_arithmetic3A_2026, %shift_left3A_2027 : i32
        %and3A_2029 = arith.constant 7 : i32
        %and3A_2030 = arith.andi %scan3A_2022, %and3A_2029 : i32
        %shift_left3A_2031 = arith.constant 4 : i32
        %shift_left3A_2032 = arith.shli %and3A_2030, %shift_left3A_2031 : i32
        %add3A_2033 = arith.addi %shift_left3A_2028, %shift_left3A_2032 : i32
        %broadcast_in_dim3A = arith.constant 0 : i32
        %broadcast_in_dim3A_2034 = vector.broadcast %broadcast_in_dim3A : i32 to vector<16xi32>
        %gather3A = tpu.vector_load_idx %arg7[%add3A_2025, %broadcast_in_dim3A_2034] : memref<256x32xf32, #tpu.memory_space<vmem>>[vector<16xi32>, vector<16xi32>], vector<16xf32>,
        %broadcast_in_dim3A_2035 = arith.constant 1 : i32
        %broadcast_in_dim3A_2036 = vector.broadcast %broadcast_in_dim3A_2035 : i32 to vector<16xi32>
        %gather3A_2037 = tpu.vector_load_idx %arg7[%add3A_2025, %broadcast_in_dim3A_2036] : memref<256x32xf32, #tpu.memory_space<vmem>>[vector<16xi32>, vector<16xi32>], vector<16xf32>,
        %broadcast_in_dim3A_2038 = arith.constant 2 : i32
        %broadcast_in_dim3A_2039 = vector.broadcast %broadcast_in_dim3A_2038 : i32 to vector<16xi32>
        %gather3A_2040 = tpu.vector_load_idx %arg7[%add3A_2025, %broadcast_in_dim3A_2039] : memref<256x32xf32, #tpu.memory_space<vmem>>[vector<16xi32>, vector<16xi32>], vector<16xf32>,
        %broadcast_in_dim3A_2041 = arith.constant 3 : i32
        %broadcast_in_dim3A_2042 = vector.broadcast %broadcast_in_dim3A_2041 : i32 to vector<16xi32>
        %gather3A_2043 = tpu.vector_load_idx %arg7[%add3A_2025, %broadcast_in_dim3A_2042] : memref<256x32xf32, #tpu.memory_space<vmem>>[vector<16xi32>, vector<16xi32>], vector<16xf32>,
        %broadcast_in_dim3A_2044 = arith.constant 4 : i32
        %broadcast_in_dim3A_2045 = vector.broadcast %broadcast_in_dim3A_2044 : i32 to vector<16xi32>
        %gather3A_2046 = tpu.vector_load_idx %arg7[%add3A_2025, %broadcast_in_dim3A_2045] : memref<256x32xf32, #tpu.memory_space<vmem>>[vector<16xi32>, vector<16xi32>], vector<16xf32>,
        %broadcast_in_dim3A_2047 = arith.constant 5 : i32
        %broadcast_in_dim3A_2048 = vector.broadcast %broadcast_in_dim3A_2047 : i32 to vector<16xi32>
        %gather3A_2049 = tpu.vector_load_idx %arg7[%add3A_2025, %broadcast_in_dim3A_2048] : memref<256x32xf32, #tpu.memory_space<vmem>>[vector<16xi32>, vector<16xi32>], vector<16xf32>,
        %broadcast_in_dim3A_2050 = arith.constant 6 : i32
        %broadcast_in_dim3A_2051 = vector.broadcast %broadcast_in_dim3A_2050 : i32 to vector<16xi32>
        %gather3A_2052 = tpu.vector_load_idx %arg7[%add3A_2025, %broadcast_in_dim3A_2051] : memref<256x32xf32, #tpu.memory_space<vmem>>[vector<16xi32>, vector<16xi32>], vector<16xf32>,
        %broadcast_in_dim3A_2053 = arith.constant 7 : i32
        %broadcast_in_dim3A_2054 = vector.broadcast %broadcast_in_dim3A_2053 : i32 to vector<16xi32>
        %gather3A_2055 = tpu.vector_load_idx %arg7[%add3A_2025, %broadcast_in_dim3A_2054] : memref<256x32xf32, #tpu.memory_space<vmem>>[vector<16xi32>, vector<16xi32>], vector<16xf32>,
        %broadcast_in_dim3A_2056 = arith.constant 8 : i32
        %broadcast_in_dim3A_2057 = vector.broadcast %broadcast_in_dim3A_2056 : i32 to vector<16xi32>
        %gather3A_2058 = tpu.vector_load_idx %arg7[%add3A_2025, %broadcast_in_dim3A_2057] : memref<256x32xf32, #tpu.memory_space<vmem>>[vector<16xi32>, vector<16xi32>], vector<16xf32>,
        %broadcast_in_dim3A_2059 = arith.constant 9 : i32
        %broadcast_in_dim3A_2060 = vector.broadcast %broadcast_in_dim3A_2059 : i32 to vector<16xi32>
        %gather3A_2061 = tpu.vector_load_idx %arg7[%add3A_2025, %broadcast_in_dim3A_2060] : memref<256x32xf32, #tpu.memory_space<vmem>>[vector<16xi32>, vector<16xi32>], vector<16xf32>,
        %broadcast_in_dim3A_2062 = arith.constant 10 : i32
        %broadcast_in_dim3A_2063 = vector.broadcast %broadcast_in_dim3A_2062 : i32 to vector<16xi32>
        %gather3A_2064 = tpu.vector_load_idx %arg7[%add3A_2025, %broadcast_in_dim3A_2063] : memref<256x32xf32, #tpu.memory_space<vmem>>[vector<16xi32>, vector<16xi32>], vector<16xf32>,
        %broadcast_in_dim3A_2065 = arith.constant 11 : i32
        %broadcast_in_dim3A_2066 = vector.broadcast %broadcast_in_dim3A_2065 : i32 to vector<16xi32>
        %gather3A_2067 = tpu.vector_load_idx %arg7[%add3A_2025, %broadcast_in_dim3A_2066] : memref<256x32xf32, #tpu.memory_space<vmem>>[vector<16xi32>, vector<16xi32>], vector<16xf32>,
        %broadcast_in_dim3A_2068 = arith.constant 12 : i32
        %broadcast_in_dim3A_2069 = vector.broadcast %broadcast_in_dim3A_2068 : i32 to vector<16xi32>
        %gather3A_2070 = tpu.vector_load_idx %arg7[%add3A_2025, %broadcast_in_dim3A_2069] : memref<256x32xf32, #tpu.memory_space<vmem>>[vector<16xi32>, vector<16xi32>], vector<16xf32>,
        %broadcast_in_dim3A_2071 = arith.constant 13 : i32
        %broadcast_in_dim3A_2072 = vector.broadcast %broadcast_in_dim3A_2071 : i32 to vector<16xi32>
        %gather3A_2073 = tpu.vector_load_idx %arg7[%add3A_2025, %broadcast_in_dim3A_2072] : memref<256x32xf32, #tpu.memory_space<vmem>>[vector<16xi32>, vector<16xi32>], vector<16xf32>,
        %broadcast_in_dim3A_2074 = arith.constant 14 : i32
        %broadcast_in_dim3A_2075 = vector.broadcast %broadcast_in_dim3A_2074 : i32 to vector<16xi32>
        %gather3A_2076 = tpu.vector_load_idx %arg7[%add3A_2025, %broadcast_in_dim3A_2075] : memref<256x32xf32, #tpu.memory_space<vmem>>[vector<16xi32>, vector<16xi32>], vector<16xf32>,
        %broadcast_in_dim3A_2077 = arith.constant 15 : i32
        %broadcast_in_dim3A_2078 = vector.broadcast %broadcast_in_dim3A_2077 : i32 to vector<16xi32>
        %gather3A_2079 = tpu.vector_load_idx %arg7[%add3A_2025, %broadcast_in_dim3A_2078] : memref<256x32xf32, #tpu.memory_space<vmem>>[vector<16xi32>, vector<16xi32>], vector<16xf32>,
        %add3A_2080 = arith.constant 0 : i32
        %add3A_2081 = arith.addi %add3A_2033, %add3A_2080 : i32
        %add3A_2082 = arith.constant 0 : i32
        %add3A_2083 = arith.addi %add3A_2081, %add3A_2082 : i32
        %multiple_of3A_2084 = tpu.assume_multiple %add3A_2083, 8 : i32
        %swap3A = arith.index_cast %multiple_of3A_2084 : i32 to index
        %swap3A_2085 = tpu.vector_load %arg11[%swap3A] {strides = array<i32>} : memref<8192xf32, #tpu.memory_space<vmem>>, vector<16xf32>,
        tpu.vector_store %arg11[%swap3A], %gather3A {strides = array<i32>} : memref<8192xf32, #tpu.memory_space<vmem>>, vector<16xf32>,
        %add3A_2086 = arith.constant 0 : i32
        %add3A_2087 = arith.addi %add3A_2033, %add3A_2086 : i32
        %add3A_2088 = arith.constant 128 : i32
        %add3A_2089 = arith.addi %add3A_2087, %add3A_2088 : i32
        %multiple_of3A_2090 = tpu.assume_multiple %add3A_2089, 8 : i32
        %swap3A_2091 = arith.index_cast %multiple_of3A_2090 : i32 to index
        %swap3A_2092 = tpu.vector_load %arg11[%swap3A_2091] {strides = array<i32>} : memref<8192xf32, #tpu.memory_space<vmem>>, vector<16xf32>,
        tpu.vector_store %arg11[%swap3A_2091], %gather3A_2037 {strides = array<i32>} : memref<8192xf32, #tpu.memory_space<vmem>>, vector<16xf32>,
        %add3A_2093 = arith.constant 0 : i32
        %add3A_2094 = arith.addi %add3A_2033, %add3A_2093 : i32
        %add3A_2095 = arith.constant 256 : i32
        %add3A_2096 = arith.addi %add3A_2094, %add3A_2095 : i32
        %multiple_of3A_2097 = tpu.assume_multiple %add3A_2096, 8 : i32
        %swap3A_2098 = arith.index_cast %multiple_of3A_2097 : i32 to index
        %swap3A_2099 = tpu.vector_load %arg11[%swap3A_2098] {strides = array<i32>} : memref<8192xf32, #tpu.memory_space<vmem>>, vector<16xf32>,
        tpu.vector_store %arg11[%swap3A_2098], %gather3A_2040 {strides = array<i32>} : memref<8192xf32, #tpu.memory_space<vmem>>, vector<16xf32>,
        %add3A_2100 = arith.constant 0 : i32
        %add3A_2101 = arith.addi %add3A_2033, %add3A_2100 : i32
        %add3A_2102 = arith.constant 384 : i32
        %add3A_2103 = arith.addi %add3A_2101, %add3A_2102 : i32
        %multiple_of3A_2104 = tpu.assume_multiple %add3A_2103, 8 : i32
        %swap3A_2105 = arith.index_cast %multiple_of3A_2104 : i32 to index
        %swap3A_2106 = tpu.vector_load %arg11[%swap3A_2105] {strides = array<i32>} : memref<8192xf32, #tpu.memory_space<vmem>>, vector<16xf32>,
        tpu.vector_store %arg11[%swap3A_2105], %gather3A_2043 {strides = array<i32>} : memref<8192xf32, #tpu.memory_space<vmem>>, vector<16xf32>,
        %add3A_2107 = arith.constant 0 : i32
        %add3A_2108 = arith.addi %add3A_2033, %add3A_2107 : i32
        %add3A_2109 = arith.constant 512 : i32
        %add3A_2110 = arith.addi %add3A_2108, %add3A_2109 : i32
        %multiple_of3A_2111 = tpu.assume_multiple %add3A_2110, 8 : i32
        %swap3A_2112 = arith.index_cast %multiple_of3A_2111 : i32 to index
        %swap3A_2113 = tpu.vector_load %arg11[%swap3A_2112] {strides = array<i32>} : memref<8192xf32, #tpu.memory_space<vmem>>, vector<16xf32>,
        tpu.vector_store %arg11[%swap3A_2112], %gather3A_2046 {strides = array<i32>} : memref<8192xf32, #tpu.memory_space<vmem>>, vector<16xf32>,
        %add3A_2114 = arith.constant 0 : i32
        %add3A_2115 = arith.addi %add3A_2033, %add3A_2114 : i32
        %add3A_2116 = arith.constant 640 : i32
        %add3A_2117 = arith.addi %add3A_2115, %add3A_2116 : i32
        %multiple_of3A_2118 = tpu.assume_multiple %add3A_2117, 8 : i32
        %swap3A_2119 = arith.index_cast %multiple_of3A_2118 : i32 to index
        %swap3A_2120 = tpu.vector_load %arg11[%swap3A_2119] {strides = array<i32>} : memref<8192xf32, #tpu.memory_space<vmem>>, vector<16xf32>,
        tpu.vector_store %arg11[%swap3A_2119], %gather3A_2049 {strides = array<i32>} : memref<8192xf32, #tpu.memory_space<vmem>>, vector<16xf32>,
        %add3A_2121 = arith.constant 0 : i32
        %add3A_2122 = arith.addi %add3A_2033, %add3A_2121 : i32
        %add3A_2123 = arith.constant 768 : i32
        %add3A_2124 = arith.addi %add3A_2122, %add3A_2123 : i32
        %multiple_of3A_2125 = tpu.assume_multiple %add3A_2124, 8 : i32
        %swap3A_2126 = arith.index_cast %multiple_of3A_2125 : i32 to index
        %swap3A_2127 = tpu.vector_load %arg11[%swap3A_2126] {strides = array<i32>} : memref<8192xf32, #tpu.memory_space<vmem>>, vector<16xf32>,
        tpu.vector_store %arg11[%swap3A_2126], %gather3A_2052 {strides = array<i32>} : memref<8192xf32, #tpu.memory_space<vmem>>, vector<16xf32>,
        %add3A_2128 = arith.constant 0 : i32
        %add3A_2129 = arith.addi %add3A_2033, %add3A_2128 : i32
        %add3A_2130 = arith.constant 896 : i32
        %add3A_2131 = arith.addi %add3A_2129, %add3A_2130 : i32
        %multiple_of3A_2132 = tpu.assume_multiple %add3A_2131, 8 : i32
        %swap3A_2133 = arith.index_cast %multiple_of3A_2132 : i32 to index
        %swap3A_2134 = tpu.vector_load %arg11[%swap3A_2133] {strides = array<i32>} : memref<8192xf32, #tpu.memory_space<vmem>>, vector<16xf32>,
        tpu.vector_store %arg11[%swap3A_2133], %gather3A_2055 {strides = array<i32>} : memref<8192xf32, #tpu.memory_space<vmem>>, vector<16xf32>,
        %add3A_2135 = arith.constant 2048 : i32
        %add3A_2136 = arith.addi %add3A_2033, %add3A_2135 : i32
        %add3A_2137 = arith.constant 0 : i32
        %add3A_2138 = arith.addi %add3A_2136, %add3A_2137 : i32
        %multiple_of3A_2139 = tpu.assume_multiple %add3A_2138, 8 : i32
        %swap3A_2140 = arith.index_cast %multiple_of3A_2139 : i32 to index
        %swap3A_2141 = tpu.vector_load %arg11[%swap3A_2140] {strides = array<i32>} : memref<8192xf32, #tpu.memory_space<vmem>>, vector<16xf32>,
        tpu.vector_store %arg11[%swap3A_2140], %gather3A_2058 {strides = array<i32>} : memref<8192xf32, #tpu.memory_space<vmem>>, vector<16xf32>,
        %add3A_2142 = arith.constant 2048 : i32
        %add3A_2143 = arith.addi %add3A_2033, %add3A_2142 : i32
        %add3A_2144 = arith.constant 128 : i32
        %add3A_2145 = arith.addi %add3A_2143, %add3A_2144 : i32
        %multiple_of3A_2146 = tpu.assume_multiple %add3A_2145, 8 : i32
        %swap3A_2147 = arith.index_cast %multiple_of3A_2146 : i32 to index
        %swap3A_2148 = tpu.vector_load %arg11[%swap3A_2147] {strides = array<i32>} : memref<8192xf32, #tpu.memory_space<vmem>>, vector<16xf32>,
        tpu.vector_store %arg11[%swap3A_2147], %gather3A_2061 {strides = array<i32>} : memref<8192xf32, #tpu.memory_space<vmem>>, vector<16xf32>,
        %add3A_2149 = arith.constant 2048 : i32
        %add3A_2150 = arith.addi %add3A_2033, %add3A_2149 : i32
        %add3A_2151 = arith.constant 256 : i32
        %add3A_2152 = arith.addi %add3A_2150, %add3A_2151 : i32
        %multiple_of3A_2153 = tpu.assume_multiple %add3A_2152, 8 : i32
        %swap3A_2154 = arith.index_cast %multiple_of3A_2153 : i32 to index
        %swap3A_2155 = tpu.vector_load %arg11[%swap3A_2154] {strides = array<i32>} : memref<8192xf32, #tpu.memory_space<vmem>>, vector<16xf32>,
        tpu.vector_store %arg11[%swap3A_2154], %gather3A_2064 {strides = array<i32>} : memref<8192xf32, #tpu.memory_space<vmem>>, vector<16xf32>,
        %add3A_2156 = arith.constant 2048 : i32
        %add3A_2157 = arith.addi %add3A_2033, %add3A_2156 : i32
        %add3A_2158 = arith.constant 384 : i32
        %add3A_2159 = arith.addi %add3A_2157, %add3A_2158 : i32
        %multiple_of3A_2160 = tpu.assume_multiple %add3A_2159, 8 : i32
        %swap3A_2161 = arith.index_cast %multiple_of3A_2160 : i32 to index
        %swap3A_2162 = tpu.vector_load %arg11[%swap3A_2161] {strides = array<i32>} : memref<8192xf32, #tpu.memory_space<vmem>>, vector<16xf32>,
        tpu.vector_store %arg11[%swap3A_2161], %gather3A_2067 {strides = array<i32>} : memref<8192xf32, #tpu.memory_space<vmem>>, vector<16xf32>,
        %add3A_2163 = arith.constant 2048 : i32
        %add3A_2164 = arith.addi %add3A_2033, %add3A_2163 : i32
        %add3A_2165 = arith.constant 512 : i32
        %add3A_2166 = arith.addi %add3A_2164, %add3A_2165 : i32
        %multiple_of3A_2167 = tpu.assume_multiple %add3A_2166, 8 : i32
        %swap3A_2168 = arith.index_cast %multiple_of3A_2167 : i32 to index
        %swap3A_2169 = tpu.vector_load %arg11[%swap3A_2168] {strides = array<i32>} : memref<8192xf32, #tpu.memory_space<vmem>>, vector<16xf32>,
        tpu.vector_store %arg11[%swap3A_2168], %gather3A_2070 {strides = array<i32>} : memref<8192xf32, #tpu.memory_space<vmem>>, vector<16xf32>,
        %add3A_2170 = arith.constant 2048 : i32
        %add3A_2171 = arith.addi %add3A_2033, %add3A_2170 : i32
        %add3A_2172 = arith.constant 640 : i32
        %add3A_2173 = arith.addi %add3A_2171, %add3A_2172 : i32
        %multiple_of3A_2174 = tpu.assume_multiple %add3A_2173, 8 : i32
        %swap3A_2175 = arith.index_cast %multiple_of3A_2174 : i32 to index
        %swap3A_2176 = tpu.vector_load %arg11[%swap3A_2175] {strides = array<i32>} : memref<8192xf32, #tpu.memory_space<vmem>>, vector<16xf32>,
        tpu.vector_store %arg11[%swap3A_2175], %gather3A_2073 {strides = array<i32>} : memref<8192xf32, #tpu.memory_space<vmem>>, vector<16xf32>,
        %add3A_2177 = arith.constant 2048 : i32
        %add3A_2178 = arith.addi %add3A_2033, %add3A_2177 : i32
        %add3A_2179 = arith.constant 768 : i32
        %add3A_2180 = arith.addi %add3A_2178, %add3A_2179 : i32
        %multiple_of3A_2181 = tpu.assume_multiple %add3A_2180, 8 : i32
        %swap3A_2182 = arith.index_cast %multiple_of3A_2181 : i32 to index
        %swap3A_2183 = tpu.vector_load %arg11[%swap3A_2182] {strides = array<i32>} : memref<8192xf32, #tpu.memory_space<vmem>>, vector<16xf32>,
        tpu.vector_store %arg11[%swap3A_2182], %gather3A_2076 {strides = array<i32>} : memref<8192xf32, #tpu.memory_space<vmem>>, vector<16xf32>,
        %add3A_2184 = arith.constant 2048 : i32
        %add3A_2185 = arith.addi %add3A_2033, %add3A_2184 : i32
        %add3A_2186 = arith.constant 896 : i32
        %add3A_2187 = arith.addi %add3A_2185, %add3A_2186 : i32
        %multiple_of3A_2188 = tpu.assume_multiple %add3A_2187, 8 : i32
        %swap3A_2189 = arith.index_cast %multiple_of3A_2188 : i32 to index
        %swap3A_2190 = tpu.vector_load %arg11[%swap3A_2189] {strides = array<i32>} : memref<8192xf32, #tpu.memory_space<vmem>>, vector<16xf32>,
        tpu.vector_store %arg11[%swap3A_2189], %gather3A_2079 {strides = array<i32>} : memref<8192xf32, #tpu.memory_space<vmem>>, vector<16xf32>,
        %broadcast_in_dim3A_2191 = arith.constant 16 : i32
        %broadcast_in_dim3A_2192 = vector.broadcast %broadcast_in_dim3A_2191 : i32 to vector<16xi32>
        %gather3A_2193 = tpu.vector_load_idx %arg7[%add3A_2025, %broadcast_in_dim3A_2192] : memref<256x32xf32, #tpu.memory_space<vmem>>[vector<16xi32>, vector<16xi32>], vector<16xf32>,
        %broadcast_in_dim3A_2194 = arith.constant 17 : i32
        %broadcast_in_dim3A_2195 = vector.broadcast %broadcast_in_dim3A_2194 : i32 to vector<16xi32>
        %gather3A_2196 = tpu.vector_load_idx %arg7[%add3A_2025, %broadcast_in_dim3A_2195] : memref<256x32xf32, #tpu.memory_space<vmem>>[vector<16xi32>, vector<16xi32>], vector<16xf32>,
        %broadcast_in_dim3A_2197 = arith.constant 18 : i32
        %broadcast_in_dim3A_2198 = vector.broadcast %broadcast_in_dim3A_2197 : i32 to vector<16xi32>
        %gather3A_2199 = tpu.vector_load_idx %arg7[%add3A_2025, %broadcast_in_dim3A_2198] : memref<256x32xf32, #tpu.memory_space<vmem>>[vector<16xi32>, vector<16xi32>], vector<16xf32>,
        %broadcast_in_dim3A_2200 = arith.constant 19 : i32
        %broadcast_in_dim3A_2201 = vector.broadcast %broadcast_in_dim3A_2200 : i32 to vector<16xi32>
        %gather3A_2202 = tpu.vector_load_idx %arg7[%add3A_2025, %broadcast_in_dim3A_2201] : memref<256x32xf32, #tpu.memory_space<vmem>>[vector<16xi32>, vector<16xi32>], vector<16xf32>,
        %broadcast_in_dim3A_2203 = arith.constant 20 : i32
        %broadcast_in_dim3A_2204 = vector.broadcast %broadcast_in_dim3A_2203 : i32 to vector<16xi32>
        %gather3A_2205 = tpu.vector_load_idx %arg7[%add3A_2025, %broadcast_in_dim3A_2204] : memref<256x32xf32, #tpu.memory_space<vmem>>[vector<16xi32>, vector<16xi32>], vector<16xf32>,
        %broadcast_in_dim3A_2206 = arith.constant 21 : i32
        %broadcast_in_dim3A_2207 = vector.broadcast %broadcast_in_dim3A_2206 : i32 to vector<16xi32>
        %gather3A_2208 = tpu.vector_load_idx %arg7[%add3A_2025, %broadcast_in_dim3A_2207] : memref<256x32xf32, #tpu.memory_space<vmem>>[vector<16xi32>, vector<16xi32>], vector<16xf32>,
        %broadcast_in_dim3A_2209 = arith.constant 22 : i32
        %broadcast_in_dim3A_2210 = vector.broadcast %broadcast_in_dim3A_2209 : i32 to vector<16xi32>
        %gather3A_2211 = tpu.vector_load_idx %arg7[%add3A_2025, %broadcast_in_dim3A_2210] : memref<256x32xf32, #tpu.memory_space<vmem>>[vector<16xi32>, vector<16xi32>], vector<16xf32>,
        %broadcast_in_dim3A_2212 = arith.constant 23 : i32
        %broadcast_in_dim3A_2213 = vector.broadcast %broadcast_in_dim3A_2212 : i32 to vector<16xi32>
        %gather3A_2214 = tpu.vector_load_idx %arg7[%add3A_2025, %broadcast_in_dim3A_2213] : memref<256x32xf32, #tpu.memory_space<vmem>>[vector<16xi32>, vector<16xi32>], vector<16xf32>,
        %broadcast_in_dim3A_2215 = arith.constant 24 : i32
        %broadcast_in_dim3A_2216 = vector.broadcast %broadcast_in_dim3A_2215 : i32 to vector<16xi32>
        %gather3A_2217 = tpu.vector_load_idx %arg7[%add3A_2025, %broadcast_in_dim3A_2216] : memref<256x32xf32, #tpu.memory_space<vmem>>[vector<16xi32>, vector<16xi32>], vector<16xf32>,
        %broadcast_in_dim3A_2218 = arith.constant 25 : i32
        %broadcast_in_dim3A_2219 = vector.broadcast %broadcast_in_dim3A_2218 : i32 to vector<16xi32>
        %gather3A_2220 = tpu.vector_load_idx %arg7[%add3A_2025, %broadcast_in_dim3A_2219] : memref<256x32xf32, #tpu.memory_space<vmem>>[vector<16xi32>, vector<16xi32>], vector<16xf32>,
        %broadcast_in_dim3A_2221 = arith.constant 26 : i32
        %broadcast_in_dim3A_2222 = vector.broadcast %broadcast_in_dim3A_2221 : i32 to vector<16xi32>
        %gather3A_2223 = tpu.vector_load_idx %arg7[%add3A_2025, %broadcast_in_dim3A_2222] : memref<256x32xf32, #tpu.memory_space<vmem>>[vector<16xi32>, vector<16xi32>], vector<16xf32>,
        %broadcast_in_dim3A_2224 = arith.constant 27 : i32
        %broadcast_in_dim3A_2225 = vector.broadcast %broadcast_in_dim3A_2224 : i32 to vector<16xi32>
        %gather3A_2226 = tpu.vector_load_idx %arg7[%add3A_2025, %broadcast_in_dim3A_2225] : memref<256x32xf32, #tpu.memory_space<vmem>>[vector<16xi32>, vector<16xi32>], vector<16xf32>,
        %broadcast_in_dim3A_2227 = arith.constant 28 : i32
        %broadcast_in_dim3A_2228 = vector.broadcast %broadcast_in_dim3A_2227 : i32 to vector<16xi32>
        %gather3A_2229 = tpu.vector_load_idx %arg7[%add3A_2025, %broadcast_in_dim3A_2228] : memref<256x32xf32, #tpu.memory_space<vmem>>[vector<16xi32>, vector<16xi32>], vector<16xf32>,
        %broadcast_in_dim3A_2230 = arith.constant 29 : i32
        %broadcast_in_dim3A_2231 = vector.broadcast %broadcast_in_dim3A_2230 : i32 to vector<16xi32>
        %gather3A_2232 = tpu.vector_load_idx %arg7[%add3A_2025, %broadcast_in_dim3A_2231] : memref<256x32xf32, #tpu.memory_space<vmem>>[vector<16xi32>, vector<16xi32>], vector<16xf32>,
        %broadcast_in_dim3A_2233 = arith.constant 30 : i32
        %broadcast_in_dim3A_2234 = vector.broadcast %broadcast_in_dim3A_2233 : i32 to vector<16xi32>
        %gather3A_2235 = tpu.vector_load_idx %arg7[%add3A_2025, %broadcast_in_dim3A_2234] : memref<256x32xf32, #tpu.memory_space<vmem>>[vector<16xi32>, vector<16xi32>], vector<16xf32>,
        %broadcast_in_dim3A_2236 = arith.constant 31 : i32
        %broadcast_in_dim3A_2237 = vector.broadcast %broadcast_in_dim3A_2236 : i32 to vector<16xi32>
        %gather3A_2238 = tpu.vector_load_idx %arg7[%add3A_2025, %broadcast_in_dim3A_2237] : memref<256x32xf32, #tpu.memory_space<vmem>>[vector<16xi32>, vector<16xi32>], vector<16xf32>,
        %add3A_2239 = arith.constant 4096 : i32
        %add3A_2240 = arith.addi %add3A_2033, %add3A_2239 : i32
        %add3A_2241 = arith.constant 0 : i32
        %add3A_2242 = arith.addi %add3A_2240, %add3A_2241 : i32
        %multiple_of3A_2243 = tpu.assume_multiple %add3A_2242, 8 : i32
        %swap3A_2244 = arith.index_cast %multiple_of3A_2243 : i32 to index
        %swap3A_2245 = tpu.vector_load %arg11[%swap3A_2244] {strides = array<i32>} : memref<8192xf32, #tpu.memory_space<vmem>>, vector<16xf32>,
        tpu.vector_store %arg11[%swap3A_2244], %gather3A_2193 {strides = array<i32>} : memref<8192xf32, #tpu.memory_space<vmem>>, vector<16xf32>,
        %add3A_2246 = arith.constant 4096 : i32
        %add3A_2247 = arith.addi %add3A_2033, %add3A_2246 : i32
        %add3A_2248 = arith.constant 128 : i32
        %add3A_2249 = arith.addi %add3A_2247, %add3A_2248 : i32
        %multiple_of3A_2250 = tpu.assume_multiple %add3A_2249, 8 : i32
        %swap3A_2251 = arith.index_cast %multiple_of3A_2250 : i32 to index
        %swap3A_2252 = tpu.vector_load %arg11[%swap3A_2251] {strides = array<i32>} : memref<8192xf32, #tpu.memory_space<vmem>>, vector<16xf32>,
        tpu.vector_store %arg11[%swap3A_2251], %gather3A_2196 {strides = array<i32>} : memref<8192xf32, #tpu.memory_space<vmem>>, vector<16xf32>,
        %add3A_2253 = arith.constant 4096 : i32
        %add3A_2254 = arith.addi %add3A_2033, %add3A_2253 : i32
        %add3A_2255 = arith.constant 256 : i32
        %add3A_2256 = arith.addi %add3A_2254, %add3A_2255 : i32
        %multiple_of3A_2257 = tpu.assume_multiple %add3A_2256, 8 : i32
        %swap3A_2258 = arith.index_cast %multiple_of3A_2257 : i32 to index
        %swap3A_2259 = tpu.vector_load %arg11[%swap3A_2258] {strides = array<i32>} : memref<8192xf32, #tpu.memory_space<vmem>>, vector<16xf32>,
        tpu.vector_store %arg11[%swap3A_2258], %gather3A_2199 {strides = array<i32>} : memref<8192xf32, #tpu.memory_space<vmem>>, vector<16xf32>,
        %add3A_2260 = arith.constant 4096 : i32
        %add3A_2261 = arith.addi %add3A_2033, %add3A_2260 : i32
        %add3A_2262 = arith.constant 384 : i32
        %add3A_2263 = arith.addi %add3A_2261, %add3A_2262 : i32
        %multiple_of3A_2264 = tpu.assume_multiple %add3A_2263, 8 : i32
        %swap3A_2265 = arith.index_cast %multiple_of3A_2264 : i32 to index
        %swap3A_2266 = tpu.vector_load %arg11[%swap3A_2265] {strides = array<i32>} : memref<8192xf32, #tpu.memory_space<vmem>>, vector<16xf32>,
        tpu.vector_store %arg11[%swap3A_2265], %gather3A_2202 {strides = array<i32>} : memref<8192xf32, #tpu.memory_space<vmem>>, vector<16xf32>,
        %add3A_2267 = arith.constant 4096 : i32
        %add3A_2268 = arith.addi %add3A_2033, %add3A_2267 : i32
        %add3A_2269 = arith.constant 512 : i32
        %add3A_2270 = arith.addi %add3A_2268, %add3A_2269 : i32
        %multiple_of3A_2271 = tpu.assume_multiple %add3A_2270, 8 : i32
        %swap3A_2272 = arith.index_cast %multiple_of3A_2271 : i32 to index
        %swap3A_2273 = tpu.vector_load %arg11[%swap3A_2272] {strides = array<i32>} : memref<8192xf32, #tpu.memory_space<vmem>>, vector<16xf32>,
        tpu.vector_store %arg11[%swap3A_2272], %gather3A_2205 {strides = array<i32>} : memref<8192xf32, #tpu.memory_space<vmem>>, vector<16xf32>,
        %add3A_2274 = arith.constant 4096 : i32
        %add3A_2275 = arith.addi %add3A_2033, %add3A_2274 : i32
        %add3A_2276 = arith.constant 640 : i32
        %add3A_2277 = arith.addi %add3A_2275, %add3A_2276 : i32
        %multiple_of3A_2278 = tpu.assume_multiple %add3A_2277, 8 : i32
        %swap3A_2279 = arith.index_cast %multiple_of3A_2278 : i32 to index
        %swap3A_2280 = tpu.vector_load %arg11[%swap3A_2279] {strides = array<i32>} : memref<8192xf32, #tpu.memory_space<vmem>>, vector<16xf32>,
        tpu.vector_store %arg11[%swap3A_2279], %gather3A_2208 {strides = array<i32>} : memref<8192xf32, #tpu.memory_space<vmem>>, vector<16xf32>,
        %add3A_2281 = arith.constant 4096 : i32
        %add3A_2282 = arith.addi %add3A_2033, %add3A_2281 : i32
        %add3A_2283 = arith.constant 768 : i32
        %add3A_2284 = arith.addi %add3A_2282, %add3A_2283 : i32
        %multiple_of3A_2285 = tpu.assume_multiple %add3A_2284, 8 : i32
        %swap3A_2286 = arith.index_cast %multiple_of3A_2285 : i32 to index
        %swap3A_2287 = tpu.vector_load %arg11[%swap3A_2286] {strides = array<i32>} : memref<8192xf32, #tpu.memory_space<vmem>>, vector<16xf32>,
        tpu.vector_store %arg11[%swap3A_2286], %gather3A_2211 {strides = array<i32>} : memref<8192xf32, #tpu.memory_space<vmem>>, vector<16xf32>,
        %add3A_2288 = arith.constant 4096 : i32
        %add3A_2289 = arith.addi %add3A_2033, %add3A_2288 : i32
        %add3A_2290 = arith.constant 896 : i32
        %add3A_2291 = arith.addi %add3A_2289, %add3A_2290 : i32
        %multiple_of3A_2292 = tpu.assume_multiple %add3A_2291, 8 : i32
        %swap3A_2293 = arith.index_cast %multiple_of3A_2292 : i32 to index
        %swap3A_2294 = tpu.vector_load %arg11[%swap3A_2293] {strides = array<i32>} : memref<8192xf32, #tpu.memory_space<vmem>>, vector<16xf32>,
        tpu.vector_store %arg11[%swap3A_2293], %gather3A_2214 {strides = array<i32>} : memref<8192xf32, #tpu.memory_space<vmem>>, vector<16xf32>,
        %add3A_2295 = arith.constant 6144 : i32
        %add3A_2296 = arith.addi %add3A_2033, %add3A_2295 : i32
        %add3A_2297 = arith.constant 0 : i32
        %add3A_2298 = arith.addi %add3A_2296, %add3A_2297 : i32
        %multiple_of3A_2299 = tpu.assume_multiple %add3A_2298, 8 : i32
        %swap3A_2300 = arith.index_cast %multiple_of3A_2299 : i32 to index
        %swap3A_2301 = tpu.vector_load %arg11[%swap3A_2300] {strides = array<i32>} : memref<8192xf32, #tpu.memory_space<vmem>>, vector<16xf32>,
        tpu.vector_store %arg11[%swap3A_2300], %gather3A_2217 {strides = array<i32>} : memref<8192xf32, #tpu.memory_space<vmem>>, vector<16xf32>,
        %add3A_2302 = arith.constant 6144 : i32
        %add3A_2303 = arith.addi %add3A_2033, %add3A_2302 : i32
        %add3A_2304 = arith.constant 128 : i32
        %add3A_2305 = arith.addi %add3A_2303, %add3A_2304 : i32
        %multiple_of3A_2306 = tpu.assume_multiple %add3A_2305, 8 : i32
        %swap3A_2307 = arith.index_cast %multiple_of3A_2306 : i32 to index
        %swap3A_2308 = tpu.vector_load %arg11[%swap3A_2307] {strides = array<i32>} : memref<8192xf32, #tpu.memory_space<vmem>>, vector<16xf32>,
        tpu.vector_store %arg11[%swap3A_2307], %gather3A_2220 {strides = array<i32>} : memref<8192xf32, #tpu.memory_space<vmem>>, vector<16xf32>,
        %add3A_2309 = arith.constant 6144 : i32
        %add3A_2310 = arith.addi %add3A_2033, %add3A_2309 : i32
        %add3A_2311 = arith.constant 256 : i32
        %add3A_2312 = arith.addi %add3A_2310, %add3A_2311 : i32
        %multiple_of3A_2313 = tpu.assume_multiple %add3A_2312, 8 : i32
        %swap3A_2314 = arith.index_cast %multiple_of3A_2313 : i32 to index
        %swap3A_2315 = tpu.vector_load %arg11[%swap3A_2314] {strides = array<i32>} : memref<8192xf32, #tpu.memory_space<vmem>>, vector<16xf32>,
        tpu.vector_store %arg11[%swap3A_2314], %gather3A_2223 {strides = array<i32>} : memref<8192xf32, #tpu.memory_space<vmem>>, vector<16xf32>,
        %add3A_2316 = arith.constant 6144 : i32
        %add3A_2317 = arith.addi %add3A_2033, %add3A_2316 : i32
        %add3A_2318 = arith.constant 384 : i32
        %add3A_2319 = arith.addi %add3A_2317, %add3A_2318 : i32
        %multiple_of3A_2320 = tpu.assume_multiple %add3A_2319, 8 : i32
        %swap3A_2321 = arith.index_cast %multiple_of3A_2320 : i32 to index
        %swap3A_2322 = tpu.vector_load %arg11[%swap3A_2321] {strides = array<i32>} : memref<8192xf32, #tpu.memory_space<vmem>>, vector<16xf32>,
        tpu.vector_store %arg11[%swap3A_2321], %gather3A_2226 {strides = array<i32>} : memref<8192xf32, #tpu.memory_space<vmem>>, vector<16xf32>,
        %add3A_2323 = arith.constant 6144 : i32
        %add3A_2324 = arith.addi %add3A_2033, %add3A_2323 : i32
        %add3A_2325 = arith.constant 512 : i32
        %add3A_2326 = arith.addi %add3A_2324, %add3A_2325 : i32
        %multiple_of3A_2327 = tpu.assume_multiple %add3A_2326, 8 : i32
        %swap3A_2328 = arith.index_cast %multiple_of3A_2327 : i32 to index
        %swap3A_2329 = tpu.vector_load %arg11[%swap3A_2328] {strides = array<i32>} : memref<8192xf32, #tpu.memory_space<vmem>>, vector<16xf32>,
        tpu.vector_store %arg11[%swap3A_2328], %gather3A_2229 {strides = array<i32>} : memref<8192xf32, #tpu.memory_space<vmem>>, vector<16xf32>,
        %add3A_2330 = arith.constant 6144 : i32
        %add3A_2331 = arith.addi %add3A_2033, %add3A_2330 : i32
        %add3A_2332 = arith.constant 640 : i32
        %add3A_2333 = arith.addi %add3A_2331, %add3A_2332 : i32
        %multiple_of3A_2334 = tpu.assume_multiple %add3A_2333, 8 : i32
        %swap3A_2335 = arith.index_cast %multiple_of3A_2334 : i32 to index
        %swap3A_2336 = tpu.vector_load %arg11[%swap3A_2335] {strides = array<i32>} : memref<8192xf32, #tpu.memory_space<vmem>>, vector<16xf32>,
        tpu.vector_store %arg11[%swap3A_2335], %gather3A_2232 {strides = array<i32>} : memref<8192xf32, #tpu.memory_space<vmem>>, vector<16xf32>,
        %add3A_2337 = arith.constant 6144 : i32
        %add3A_2338 = arith.addi %add3A_2033, %add3A_2337 : i32
        %add3A_2339 = arith.constant 768 : i32
        %add3A_2340 = arith.addi %add3A_2338, %add3A_2339 : i32
        %multiple_of3A_2341 = tpu.assume_multiple %add3A_2340, 8 : i32
        %swap3A_2342 = arith.index_cast %multiple_of3A_2341 : i32 to index
        %swap3A_2343 = tpu.vector_load %arg11[%swap3A_2342] {strides = array<i32>} : memref<8192xf32, #tpu.memory_space<vmem>>, vector<16xf32>,
        tpu.vector_store %arg11[%swap3A_2342], %gather3A_2235 {strides = array<i32>} : memref<8192xf32, #tpu.memory_space<vmem>>, vector<16xf32>,
        %add3A_2344 = arith.constant 6144 : i32
        %add3A_2345 = arith.addi %add3A_2033, %add3A_2344 : i32
        %add3A_2346 = arith.constant 896 : i32
        %add3A_2347 = arith.addi %add3A_2345, %add3A_2346 : i32
        %multiple_of3A_2348 = tpu.assume_multiple %add3A_2347, 8 : i32
        %swap3A_2349 = arith.index_cast %multiple_of3A_2348 : i32 to index
        %swap3A_2350 = tpu.vector_load %arg11[%swap3A_2349] {strides = array<i32>} : memref<8192xf32, #tpu.memory_space<vmem>>, vector<16xf32>,
        tpu.vector_store %arg11[%swap3A_2349], %gather3A_2238 {strides = array<i32>} : memref<8192xf32, #tpu.memory_space<vmem>>, vector<16xf32>,
      }
      %scan3A_1261 = arith.constant 16 : i32
      %jit3A_1262 = arith.constant 64 : i32
      %div3A_1263 = arith.divsi %add3A_1234, %jit3A_1262 : i32
      %sign3A_1264 = arith.constant 0 : i32
      %sign3A_1265 = arith.cmpi sgt, %add3A_1234, %sign3A_1264 : i32
      %sign3A_1266 = arith.extui %sign3A_1265 : i1 to i32
      %sign3A_1267 = arith.constant 0 : i32
      %sign3A_1268 = arith.cmpi slt, %add3A_1234, %sign3A_1267 : i32
      %sign3A_1269 = arith.extui %sign3A_1268 : i1 to i32
      %sign3A_1270 = arith.subi %sign3A_1266, %sign3A_1269 : i32
      %sign3A_1271 = arith.constant 0 : i32
      %sign3A_1272 = arith.cmpi sgt, %jit3A_1262, %sign3A_1271 : i32
      %sign3A_1273 = arith.extui %sign3A_1272 : i1 to i32
      %sign3A_1274 = arith.constant 0 : i32
      %sign3A_1275 = arith.cmpi slt, %jit3A_1262, %sign3A_1274 : i32
      %sign3A_1276 = arith.extui %sign3A_1275 : i1 to i32
      %sign3A_1277 = arith.subi %sign3A_1273, %sign3A_1276 : i32
      %ne3A_1278 = arith.cmpi ne, %sign3A_1270, %sign3A_1277 : i32
      %rem3A_1279 = arith.remsi %add3A_1234, %jit3A_1262 : i32
      %ne3A_1280 = arith.constant 0 : i32
      %ne3A_1281 = arith.cmpi ne, %rem3A_1279, %ne3A_1280 : i32
      %and3A_1282 = arith.andi %ne3A_1278, %ne3A_1281 : i1
      %sub3A_1283 = arith.constant 1 : i32
      %sub3A_1284 = arith.subi %div3A_1263, %sub3A_1283 : i32
      %select_n3A_1285 = arith.select %and3A_1282, %sub3A_1284, %div3A_1263 : i32
      %jit3A_1286 = arith.constant 64 : i32
      %eq3A_1287 = arith.constant 0 : i32
      %eq3A_1288 = arith.cmpi eq, %jit3A_1286, %eq3A_1287 : i32
      %jit3A_1289 = arith.constant 1 : i32
      %select_n3A_1290 = arith.select %eq3A_1288, %jit3A_1289, %jit3A_1286 : i32
      %rem3A_1291 = arith.remsi %add3A_1234, %select_n3A_1290 : i32
      %ne3A_1292 = arith.constant 0 : i32
      %ne3A_1293 = arith.cmpi ne, %rem3A_1291, %ne3A_1292 : i32
      %lt3A_1294 = arith.constant 0 : i32
      %lt3A_1295 = arith.cmpi slt, %rem3A_1291, %lt3A_1294 : i32
      %lt3A_1296 = arith.constant 0 : i32
      %lt3A_1297 = arith.cmpi slt, %select_n3A_1290, %lt3A_1296 : i32
      %ne3A_1298 = arith.xori %lt3A_1295, %lt3A_1297 : i1
      %and3A_1299 = arith.andi %ne3A_1298, %ne3A_1293 : i1
      %add3A_1300 = arith.addi %rem3A_1291, %select_n3A_1290 : i32
      %select_n3A_1301 = arith.select %and3A_1299, %add3A_1300, %rem3A_1291 : i32
      %mul3A_1302 = arith.constant 4 : i32
      %mul3A_1303 = arith.muli %select_n3A_1285, %mul3A_1302 : i32
      %add3A_1304 = arith.constant 0 : i32
      %add3A_1305 = arith.addi %mul3A_1303, %add3A_1304 : i32
      %mul3A_1306 = arith.constant 128 : i32
      %mul3A_1307 = arith.muli %add3A_1305, %mul3A_1306 : i32
      %mul3A_1308 = arith.constant 2 : i32
      %mul3A_1309 = arith.muli %mul3A_1308, %select_n3A_1301 : i32
      %add3A_1310 = arith.addi %mul3A_1307, %mul3A_1309 : i32
      %mul3A_1311 = arith.constant 1024 : i32
      %mul3A_1312 = arith.muli %add3A_1310, %mul3A_1311 : i32
      %multiple_of3A_1313 = tpu.assume_multiple %mul3A_1312, 8 : i32
      %dma_start3A_1314 = arith.constant 0 : i32
      %dma_start3A_1315 = tpu.memref_slice %arg11[%dma_start3A_1314] : memref<8192xf32, #tpu.memory_space<vmem>> -> memref<2048xf32, #tpu.memory_space<vmem>>
      %dma_start3A_1316 = tpu.memref_slice %arg4[%multiple_of3A_1313] : memref<26214400xf32, #tpu.memory_space<hbm>> -> memref<2048xf32, #tpu.memory_space<hbm>>
      %dma_start3A_1317 = tpu.memref_slice %arg4[%multiple_of3A_1313] : memref<26214400xf32, #tpu.memory_space<hbm>> -> memref<2048xf32, #tpu.memory_space<hbm>>
      %dma_start3A_1318 = arith.constant 0 : i32
      %dma_start3A_1319 = tpu.memref_slice %arg11[%dma_start3A_1318] : memref<8192xf32, #tpu.memory_space<vmem>> -> memref<2048xf32, #tpu.memory_space<vmem>>
      tpu.enqueue_dma source(%dma_start3A_1319 : memref<2048xf32, #tpu.memory_space<vmem>>) target(%dma_start3A_1317 : memref<2048xf32, #tpu.memory_space<hbm>>) target_semaphore(%arg19 : memref<!tpu.dma_semaphore, #tpu.memory_space<semaphore_mem>>)
      %jit3A_1320 = arith.constant 64 : i32
      %div3A_1321 = arith.divsi %add3A_1234, %jit3A_1320 : i32
      %sign3A_1322 = arith.constant 0 : i32
      %sign3A_1323 = arith.cmpi sgt, %add3A_1234, %sign3A_1322 : i32
      %sign3A_1324 = arith.extui %sign3A_1323 : i1 to i32
      %sign3A_1325 = arith.constant 0 : i32
      %sign3A_1326 = arith.cmpi slt, %add3A_1234, %sign3A_1325 : i32
      %sign3A_1327 = arith.extui %sign3A_1326 : i1 to i32
      %sign3A_1328 = arith.subi %sign3A_1324, %sign3A_1327 : i32
      %sign3A_1329 = arith.constant 0 : i32
      %sign3A_1330 = arith.cmpi sgt, %jit3A_1320, %sign3A_1329 : i32
      %sign3A_1331 = arith.extui %sign3A_1330 : i1 to i32
      %sign3A_1332 = arith.constant 0 : i32
      %sign3A_1333 = arith.cmpi slt, %jit3A_1320, %sign3A_1332 : i32
      %sign3A_1334 = arith.extui %sign3A_1333 : i1 to i32
      %sign3A_1335 = arith.subi %sign3A_1331, %sign3A_1334 : i32
      %ne3A_1336 = arith.cmpi ne, %sign3A_1328, %sign3A_1335 : i32
      %rem3A_1337 = arith.remsi %add3A_1234, %jit3A_1320 : i32
      %ne3A_1338 = arith.constant 0 : i32
      %ne3A_1339 = arith.cmpi ne, %rem3A_1337, %ne3A_1338 : i32
      %and3A_1340 = arith.andi %ne3A_1336, %ne3A_1339 : i1
      %sub3A_1341 = arith.constant 1 : i32
      %sub3A_1342 = arith.subi %div3A_1321, %sub3A_1341 : i32
      %select_n3A_1343 = arith.select %and3A_1340, %sub3A_1342, %div3A_1321 : i32
      %jit3A_1344 = arith.constant 64 : i32
      %eq3A_1345 = arith.constant 0 : i32
      %eq3A_1346 = arith.cmpi eq, %jit3A_1344, %eq3A_1345 : i32
      %jit3A_1347 = arith.constant 1 : i32
      %select_n3A_1348 = arith.select %eq3A_1346, %jit3A_1347, %jit3A_1344 : i32
      %rem3A_1349 = arith.remsi %add3A_1234, %select_n3A_1348 : i32
      %ne3A_1350 = arith.constant 0 : i32
      %ne3A_1351 = arith.cmpi ne, %rem3A_1349, %ne3A_1350 : i32
      %lt3A_1352 = arith.constant 0 : i32
      %lt3A_1353 = arith.cmpi slt, %rem3A_1349, %lt3A_1352 : i32
      %lt3A_1354 = arith.constant 0 : i32
      %lt3A_1355 = arith.cmpi slt, %select_n3A_1348, %lt3A_1354 : i32
      %ne3A_1356 = arith.xori %lt3A_1353, %lt3A_1355 : i1
      %and3A_1357 = arith.andi %ne3A_1356, %ne3A_1351 : i1
      %add3A_1358 = arith.addi %rem3A_1349, %select_n3A_1348 : i32
      %select_n3A_1359 = arith.select %and3A_1357, %add3A_1358, %rem3A_1349 : i32
      %mul3A_1360 = arith.constant 4 : i32
      %mul3A_1361 = arith.muli %select_n3A_1343, %mul3A_1360 : i32
      %add3A_1362 = arith.constant 1 : i32
      %add3A_1363 = arith.addi %mul3A_1361, %add3A_1362 : i32
      %mul3A_1364 = arith.constant 128 : i32
      %mul3A_1365 = arith.muli %add3A_1363, %mul3A_1364 : i32
      %mul3A_1366 = arith.constant 2 : i32
      %mul3A_1367 = arith.muli %mul3A_1366, %select_n3A_1359 : i32
      %add3A_1368 = arith.addi %mul3A_1365, %mul3A_1367 : i32
      %mul3A_1369 = arith.constant 1024 : i32
      %mul3A_1370 = arith.muli %add3A_1368, %mul3A_1369 : i32
      %multiple_of3A_1371 = tpu.assume_multiple %mul3A_1370, 8 : i32
      %dma_start3A_1372 = arith.constant 2048 : i32
      %dma_start3A_1373 = tpu.memref_slice %arg11[%dma_start3A_1372] : memref<8192xf32, #tpu.memory_space<vmem>> -> memref<2048xf32, #tpu.memory_space<vmem>>
      %dma_start3A_1374 = tpu.memref_slice %arg4[%multiple_of3A_1371] : memref<26214400xf32, #tpu.memory_space<hbm>> -> memref<2048xf32, #tpu.memory_space<hbm>>
      %dma_start3A_1375 = tpu.memref_slice %arg4[%multiple_of3A_1371] : memref<26214400xf32, #tpu.memory_space<hbm>> -> memref<2048xf32, #tpu.memory_space<hbm>>
      %dma_start3A_1376 = arith.constant 2048 : i32
      %dma_start3A_1377 = tpu.memref_slice %arg11[%dma_start3A_1376] : memref<8192xf32, #tpu.memory_space<vmem>> -> memref<2048xf32, #tpu.memory_space<vmem>>
      tpu.enqueue_dma source(%dma_start3A_1377 : memref<2048xf32, #tpu.memory_space<vmem>>) target(%dma_start3A_1375 : memref<2048xf32, #tpu.memory_space<hbm>>) target_semaphore(%arg19 : memref<!tpu.dma_semaphore, #tpu.memory_space<semaphore_mem>>)
      %jit3A_1378 = arith.constant 64 : i32
      %div3A_1379 = arith.divsi %add3A_1234, %jit3A_1378 : i32
      %sign3A_1380 = arith.constant 0 : i32
      %sign3A_1381 = arith.cmpi sgt, %add3A_1234, %sign3A_1380 : i32
      %sign3A_1382 = arith.extui %sign3A_1381 : i1 to i32
      %sign3A_1383 = arith.constant 0 : i32
      %sign3A_1384 = arith.cmpi slt, %add3A_1234, %sign3A_1383 : i32
      %sign3A_1385 = arith.extui %sign3A_1384 : i1 to i32
      %sign3A_1386 = arith.subi %sign3A_1382, %sign3A_1385 : i32
      %sign3A_1387 = arith.constant 0 : i32
      %sign3A_1388 = arith.cmpi sgt, %jit3A_1378, %sign3A_1387 : i32
      %sign3A_1389 = arith.extui %sign3A_1388 : i1 to i32
      %sign3A_1390 = arith.constant 0 : i32
      %sign3A_1391 = arith.cmpi slt, %jit3A_1378, %sign3A_1390 : i32
      %sign3A_1392 = arith.extui %sign3A_1391 : i1 to i32
      %sign3A_1393 = arith.subi %sign3A_1389, %sign3A_1392 : i32
      %ne3A_1394 = arith.cmpi ne, %sign3A_1386, %sign3A_1393 : i32
      %rem3A_1395 = arith.remsi %add3A_1234, %jit3A_1378 : i32
      %ne3A_1396 = arith.constant 0 : i32
      %ne3A_1397 = arith.cmpi ne, %rem3A_1395, %ne3A_1396 : i32
      %and3A_1398 = arith.andi %ne3A_1394, %ne3A_1397 : i1
      %sub3A_1399 = arith.constant 1 : i32
      %sub3A_1400 = arith.subi %div3A_1379, %sub3A_1399 : i32
      %select_n3A_1401 = arith.select %and3A_1398, %sub3A_1400, %div3A_1379 : i32
      %jit3A_1402 = arith.constant 64 : i32
      %eq3A_1403 = arith.constant 0 : i32
      %eq3A_1404 = arith.cmpi eq, %jit3A_1402, %eq3A_1403 : i32
      %jit3A_1405 = arith.constant 1 : i32
      %select_n3A_1406 = arith.select %eq3A_1404, %jit3A_1405, %jit3A_1402 : i32
      %rem3A_1407 = arith.remsi %add3A_1234, %select_n3A_1406 : i32
      %ne3A_1408 = arith.constant 0 : i32
      %ne3A_1409 = arith.cmpi ne, %rem3A_1407, %ne3A_1408 : i32
      %lt3A_1410 = arith.constant 0 : i32
      %lt3A_1411 = arith.cmpi slt, %rem3A_1407, %lt3A_1410 : i32
      %lt3A_1412 = arith.constant 0 : i32
      %lt3A_1413 = arith.cmpi slt, %select_n3A_1406, %lt3A_1412 : i32
      %ne3A_1414 = arith.xori %lt3A_1411, %lt3A_1413 : i1
      %and3A_1415 = arith.andi %ne3A_1414, %ne3A_1409 : i1
      %add3A_1416 = arith.addi %rem3A_1407, %select_n3A_1406 : i32
      %select_n3A_1417 = arith.select %and3A_1415, %add3A_1416, %rem3A_1407 : i32
      %mul3A_1418 = arith.constant 4 : i32
      %mul3A_1419 = arith.muli %select_n3A_1401, %mul3A_1418 : i32
      %add3A_1420 = arith.constant 2 : i32
      %add3A_1421 = arith.addi %mul3A_1419, %add3A_1420 : i32
      %mul3A_1422 = arith.constant 128 : i32
      %mul3A_1423 = arith.muli %add3A_1421, %mul3A_1422 : i32
      %mul3A_1424 = arith.constant 2 : i32
      %mul3A_1425 = arith.muli %mul3A_1424, %select_n3A_1417 : i32
      %add3A_1426 = arith.addi %mul3A_1423, %mul3A_1425 : i32
      %mul3A_1427 = arith.constant 1024 : i32
      %mul3A_1428 = arith.muli %add3A_1426, %mul3A_1427 : i32
      %multiple_of3A_1429 = tpu.assume_multiple %mul3A_1428, 8 : i32
      %dma_start3A_1430 = arith.constant 4096 : i32
      %dma_start3A_1431 = tpu.memref_slice %arg11[%dma_start3A_1430] : memref<8192xf32, #tpu.memory_space<vmem>> -> memref<2048xf32, #tpu.memory_space<vmem>>
      %dma_start3A_1432 = tpu.memref_slice %arg4[%multiple_of3A_1429] : memref<26214400xf32, #tpu.memory_space<hbm>> -> memref<2048xf32, #tpu.memory_space<hbm>>
      %dma_start3A_1433 = tpu.memref_slice %arg4[%multiple_of3A_1429] : memref<26214400xf32, #tpu.memory_space<hbm>> -> memref<2048xf32, #tpu.memory_space<hbm>>
      %dma_start3A_1434 = arith.constant 4096 : i32
      %dma_start3A_1435 = tpu.memref_slice %arg11[%dma_start3A_1434] : memref<8192xf32, #tpu.memory_space<vmem>> -> memref<2048xf32, #tpu.memory_space<vmem>>
      tpu.enqueue_dma source(%dma_start3A_1435 : memref<2048xf32, #tpu.memory_space<vmem>>) target(%dma_start3A_1433 : memref<2048xf32, #tpu.memory_space<hbm>>) target_semaphore(%arg19 : memref<!tpu.dma_semaphore, #tpu.memory_space<semaphore_mem>>)
      %jit3A_1436 = arith.constant 64 : i32
      %div3A_1437 = arith.divsi %add3A_1234, %jit3A_1436 : i32
      %sign3A_1438 = arith.constant 0 : i32
      %sign3A_1439 = arith.cmpi sgt, %add3A_1234, %sign3A_1438 : i32
      %sign3A_1440 = arith.extui %sign3A_1439 : i1 to i32
      %sign3A_1441 = arith.constant 0 : i32
      %sign3A_1442 = arith.cmpi slt, %add3A_1234, %sign3A_1441 : i32
      %sign3A_1443 = arith.extui %sign3A_1442 : i1 to i32
      %sign3A_1444 = arith.subi %sign3A_1440, %sign3A_1443 : i32
      %sign3A_1445 = arith.constant 0 : i32
      %sign3A_1446 = arith.cmpi sgt, %jit3A_1436, %sign3A_1445 : i32
      %sign3A_1447 = arith.extui %sign3A_1446 : i1 to i32
      %sign3A_1448 = arith.constant 0 : i32
      %sign3A_1449 = arith.cmpi slt, %jit3A_1436, %sign3A_1448 : i32
      %sign3A_1450 = arith.extui %sign3A_1449 : i1 to i32
      %sign3A_1451 = arith.subi %sign3A_1447, %sign3A_1450 : i32
      %ne3A_1452 = arith.cmpi ne, %sign3A_1444, %sign3A_1451 : i32
      %rem3A_1453 = arith.remsi %add3A_1234, %jit3A_1436 : i32
      %ne3A_1454 = arith.constant 0 : i32
      %ne3A_1455 = arith.cmpi ne, %rem3A_1453, %ne3A_1454 : i32
      %and3A_1456 = arith.andi %ne3A_1452, %ne3A_1455 : i1
      %sub3A_1457 = arith.constant 1 : i32
      %sub3A_1458 = arith.subi %div3A_1437, %sub3A_1457 : i32
      %select_n3A_1459 = arith.select %and3A_1456, %sub3A_1458, %div3A_1437 : i32
      %jit3A_1460 = arith.constant 64 : i32
      %eq3A_1461 = arith.constant 0 : i32
      %eq3A_1462 = arith.cmpi eq, %jit3A_1460, %eq3A_1461 : i32
      %jit3A_1463 = arith.constant 1 : i32
      %select_n3A_1464 = arith.select %eq3A_1462, %jit3A_1463, %jit3A_1460 : i32
      %rem3A_1465 = arith.remsi %add3A_1234, %select_n3A_1464 : i32
      %ne3A_1466 = arith.constant 0 : i32
      %ne3A_1467 = arith.cmpi ne, %rem3A_1465, %ne3A_1466 : i32
      %lt3A_1468 = arith.constant 0 : i32
      %lt3A_1469 = arith.cmpi slt, %rem3A_1465, %lt3A_1468 : i32
      %lt3A_1470 = arith.constant 0 : i32
      %lt3A_1471 = arith.cmpi slt, %select_n3A_1464, %lt3A_1470 : i32
      %ne3A_1472 = arith.xori %lt3A_1469, %lt3A_1471 : i1
      %and3A_1473 = arith.andi %ne3A_1472, %ne3A_1467 : i1
      %add3A_1474 = arith.addi %rem3A_1465, %select_n3A_1464 : i32
      %select_n3A_1475 = arith.select %and3A_1473, %add3A_1474, %rem3A_1465 : i32
      %mul3A_1476 = arith.constant 4 : i32
      %mul3A_1477 = arith.muli %select_n3A_1459, %mul3A_1476 : i32
      %add3A_1478 = arith.constant 3 : i32
      %add3A_1479 = arith.addi %mul3A_1477, %add3A_1478 : i32
      %mul3A_1480 = arith.constant 128 : i32
      %mul3A_1481 = arith.muli %add3A_1479, %mul3A_1480 : i32
      %mul3A_1482 = arith.constant 2 : i32
      %mul3A_1483 = arith.muli %mul3A_1482, %select_n3A_1475 : i32
      %add3A_1484 = arith.addi %mul3A_1481, %mul3A_1483 : i32
      %mul3A_1485 = arith.constant 1024 : i32
      %mul3A_1486 = arith.muli %add3A_1484, %mul3A_1485 : i32
      %multiple_of3A_1487 = tpu.assume_multiple %mul3A_1486, 8 : i32
      %dma_start3A_1488 = arith.constant 6144 : i32
      %dma_start3A_1489 = tpu.memref_slice %arg11[%dma_start3A_1488] : memref<8192xf32, #tpu.memory_space<vmem>> -> memref<2048xf32, #tpu.memory_space<vmem>>
      %dma_start3A_1490 = tpu.memref_slice %arg4[%multiple_of3A_1487] : memref<26214400xf32, #tpu.memory_space<hbm>> -> memref<2048xf32, #tpu.memory_space<hbm>>
      %dma_start3A_1491 = tpu.memref_slice %arg4[%multiple_of3A_1487] : memref<26214400xf32, #tpu.memory_space<hbm>> -> memref<2048xf32, #tpu.memory_space<hbm>>
      %dma_start3A_1492 = arith.constant 6144 : i32
      %dma_start3A_1493 = tpu.memref_slice %arg11[%dma_start3A_1492] : memref<8192xf32, #tpu.memory_space<vmem>> -> memref<2048xf32, #tpu.memory_space<vmem>>
      tpu.enqueue_dma source(%dma_start3A_1493 : memref<2048xf32, #tpu.memory_space<vmem>>) target(%dma_start3A_1491 : memref<2048xf32, #tpu.memory_space<hbm>>) target_semaphore(%arg19 : memref<!tpu.dma_semaphore, #tpu.memory_space<semaphore_mem>>)
      %mul3A_1494 = arith.constant 4 : i32
      %mul3A_1495 = arith.muli %mul3A_1494, %scan3A_968 : i32
      %add3A_1496 = arith.constant 2 : i32
      %add3A_1497 = arith.addi %mul3A_1495, %add3A_1496 : i32
      %add3A_1498 = arith.addi %mul3A_2, %add3A_1497 : i32
      %add3A_1499 = arith.constant 4 : i32
      %add3A_1500 = arith.addi %add3A_1497, %add3A_1499 : i32
      %sub3A_1501 = arith.constant 1 : i32
      %sub3A_1502 = arith.subi %add3A_1500, %sub3A_1501 : i32
      %lt3A_1503 = arith.constant 100 : i32
      %lt3A_1504 = arith.cmpi slt, %sub3A_1502, %lt3A_1503 : i32
      %convert_element_type3A_1505 = arith.extui %lt3A_1504 : i1 to i32
      %cond3A_1506 = arith.constant 0 : i32
      %cond3A_1507 = arith.cmpi ne, %convert_element_type3A_1505, %cond3A_1506 : i32
      scf.if %cond3A_1507 {
        %add3A_2022 = arith.constant 4 : i32
        %add3A_2023 = arith.addi %add3A_1497, %add3A_2022 : i32
        %sub3A_2024 = arith.constant 1 : i32
        %sub3A_2025 = arith.subi %add3A_2023, %sub3A_2024 : i32
        %mul3A_2026 = arith.constant 256 : i32
        %mul3A_2027 = arith.muli %sub3A_2025, %mul3A_2026 : i32
        %multiple_of3A_2028 = tpu.assume_multiple %mul3A_2027, 8 : i32
        %dma_start3A_2029 = tpu.memref_slice %arg5[%multiple_of3A_2028] : memref<25600xi32, #tpu.memory_space<vmem>> -> memref<256xi32, #tpu.memory_space<vmem>>
        %dma_start3A_2030 = arith.constant 0 : i32
        %dma_start3A_2031 = arith.constant 0 : i32
        %dma_start3A_2032 = tpu.memref_slice %arg2[%dma_start3A_2030, %dma_start3A_2031] : memref<1000000x32xf32, #tpu.memory_space<hbm>> -> memref<1000000x32xf32, #tpu.memory_space<hbm>>
        tpu.enqueue_indirect_dma source(%dma_start3A_2032 : memref<1000000x32xf32, #tpu.memory_space<hbm>>) target(%arg7 : memref<256x32xf32, #tpu.memory_space<vmem>>) offsets(%dma_start3A_2029 : memref<256xi32, #tpu.memory_space<vmem>>) semaphore(%arg15 : memref<!tpu.dma_semaphore, #tpu.memory_space<semaphore_mem>>)
      } else {
      }
      %mul3A_1508 = arith.constant 256 : i32
      %mul3A_1509 = arith.muli %add3A_1497, %mul3A_1508 : i32
      %multiple_of3A_1510 = tpu.assume_multiple %mul3A_1509, 8 : i32
      %dma_wait3A_1511 = tpu.memref_slice %arg5[%multiple_of3A_1510] : memref<25600xi32, #tpu.memory_space<vmem>> -> memref<256xi32, #tpu.memory_space<vmem>>
      %dma_wait3A_1512 = arith.constant 0 : i32
      %dma_wait3A_1513 = arith.constant 0 : i32
      %dma_wait3A_1514 = tpu.memref_slice %arg2[%dma_wait3A_1512, %dma_wait3A_1513] : memref<1000000x32xf32, #tpu.memory_space<hbm>> -> memref<1000000x32xf32, #tpu.memory_space<hbm>>
      tpu.wait_indirect_dma semaphore(%arg16 : memref<!tpu.dma_semaphore, #tpu.memory_space<semaphore_mem>>) src(%dma_wait3A_1514 : memref<1000000x32xf32, #tpu.memory_space<hbm>>) dst(%arg8 : memref<256x32xf32, #tpu.memory_space<vmem>>)
      %ge3A_1515 = arith.constant 4 : i32
      %ge3A_1516 = arith.cmpi sge, %add3A_1497, %ge3A_1515 : i32
      %convert_element_type3A_1517 = arith.extui %ge3A_1516 : i1 to i32
      %cond3A_1518 = arith.constant 0 : i32
      %cond3A_1519 = arith.cmpi ne, %convert_element_type3A_1517, %cond3A_1518 : i32
      scf.if %cond3A_1519 {
        %sub3A_2022 = arith.constant 4 : i32
        %sub3A_2023 = arith.subi %add3A_1498, %sub3A_2022 : i32
        %jit3A_2024 = arith.constant 64 : i32
        %div3A_2025 = arith.divsi %sub3A_2023, %jit3A_2024 : i32
        %sign3A_2026 = arith.constant 0 : i32
        %sign3A_2027 = arith.cmpi sgt, %sub3A_2023, %sign3A_2026 : i32
        %sign3A_2028 = arith.extui %sign3A_2027 : i1 to i32
        %sign3A_2029 = arith.constant 0 : i32
        %sign3A_2030 = arith.cmpi slt, %sub3A_2023, %sign3A_2029 : i32
        %sign3A_2031 = arith.extui %sign3A_2030 : i1 to i32
        %sign3A_2032 = arith.subi %sign3A_2028, %sign3A_2031 : i32
        %sign3A_2033 = arith.constant 0 : i32
        %sign3A_2034 = arith.cmpi sgt, %jit3A_2024, %sign3A_2033 : i32
        %sign3A_2035 = arith.extui %sign3A_2034 : i1 to i32
        %sign3A_2036 = arith.constant 0 : i32
        %sign3A_2037 = arith.cmpi slt, %jit3A_2024, %sign3A_2036 : i32
        %sign3A_2038 = arith.extui %sign3A_2037 : i1 to i32
        %sign3A_2039 = arith.subi %sign3A_2035, %sign3A_2038 : i32
        %ne3A_2040 = arith.cmpi ne, %sign3A_2032, %sign3A_2039 : i32
        %rem3A_2041 = arith.remsi %sub3A_2023, %jit3A_2024 : i32
        %ne3A_2042 = arith.constant 0 : i32
        %ne3A_2043 = arith.cmpi ne, %rem3A_2041, %ne3A_2042 : i32
        %and3A_2044 = arith.andi %ne3A_2040, %ne3A_2043 : i1
        %sub3A_2045 = arith.constant 1 : i32
        %sub3A_2046 = arith.subi %div3A_2025, %sub3A_2045 : i32
        %select_n3A_2047 = arith.select %and3A_2044, %sub3A_2046, %div3A_2025 : i32
        %jit3A_2048 = arith.constant 64 : i32
        %eq3A_2049 = arith.constant 0 : i32
        %eq3A_2050 = arith.cmpi eq, %jit3A_2048, %eq3A_2049 : i32
        %jit3A_2051 = arith.constant 1 : i32
        %select_n3A_2052 = arith.select %eq3A_2050, %jit3A_2051, %jit3A_2048 : i32
        %rem3A_2053 = arith.remsi %sub3A_2023, %select_n3A_2052 : i32
        %ne3A_2054 = arith.constant 0 : i32
        %ne3A_2055 = arith.cmpi ne, %rem3A_2053, %ne3A_2054 : i32
        %lt3A_2056 = arith.constant 0 : i32
        %lt3A_2057 = arith.cmpi slt, %rem3A_2053, %lt3A_2056 : i32
        %lt3A_2058 = arith.constant 0 : i32
        %lt3A_2059 = arith.cmpi slt, %select_n3A_2052, %lt3A_2058 : i32
        %ne3A_2060 = arith.xori %lt3A_2057, %lt3A_2059 : i1
        %and3A_2061 = arith.andi %ne3A_2060, %ne3A_2055 : i1
        %add3A_2062 = arith.addi %rem3A_2053, %select_n3A_2052 : i32
        %select_n3A_2063 = arith.select %and3A_2061, %add3A_2062, %rem3A_2053 : i32
        %mul3A_2064 = arith.constant 4 : i32
        %mul3A_2065 = arith.muli %select_n3A_2047, %mul3A_2064 : i32
        %add3A_2066 = arith.constant 0 : i32
        %add3A_2067 = arith.addi %mul3A_2065, %add3A_2066 : i32
        %mul3A_2068 = arith.constant 128 : i32
        %mul3A_2069 = arith.muli %add3A_2067, %mul3A_2068 : i32
        %mul3A_2070 = arith.constant 2 : i32
        %mul3A_2071 = arith.muli %mul3A_2070, %select_n3A_2063 : i32
        %add3A_2072 = arith.addi %mul3A_2069, %mul3A_2071 : i32
        %mul3A_2073 = arith.constant 1024 : i32
        %mul3A_2074 = arith.muli %add3A_2072, %mul3A_2073 : i32
        %multiple_of3A_2075 = tpu.assume_multiple %mul3A_2074, 8 : i32
        %dma_wait3A_2076 = arith.constant 0 : i32
        %dma_wait3A_2077 = tpu.memref_slice %arg12[%dma_wait3A_2076] : memref<8192xf32, #tpu.memory_space<vmem>> -> memref<2048xf32, #tpu.memory_space<vmem>>
        %dma_wait3A_2078 = tpu.memref_slice %arg4[%multiple_of3A_2075] : memref<26214400xf32, #tpu.memory_space<hbm>> -> memref<2048xf32, #tpu.memory_space<hbm>>
        %dma_wait3A_2079 = tpu.memref_slice %arg4[%multiple_of3A_2075] : memref<26214400xf32, #tpu.memory_space<hbm>> -> memref<2048xf32, #tpu.memory_space<hbm>>
        %dma_wait3A_2080 = arith.constant 0 : i32
        %dma_wait3A_2081 = tpu.memref_slice %arg12[%dma_wait3A_2080] : memref<8192xf32, #tpu.memory_space<vmem>> -> memref<2048xf32, #tpu.memory_space<vmem>>
        tpu.wait_dma2 semaphore(%arg20 : memref<!tpu.dma_semaphore, #tpu.memory_space<semaphore_mem>>) src(%dma_wait3A_2081 : memref<2048xf32, #tpu.memory_space<vmem>>) dst(%dma_wait3A_2079 : memref<2048xf32, #tpu.memory_space<hbm>>)
        %jit3A_2082 = arith.constant 64 : i32
        %div3A_2083 = arith.divsi %sub3A_2023, %jit3A_2082 : i32
        %sign3A_2084 = arith.constant 0 : i32
        %sign3A_2085 = arith.cmpi sgt, %sub3A_2023, %sign3A_2084 : i32
        %sign3A_2086 = arith.extui %sign3A_2085 : i1 to i32
        %sign3A_2087 = arith.constant 0 : i32
        %sign3A_2088 = arith.cmpi slt, %sub3A_2023, %sign3A_2087 : i32
        %sign3A_2089 = arith.extui %sign3A_2088 : i1 to i32
        %sign3A_2090 = arith.subi %sign3A_2086, %sign3A_2089 : i32
        %sign3A_2091 = arith.constant 0 : i32
        %sign3A_2092 = arith.cmpi sgt, %jit3A_2082, %sign3A_2091 : i32
        %sign3A_2093 = arith.extui %sign3A_2092 : i1 to i32
        %sign3A_2094 = arith.constant 0 : i32
        %sign3A_2095 = arith.cmpi slt, %jit3A_2082, %sign3A_2094 : i32
        %sign3A_2096 = arith.extui %sign3A_2095 : i1 to i32
        %sign3A_2097 = arith.subi %sign3A_2093, %sign3A_2096 : i32
        %ne3A_2098 = arith.cmpi ne, %sign3A_2090, %sign3A_2097 : i32
        %rem3A_2099 = arith.remsi %sub3A_2023, %jit3A_2082 : i32
        %ne3A_2100 = arith.constant 0 : i32
        %ne3A_2101 = arith.cmpi ne, %rem3A_2099, %ne3A_2100 : i32
        %and3A_2102 = arith.andi %ne3A_2098, %ne3A_2101 : i1
        %sub3A_2103 = arith.constant 1 : i32
        %sub3A_2104 = arith.subi %div3A_2083, %sub3A_2103 : i32
        %select_n3A_2105 = arith.select %and3A_2102, %sub3A_2104, %div3A_2083 : i32
        %jit3A_2106 = arith.constant 64 : i32
        %eq3A_2107 = arith.constant 0 : i32
        %eq3A_2108 = arith.cmpi eq, %jit3A_2106, %eq3A_2107 : i32
        %jit3A_2109 = arith.constant 1 : i32
        %select_n3A_2110 = arith.select %eq3A_2108, %jit3A_2109, %jit3A_2106 : i32
        %rem3A_2111 = arith.remsi %sub3A_2023, %select_n3A_2110 : i32
        %ne3A_2112 = arith.constant 0 : i32
        %ne3A_2113 = arith.cmpi ne, %rem3A_2111, %ne3A_2112 : i32
        %lt3A_2114 = arith.constant 0 : i32
        %lt3A_2115 = arith.cmpi slt, %rem3A_2111, %lt3A_2114 : i32
        %lt3A_2116 = arith.constant 0 : i32
        %lt3A_2117 = arith.cmpi slt, %select_n3A_2110, %lt3A_2116 : i32
        %ne3A_2118 = arith.xori %lt3A_2115, %lt3A_2117 : i1
        %and3A_2119 = arith.andi %ne3A_2118, %ne3A_2113 : i1
        %add3A_2120 = arith.addi %rem3A_2111, %select_n3A_2110 : i32
        %select_n3A_2121 = arith.select %and3A_2119, %add3A_2120, %rem3A_2111 : i32
        %mul3A_2122 = arith.constant 4 : i32
        %mul3A_2123 = arith.muli %select_n3A_2105, %mul3A_2122 : i32
        %add3A_2124 = arith.constant 1 : i32
        %add3A_2125 = arith.addi %mul3A_2123, %add3A_2124 : i32
        %mul3A_2126 = arith.constant 128 : i32
        %mul3A_2127 = arith.muli %add3A_2125, %mul3A_2126 : i32
        %mul3A_2128 = arith.constant 2 : i32
        %mul3A_2129 = arith.muli %mul3A_2128, %select_n3A_2121 : i32
        %add3A_2130 = arith.addi %mul3A_2127, %mul3A_2129 : i32
        %mul3A_2131 = arith.constant 1024 : i32
        %mul3A_2132 = arith.muli %add3A_2130, %mul3A_2131 : i32
        %multiple_of3A_2133 = tpu.assume_multiple %mul3A_2132, 8 : i32
        %dma_wait3A_2134 = arith.constant 2048 : i32
        %dma_wait3A_2135 = tpu.memref_slice %arg12[%dma_wait3A_2134] : memref<8192xf32, #tpu.memory_space<vmem>> -> memref<2048xf32, #tpu.memory_space<vmem>>
        %dma_wait3A_2136 = tpu.memref_slice %arg4[%multiple_of3A_2133] : memref<26214400xf32, #tpu.memory_space<hbm>> -> memref<2048xf32, #tpu.memory_space<hbm>>
        %dma_wait3A_2137 = tpu.memref_slice %arg4[%multiple_of3A_2133] : memref<26214400xf32, #tpu.memory_space<hbm>> -> memref<2048xf32, #tpu.memory_space<hbm>>
        %dma_wait3A_2138 = arith.constant 2048 : i32
        %dma_wait3A_2139 = tpu.memref_slice %arg12[%dma_wait3A_2138] : memref<8192xf32, #tpu.memory_space<vmem>> -> memref<2048xf32, #tpu.memory_space<vmem>>
        tpu.wait_dma2 semaphore(%arg20 : memref<!tpu.dma_semaphore, #tpu.memory_space<semaphore_mem>>) src(%dma_wait3A_2139 : memref<2048xf32, #tpu.memory_space<vmem>>) dst(%dma_wait3A_2137 : memref<2048xf32, #tpu.memory_space<hbm>>)
        %jit3A_2140 = arith.constant 64 : i32
        %div3A_2141 = arith.divsi %sub3A_2023, %jit3A_2140 : i32
        %sign3A_2142 = arith.constant 0 : i32
        %sign3A_2143 = arith.cmpi sgt, %sub3A_2023, %sign3A_2142 : i32
        %sign3A_2144 = arith.extui %sign3A_2143 : i1 to i32
        %sign3A_2145 = arith.constant 0 : i32
        %sign3A_2146 = arith.cmpi slt, %sub3A_2023, %sign3A_2145 : i32
        %sign3A_2147 = arith.extui %sign3A_2146 : i1 to i32
        %sign3A_2148 = arith.subi %sign3A_2144, %sign3A_2147 : i32
        %sign3A_2149 = arith.constant 0 : i32
        %sign3A_2150 = arith.cmpi sgt, %jit3A_2140, %sign3A_2149 : i32
        %sign3A_2151 = arith.extui %sign3A_2150 : i1 to i32
        %sign3A_2152 = arith.constant 0 : i32
        %sign3A_2153 = arith.cmpi slt, %jit3A_2140, %sign3A_2152 : i32
        %sign3A_2154 = arith.extui %sign3A_2153 : i1 to i32
        %sign3A_2155 = arith.subi %sign3A_2151, %sign3A_2154 : i32
        %ne3A_2156 = arith.cmpi ne, %sign3A_2148, %sign3A_2155 : i32
        %rem3A_2157 = arith.remsi %sub3A_2023, %jit3A_2140 : i32
        %ne3A_2158 = arith.constant 0 : i32
        %ne3A_2159 = arith.cmpi ne, %rem3A_2157, %ne3A_2158 : i32
        %and3A_2160 = arith.andi %ne3A_2156, %ne3A_2159 : i1
        %sub3A_2161 = arith.constant 1 : i32
        %sub3A_2162 = arith.subi %div3A_2141, %sub3A_2161 : i32
        %select_n3A_2163 = arith.select %and3A_2160, %sub3A_2162, %div3A_2141 : i32
        %jit3A_2164 = arith.constant 64 : i32
        %eq3A_2165 = arith.constant 0 : i32
        %eq3A_2166 = arith.cmpi eq, %jit3A_2164, %eq3A_2165 : i32
        %jit3A_2167 = arith.constant 1 : i32
        %select_n3A_2168 = arith.select %eq3A_2166, %jit3A_2167, %jit3A_2164 : i32
        %rem3A_2169 = arith.remsi %sub3A_2023, %select_n3A_2168 : i32
        %ne3A_2170 = arith.constant 0 : i32
        %ne3A_2171 = arith.cmpi ne, %rem3A_2169, %ne3A_2170 : i32
        %lt3A_2172 = arith.constant 0 : i32
        %lt3A_2173 = arith.cmpi slt, %rem3A_2169, %lt3A_2172 : i32
        %lt3A_2174 = arith.constant 0 : i32
        %lt3A_2175 = arith.cmpi slt, %select_n3A_2168, %lt3A_2174 : i32
        %ne3A_2176 = arith.xori %lt3A_2173, %lt3A_2175 : i1
        %and3A_2177 = arith.andi %ne3A_2176, %ne3A_2171 : i1
        %add3A_2178 = arith.addi %rem3A_2169, %select_n3A_2168 : i32
        %select_n3A_2179 = arith.select %and3A_2177, %add3A_2178, %rem3A_2169 : i32
        %mul3A_2180 = arith.constant 4 : i32
        %mul3A_2181 = arith.muli %select_n3A_2163, %mul3A_2180 : i32
        %add3A_2182 = arith.constant 2 : i32
        %add3A_2183 = arith.addi %mul3A_2181, %add3A_2182 : i32
        %mul3A_2184 = arith.constant 128 : i32
        %mul3A_2185 = arith.muli %add3A_2183, %mul3A_2184 : i32
        %mul3A_2186 = arith.constant 2 : i32
        %mul3A_2187 = arith.muli %mul3A_2186, %select_n3A_2179 : i32
        %add3A_2188 = arith.addi %mul3A_2185, %mul3A_2187 : i32
        %mul3A_2189 = arith.constant 1024 : i32
        %mul3A_2190 = arith.muli %add3A_2188, %mul3A_2189 : i32
        %multiple_of3A_2191 = tpu.assume_multiple %mul3A_2190, 8 : i32
        %dma_wait3A_2192 = arith.constant 4096 : i32
        %dma_wait3A_2193 = tpu.memref_slice %arg12[%dma_wait3A_2192] : memref<8192xf32, #tpu.memory_space<vmem>> -> memref<2048xf32, #tpu.memory_space<vmem>>
        %dma_wait3A_2194 = tpu.memref_slice %arg4[%multiple_of3A_2191] : memref<26214400xf32, #tpu.memory_space<hbm>> -> memref<2048xf32, #tpu.memory_space<hbm>>
        %dma_wait3A_2195 = tpu.memref_slice %arg4[%multiple_of3A_2191] : memref<26214400xf32, #tpu.memory_space<hbm>> -> memref<2048xf32, #tpu.memory_space<hbm>>
        %dma_wait3A_2196 = arith.constant 4096 : i32
        %dma_wait3A_2197 = tpu.memref_slice %arg12[%dma_wait3A_2196] : memref<8192xf32, #tpu.memory_space<vmem>> -> memref<2048xf32, #tpu.memory_space<vmem>>
        tpu.wait_dma2 semaphore(%arg20 : memref<!tpu.dma_semaphore, #tpu.memory_space<semaphore_mem>>) src(%dma_wait3A_2197 : memref<2048xf32, #tpu.memory_space<vmem>>) dst(%dma_wait3A_2195 : memref<2048xf32, #tpu.memory_space<hbm>>)
        %jit3A_2198 = arith.constant 64 : i32
        %div3A_2199 = arith.divsi %sub3A_2023, %jit3A_2198 : i32
        %sign3A_2200 = arith.constant 0 : i32
        %sign3A_2201 = arith.cmpi sgt, %sub3A_2023, %sign3A_2200 : i32
        %sign3A_2202 = arith.extui %sign3A_2201 : i1 to i32
        %sign3A_2203 = arith.constant 0 : i32
        %sign3A_2204 = arith.cmpi slt, %sub3A_2023, %sign3A_2203 : i32
        %sign3A_2205 = arith.extui %sign3A_2204 : i1 to i32
        %sign3A_2206 = arith.subi %sign3A_2202, %sign3A_2205 : i32
        %sign3A_2207 = arith.constant 0 : i32
        %sign3A_2208 = arith.cmpi sgt, %jit3A_2198, %sign3A_2207 : i32
        %sign3A_2209 = arith.extui %sign3A_2208 : i1 to i32
        %sign3A_2210 = arith.constant 0 : i32
        %sign3A_2211 = arith.cmpi slt, %jit3A_2198, %sign3A_2210 : i32
        %sign3A_2212 = arith.extui %sign3A_2211 : i1 to i32
        %sign3A_2213 = arith.subi %sign3A_2209, %sign3A_2212 : i32
        %ne3A_2214 = arith.cmpi ne, %sign3A_2206, %sign3A_2213 : i32
        %rem3A_2215 = arith.remsi %sub3A_2023, %jit3A_2198 : i32
        %ne3A_2216 = arith.constant 0 : i32
        %ne3A_2217 = arith.cmpi ne, %rem3A_2215, %ne3A_2216 : i32
        %and3A_2218 = arith.andi %ne3A_2214, %ne3A_2217 : i1
        %sub3A_2219 = arith.constant 1 : i32
        %sub3A_2220 = arith.subi %div3A_2199, %sub3A_2219 : i32
        %select_n3A_2221 = arith.select %and3A_2218, %sub3A_2220, %div3A_2199 : i32
        %jit3A_2222 = arith.constant 64 : i32
        %eq3A_2223 = arith.constant 0 : i32
        %eq3A_2224 = arith.cmpi eq, %jit3A_2222, %eq3A_2223 : i32
        %jit3A_2225 = arith.constant 1 : i32
        %select_n3A_2226 = arith.select %eq3A_2224, %jit3A_2225, %jit3A_2222 : i32
        %rem3A_2227 = arith.remsi %sub3A_2023, %select_n3A_2226 : i32
        %ne3A_2228 = arith.constant 0 : i32
        %ne3A_2229 = arith.cmpi ne, %rem3A_2227, %ne3A_2228 : i32
        %lt3A_2230 = arith.constant 0 : i32
        %lt3A_2231 = arith.cmpi slt, %rem3A_2227, %lt3A_2230 : i32
        %lt3A_2232 = arith.constant 0 : i32
        %lt3A_2233 = arith.cmpi slt, %select_n3A_2226, %lt3A_2232 : i32
        %ne3A_2234 = arith.xori %lt3A_2231, %lt3A_2233 : i1
        %and3A_2235 = arith.andi %ne3A_2234, %ne3A_2229 : i1
        %add3A_2236 = arith.addi %rem3A_2227, %select_n3A_2226 : i32
        %select_n3A_2237 = arith.select %and3A_2235, %add3A_2236, %rem3A_2227 : i32
        %mul3A_2238 = arith.constant 4 : i32
        %mul3A_2239 = arith.muli %select_n3A_2221, %mul3A_2238 : i32
        %add3A_2240 = arith.constant 3 : i32
        %add3A_2241 = arith.addi %mul3A_2239, %add3A_2240 : i32
        %mul3A_2242 = arith.constant 128 : i32
        %mul3A_2243 = arith.muli %add3A_2241, %mul3A_2242 : i32
        %mul3A_2244 = arith.constant 2 : i32
        %mul3A_2245 = arith.muli %mul3A_2244, %select_n3A_2237 : i32
        %add3A_2246 = arith.addi %mul3A_2243, %mul3A_2245 : i32
        %mul3A_2247 = arith.constant 1024 : i32
        %mul3A_2248 = arith.muli %add3A_2246, %mul3A_2247 : i32
        %multiple_of3A_2249 = tpu.assume_multiple %mul3A_2248, 8 : i32
        %dma_wait3A_2250 = arith.constant 6144 : i32
        %dma_wait3A_2251 = tpu.memref_slice %arg12[%dma_wait3A_2250] : memref<8192xf32, #tpu.memory_space<vmem>> -> memref<2048xf32, #tpu.memory_space<vmem>>
        %dma_wait3A_2252 = tpu.memref_slice %arg4[%multiple_of3A_2249] : memref<26214400xf32, #tpu.memory_space<hbm>> -> memref<2048xf32, #tpu.memory_space<hbm>>
        %dma_wait3A_2253 = tpu.memref_slice %arg4[%multiple_of3A_2249] : memref<26214400xf32, #tpu.memory_space<hbm>> -> memref<2048xf32, #tpu.memory_space<hbm>>
        %dma_wait3A_2254 = arith.constant 6144 : i32
        %dma_wait3A_2255 = tpu.memref_slice %arg12[%dma_wait3A_2254] : memref<8192xf32, #tpu.memory_space<vmem>> -> memref<2048xf32, #tpu.memory_space<vmem>>
        tpu.wait_dma2 semaphore(%arg20 : memref<!tpu.dma_semaphore, #tpu.memory_space<semaphore_mem>>) src(%dma_wait3A_2255 : memref<2048xf32, #tpu.memory_space<vmem>>) dst(%dma_wait3A_2253 : memref<2048xf32, #tpu.memory_space<hbm>>)
      } else {
      }
      %scan3A_1520 = arith.constant 0 : i32
      %scan3A_1521 = arith.constant 0 : i32
      %scan3A_1522 = arith.constant 16 : i32
      %scan3A_1523 = arith.addi %scan3A_1521, %scan3A_1522 : i32
      %scan3A_1524 = arith.constant 1 : i32
      scf.for %scan3A_2022 = %scan3A_1521 to %scan3A_1523 step %scan3A_1524  : i32 {
        %shift_left3A = arith.constant 4 : i32
        %shift_left3A_2023 = arith.shli %scan3A_2022, %shift_left3A : i32
        %add3A_2024 = vector.broadcast %shift_left3A_2023 : i32 to vector<16xi32>
        %add3A_2025 = arith.addi %add3A_2024, %iota3A : vector<16xi32>
        %shift_right_arithmetic3A = arith.constant 3 : i32
        %shift_right_arithmetic3A_2026 = arith.shrsi %scan3A_2022, %shift_right_arithmetic3A : i32
        %shift_left3A_2027 = arith.constant 10 : i32
        %shift_left3A_2028 = arith.shli %shift_right_arithmetic3A_2026, %shift_left3A_2027 : i32
        %and3A_2029 = arith.constant 7 : i32
        %and3A_2030 = arith.andi %scan3A_2022, %and3A_2029 : i32
        %shift_left3A_2031 = arith.constant 4 : i32
        %shift_left3A_2032 = arith.shli %and3A_2030, %shift_left3A_2031 : i32
        %add3A_2033 = arith.addi %shift_left3A_2028, %shift_left3A_2032 : i32
        %broadcast_in_dim3A = arith.constant 0 : i32
        %broadcast_in_dim3A_2034 = vector.broadcast %broadcast_in_dim3A : i32 to vector<16xi32>
        %gather3A = tpu.vector_load_idx %arg8[%add3A_2025, %broadcast_in_dim3A_2034] : memref<256x32xf32, #tpu.memory_space<vmem>>[vector<16xi32>, vector<16xi32>], vector<16xf32>,
        %broadcast_in_dim3A_2035 = arith.constant 1 : i32
        %broadcast_in_dim3A_2036 = vector.broadcast %broadcast_in_dim3A_2035 : i32 to vector<16xi32>
        %gather3A_2037 = tpu.vector_load_idx %arg8[%add3A_2025, %broadcast_in_dim3A_2036] : memref<256x32xf32, #tpu.memory_space<vmem>>[vector<16xi32>, vector<16xi32>], vector<16xf32>,
        %broadcast_in_dim3A_2038 = arith.constant 2 : i32
        %broadcast_in_dim3A_2039 = vector.broadcast %broadcast_in_dim3A_2038 : i32 to vector<16xi32>
        %gather3A_2040 = tpu.vector_load_idx %arg8[%add3A_2025, %broadcast_in_dim3A_2039] : memref<256x32xf32, #tpu.memory_space<vmem>>[vector<16xi32>, vector<16xi32>], vector<16xf32>,
        %broadcast_in_dim3A_2041 = arith.constant 3 : i32
        %broadcast_in_dim3A_2042 = vector.broadcast %broadcast_in_dim3A_2041 : i32 to vector<16xi32>
        %gather3A_2043 = tpu.vector_load_idx %arg8[%add3A_2025, %broadcast_in_dim3A_2042] : memref<256x32xf32, #tpu.memory_space<vmem>>[vector<16xi32>, vector<16xi32>], vector<16xf32>,
        %broadcast_in_dim3A_2044 = arith.constant 4 : i32
        %broadcast_in_dim3A_2045 = vector.broadcast %broadcast_in_dim3A_2044 : i32 to vector<16xi32>
        %gather3A_2046 = tpu.vector_load_idx %arg8[%add3A_2025, %broadcast_in_dim3A_2045] : memref<256x32xf32, #tpu.memory_space<vmem>>[vector<16xi32>, vector<16xi32>], vector<16xf32>,
        %broadcast_in_dim3A_2047 = arith.constant 5 : i32
        %broadcast_in_dim3A_2048 = vector.broadcast %broadcast_in_dim3A_2047 : i32 to vector<16xi32>
        %gather3A_2049 = tpu.vector_load_idx %arg8[%add3A_2025, %broadcast_in_dim3A_2048] : memref<256x32xf32, #tpu.memory_space<vmem>>[vector<16xi32>, vector<16xi32>], vector<16xf32>,
        %broadcast_in_dim3A_2050 = arith.constant 6 : i32
        %broadcast_in_dim3A_2051 = vector.broadcast %broadcast_in_dim3A_2050 : i32 to vector<16xi32>
        %gather3A_2052 = tpu.vector_load_idx %arg8[%add3A_2025, %broadcast_in_dim3A_2051] : memref<256x32xf32, #tpu.memory_space<vmem>>[vector<16xi32>, vector<16xi32>], vector<16xf32>,
        %broadcast_in_dim3A_2053 = arith.constant 7 : i32
        %broadcast_in_dim3A_2054 = vector.broadcast %broadcast_in_dim3A_2053 : i32 to vector<16xi32>
        %gather3A_2055 = tpu.vector_load_idx %arg8[%add3A_2025, %broadcast_in_dim3A_2054] : memref<256x32xf32, #tpu.memory_space<vmem>>[vector<16xi32>, vector<16xi32>], vector<16xf32>,
        %broadcast_in_dim3A_2056 = arith.constant 8 : i32
        %broadcast_in_dim3A_2057 = vector.broadcast %broadcast_in_dim3A_2056 : i32 to vector<16xi32>
        %gather3A_2058 = tpu.vector_load_idx %arg8[%add3A_2025, %broadcast_in_dim3A_2057] : memref<256x32xf32, #tpu.memory_space<vmem>>[vector<16xi32>, vector<16xi32>], vector<16xf32>,
        %broadcast_in_dim3A_2059 = arith.constant 9 : i32
        %broadcast_in_dim3A_2060 = vector.broadcast %broadcast_in_dim3A_2059 : i32 to vector<16xi32>
        %gather3A_2061 = tpu.vector_load_idx %arg8[%add3A_2025, %broadcast_in_dim3A_2060] : memref<256x32xf32, #tpu.memory_space<vmem>>[vector<16xi32>, vector<16xi32>], vector<16xf32>,
        %broadcast_in_dim3A_2062 = arith.constant 10 : i32
        %broadcast_in_dim3A_2063 = vector.broadcast %broadcast_in_dim3A_2062 : i32 to vector<16xi32>
        %gather3A_2064 = tpu.vector_load_idx %arg8[%add3A_2025, %broadcast_in_dim3A_2063] : memref<256x32xf32, #tpu.memory_space<vmem>>[vector<16xi32>, vector<16xi32>], vector<16xf32>,
        %broadcast_in_dim3A_2065 = arith.constant 11 : i32
        %broadcast_in_dim3A_2066 = vector.broadcast %broadcast_in_dim3A_2065 : i32 to vector<16xi32>
        %gather3A_2067 = tpu.vector_load_idx %arg8[%add3A_2025, %broadcast_in_dim3A_2066] : memref<256x32xf32, #tpu.memory_space<vmem>>[vector<16xi32>, vector<16xi32>], vector<16xf32>,
        %broadcast_in_dim3A_2068 = arith.constant 12 : i32
        %broadcast_in_dim3A_2069 = vector.broadcast %broadcast_in_dim3A_2068 : i32 to vector<16xi32>
        %gather3A_2070 = tpu.vector_load_idx %arg8[%add3A_2025, %broadcast_in_dim3A_2069] : memref<256x32xf32, #tpu.memory_space<vmem>>[vector<16xi32>, vector<16xi32>], vector<16xf32>,
        %broadcast_in_dim3A_2071 = arith.constant 13 : i32
        %broadcast_in_dim3A_2072 = vector.broadcast %broadcast_in_dim3A_2071 : i32 to vector<16xi32>
        %gather3A_2073 = tpu.vector_load_idx %arg8[%add3A_2025, %broadcast_in_dim3A_2072] : memref<256x32xf32, #tpu.memory_space<vmem>>[vector<16xi32>, vector<16xi32>], vector<16xf32>,
        %broadcast_in_dim3A_2074 = arith.constant 14 : i32
        %broadcast_in_dim3A_2075 = vector.broadcast %broadcast_in_dim3A_2074 : i32 to vector<16xi32>
        %gather3A_2076 = tpu.vector_load_idx %arg8[%add3A_2025, %broadcast_in_dim3A_2075] : memref<256x32xf32, #tpu.memory_space<vmem>>[vector<16xi32>, vector<16xi32>], vector<16xf32>,
        %broadcast_in_dim3A_2077 = arith.constant 15 : i32
        %broadcast_in_dim3A_2078 = vector.broadcast %broadcast_in_dim3A_2077 : i32 to vector<16xi32>
        %gather3A_2079 = tpu.vector_load_idx %arg8[%add3A_2025, %broadcast_in_dim3A_2078] : memref<256x32xf32, #tpu.memory_space<vmem>>[vector<16xi32>, vector<16xi32>], vector<16xf32>,
        %add3A_2080 = arith.constant 0 : i32
        %add3A_2081 = arith.addi %add3A_2033, %add3A_2080 : i32
        %add3A_2082 = arith.constant 0 : i32
        %add3A_2083 = arith.addi %add3A_2081, %add3A_2082 : i32
        %multiple_of3A_2084 = tpu.assume_multiple %add3A_2083, 8 : i32
        %swap3A = arith.index_cast %multiple_of3A_2084 : i32 to index
        %swap3A_2085 = tpu.vector_load %arg12[%swap3A] {strides = array<i32>} : memref<8192xf32, #tpu.memory_space<vmem>>, vector<16xf32>,
        tpu.vector_store %arg12[%swap3A], %gather3A {strides = array<i32>} : memref<8192xf32, #tpu.memory_space<vmem>>, vector<16xf32>,
        %add3A_2086 = arith.constant 0 : i32
        %add3A_2087 = arith.addi %add3A_2033, %add3A_2086 : i32
        %add3A_2088 = arith.constant 128 : i32
        %add3A_2089 = arith.addi %add3A_2087, %add3A_2088 : i32
        %multiple_of3A_2090 = tpu.assume_multiple %add3A_2089, 8 : i32
        %swap3A_2091 = arith.index_cast %multiple_of3A_2090 : i32 to index
        %swap3A_2092 = tpu.vector_load %arg12[%swap3A_2091] {strides = array<i32>} : memref<8192xf32, #tpu.memory_space<vmem>>, vector<16xf32>,
        tpu.vector_store %arg12[%swap3A_2091], %gather3A_2037 {strides = array<i32>} : memref<8192xf32, #tpu.memory_space<vmem>>, vector<16xf32>,
        %add3A_2093 = arith.constant 0 : i32
        %add3A_2094 = arith.addi %add3A_2033, %add3A_2093 : i32
        %add3A_2095 = arith.constant 256 : i32
        %add3A_2096 = arith.addi %add3A_2094, %add3A_2095 : i32
        %multiple_of3A_2097 = tpu.assume_multiple %add3A_2096, 8 : i32
        %swap3A_2098 = arith.index_cast %multiple_of3A_2097 : i32 to index
        %swap3A_2099 = tpu.vector_load %arg12[%swap3A_2098] {strides = array<i32>} : memref<8192xf32, #tpu.memory_space<vmem>>, vector<16xf32>,
        tpu.vector_store %arg12[%swap3A_2098], %gather3A_2040 {strides = array<i32>} : memref<8192xf32, #tpu.memory_space<vmem>>, vector<16xf32>,
        %add3A_2100 = arith.constant 0 : i32
        %add3A_2101 = arith.addi %add3A_2033, %add3A_2100 : i32
        %add3A_2102 = arith.constant 384 : i32
        %add3A_2103 = arith.addi %add3A_2101, %add3A_2102 : i32
        %multiple_of3A_2104 = tpu.assume_multiple %add3A_2103, 8 : i32
        %swap3A_2105 = arith.index_cast %multiple_of3A_2104 : i32 to index
        %swap3A_2106 = tpu.vector_load %arg12[%swap3A_2105] {strides = array<i32>} : memref<8192xf32, #tpu.memory_space<vmem>>, vector<16xf32>,
        tpu.vector_store %arg12[%swap3A_2105], %gather3A_2043 {strides = array<i32>} : memref<8192xf32, #tpu.memory_space<vmem>>, vector<16xf32>,
        %add3A_2107 = arith.constant 0 : i32
        %add3A_2108 = arith.addi %add3A_2033, %add3A_2107 : i32
        %add3A_2109 = arith.constant 512 : i32
        %add3A_2110 = arith.addi %add3A_2108, %add3A_2109 : i32
        %multiple_of3A_2111 = tpu.assume_multiple %add3A_2110, 8 : i32
        %swap3A_2112 = arith.index_cast %multiple_of3A_2111 : i32 to index
        %swap3A_2113 = tpu.vector_load %arg12[%swap3A_2112] {strides = array<i32>} : memref<8192xf32, #tpu.memory_space<vmem>>, vector<16xf32>,
        tpu.vector_store %arg12[%swap3A_2112], %gather3A_2046 {strides = array<i32>} : memref<8192xf32, #tpu.memory_space<vmem>>, vector<16xf32>,
        %add3A_2114 = arith.constant 0 : i32
        %add3A_2115 = arith.addi %add3A_2033, %add3A_2114 : i32
        %add3A_2116 = arith.constant 640 : i32
        %add3A_2117 = arith.addi %add3A_2115, %add3A_2116 : i32
        %multiple_of3A_2118 = tpu.assume_multiple %add3A_2117, 8 : i32
        %swap3A_2119 = arith.index_cast %multiple_of3A_2118 : i32 to index
        %swap3A_2120 = tpu.vector_load %arg12[%swap3A_2119] {strides = array<i32>} : memref<8192xf32, #tpu.memory_space<vmem>>, vector<16xf32>,
        tpu.vector_store %arg12[%swap3A_2119], %gather3A_2049 {strides = array<i32>} : memref<8192xf32, #tpu.memory_space<vmem>>, vector<16xf32>,
        %add3A_2121 = arith.constant 0 : i32
        %add3A_2122 = arith.addi %add3A_2033, %add3A_2121 : i32
        %add3A_2123 = arith.constant 768 : i32
        %add3A_2124 = arith.addi %add3A_2122, %add3A_2123 : i32
        %multiple_of3A_2125 = tpu.assume_multiple %add3A_2124, 8 : i32
        %swap3A_2126 = arith.index_cast %multiple_of3A_2125 : i32 to index
        %swap3A_2127 = tpu.vector_load %arg12[%swap3A_2126] {strides = array<i32>} : memref<8192xf32, #tpu.memory_space<vmem>>, vector<16xf32>,
        tpu.vector_store %arg12[%swap3A_2126], %gather3A_2052 {strides = array<i32>} : memref<8192xf32, #tpu.memory_space<vmem>>, vector<16xf32>,
        %add3A_2128 = arith.constant 0 : i32
        %add3A_2129 = arith.addi %add3A_2033, %add3A_2128 : i32
        %add3A_2130 = arith.constant 896 : i32
        %add3A_2131 = arith.addi %add3A_2129, %add3A_2130 : i32
        %multiple_of3A_2132 = tpu.assume_multiple %add3A_2131, 8 : i32
        %swap3A_2133 = arith.index_cast %multiple_of3A_2132 : i32 to index
        %swap3A_2134 = tpu.vector_load %arg12[%swap3A_2133] {strides = array<i32>} : memref<8192xf32, #tpu.memory_space<vmem>>, vector<16xf32>,
        tpu.vector_store %arg12[%swap3A_2133], %gather3A_2055 {strides = array<i32>} : memref<8192xf32, #tpu.memory_space<vmem>>, vector<16xf32>,
        %add3A_2135 = arith.constant 2048 : i32
        %add3A_2136 = arith.addi %add3A_2033, %add3A_2135 : i32
        %add3A_2137 = arith.constant 0 : i32
        %add3A_2138 = arith.addi %add3A_2136, %add3A_2137 : i32
        %multiple_of3A_2139 = tpu.assume_multiple %add3A_2138, 8 : i32
        %swap3A_2140 = arith.index_cast %multiple_of3A_2139 : i32 to index
        %swap3A_2141 = tpu.vector_load %arg12[%swap3A_2140] {strides = array<i32>} : memref<8192xf32, #tpu.memory_space<vmem>>, vector<16xf32>,
        tpu.vector_store %arg12[%swap3A_2140], %gather3A_2058 {strides = array<i32>} : memref<8192xf32, #tpu.memory_space<vmem>>, vector<16xf32>,
        %add3A_2142 = arith.constant 2048 : i32
        %add3A_2143 = arith.addi %add3A_2033, %add3A_2142 : i32
        %add3A_2144 = arith.constant 128 : i32
        %add3A_2145 = arith.addi %add3A_2143, %add3A_2144 : i32
        %multiple_of3A_2146 = tpu.assume_multiple %add3A_2145, 8 : i32
        %swap3A_2147 = arith.index_cast %multiple_of3A_2146 : i32 to index
        %swap3A_2148 = tpu.vector_load %arg12[%swap3A_2147] {strides = array<i32>} : memref<8192xf32, #tpu.memory_space<vmem>>, vector<16xf32>,
        tpu.vector_store %arg12[%swap3A_2147], %gather3A_2061 {strides = array<i32>} : memref<8192xf32, #tpu.memory_space<vmem>>, vector<16xf32>,
        %add3A_2149 = arith.constant 2048 : i32
        %add3A_2150 = arith.addi %add3A_2033, %add3A_2149 : i32
        %add3A_2151 = arith.constant 256 : i32
        %add3A_2152 = arith.addi %add3A_2150, %add3A_2151 : i32
        %multiple_of3A_2153 = tpu.assume_multiple %add3A_2152, 8 : i32
        %swap3A_2154 = arith.index_cast %multiple_of3A_2153 : i32 to index
        %swap3A_2155 = tpu.vector_load %arg12[%swap3A_2154] {strides = array<i32>} : memref<8192xf32, #tpu.memory_space<vmem>>, vector<16xf32>,
        tpu.vector_store %arg12[%swap3A_2154], %gather3A_2064 {strides = array<i32>} : memref<8192xf32, #tpu.memory_space<vmem>>, vector<16xf32>,
        %add3A_2156 = arith.constant 2048 : i32
        %add3A_2157 = arith.addi %add3A_2033, %add3A_2156 : i32
        %add3A_2158 = arith.constant 384 : i32
        %add3A_2159 = arith.addi %add3A_2157, %add3A_2158 : i32
        %multiple_of3A_2160 = tpu.assume_multiple %add3A_2159, 8 : i32
        %swap3A_2161 = arith.index_cast %multiple_of3A_2160 : i32 to index
        %swap3A_2162 = tpu.vector_load %arg12[%swap3A_2161] {strides = array<i32>} : memref<8192xf32, #tpu.memory_space<vmem>>, vector<16xf32>,
        tpu.vector_store %arg12[%swap3A_2161], %gather3A_2067 {strides = array<i32>} : memref<8192xf32, #tpu.memory_space<vmem>>, vector<16xf32>,
        %add3A_2163 = arith.constant 2048 : i32
        %add3A_2164 = arith.addi %add3A_2033, %add3A_2163 : i32
        %add3A_2165 = arith.constant 512 : i32
        %add3A_2166 = arith.addi %add3A_2164, %add3A_2165 : i32
        %multiple_of3A_2167 = tpu.assume_multiple %add3A_2166, 8 : i32
        %swap3A_2168 = arith.index_cast %multiple_of3A_2167 : i32 to index
        %swap3A_2169 = tpu.vector_load %arg12[%swap3A_2168] {strides = array<i32>} : memref<8192xf32, #tpu.memory_space<vmem>>, vector<16xf32>,
        tpu.vector_store %arg12[%swap3A_2168], %gather3A_2070 {strides = array<i32>} : memref<8192xf32, #tpu.memory_space<vmem>>, vector<16xf32>,
        %add3A_2170 = arith.constant 2048 : i32
        %add3A_2171 = arith.addi %add3A_2033, %add3A_2170 : i32
        %add3A_2172 = arith.constant 640 : i32
        %add3A_2173 = arith.addi %add3A_2171, %add3A_2172 : i32
        %multiple_of3A_2174 = tpu.assume_multiple %add3A_2173, 8 : i32
        %swap3A_2175 = arith.index_cast %multiple_of3A_2174 : i32 to index
        %swap3A_2176 = tpu.vector_load %arg12[%swap3A_2175] {strides = array<i32>} : memref<8192xf32, #tpu.memory_space<vmem>>, vector<16xf32>,
        tpu.vector_store %arg12[%swap3A_2175], %gather3A_2073 {strides = array<i32>} : memref<8192xf32, #tpu.memory_space<vmem>>, vector<16xf32>,
        %add3A_2177 = arith.constant 2048 : i32
        %add3A_2178 = arith.addi %add3A_2033, %add3A_2177 : i32
        %add3A_2179 = arith.constant 768 : i32
        %add3A_2180 = arith.addi %add3A_2178, %add3A_2179 : i32
        %multiple_of3A_2181 = tpu.assume_multiple %add3A_2180, 8 : i32
        %swap3A_2182 = arith.index_cast %multiple_of3A_2181 : i32 to index
        %swap3A_2183 = tpu.vector_load %arg12[%swap3A_2182] {strides = array<i32>} : memref<8192xf32, #tpu.memory_space<vmem>>, vector<16xf32>,
        tpu.vector_store %arg12[%swap3A_2182], %gather3A_2076 {strides = array<i32>} : memref<8192xf32, #tpu.memory_space<vmem>>, vector<16xf32>,
        %add3A_2184 = arith.constant 2048 : i32
        %add3A_2185 = arith.addi %add3A_2033, %add3A_2184 : i32
        %add3A_2186 = arith.constant 896 : i32
        %add3A_2187 = arith.addi %add3A_2185, %add3A_2186 : i32
        %multiple_of3A_2188 = tpu.assume_multiple %add3A_2187, 8 : i32
        %swap3A_2189 = arith.index_cast %multiple_of3A_2188 : i32 to index
        %swap3A_2190 = tpu.vector_load %arg12[%swap3A_2189] {strides = array<i32>} : memref<8192xf32, #tpu.memory_space<vmem>>, vector<16xf32>,
        tpu.vector_store %arg12[%swap3A_2189], %gather3A_2079 {strides = array<i32>} : memref<8192xf32, #tpu.memory_space<vmem>>, vector<16xf32>,
        %broadcast_in_dim3A_2191 = arith.constant 16 : i32
        %broadcast_in_dim3A_2192 = vector.broadcast %broadcast_in_dim3A_2191 : i32 to vector<16xi32>
        %gather3A_2193 = tpu.vector_load_idx %arg8[%add3A_2025, %broadcast_in_dim3A_2192] : memref<256x32xf32, #tpu.memory_space<vmem>>[vector<16xi32>, vector<16xi32>], vector<16xf32>,
        %broadcast_in_dim3A_2194 = arith.constant 17 : i32
        %broadcast_in_dim3A_2195 = vector.broadcast %broadcast_in_dim3A_2194 : i32 to vector<16xi32>
        %gather3A_2196 = tpu.vector_load_idx %arg8[%add3A_2025, %broadcast_in_dim3A_2195] : memref<256x32xf32, #tpu.memory_space<vmem>>[vector<16xi32>, vector<16xi32>], vector<16xf32>,
        %broadcast_in_dim3A_2197 = arith.constant 18 : i32
        %broadcast_in_dim3A_2198 = vector.broadcast %broadcast_in_dim3A_2197 : i32 to vector<16xi32>
        %gather3A_2199 = tpu.vector_load_idx %arg8[%add3A_2025, %broadcast_in_dim3A_2198] : memref<256x32xf32, #tpu.memory_space<vmem>>[vector<16xi32>, vector<16xi32>], vector<16xf32>,
        %broadcast_in_dim3A_2200 = arith.constant 19 : i32
        %broadcast_in_dim3A_2201 = vector.broadcast %broadcast_in_dim3A_2200 : i32 to vector<16xi32>
        %gather3A_2202 = tpu.vector_load_idx %arg8[%add3A_2025, %broadcast_in_dim3A_2201] : memref<256x32xf32, #tpu.memory_space<vmem>>[vector<16xi32>, vector<16xi32>], vector<16xf32>,
        %broadcast_in_dim3A_2203 = arith.constant 20 : i32
        %broadcast_in_dim3A_2204 = vector.broadcast %broadcast_in_dim3A_2203 : i32 to vector<16xi32>
        %gather3A_2205 = tpu.vector_load_idx %arg8[%add3A_2025, %broadcast_in_dim3A_2204] : memref<256x32xf32, #tpu.memory_space<vmem>>[vector<16xi32>, vector<16xi32>], vector<16xf32>,
        %broadcast_in_dim3A_2206 = arith.constant 21 : i32
        %broadcast_in_dim3A_2207 = vector.broadcast %broadcast_in_dim3A_2206 : i32 to vector<16xi32>
        %gather3A_2208 = tpu.vector_load_idx %arg8[%add3A_2025, %broadcast_in_dim3A_2207] : memref<256x32xf32, #tpu.memory_space<vmem>>[vector<16xi32>, vector<16xi32>], vector<16xf32>,
        %broadcast_in_dim3A_2209 = arith.constant 22 : i32
        %broadcast_in_dim3A_2210 = vector.broadcast %broadcast_in_dim3A_2209 : i32 to vector<16xi32>
        %gather3A_2211 = tpu.vector_load_idx %arg8[%add3A_2025, %broadcast_in_dim3A_2210] : memref<256x32xf32, #tpu.memory_space<vmem>>[vector<16xi32>, vector<16xi32>], vector<16xf32>,
        %broadcast_in_dim3A_2212 = arith.constant 23 : i32
        %broadcast_in_dim3A_2213 = vector.broadcast %broadcast_in_dim3A_2212 : i32 to vector<16xi32>
        %gather3A_2214 = tpu.vector_load_idx %arg8[%add3A_2025, %broadcast_in_dim3A_2213] : memref<256x32xf32, #tpu.memory_space<vmem>>[vector<16xi32>, vector<16xi32>], vector<16xf32>,
        %broadcast_in_dim3A_2215 = arith.constant 24 : i32
        %broadcast_in_dim3A_2216 = vector.broadcast %broadcast_in_dim3A_2215 : i32 to vector<16xi32>
        %gather3A_2217 = tpu.vector_load_idx %arg8[%add3A_2025, %broadcast_in_dim3A_2216] : memref<256x32xf32, #tpu.memory_space<vmem>>[vector<16xi32>, vector<16xi32>], vector<16xf32>,
        %broadcast_in_dim3A_2218 = arith.constant 25 : i32
        %broadcast_in_dim3A_2219 = vector.broadcast %broadcast_in_dim3A_2218 : i32 to vector<16xi32>
        %gather3A_2220 = tpu.vector_load_idx %arg8[%add3A_2025, %broadcast_in_dim3A_2219] : memref<256x32xf32, #tpu.memory_space<vmem>>[vector<16xi32>, vector<16xi32>], vector<16xf32>,
        %broadcast_in_dim3A_2221 = arith.constant 26 : i32
        %broadcast_in_dim3A_2222 = vector.broadcast %broadcast_in_dim3A_2221 : i32 to vector<16xi32>
        %gather3A_2223 = tpu.vector_load_idx %arg8[%add3A_2025, %broadcast_in_dim3A_2222] : memref<256x32xf32, #tpu.memory_space<vmem>>[vector<16xi32>, vector<16xi32>], vector<16xf32>,
        %broadcast_in_dim3A_2224 = arith.constant 27 : i32
        %broadcast_in_dim3A_2225 = vector.broadcast %broadcast_in_dim3A_2224 : i32 to vector<16xi32>
        %gather3A_2226 = tpu.vector_load_idx %arg8[%add3A_2025, %broadcast_in_dim3A_2225] : memref<256x32xf32, #tpu.memory_space<vmem>>[vector<16xi32>, vector<16xi32>], vector<16xf32>,
        %broadcast_in_dim3A_2227 = arith.constant 28 : i32
        %broadcast_in_dim3A_2228 = vector.broadcast %broadcast_in_dim3A_2227 : i32 to vector<16xi32>
        %gather3A_2229 = tpu.vector_load_idx %arg8[%add3A_2025, %broadcast_in_dim3A_2228] : memref<256x32xf32, #tpu.memory_space<vmem>>[vector<16xi32>, vector<16xi32>], vector<16xf32>,
        %broadcast_in_dim3A_2230 = arith.constant 29 : i32
        %broadcast_in_dim3A_2231 = vector.broadcast %broadcast_in_dim3A_2230 : i32 to vector<16xi32>
        %gather3A_2232 = tpu.vector_load_idx %arg8[%add3A_2025, %broadcast_in_dim3A_2231] : memref<256x32xf32, #tpu.memory_space<vmem>>[vector<16xi32>, vector<16xi32>], vector<16xf32>,
        %broadcast_in_dim3A_2233 = arith.constant 30 : i32
        %broadcast_in_dim3A_2234 = vector.broadcast %broadcast_in_dim3A_2233 : i32 to vector<16xi32>
        %gather3A_2235 = tpu.vector_load_idx %arg8[%add3A_2025, %broadcast_in_dim3A_2234] : memref<256x32xf32, #tpu.memory_space<vmem>>[vector<16xi32>, vector<16xi32>], vector<16xf32>,
        %broadcast_in_dim3A_2236 = arith.constant 31 : i32
        %broadcast_in_dim3A_2237 = vector.broadcast %broadcast_in_dim3A_2236 : i32 to vector<16xi32>
        %gather3A_2238 = tpu.vector_load_idx %arg8[%add3A_2025, %broadcast_in_dim3A_2237] : memref<256x32xf32, #tpu.memory_space<vmem>>[vector<16xi32>, vector<16xi32>], vector<16xf32>,
        %add3A_2239 = arith.constant 4096 : i32
        %add3A_2240 = arith.addi %add3A_2033, %add3A_2239 : i32
        %add3A_2241 = arith.constant 0 : i32
        %add3A_2242 = arith.addi %add3A_2240, %add3A_2241 : i32
        %multiple_of3A_2243 = tpu.assume_multiple %add3A_2242, 8 : i32
        %swap3A_2244 = arith.index_cast %multiple_of3A_2243 : i32 to index
        %swap3A_2245 = tpu.vector_load %arg12[%swap3A_2244] {strides = array<i32>} : memref<8192xf32, #tpu.memory_space<vmem>>, vector<16xf32>,
        tpu.vector_store %arg12[%swap3A_2244], %gather3A_2193 {strides = array<i32>} : memref<8192xf32, #tpu.memory_space<vmem>>, vector<16xf32>,
        %add3A_2246 = arith.constant 4096 : i32
        %add3A_2247 = arith.addi %add3A_2033, %add3A_2246 : i32
        %add3A_2248 = arith.constant 128 : i32
        %add3A_2249 = arith.addi %add3A_2247, %add3A_2248 : i32
        %multiple_of3A_2250 = tpu.assume_multiple %add3A_2249, 8 : i32
        %swap3A_2251 = arith.index_cast %multiple_of3A_2250 : i32 to index
        %swap3A_2252 = tpu.vector_load %arg12[%swap3A_2251] {strides = array<i32>} : memref<8192xf32, #tpu.memory_space<vmem>>, vector<16xf32>,
        tpu.vector_store %arg12[%swap3A_2251], %gather3A_2196 {strides = array<i32>} : memref<8192xf32, #tpu.memory_space<vmem>>, vector<16xf32>,
        %add3A_2253 = arith.constant 4096 : i32
        %add3A_2254 = arith.addi %add3A_2033, %add3A_2253 : i32
        %add3A_2255 = arith.constant 256 : i32
        %add3A_2256 = arith.addi %add3A_2254, %add3A_2255 : i32
        %multiple_of3A_2257 = tpu.assume_multiple %add3A_2256, 8 : i32
        %swap3A_2258 = arith.index_cast %multiple_of3A_2257 : i32 to index
        %swap3A_2259 = tpu.vector_load %arg12[%swap3A_2258] {strides = array<i32>} : memref<8192xf32, #tpu.memory_space<vmem>>, vector<16xf32>,
        tpu.vector_store %arg12[%swap3A_2258], %gather3A_2199 {strides = array<i32>} : memref<8192xf32, #tpu.memory_space<vmem>>, vector<16xf32>,
        %add3A_2260 = arith.constant 4096 : i32
        %add3A_2261 = arith.addi %add3A_2033, %add3A_2260 : i32
        %add3A_2262 = arith.constant 384 : i32
        %add3A_2263 = arith.addi %add3A_2261, %add3A_2262 : i32
        %multiple_of3A_2264 = tpu.assume_multiple %add3A_2263, 8 : i32
        %swap3A_2265 = arith.index_cast %multiple_of3A_2264 : i32 to index
        %swap3A_2266 = tpu.vector_load %arg12[%swap3A_2265] {strides = array<i32>} : memref<8192xf32, #tpu.memory_space<vmem>>, vector<16xf32>,
        tpu.vector_store %arg12[%swap3A_2265], %gather3A_2202 {strides = array<i32>} : memref<8192xf32, #tpu.memory_space<vmem>>, vector<16xf32>,
        %add3A_2267 = arith.constant 4096 : i32
        %add3A_2268 = arith.addi %add3A_2033, %add3A_2267 : i32
        %add3A_2269 = arith.constant 512 : i32
        %add3A_2270 = arith.addi %add3A_2268, %add3A_2269 : i32
        %multiple_of3A_2271 = tpu.assume_multiple %add3A_2270, 8 : i32
        %swap3A_2272 = arith.index_cast %multiple_of3A_2271 : i32 to index
        %swap3A_2273 = tpu.vector_load %arg12[%swap3A_2272] {strides = array<i32>} : memref<8192xf32, #tpu.memory_space<vmem>>, vector<16xf32>,
        tpu.vector_store %arg12[%swap3A_2272], %gather3A_2205 {strides = array<i32>} : memref<8192xf32, #tpu.memory_space<vmem>>, vector<16xf32>,
        %add3A_2274 = arith.constant 4096 : i32
        %add3A_2275 = arith.addi %add3A_2033, %add3A_2274 : i32
        %add3A_2276 = arith.constant 640 : i32
        %add3A_2277 = arith.addi %add3A_2275, %add3A_2276 : i32
        %multiple_of3A_2278 = tpu.assume_multiple %add3A_2277, 8 : i32
        %swap3A_2279 = arith.index_cast %multiple_of3A_2278 : i32 to index
        %swap3A_2280 = tpu.vector_load %arg12[%swap3A_2279] {strides = array<i32>} : memref<8192xf32, #tpu.memory_space<vmem>>, vector<16xf32>,
        tpu.vector_store %arg12[%swap3A_2279], %gather3A_2208 {strides = array<i32>} : memref<8192xf32, #tpu.memory_space<vmem>>, vector<16xf32>,
        %add3A_2281 = arith.constant 4096 : i32
        %add3A_2282 = arith.addi %add3A_2033, %add3A_2281 : i32
        %add3A_2283 = arith.constant 768 : i32
        %add3A_2284 = arith.addi %add3A_2282, %add3A_2283 : i32
        %multiple_of3A_2285 = tpu.assume_multiple %add3A_2284, 8 : i32
        %swap3A_2286 = arith.index_cast %multiple_of3A_2285 : i32 to index
        %swap3A_2287 = tpu.vector_load %arg12[%swap3A_2286] {strides = array<i32>} : memref<8192xf32, #tpu.memory_space<vmem>>, vector<16xf32>,
        tpu.vector_store %arg12[%swap3A_2286], %gather3A_2211 {strides = array<i32>} : memref<8192xf32, #tpu.memory_space<vmem>>, vector<16xf32>,
        %add3A_2288 = arith.constant 4096 : i32
        %add3A_2289 = arith.addi %add3A_2033, %add3A_2288 : i32
        %add3A_2290 = arith.constant 896 : i32
        %add3A_2291 = arith.addi %add3A_2289, %add3A_2290 : i32
        %multiple_of3A_2292 = tpu.assume_multiple %add3A_2291, 8 : i32
        %swap3A_2293 = arith.index_cast %multiple_of3A_2292 : i32 to index
        %swap3A_2294 = tpu.vector_load %arg12[%swap3A_2293] {strides = array<i32>} : memref<8192xf32, #tpu.memory_space<vmem>>, vector<16xf32>,
        tpu.vector_store %arg12[%swap3A_2293], %gather3A_2214 {strides = array<i32>} : memref<8192xf32, #tpu.memory_space<vmem>>, vector<16xf32>,
        %add3A_2295 = arith.constant 6144 : i32
        %add3A_2296 = arith.addi %add3A_2033, %add3A_2295 : i32
        %add3A_2297 = arith.constant 0 : i32
        %add3A_2298 = arith.addi %add3A_2296, %add3A_2297 : i32
        %multiple_of3A_2299 = tpu.assume_multiple %add3A_2298, 8 : i32
        %swap3A_2300 = arith.index_cast %multiple_of3A_2299 : i32 to index
        %swap3A_2301 = tpu.vector_load %arg12[%swap3A_2300] {strides = array<i32>} : memref<8192xf32, #tpu.memory_space<vmem>>, vector<16xf32>,
        tpu.vector_store %arg12[%swap3A_2300], %gather3A_2217 {strides = array<i32>} : memref<8192xf32, #tpu.memory_space<vmem>>, vector<16xf32>,
        %add3A_2302 = arith.constant 6144 : i32
        %add3A_2303 = arith.addi %add3A_2033, %add3A_2302 : i32
        %add3A_2304 = arith.constant 128 : i32
        %add3A_2305 = arith.addi %add3A_2303, %add3A_2304 : i32
        %multiple_of3A_2306 = tpu.assume_multiple %add3A_2305, 8 : i32
        %swap3A_2307 = arith.index_cast %multiple_of3A_2306 : i32 to index
        %swap3A_2308 = tpu.vector_load %arg12[%swap3A_2307] {strides = array<i32>} : memref<8192xf32, #tpu.memory_space<vmem>>, vector<16xf32>,
        tpu.vector_store %arg12[%swap3A_2307], %gather3A_2220 {strides = array<i32>} : memref<8192xf32, #tpu.memory_space<vmem>>, vector<16xf32>,
        %add3A_2309 = arith.constant 6144 : i32
        %add3A_2310 = arith.addi %add3A_2033, %add3A_2309 : i32
        %add3A_2311 = arith.constant 256 : i32
        %add3A_2312 = arith.addi %add3A_2310, %add3A_2311 : i32
        %multiple_of3A_2313 = tpu.assume_multiple %add3A_2312, 8 : i32
        %swap3A_2314 = arith.index_cast %multiple_of3A_2313 : i32 to index
        %swap3A_2315 = tpu.vector_load %arg12[%swap3A_2314] {strides = array<i32>} : memref<8192xf32, #tpu.memory_space<vmem>>, vector<16xf32>,
        tpu.vector_store %arg12[%swap3A_2314], %gather3A_2223 {strides = array<i32>} : memref<8192xf32, #tpu.memory_space<vmem>>, vector<16xf32>,
        %add3A_2316 = arith.constant 6144 : i32
        %add3A_2317 = arith.addi %add3A_2033, %add3A_2316 : i32
        %add3A_2318 = arith.constant 384 : i32
        %add3A_2319 = arith.addi %add3A_2317, %add3A_2318 : i32
        %multiple_of3A_2320 = tpu.assume_multiple %add3A_2319, 8 : i32
        %swap3A_2321 = arith.index_cast %multiple_of3A_2320 : i32 to index
        %swap3A_2322 = tpu.vector_load %arg12[%swap3A_2321] {strides = array<i32>} : memref<8192xf32, #tpu.memory_space<vmem>>, vector<16xf32>,
        tpu.vector_store %arg12[%swap3A_2321], %gather3A_2226 {strides = array<i32>} : memref<8192xf32, #tpu.memory_space<vmem>>, vector<16xf32>,
        %add3A_2323 = arith.constant 6144 : i32
        %add3A_2324 = arith.addi %add3A_2033, %add3A_2323 : i32
        %add3A_2325 = arith.constant 512 : i32
        %add3A_2326 = arith.addi %add3A_2324, %add3A_2325 : i32
        %multiple_of3A_2327 = tpu.assume_multiple %add3A_2326, 8 : i32
        %swap3A_2328 = arith.index_cast %multiple_of3A_2327 : i32 to index
        %swap3A_2329 = tpu.vector_load %arg12[%swap3A_2328] {strides = array<i32>} : memref<8192xf32, #tpu.memory_space<vmem>>, vector<16xf32>,
        tpu.vector_store %arg12[%swap3A_2328], %gather3A_2229 {strides = array<i32>} : memref<8192xf32, #tpu.memory_space<vmem>>, vector<16xf32>,
        %add3A_2330 = arith.constant 6144 : i32
        %add3A_2331 = arith.addi %add3A_2033, %add3A_2330 : i32
        %add3A_2332 = arith.constant 640 : i32
        %add3A_2333 = arith.addi %add3A_2331, %add3A_2332 : i32
        %multiple_of3A_2334 = tpu.assume_multiple %add3A_2333, 8 : i32
        %swap3A_2335 = arith.index_cast %multiple_of3A_2334 : i32 to index
        %swap3A_2336 = tpu.vector_load %arg12[%swap3A_2335] {strides = array<i32>} : memref<8192xf32, #tpu.memory_space<vmem>>, vector<16xf32>,
        tpu.vector_store %arg12[%swap3A_2335], %gather3A_2232 {strides = array<i32>} : memref<8192xf32, #tpu.memory_space<vmem>>, vector<16xf32>,
        %add3A_2337 = arith.constant 6144 : i32
        %add3A_2338 = arith.addi %add3A_2033, %add3A_2337 : i32
        %add3A_2339 = arith.constant 768 : i32
        %add3A_2340 = arith.addi %add3A_2338, %add3A_2339 : i32
        %multiple_of3A_2341 = tpu.assume_multiple %add3A_2340, 8 : i32
        %swap3A_2342 = arith.index_cast %multiple_of3A_2341 : i32 to index
        %swap3A_2343 = tpu.vector_load %arg12[%swap3A_2342] {strides = array<i32>} : memref<8192xf32, #tpu.memory_space<vmem>>, vector<16xf32>,
        tpu.vector_store %arg12[%swap3A_2342], %gather3A_2235 {strides = array<i32>} : memref<8192xf32, #tpu.memory_space<vmem>>, vector<16xf32>,
        %add3A_2344 = arith.constant 6144 : i32
        %add3A_2345 = arith.addi %add3A_2033, %add3A_2344 : i32
        %add3A_2346 = arith.constant 896 : i32
        %add3A_2347 = arith.addi %add3A_2345, %add3A_2346 : i32
        %multiple_of3A_2348 = tpu.assume_multiple %add3A_2347, 8 : i32
        %swap3A_2349 = arith.index_cast %multiple_of3A_2348 : i32 to index
        %swap3A_2350 = tpu.vector_load %arg12[%swap3A_2349] {strides = array<i32>} : memref<8192xf32, #tpu.memory_space<vmem>>, vector<16xf32>,
        tpu.vector_store %arg12[%swap3A_2349], %gather3A_2238 {strides = array<i32>} : memref<8192xf32, #tpu.memory_space<vmem>>, vector<16xf32>,
      }
      %scan3A_1525 = arith.constant 16 : i32
      %jit3A_1526 = arith.constant 64 : i32
      %div3A_1527 = arith.divsi %add3A_1498, %jit3A_1526 : i32
      %sign3A_1528 = arith.constant 0 : i32
      %sign3A_1529 = arith.cmpi sgt, %add3A_1498, %sign3A_1528 : i32
      %sign3A_1530 = arith.extui %sign3A_1529 : i1 to i32
      %sign3A_1531 = arith.constant 0 : i32
      %sign3A_1532 = arith.cmpi slt, %add3A_1498, %sign3A_1531 : i32
      %sign3A_1533 = arith.extui %sign3A_1532 : i1 to i32
      %sign3A_1534 = arith.subi %sign3A_1530, %sign3A_1533 : i32
      %sign3A_1535 = arith.constant 0 : i32
      %sign3A_1536 = arith.cmpi sgt, %jit3A_1526, %sign3A_1535 : i32
      %sign3A_1537 = arith.extui %sign3A_1536 : i1 to i32
      %sign3A_1538 = arith.constant 0 : i32
      %sign3A_1539 = arith.cmpi slt, %jit3A_1526, %sign3A_1538 : i32
      %sign3A_1540 = arith.extui %sign3A_1539 : i1 to i32
      %sign3A_1541 = arith.subi %sign3A_1537, %sign3A_1540 : i32
      %ne3A_1542 = arith.cmpi ne, %sign3A_1534, %sign3A_1541 : i32
      %rem3A_1543 = arith.remsi %add3A_1498, %jit3A_1526 : i32
      %ne3A_1544 = arith.constant 0 : i32
      %ne3A_1545 = arith.cmpi ne, %rem3A_1543, %ne3A_1544 : i32
      %and3A_1546 = arith.andi %ne3A_1542, %ne3A_1545 : i1
      %sub3A_1547 = arith.constant 1 : i32
      %sub3A_1548 = arith.subi %div3A_1527, %sub3A_1547 : i32
      %select_n3A_1549 = arith.select %and3A_1546, %sub3A_1548, %div3A_1527 : i32
      %jit3A_1550 = arith.constant 64 : i32
      %eq3A_1551 = arith.constant 0 : i32
      %eq3A_1552 = arith.cmpi eq, %jit3A_1550, %eq3A_1551 : i32
      %jit3A_1553 = arith.constant 1 : i32
      %select_n3A_1554 = arith.select %eq3A_1552, %jit3A_1553, %jit3A_1550 : i32
      %rem3A_1555 = arith.remsi %add3A_1498, %select_n3A_1554 : i32
      %ne3A_1556 = arith.constant 0 : i32
      %ne3A_1557 = arith.cmpi ne, %rem3A_1555, %ne3A_1556 : i32
      %lt3A_1558 = arith.constant 0 : i32
      %lt3A_1559 = arith.cmpi slt, %rem3A_1555, %lt3A_1558 : i32
      %lt3A_1560 = arith.constant 0 : i32
      %lt3A_1561 = arith.cmpi slt, %select_n3A_1554, %lt3A_1560 : i32
      %ne3A_1562 = arith.xori %lt3A_1559, %lt3A_1561 : i1
      %and3A_1563 = arith.andi %ne3A_1562, %ne3A_1557 : i1
      %add3A_1564 = arith.addi %rem3A_1555, %select_n3A_1554 : i32
      %select_n3A_1565 = arith.select %and3A_1563, %add3A_1564, %rem3A_1555 : i32
      %mul3A_1566 = arith.constant 4 : i32
      %mul3A_1567 = arith.muli %select_n3A_1549, %mul3A_1566 : i32
      %add3A_1568 = arith.constant 0 : i32
      %add3A_1569 = arith.addi %mul3A_1567, %add3A_1568 : i32
      %mul3A_1570 = arith.constant 128 : i32
      %mul3A_1571 = arith.muli %add3A_1569, %mul3A_1570 : i32
      %mul3A_1572 = arith.constant 2 : i32
      %mul3A_1573 = arith.muli %mul3A_1572, %select_n3A_1565 : i32
      %add3A_1574 = arith.addi %mul3A_1571, %mul3A_1573 : i32
      %mul3A_1575 = arith.constant 1024 : i32
      %mul3A_1576 = arith.muli %add3A_1574, %mul3A_1575 : i32
      %multiple_of3A_1577 = tpu.assume_multiple %mul3A_1576, 8 : i32
      %dma_start3A_1578 = arith.constant 0 : i32
      %dma_start3A_1579 = tpu.memref_slice %arg12[%dma_start3A_1578] : memref<8192xf32, #tpu.memory_space<vmem>> -> memref<2048xf32, #tpu.memory_space<vmem>>
      %dma_start3A_1580 = tpu.memref_slice %arg4[%multiple_of3A_1577] : memref<26214400xf32, #tpu.memory_space<hbm>> -> memref<2048xf32, #tpu.memory_space<hbm>>
      %dma_start3A_1581 = tpu.memref_slice %arg4[%multiple_of3A_1577] : memref<26214400xf32, #tpu.memory_space<hbm>> -> memref<2048xf32, #tpu.memory_space<hbm>>
      %dma_start3A_1582 = arith.constant 0 : i32
      %dma_start3A_1583 = tpu.memref_slice %arg12[%dma_start3A_1582] : memref<8192xf32, #tpu.memory_space<vmem>> -> memref<2048xf32, #tpu.memory_space<vmem>>
      tpu.enqueue_dma source(%dma_start3A_1583 : memref<2048xf32, #tpu.memory_space<vmem>>) target(%dma_start3A_1581 : memref<2048xf32, #tpu.memory_space<hbm>>) target_semaphore(%arg20 : memref<!tpu.dma_semaphore, #tpu.memory_space<semaphore_mem>>)
      %jit3A_1584 = arith.constant 64 : i32
      %div3A_1585 = arith.divsi %add3A_1498, %jit3A_1584 : i32
      %sign3A_1586 = arith.constant 0 : i32
      %sign3A_1587 = arith.cmpi sgt, %add3A_1498, %sign3A_1586 : i32
      %sign3A_1588 = arith.extui %sign3A_1587 : i1 to i32
      %sign3A_1589 = arith.constant 0 : i32
      %sign3A_1590 = arith.cmpi slt, %add3A_1498, %sign3A_1589 : i32
      %sign3A_1591 = arith.extui %sign3A_1590 : i1 to i32
      %sign3A_1592 = arith.subi %sign3A_1588, %sign3A_1591 : i32
      %sign3A_1593 = arith.constant 0 : i32
      %sign3A_1594 = arith.cmpi sgt, %jit3A_1584, %sign3A_1593 : i32
      %sign3A_1595 = arith.extui %sign3A_1594 : i1 to i32
      %sign3A_1596 = arith.constant 0 : i32
      %sign3A_1597 = arith.cmpi slt, %jit3A_1584, %sign3A_1596 : i32
      %sign3A_1598 = arith.extui %sign3A_1597 : i1 to i32
      %sign3A_1599 = arith.subi %sign3A_1595, %sign3A_1598 : i32
      %ne3A_1600 = arith.cmpi ne, %sign3A_1592, %sign3A_1599 : i32
      %rem3A_1601 = arith.remsi %add3A_1498, %jit3A_1584 : i32
      %ne3A_1602 = arith.constant 0 : i32
      %ne3A_1603 = arith.cmpi ne, %rem3A_1601, %ne3A_1602 : i32
      %and3A_1604 = arith.andi %ne3A_1600, %ne3A_1603 : i1
      %sub3A_1605 = arith.constant 1 : i32
      %sub3A_1606 = arith.subi %div3A_1585, %sub3A_1605 : i32
      %select_n3A_1607 = arith.select %and3A_1604, %sub3A_1606, %div3A_1585 : i32
      %jit3A_1608 = arith.constant 64 : i32
      %eq3A_1609 = arith.constant 0 : i32
      %eq3A_1610 = arith.cmpi eq, %jit3A_1608, %eq3A_1609 : i32
      %jit3A_1611 = arith.constant 1 : i32
      %select_n3A_1612 = arith.select %eq3A_1610, %jit3A_1611, %jit3A_1608 : i32
      %rem3A_1613 = arith.remsi %add3A_1498, %select_n3A_1612 : i32
      %ne3A_1614 = arith.constant 0 : i32
      %ne3A_1615 = arith.cmpi ne, %rem3A_1613, %ne3A_1614 : i32
      %lt3A_1616 = arith.constant 0 : i32
      %lt3A_1617 = arith.cmpi slt, %rem3A_1613, %lt3A_1616 : i32
      %lt3A_1618 = arith.constant 0 : i32
      %lt3A_1619 = arith.cmpi slt, %select_n3A_1612, %lt3A_1618 : i32
      %ne3A_1620 = arith.xori %lt3A_1617, %lt3A_1619 : i1
      %and3A_1621 = arith.andi %ne3A_1620, %ne3A_1615 : i1
      %add3A_1622 = arith.addi %rem3A_1613, %select_n3A_1612 : i32
      %select_n3A_1623 = arith.select %and3A_1621, %add3A_1622, %rem3A_1613 : i32
      %mul3A_1624 = arith.constant 4 : i32
      %mul3A_1625 = arith.muli %select_n3A_1607, %mul3A_1624 : i32
      %add3A_1626 = arith.constant 1 : i32
      %add3A_1627 = arith.addi %mul3A_1625, %add3A_1626 : i32
      %mul3A_1628 = arith.constant 128 : i32
      %mul3A_1629 = arith.muli %add3A_1627, %mul3A_1628 : i32
      %mul3A_1630 = arith.constant 2 : i32
      %mul3A_1631 = arith.muli %mul3A_1630, %select_n3A_1623 : i32
      %add3A_1632 = arith.addi %mul3A_1629, %mul3A_1631 : i32
      %mul3A_1633 = arith.constant 1024 : i32
      %mul3A_1634 = arith.muli %add3A_1632, %mul3A_1633 : i32
      %multiple_of3A_1635 = tpu.assume_multiple %mul3A_1634, 8 : i32
      %dma_start3A_1636 = arith.constant 2048 : i32
      %dma_start3A_1637 = tpu.memref_slice %arg12[%dma_start3A_1636] : memref<8192xf32, #tpu.memory_space<vmem>> -> memref<2048xf32, #tpu.memory_space<vmem>>
      %dma_start3A_1638 = tpu.memref_slice %arg4[%multiple_of3A_1635] : memref<26214400xf32, #tpu.memory_space<hbm>> -> memref<2048xf32, #tpu.memory_space<hbm>>
      %dma_start3A_1639 = tpu.memref_slice %arg4[%multiple_of3A_1635] : memref<26214400xf32, #tpu.memory_space<hbm>> -> memref<2048xf32, #tpu.memory_space<hbm>>
      %dma_start3A_1640 = arith.constant 2048 : i32
      %dma_start3A_1641 = tpu.memref_slice %arg12[%dma_start3A_1640] : memref<8192xf32, #tpu.memory_space<vmem>> -> memref<2048xf32, #tpu.memory_space<vmem>>
      tpu.enqueue_dma source(%dma_start3A_1641 : memref<2048xf32, #tpu.memory_space<vmem>>) target(%dma_start3A_1639 : memref<2048xf32, #tpu.memory_space<hbm>>) target_semaphore(%arg20 : memref<!tpu.dma_semaphore, #tpu.memory_space<semaphore_mem>>)
      %jit3A_1642 = arith.constant 64 : i32
      %div3A_1643 = arith.divsi %add3A_1498, %jit3A_1642 : i32
      %sign3A_1644 = arith.constant 0 : i32
      %sign3A_1645 = arith.cmpi sgt, %add3A_1498, %sign3A_1644 : i32
      %sign3A_1646 = arith.extui %sign3A_1645 : i1 to i32
      %sign3A_1647 = arith.constant 0 : i32
      %sign3A_1648 = arith.cmpi slt, %add3A_1498, %sign3A_1647 : i32
      %sign3A_1649 = arith.extui %sign3A_1648 : i1 to i32
      %sign3A_1650 = arith.subi %sign3A_1646, %sign3A_1649 : i32
      %sign3A_1651 = arith.constant 0 : i32
      %sign3A_1652 = arith.cmpi sgt, %jit3A_1642, %sign3A_1651 : i32
      %sign3A_1653 = arith.extui %sign3A_1652 : i1 to i32
      %sign3A_1654 = arith.constant 0 : i32
      %sign3A_1655 = arith.cmpi slt, %jit3A_1642, %sign3A_1654 : i32
      %sign3A_1656 = arith.extui %sign3A_1655 : i1 to i32
      %sign3A_1657 = arith.subi %sign3A_1653, %sign3A_1656 : i32
      %ne3A_1658 = arith.cmpi ne, %sign3A_1650, %sign3A_1657 : i32
      %rem3A_1659 = arith.remsi %add3A_1498, %jit3A_1642 : i32
      %ne3A_1660 = arith.constant 0 : i32
      %ne3A_1661 = arith.cmpi ne, %rem3A_1659, %ne3A_1660 : i32
      %and3A_1662 = arith.andi %ne3A_1658, %ne3A_1661 : i1
      %sub3A_1663 = arith.constant 1 : i32
      %sub3A_1664 = arith.subi %div3A_1643, %sub3A_1663 : i32
      %select_n3A_1665 = arith.select %and3A_1662, %sub3A_1664, %div3A_1643 : i32
      %jit3A_1666 = arith.constant 64 : i32
      %eq3A_1667 = arith.constant 0 : i32
      %eq3A_1668 = arith.cmpi eq, %jit3A_1666, %eq3A_1667 : i32
      %jit3A_1669 = arith.constant 1 : i32
      %select_n3A_1670 = arith.select %eq3A_1668, %jit3A_1669, %jit3A_1666 : i32
      %rem3A_1671 = arith.remsi %add3A_1498, %select_n3A_1670 : i32
      %ne3A_1672 = arith.constant 0 : i32
      %ne3A_1673 = arith.cmpi ne, %rem3A_1671, %ne3A_1672 : i32
      %lt3A_1674 = arith.constant 0 : i32
      %lt3A_1675 = arith.cmpi slt, %rem3A_1671, %lt3A_1674 : i32
      %lt3A_1676 = arith.constant 0 : i32
      %lt3A_1677 = arith.cmpi slt, %select_n3A_1670, %lt3A_1676 : i32
      %ne3A_1678 = arith.xori %lt3A_1675, %lt3A_1677 : i1
      %and3A_1679 = arith.andi %ne3A_1678, %ne3A_1673 : i1
      %add3A_1680 = arith.addi %rem3A_1671, %select_n3A_1670 : i32
      %select_n3A_1681 = arith.select %and3A_1679, %add3A_1680, %rem3A_1671 : i32
      %mul3A_1682 = arith.constant 4 : i32
      %mul3A_1683 = arith.muli %select_n3A_1665, %mul3A_1682 : i32
      %add3A_1684 = arith.constant 2 : i32
      %add3A_1685 = arith.addi %mul3A_1683, %add3A_1684 : i32
      %mul3A_1686 = arith.constant 128 : i32
      %mul3A_1687 = arith.muli %add3A_1685, %mul3A_1686 : i32
      %mul3A_1688 = arith.constant 2 : i32
      %mul3A_1689 = arith.muli %mul3A_1688, %select_n3A_1681 : i32
      %add3A_1690 = arith.addi %mul3A_1687, %mul3A_1689 : i32
      %mul3A_1691 = arith.constant 1024 : i32
      %mul3A_1692 = arith.muli %add3A_1690, %mul3A_1691 : i32
      %multiple_of3A_1693 = tpu.assume_multiple %mul3A_1692, 8 : i32
      %dma_start3A_1694 = arith.constant 4096 : i32
      %dma_start3A_1695 = tpu.memref_slice %arg12[%dma_start3A_1694] : memref<8192xf32, #tpu.memory_space<vmem>> -> memref<2048xf32, #tpu.memory_space<vmem>>
      %dma_start3A_1696 = tpu.memref_slice %arg4[%multiple_of3A_1693] : memref<26214400xf32, #tpu.memory_space<hbm>> -> memref<2048xf32, #tpu.memory_space<hbm>>
      %dma_start3A_1697 = tpu.memref_slice %arg4[%multiple_of3A_1693] : memref<26214400xf32, #tpu.memory_space<hbm>> -> memref<2048xf32, #tpu.memory_space<hbm>>
      %dma_start3A_1698 = arith.constant 4096 : i32
      %dma_start3A_1699 = tpu.memref_slice %arg12[%dma_start3A_1698] : memref<8192xf32, #tpu.memory_space<vmem>> -> memref<2048xf32, #tpu.memory_space<vmem>>
      tpu.enqueue_dma source(%dma_start3A_1699 : memref<2048xf32, #tpu.memory_space<vmem>>) target(%dma_start3A_1697 : memref<2048xf32, #tpu.memory_space<hbm>>) target_semaphore(%arg20 : memref<!tpu.dma_semaphore, #tpu.memory_space<semaphore_mem>>)
      %jit3A_1700 = arith.constant 64 : i32
      %div3A_1701 = arith.divsi %add3A_1498, %jit3A_1700 : i32
      %sign3A_1702 = arith.constant 0 : i32
      %sign3A_1703 = arith.cmpi sgt, %add3A_1498, %sign3A_1702 : i32
      %sign3A_1704 = arith.extui %sign3A_1703 : i1 to i32
      %sign3A_1705 = arith.constant 0 : i32
      %sign3A_1706 = arith.cmpi slt, %add3A_1498, %sign3A_1705 : i32
      %sign3A_1707 = arith.extui %sign3A_1706 : i1 to i32
      %sign3A_1708 = arith.subi %sign3A_1704, %sign3A_1707 : i32
      %sign3A_1709 = arith.constant 0 : i32
      %sign3A_1710 = arith.cmpi sgt, %jit3A_1700, %sign3A_1709 : i32
      %sign3A_1711 = arith.extui %sign3A_1710 : i1 to i32
      %sign3A_1712 = arith.constant 0 : i32
      %sign3A_1713 = arith.cmpi slt, %jit3A_1700, %sign3A_1712 : i32
      %sign3A_1714 = arith.extui %sign3A_1713 : i1 to i32
      %sign3A_1715 = arith.subi %sign3A_1711, %sign3A_1714 : i32
      %ne3A_1716 = arith.cmpi ne, %sign3A_1708, %sign3A_1715 : i32
      %rem3A_1717 = arith.remsi %add3A_1498, %jit3A_1700 : i32
      %ne3A_1718 = arith.constant 0 : i32
      %ne3A_1719 = arith.cmpi ne, %rem3A_1717, %ne3A_1718 : i32
      %and3A_1720 = arith.andi %ne3A_1716, %ne3A_1719 : i1
      %sub3A_1721 = arith.constant 1 : i32
      %sub3A_1722 = arith.subi %div3A_1701, %sub3A_1721 : i32
      %select_n3A_1723 = arith.select %and3A_1720, %sub3A_1722, %div3A_1701 : i32
      %jit3A_1724 = arith.constant 64 : i32
      %eq3A_1725 = arith.constant 0 : i32
      %eq3A_1726 = arith.cmpi eq, %jit3A_1724, %eq3A_1725 : i32
      %jit3A_1727 = arith.constant 1 : i32
      %select_n3A_1728 = arith.select %eq3A_1726, %jit3A_1727, %jit3A_1724 : i32
      %rem3A_1729 = arith.remsi %add3A_1498, %select_n3A_1728 : i32
      %ne3A_1730 = arith.constant 0 : i32
      %ne3A_1731 = arith.cmpi ne, %rem3A_1729, %ne3A_1730 : i32
      %lt3A_1732 = arith.constant 0 : i32
      %lt3A_1733 = arith.cmpi slt, %rem3A_1729, %lt3A_1732 : i32
      %lt3A_1734 = arith.constant 0 : i32
      %lt3A_1735 = arith.cmpi slt, %select_n3A_1728, %lt3A_1734 : i32
      %ne3A_1736 = arith.xori %lt3A_1733, %lt3A_1735 : i1
      %and3A_1737 = arith.andi %ne3A_1736, %ne3A_1731 : i1
      %add3A_1738 = arith.addi %rem3A_1729, %select_n3A_1728 : i32
      %select_n3A_1739 = arith.select %and3A_1737, %add3A_1738, %rem3A_1729 : i32
      %mul3A_1740 = arith.constant 4 : i32
      %mul3A_1741 = arith.muli %select_n3A_1723, %mul3A_1740 : i32
      %add3A_1742 = arith.constant 3 : i32
      %add3A_1743 = arith.addi %mul3A_1741, %add3A_1742 : i32
      %mul3A_1744 = arith.constant 128 : i32
      %mul3A_1745 = arith.muli %add3A_1743, %mul3A_1744 : i32
      %mul3A_1746 = arith.constant 2 : i32
      %mul3A_1747 = arith.muli %mul3A_1746, %select_n3A_1739 : i32
      %add3A_1748 = arith.addi %mul3A_1745, %mul3A_1747 : i32
      %mul3A_1749 = arith.constant 1024 : i32
      %mul3A_1750 = arith.muli %add3A_1748, %mul3A_1749 : i32
      %multiple_of3A_1751 = tpu.assume_multiple %mul3A_1750, 8 : i32
      %dma_start3A_1752 = arith.constant 6144 : i32
      %dma_start3A_1753 = tpu.memref_slice %arg12[%dma_start3A_1752] : memref<8192xf32, #tpu.memory_space<vmem>> -> memref<2048xf32, #tpu.memory_space<vmem>>
      %dma_start3A_1754 = tpu.memref_slice %arg4[%multiple_of3A_1751] : memref<26214400xf32, #tpu.memory_space<hbm>> -> memref<2048xf32, #tpu.memory_space<hbm>>
      %dma_start3A_1755 = tpu.memref_slice %arg4[%multiple_of3A_1751] : memref<26214400xf32, #tpu.memory_space<hbm>> -> memref<2048xf32, #tpu.memory_space<hbm>>
      %dma_start3A_1756 = arith.constant 6144 : i32
      %dma_start3A_1757 = tpu.memref_slice %arg12[%dma_start3A_1756] : memref<8192xf32, #tpu.memory_space<vmem>> -> memref<2048xf32, #tpu.memory_space<vmem>>
      tpu.enqueue_dma source(%dma_start3A_1757 : memref<2048xf32, #tpu.memory_space<vmem>>) target(%dma_start3A_1755 : memref<2048xf32, #tpu.memory_space<hbm>>) target_semaphore(%arg20 : memref<!tpu.dma_semaphore, #tpu.memory_space<semaphore_mem>>)
      %mul3A_1758 = arith.constant 4 : i32
      %mul3A_1759 = arith.muli %mul3A_1758, %scan3A_968 : i32
      %add3A_1760 = arith.constant 3 : i32
      %add3A_1761 = arith.addi %mul3A_1759, %add3A_1760 : i32
      %add3A_1762 = arith.addi %mul3A_2, %add3A_1761 : i32
      %add3A_1763 = arith.constant 4 : i32
      %add3A_1764 = arith.addi %add3A_1761, %add3A_1763 : i32
      %sub3A_1765 = arith.constant 1 : i32
      %sub3A_1766 = arith.subi %add3A_1764, %sub3A_1765 : i32
      %lt3A_1767 = arith.constant 100 : i32
      %lt3A_1768 = arith.cmpi slt, %sub3A_1766, %lt3A_1767 : i32
      %convert_element_type3A_1769 = arith.extui %lt3A_1768 : i1 to i32
      %cond3A_1770 = arith.constant 0 : i32
      %cond3A_1771 = arith.cmpi ne, %convert_element_type3A_1769, %cond3A_1770 : i32
      scf.if %cond3A_1771 {
        %add3A_2022 = arith.constant 4 : i32
        %add3A_2023 = arith.addi %add3A_1761, %add3A_2022 : i32
        %sub3A_2024 = arith.constant 1 : i32
        %sub3A_2025 = arith.subi %add3A_2023, %sub3A_2024 : i32
        %mul3A_2026 = arith.constant 256 : i32
        %mul3A_2027 = arith.muli %sub3A_2025, %mul3A_2026 : i32
        %multiple_of3A_2028 = tpu.assume_multiple %mul3A_2027, 8 : i32
        %dma_start3A_2029 = tpu.memref_slice %arg5[%multiple_of3A_2028] : memref<25600xi32, #tpu.memory_space<vmem>> -> memref<256xi32, #tpu.memory_space<vmem>>
        %dma_start3A_2030 = arith.constant 0 : i32
        %dma_start3A_2031 = arith.constant 0 : i32
        %dma_start3A_2032 = tpu.memref_slice %arg2[%dma_start3A_2030, %dma_start3A_2031] : memref<1000000x32xf32, #tpu.memory_space<hbm>> -> memref<1000000x32xf32, #tpu.memory_space<hbm>>
        tpu.enqueue_indirect_dma source(%dma_start3A_2032 : memref<1000000x32xf32, #tpu.memory_space<hbm>>) target(%arg8 : memref<256x32xf32, #tpu.memory_space<vmem>>) offsets(%dma_start3A_2029 : memref<256xi32, #tpu.memory_space<vmem>>) semaphore(%arg16 : memref<!tpu.dma_semaphore, #tpu.memory_space<semaphore_mem>>)
      } else {
      }
      %mul3A_1772 = arith.constant 256 : i32
      %mul3A_1773 = arith.muli %add3A_1761, %mul3A_1772 : i32
      %multiple_of3A_1774 = tpu.assume_multiple %mul3A_1773, 8 : i32
      %dma_wait3A_1775 = tpu.memref_slice %arg5[%multiple_of3A_1774] : memref<25600xi32, #tpu.memory_space<vmem>> -> memref<256xi32, #tpu.memory_space<vmem>>
      %dma_wait3A_1776 = arith.constant 0 : i32
      %dma_wait3A_1777 = arith.constant 0 : i32
      %dma_wait3A_1778 = tpu.memref_slice %arg2[%dma_wait3A_1776, %dma_wait3A_1777] : memref<1000000x32xf32, #tpu.memory_space<hbm>> -> memref<1000000x32xf32, #tpu.memory_space<hbm>>
      tpu.wait_indirect_dma semaphore(%arg17 : memref<!tpu.dma_semaphore, #tpu.memory_space<semaphore_mem>>) src(%dma_wait3A_1778 : memref<1000000x32xf32, #tpu.memory_space<hbm>>) dst(%arg9 : memref<256x32xf32, #tpu.memory_space<vmem>>)
      %ge3A_1779 = arith.constant 4 : i32
      %ge3A_1780 = arith.cmpi sge, %add3A_1761, %ge3A_1779 : i32
      %convert_element_type3A_1781 = arith.extui %ge3A_1780 : i1 to i32
      %cond3A_1782 = arith.constant 0 : i32
      %cond3A_1783 = arith.cmpi ne, %convert_element_type3A_1781, %cond3A_1782 : i32
      scf.if %cond3A_1783 {
        %sub3A_2022 = arith.constant 4 : i32
        %sub3A_2023 = arith.subi %add3A_1762, %sub3A_2022 : i32
        %jit3A_2024 = arith.constant 64 : i32
        %div3A_2025 = arith.divsi %sub3A_2023, %jit3A_2024 : i32
        %sign3A_2026 = arith.constant 0 : i32
        %sign3A_2027 = arith.cmpi sgt, %sub3A_2023, %sign3A_2026 : i32
        %sign3A_2028 = arith.extui %sign3A_2027 : i1 to i32
        %sign3A_2029 = arith.constant 0 : i32
        %sign3A_2030 = arith.cmpi slt, %sub3A_2023, %sign3A_2029 : i32
        %sign3A_2031 = arith.extui %sign3A_2030 : i1 to i32
        %sign3A_2032 = arith.subi %sign3A_2028, %sign3A_2031 : i32
        %sign3A_2033 = arith.constant 0 : i32
        %sign3A_2034 = arith.cmpi sgt, %jit3A_2024, %sign3A_2033 : i32
        %sign3A_2035 = arith.extui %sign3A_2034 : i1 to i32
        %sign3A_2036 = arith.constant 0 : i32
        %sign3A_2037 = arith.cmpi slt, %jit3A_2024, %sign3A_2036 : i32
        %sign3A_2038 = arith.extui %sign3A_2037 : i1 to i32
        %sign3A_2039 = arith.subi %sign3A_2035, %sign3A_2038 : i32
        %ne3A_2040 = arith.cmpi ne, %sign3A_2032, %sign3A_2039 : i32
        %rem3A_2041 = arith.remsi %sub3A_2023, %jit3A_2024 : i32
        %ne3A_2042 = arith.constant 0 : i32
        %ne3A_2043 = arith.cmpi ne, %rem3A_2041, %ne3A_2042 : i32
        %and3A_2044 = arith.andi %ne3A_2040, %ne3A_2043 : i1
        %sub3A_2045 = arith.constant 1 : i32
        %sub3A_2046 = arith.subi %div3A_2025, %sub3A_2045 : i32
        %select_n3A_2047 = arith.select %and3A_2044, %sub3A_2046, %div3A_2025 : i32
        %jit3A_2048 = arith.constant 64 : i32
        %eq3A_2049 = arith.constant 0 : i32
        %eq3A_2050 = arith.cmpi eq, %jit3A_2048, %eq3A_2049 : i32
        %jit3A_2051 = arith.constant 1 : i32
        %select_n3A_2052 = arith.select %eq3A_2050, %jit3A_2051, %jit3A_2048 : i32
        %rem3A_2053 = arith.remsi %sub3A_2023, %select_n3A_2052 : i32
        %ne3A_2054 = arith.constant 0 : i32
        %ne3A_2055 = arith.cmpi ne, %rem3A_2053, %ne3A_2054 : i32
        %lt3A_2056 = arith.constant 0 : i32
        %lt3A_2057 = arith.cmpi slt, %rem3A_2053, %lt3A_2056 : i32
        %lt3A_2058 = arith.constant 0 : i32
        %lt3A_2059 = arith.cmpi slt, %select_n3A_2052, %lt3A_2058 : i32
        %ne3A_2060 = arith.xori %lt3A_2057, %lt3A_2059 : i1
        %and3A_2061 = arith.andi %ne3A_2060, %ne3A_2055 : i1
        %add3A_2062 = arith.addi %rem3A_2053, %select_n3A_2052 : i32
        %select_n3A_2063 = arith.select %and3A_2061, %add3A_2062, %rem3A_2053 : i32
        %mul3A_2064 = arith.constant 4 : i32
        %mul3A_2065 = arith.muli %select_n3A_2047, %mul3A_2064 : i32
        %add3A_2066 = arith.constant 0 : i32
        %add3A_2067 = arith.addi %mul3A_2065, %add3A_2066 : i32
        %mul3A_2068 = arith.constant 128 : i32
        %mul3A_2069 = arith.muli %add3A_2067, %mul3A_2068 : i32
        %mul3A_2070 = arith.constant 2 : i32
        %mul3A_2071 = arith.muli %mul3A_2070, %select_n3A_2063 : i32
        %add3A_2072 = arith.addi %mul3A_2069, %mul3A_2071 : i32
        %mul3A_2073 = arith.constant 1024 : i32
        %mul3A_2074 = arith.muli %add3A_2072, %mul3A_2073 : i32
        %multiple_of3A_2075 = tpu.assume_multiple %mul3A_2074, 8 : i32
        %dma_wait3A_2076 = arith.constant 0 : i32
        %dma_wait3A_2077 = tpu.memref_slice %arg13[%dma_wait3A_2076] : memref<8192xf32, #tpu.memory_space<vmem>> -> memref<2048xf32, #tpu.memory_space<vmem>>
        %dma_wait3A_2078 = tpu.memref_slice %arg4[%multiple_of3A_2075] : memref<26214400xf32, #tpu.memory_space<hbm>> -> memref<2048xf32, #tpu.memory_space<hbm>>
        %dma_wait3A_2079 = tpu.memref_slice %arg4[%multiple_of3A_2075] : memref<26214400xf32, #tpu.memory_space<hbm>> -> memref<2048xf32, #tpu.memory_space<hbm>>
        %dma_wait3A_2080 = arith.constant 0 : i32
        %dma_wait3A_2081 = tpu.memref_slice %arg13[%dma_wait3A_2080] : memref<8192xf32, #tpu.memory_space<vmem>> -> memref<2048xf32, #tpu.memory_space<vmem>>
        tpu.wait_dma2 semaphore(%arg21 : memref<!tpu.dma_semaphore, #tpu.memory_space<semaphore_mem>>) src(%dma_wait3A_2081 : memref<2048xf32, #tpu.memory_space<vmem>>) dst(%dma_wait3A_2079 : memref<2048xf32, #tpu.memory_space<hbm>>)
        %jit3A_2082 = arith.constant 64 : i32
        %div3A_2083 = arith.divsi %sub3A_2023, %jit3A_2082 : i32
        %sign3A_2084 = arith.constant 0 : i32
        %sign3A_2085 = arith.cmpi sgt, %sub3A_2023, %sign3A_2084 : i32
        %sign3A_2086 = arith.extui %sign3A_2085 : i1 to i32
        %sign3A_2087 = arith.constant 0 : i32
        %sign3A_2088 = arith.cmpi slt, %sub3A_2023, %sign3A_2087 : i32
        %sign3A_2089 = arith.extui %sign3A_2088 : i1 to i32
        %sign3A_2090 = arith.subi %sign3A_2086, %sign3A_2089 : i32
        %sign3A_2091 = arith.constant 0 : i32
        %sign3A_2092 = arith.cmpi sgt, %jit3A_2082, %sign3A_2091 : i32
        %sign3A_2093 = arith.extui %sign3A_2092 : i1 to i32
        %sign3A_2094 = arith.constant 0 : i32
        %sign3A_2095 = arith.cmpi slt, %jit3A_2082, %sign3A_2094 : i32
        %sign3A_2096 = arith.extui %sign3A_2095 : i1 to i32
        %sign3A_2097 = arith.subi %sign3A_2093, %sign3A_2096 : i32
        %ne3A_2098 = arith.cmpi ne, %sign3A_2090, %sign3A_2097 : i32
        %rem3A_2099 = arith.remsi %sub3A_2023, %jit3A_2082 : i32
        %ne3A_2100 = arith.constant 0 : i32
        %ne3A_2101 = arith.cmpi ne, %rem3A_2099, %ne3A_2100 : i32
        %and3A_2102 = arith.andi %ne3A_2098, %ne3A_2101 : i1
        %sub3A_2103 = arith.constant 1 : i32
        %sub3A_2104 = arith.subi %div3A_2083, %sub3A_2103 : i32
        %select_n3A_2105 = arith.select %and3A_2102, %sub3A_2104, %div3A_2083 : i32
        %jit3A_2106 = arith.constant 64 : i32
        %eq3A_2107 = arith.constant 0 : i32
        %eq3A_2108 = arith.cmpi eq, %jit3A_2106, %eq3A_2107 : i32
        %jit3A_2109 = arith.constant 1 : i32
        %select_n3A_2110 = arith.select %eq3A_2108, %jit3A_2109, %jit3A_2106 : i32
        %rem3A_2111 = arith.remsi %sub3A_2023, %select_n3A_2110 : i32
        %ne3A_2112 = arith.constant 0 : i32
        %ne3A_2113 = arith.cmpi ne, %rem3A_2111, %ne3A_2112 : i32
        %lt3A_2114 = arith.constant 0 : i32
        %lt3A_2115 = arith.cmpi slt, %rem3A_2111, %lt3A_2114 : i32
        %lt3A_2116 = arith.constant 0 : i32
        %lt3A_2117 = arith.cmpi slt, %select_n3A_2110, %lt3A_2116 : i32
        %ne3A_2118 = arith.xori %lt3A_2115, %lt3A_2117 : i1
        %and3A_2119 = arith.andi %ne3A_2118, %ne3A_2113 : i1
        %add3A_2120 = arith.addi %rem3A_2111, %select_n3A_2110 : i32
        %select_n3A_2121 = arith.select %and3A_2119, %add3A_2120, %rem3A_2111 : i32
        %mul3A_2122 = arith.constant 4 : i32
        %mul3A_2123 = arith.muli %select_n3A_2105, %mul3A_2122 : i32
        %add3A_2124 = arith.constant 1 : i32
        %add3A_2125 = arith.addi %mul3A_2123, %add3A_2124 : i32
        %mul3A_2126 = arith.constant 128 : i32
        %mul3A_2127 = arith.muli %add3A_2125, %mul3A_2126 : i32
        %mul3A_2128 = arith.constant 2 : i32
        %mul3A_2129 = arith.muli %mul3A_2128, %select_n3A_2121 : i32
        %add3A_2130 = arith.addi %mul3A_2127, %mul3A_2129 : i32
        %mul3A_2131 = arith.constant 1024 : i32
        %mul3A_2132 = arith.muli %add3A_2130, %mul3A_2131 : i32
        %multiple_of3A_2133 = tpu.assume_multiple %mul3A_2132, 8 : i32
        %dma_wait3A_2134 = arith.constant 2048 : i32
        %dma_wait3A_2135 = tpu.memref_slice %arg13[%dma_wait3A_2134] : memref<8192xf32, #tpu.memory_space<vmem>> -> memref<2048xf32, #tpu.memory_space<vmem>>
        %dma_wait3A_2136 = tpu.memref_slice %arg4[%multiple_of3A_2133] : memref<26214400xf32, #tpu.memory_space<hbm>> -> memref<2048xf32, #tpu.memory_space<hbm>>
        %dma_wait3A_2137 = tpu.memref_slice %arg4[%multiple_of3A_2133] : memref<26214400xf32, #tpu.memory_space<hbm>> -> memref<2048xf32, #tpu.memory_space<hbm>>
        %dma_wait3A_2138 = arith.constant 2048 : i32
        %dma_wait3A_2139 = tpu.memref_slice %arg13[%dma_wait3A_2138] : memref<8192xf32, #tpu.memory_space<vmem>> -> memref<2048xf32, #tpu.memory_space<vmem>>
        tpu.wait_dma2 semaphore(%arg21 : memref<!tpu.dma_semaphore, #tpu.memory_space<semaphore_mem>>) src(%dma_wait3A_2139 : memref<2048xf32, #tpu.memory_space<vmem>>) dst(%dma_wait3A_2137 : memref<2048xf32, #tpu.memory_space<hbm>>)
        %jit3A_2140 = arith.constant 64 : i32
        %div3A_2141 = arith.divsi %sub3A_2023, %jit3A_2140 : i32
        %sign3A_2142 = arith.constant 0 : i32
        %sign3A_2143 = arith.cmpi sgt, %sub3A_2023, %sign3A_2142 : i32
        %sign3A_2144 = arith.extui %sign3A_2143 : i1 to i32
        %sign3A_2145 = arith.constant 0 : i32
        %sign3A_2146 = arith.cmpi slt, %sub3A_2023, %sign3A_2145 : i32
        %sign3A_2147 = arith.extui %sign3A_2146 : i1 to i32
        %sign3A_2148 = arith.subi %sign3A_2144, %sign3A_2147 : i32
        %sign3A_2149 = arith.constant 0 : i32
        %sign3A_2150 = arith.cmpi sgt, %jit3A_2140, %sign3A_2149 : i32
        %sign3A_2151 = arith.extui %sign3A_2150 : i1 to i32
        %sign3A_2152 = arith.constant 0 : i32
        %sign3A_2153 = arith.cmpi slt, %jit3A_2140, %sign3A_2152 : i32
        %sign3A_2154 = arith.extui %sign3A_2153 : i1 to i32
        %sign3A_2155 = arith.subi %sign3A_2151, %sign3A_2154 : i32
        %ne3A_2156 = arith.cmpi ne, %sign3A_2148, %sign3A_2155 : i32
        %rem3A_2157 = arith.remsi %sub3A_2023, %jit3A_2140 : i32
        %ne3A_2158 = arith.constant 0 : i32
        %ne3A_2159 = arith.cmpi ne, %rem3A_2157, %ne3A_2158 : i32
        %and3A_2160 = arith.andi %ne3A_2156, %ne3A_2159 : i1
        %sub3A_2161 = arith.constant 1 : i32
        %sub3A_2162 = arith.subi %div3A_2141, %sub3A_2161 : i32
        %select_n3A_2163 = arith.select %and3A_2160, %sub3A_2162, %div3A_2141 : i32
        %jit3A_2164 = arith.constant 64 : i32
        %eq3A_2165 = arith.constant 0 : i32
        %eq3A_2166 = arith.cmpi eq, %jit3A_2164, %eq3A_2165 : i32
        %jit3A_2167 = arith.constant 1 : i32
        %select_n3A_2168 = arith.select %eq3A_2166, %jit3A_2167, %jit3A_2164 : i32
        %rem3A_2169 = arith.remsi %sub3A_2023, %select_n3A_2168 : i32
        %ne3A_2170 = arith.constant 0 : i32
        %ne3A_2171 = arith.cmpi ne, %rem3A_2169, %ne3A_2170 : i32
        %lt3A_2172 = arith.constant 0 : i32
        %lt3A_2173 = arith.cmpi slt, %rem3A_2169, %lt3A_2172 : i32
        %lt3A_2174 = arith.constant 0 : i32
        %lt3A_2175 = arith.cmpi slt, %select_n3A_2168, %lt3A_2174 : i32
        %ne3A_2176 = arith.xori %lt3A_2173, %lt3A_2175 : i1
        %and3A_2177 = arith.andi %ne3A_2176, %ne3A_2171 : i1
        %add3A_2178 = arith.addi %rem3A_2169, %select_n3A_2168 : i32
        %select_n3A_2179 = arith.select %and3A_2177, %add3A_2178, %rem3A_2169 : i32
        %mul3A_2180 = arith.constant 4 : i32
        %mul3A_2181 = arith.muli %select_n3A_2163, %mul3A_2180 : i32
        %add3A_2182 = arith.constant 2 : i32
        %add3A_2183 = arith.addi %mul3A_2181, %add3A_2182 : i32
        %mul3A_2184 = arith.constant 128 : i32
        %mul3A_2185 = arith.muli %add3A_2183, %mul3A_2184 : i32
        %mul3A_2186 = arith.constant 2 : i32
        %mul3A_2187 = arith.muli %mul3A_2186, %select_n3A_2179 : i32
        %add3A_2188 = arith.addi %mul3A_2185, %mul3A_2187 : i32
        %mul3A_2189 = arith.constant 1024 : i32
        %mul3A_2190 = arith.muli %add3A_2188, %mul3A_2189 : i32
        %multiple_of3A_2191 = tpu.assume_multiple %mul3A_2190, 8 : i32
        %dma_wait3A_2192 = arith.constant 4096 : i32
        %dma_wait3A_2193 = tpu.memref_slice %arg13[%dma_wait3A_2192] : memref<8192xf32, #tpu.memory_space<vmem>> -> memref<2048xf32, #tpu.memory_space<vmem>>
        %dma_wait3A_2194 = tpu.memref_slice %arg4[%multiple_of3A_2191] : memref<26214400xf32, #tpu.memory_space<hbm>> -> memref<2048xf32, #tpu.memory_space<hbm>>
        %dma_wait3A_2195 = tpu.memref_slice %arg4[%multiple_of3A_2191] : memref<26214400xf32, #tpu.memory_space<hbm>> -> memref<2048xf32, #tpu.memory_space<hbm>>
        %dma_wait3A_2196 = arith.constant 4096 : i32
        %dma_wait3A_2197 = tpu.memref_slice %arg13[%dma_wait3A_2196] : memref<8192xf32, #tpu.memory_space<vmem>> -> memref<2048xf32, #tpu.memory_space<vmem>>
        tpu.wait_dma2 semaphore(%arg21 : memref<!tpu.dma_semaphore, #tpu.memory_space<semaphore_mem>>) src(%dma_wait3A_2197 : memref<2048xf32, #tpu.memory_space<vmem>>) dst(%dma_wait3A_2195 : memref<2048xf32, #tpu.memory_space<hbm>>)
        %jit3A_2198 = arith.constant 64 : i32
        %div3A_2199 = arith.divsi %sub3A_2023, %jit3A_2198 : i32
        %sign3A_2200 = arith.constant 0 : i32
        %sign3A_2201 = arith.cmpi sgt, %sub3A_2023, %sign3A_2200 : i32
        %sign3A_2202 = arith.extui %sign3A_2201 : i1 to i32
        %sign3A_2203 = arith.constant 0 : i32
        %sign3A_2204 = arith.cmpi slt, %sub3A_2023, %sign3A_2203 : i32
        %sign3A_2205 = arith.extui %sign3A_2204 : i1 to i32
        %sign3A_2206 = arith.subi %sign3A_2202, %sign3A_2205 : i32
        %sign3A_2207 = arith.constant 0 : i32
        %sign3A_2208 = arith.cmpi sgt, %jit3A_2198, %sign3A_2207 : i32
        %sign3A_2209 = arith.extui %sign3A_2208 : i1 to i32
        %sign3A_2210 = arith.constant 0 : i32
        %sign3A_2211 = arith.cmpi slt, %jit3A_2198, %sign3A_2210 : i32
        %sign3A_2212 = arith.extui %sign3A_2211 : i1 to i32
        %sign3A_2213 = arith.subi %sign3A_2209, %sign3A_2212 : i32
        %ne3A_2214 = arith.cmpi ne, %sign3A_2206, %sign3A_2213 : i32
        %rem3A_2215 = arith.remsi %sub3A_2023, %jit3A_2198 : i32
        %ne3A_2216 = arith.constant 0 : i32
        %ne3A_2217 = arith.cmpi ne, %rem3A_2215, %ne3A_2216 : i32
        %and3A_2218 = arith.andi %ne3A_2214, %ne3A_2217 : i1
        %sub3A_2219 = arith.constant 1 : i32
        %sub3A_2220 = arith.subi %div3A_2199, %sub3A_2219 : i32
        %select_n3A_2221 = arith.select %and3A_2218, %sub3A_2220, %div3A_2199 : i32
        %jit3A_2222 = arith.constant 64 : i32
        %eq3A_2223 = arith.constant 0 : i32
        %eq3A_2224 = arith.cmpi eq, %jit3A_2222, %eq3A_2223 : i32
        %jit3A_2225 = arith.constant 1 : i32
        %select_n3A_2226 = arith.select %eq3A_2224, %jit3A_2225, %jit3A_2222 : i32
        %rem3A_2227 = arith.remsi %sub3A_2023, %select_n3A_2226 : i32
        %ne3A_2228 = arith.constant 0 : i32
        %ne3A_2229 = arith.cmpi ne, %rem3A_2227, %ne3A_2228 : i32
        %lt3A_2230 = arith.constant 0 : i32
        %lt3A_2231 = arith.cmpi slt, %rem3A_2227, %lt3A_2230 : i32
        %lt3A_2232 = arith.constant 0 : i32
        %lt3A_2233 = arith.cmpi slt, %select_n3A_2226, %lt3A_2232 : i32
        %ne3A_2234 = arith.xori %lt3A_2231, %lt3A_2233 : i1
        %and3A_2235 = arith.andi %ne3A_2234, %ne3A_2229 : i1
        %add3A_2236 = arith.addi %rem3A_2227, %select_n3A_2226 : i32
        %select_n3A_2237 = arith.select %and3A_2235, %add3A_2236, %rem3A_2227 : i32
        %mul3A_2238 = arith.constant 4 : i32
        %mul3A_2239 = arith.muli %select_n3A_2221, %mul3A_2238 : i32
        %add3A_2240 = arith.constant 3 : i32
        %add3A_2241 = arith.addi %mul3A_2239, %add3A_2240 : i32
        %mul3A_2242 = arith.constant 128 : i32
        %mul3A_2243 = arith.muli %add3A_2241, %mul3A_2242 : i32
        %mul3A_2244 = arith.constant 2 : i32
        %mul3A_2245 = arith.muli %mul3A_2244, %select_n3A_2237 : i32
        %add3A_2246 = arith.addi %mul3A_2243, %mul3A_2245 : i32
        %mul3A_2247 = arith.constant 1024 : i32
        %mul3A_2248 = arith.muli %add3A_2246, %mul3A_2247 : i32
        %multiple_of3A_2249 = tpu.assume_multiple %mul3A_2248, 8 : i32
        %dma_wait3A_2250 = arith.constant 6144 : i32
        %dma_wait3A_2251 = tpu.memref_slice %arg13[%dma_wait3A_2250] : memref<8192xf32, #tpu.memory_space<vmem>> -> memref<2048xf32, #tpu.memory_space<vmem>>
        %dma_wait3A_2252 = tpu.memref_slice %arg4[%multiple_of3A_2249] : memref<26214400xf32, #tpu.memory_space<hbm>> -> memref<2048xf32, #tpu.memory_space<hbm>>
        %dma_wait3A_2253 = tpu.memref_slice %arg4[%multiple_of3A_2249] : memref<26214400xf32, #tpu.memory_space<hbm>> -> memref<2048xf32, #tpu.memory_space<hbm>>
        %dma_wait3A_2254 = arith.constant 6144 : i32
        %dma_wait3A_2255 = tpu.memref_slice %arg13[%dma_wait3A_2254] : memref<8192xf32, #tpu.memory_space<vmem>> -> memref<2048xf32, #tpu.memory_space<vmem>>
        tpu.wait_dma2 semaphore(%arg21 : memref<!tpu.dma_semaphore, #tpu.memory_space<semaphore_mem>>) src(%dma_wait3A_2255 : memref<2048xf32, #tpu.memory_space<vmem>>) dst(%dma_wait3A_2253 : memref<2048xf32, #tpu.memory_space<hbm>>)
      } else {
      }
      %scan3A_1784 = arith.constant 0 : i32
      %scan3A_1785 = arith.constant 0 : i32
      %scan3A_1786 = arith.constant 16 : i32
      %scan3A_1787 = arith.addi %scan3A_1785, %scan3A_1786 : i32
      %scan3A_1788 = arith.constant 1 : i32
      scf.for %scan3A_2022 = %scan3A_1785 to %scan3A_1787 step %scan3A_1788  : i32 {
        %shift_left3A = arith.constant 4 : i32
        %shift_left3A_2023 = arith.shli %scan3A_2022, %shift_left3A : i32
        %add3A_2024 = vector.broadcast %shift_left3A_2023 : i32 to vector<16xi32>
        %add3A_2025 = arith.addi %add3A_2024, %iota3A : vector<16xi32>
        %shift_right_arithmetic3A = arith.constant 3 : i32
        %shift_right_arithmetic3A_2026 = arith.shrsi %scan3A_2022, %shift_right_arithmetic3A : i32
        %shift_left3A_2027 = arith.constant 10 : i32
        %shift_left3A_2028 = arith.shli %shift_right_arithmetic3A_2026, %shift_left3A_2027 : i32
        %and3A_2029 = arith.constant 7 : i32
        %and3A_2030 = arith.andi %scan3A_2022, %and3A_2029 : i32
        %shift_left3A_2031 = arith.constant 4 : i32
        %shift_left3A_2032 = arith.shli %and3A_2030, %shift_left3A_2031 : i32
        %add3A_2033 = arith.addi %shift_left3A_2028, %shift_left3A_2032 : i32
        %broadcast_in_dim3A = arith.constant 0 : i32
        %broadcast_in_dim3A_2034 = vector.broadcast %broadcast_in_dim3A : i32 to vector<16xi32>
        %gather3A = tpu.vector_load_idx %arg9[%add3A_2025, %broadcast_in_dim3A_2034] : memref<256x32xf32, #tpu.memory_space<vmem>>[vector<16xi32>, vector<16xi32>], vector<16xf32>,
        %broadcast_in_dim3A_2035 = arith.constant 1 : i32
        %broadcast_in_dim3A_2036 = vector.broadcast %broadcast_in_dim3A_2035 : i32 to vector<16xi32>
        %gather3A_2037 = tpu.vector_load_idx %arg9[%add3A_2025, %broadcast_in_dim3A_2036] : memref<256x32xf32, #tpu.memory_space<vmem>>[vector<16xi32>, vector<16xi32>], vector<16xf32>,
        %broadcast_in_dim3A_2038 = arith.constant 2 : i32
        %broadcast_in_dim3A_2039 = vector.broadcast %broadcast_in_dim3A_2038 : i32 to vector<16xi32>
        %gather3A_2040 = tpu.vector_load_idx %arg9[%add3A_2025, %broadcast_in_dim3A_2039] : memref<256x32xf32, #tpu.memory_space<vmem>>[vector<16xi32>, vector<16xi32>], vector<16xf32>,
        %broadcast_in_dim3A_2041 = arith.constant 3 : i32
        %broadcast_in_dim3A_2042 = vector.broadcast %broadcast_in_dim3A_2041 : i32 to vector<16xi32>
        %gather3A_2043 = tpu.vector_load_idx %arg9[%add3A_2025, %broadcast_in_dim3A_2042] : memref<256x32xf32, #tpu.memory_space<vmem>>[vector<16xi32>, vector<16xi32>], vector<16xf32>,
        %broadcast_in_dim3A_2044 = arith.constant 4 : i32
        %broadcast_in_dim3A_2045 = vector.broadcast %broadcast_in_dim3A_2044 : i32 to vector<16xi32>
        %gather3A_2046 = tpu.vector_load_idx %arg9[%add3A_2025, %broadcast_in_dim3A_2045] : memref<256x32xf32, #tpu.memory_space<vmem>>[vector<16xi32>, vector<16xi32>], vector<16xf32>,
        %broadcast_in_dim3A_2047 = arith.constant 5 : i32
        %broadcast_in_dim3A_2048 = vector.broadcast %broadcast_in_dim3A_2047 : i32 to vector<16xi32>
        %gather3A_2049 = tpu.vector_load_idx %arg9[%add3A_2025, %broadcast_in_dim3A_2048] : memref<256x32xf32, #tpu.memory_space<vmem>>[vector<16xi32>, vector<16xi32>], vector<16xf32>,
        %broadcast_in_dim3A_2050 = arith.constant 6 : i32
        %broadcast_in_dim3A_2051 = vector.broadcast %broadcast_in_dim3A_2050 : i32 to vector<16xi32>
        %gather3A_2052 = tpu.vector_load_idx %arg9[%add3A_2025, %broadcast_in_dim3A_2051] : memref<256x32xf32, #tpu.memory_space<vmem>>[vector<16xi32>, vector<16xi32>], vector<16xf32>,
        %broadcast_in_dim3A_2053 = arith.constant 7 : i32
        %broadcast_in_dim3A_2054 = vector.broadcast %broadcast_in_dim3A_2053 : i32 to vector<16xi32>
        %gather3A_2055 = tpu.vector_load_idx %arg9[%add3A_2025, %broadcast_in_dim3A_2054] : memref<256x32xf32, #tpu.memory_space<vmem>>[vector<16xi32>, vector<16xi32>], vector<16xf32>,
        %broadcast_in_dim3A_2056 = arith.constant 8 : i32
        %broadcast_in_dim3A_2057 = vector.broadcast %broadcast_in_dim3A_2056 : i32 to vector<16xi32>
        %gather3A_2058 = tpu.vector_load_idx %arg9[%add3A_2025, %broadcast_in_dim3A_2057] : memref<256x32xf32, #tpu.memory_space<vmem>>[vector<16xi32>, vector<16xi32>], vector<16xf32>,
        %broadcast_in_dim3A_2059 = arith.constant 9 : i32
        %broadcast_in_dim3A_2060 = vector.broadcast %broadcast_in_dim3A_2059 : i32 to vector<16xi32>
        %gather3A_2061 = tpu.vector_load_idx %arg9[%add3A_2025, %broadcast_in_dim3A_2060] : memref<256x32xf32, #tpu.memory_space<vmem>>[vector<16xi32>, vector<16xi32>], vector<16xf32>,
        %broadcast_in_dim3A_2062 = arith.constant 10 : i32
        %broadcast_in_dim3A_2063 = vector.broadcast %broadcast_in_dim3A_2062 : i32 to vector<16xi32>
        %gather3A_2064 = tpu.vector_load_idx %arg9[%add3A_2025, %broadcast_in_dim3A_2063] : memref<256x32xf32, #tpu.memory_space<vmem>>[vector<16xi32>, vector<16xi32>], vector<16xf32>,
        %broadcast_in_dim3A_2065 = arith.constant 11 : i32
        %broadcast_in_dim3A_2066 = vector.broadcast %broadcast_in_dim3A_2065 : i32 to vector<16xi32>
        %gather3A_2067 = tpu.vector_load_idx %arg9[%add3A_2025, %broadcast_in_dim3A_2066] : memref<256x32xf32, #tpu.memory_space<vmem>>[vector<16xi32>, vector<16xi32>], vector<16xf32>,
        %broadcast_in_dim3A_2068 = arith.constant 12 : i32
        %broadcast_in_dim3A_2069 = vector.broadcast %broadcast_in_dim3A_2068 : i32 to vector<16xi32>
        %gather3A_2070 = tpu.vector_load_idx %arg9[%add3A_2025, %broadcast_in_dim3A_2069] : memref<256x32xf32, #tpu.memory_space<vmem>>[vector<16xi32>, vector<16xi32>], vector<16xf32>,
        %broadcast_in_dim3A_2071 = arith.constant 13 : i32
        %broadcast_in_dim3A_2072 = vector.broadcast %broadcast_in_dim3A_2071 : i32 to vector<16xi32>
        %gather3A_2073 = tpu.vector_load_idx %arg9[%add3A_2025, %broadcast_in_dim3A_2072] : memref<256x32xf32, #tpu.memory_space<vmem>>[vector<16xi32>, vector<16xi32>], vector<16xf32>,
        %broadcast_in_dim3A_2074 = arith.constant 14 : i32
        %broadcast_in_dim3A_2075 = vector.broadcast %broadcast_in_dim3A_2074 : i32 to vector<16xi32>
        %gather3A_2076 = tpu.vector_load_idx %arg9[%add3A_2025, %broadcast_in_dim3A_2075] : memref<256x32xf32, #tpu.memory_space<vmem>>[vector<16xi32>, vector<16xi32>], vector<16xf32>,
        %broadcast_in_dim3A_2077 = arith.constant 15 : i32
        %broadcast_in_dim3A_2078 = vector.broadcast %broadcast_in_dim3A_2077 : i32 to vector<16xi32>
        %gather3A_2079 = tpu.vector_load_idx %arg9[%add3A_2025, %broadcast_in_dim3A_2078] : memref<256x32xf32, #tpu.memory_space<vmem>>[vector<16xi32>, vector<16xi32>], vector<16xf32>,
        %add3A_2080 = arith.constant 0 : i32
        %add3A_2081 = arith.addi %add3A_2033, %add3A_2080 : i32
        %add3A_2082 = arith.constant 0 : i32
        %add3A_2083 = arith.addi %add3A_2081, %add3A_2082 : i32
        %multiple_of3A_2084 = tpu.assume_multiple %add3A_2083, 8 : i32
        %swap3A = arith.index_cast %multiple_of3A_2084 : i32 to index
        %swap3A_2085 = tpu.vector_load %arg13[%swap3A] {strides = array<i32>} : memref<8192xf32, #tpu.memory_space<vmem>>, vector<16xf32>,
        tpu.vector_store %arg13[%swap3A], %gather3A {strides = array<i32>} : memref<8192xf32, #tpu.memory_space<vmem>>, vector<16xf32>,
        %add3A_2086 = arith.constant 0 : i32
        %add3A_2087 = arith.addi %add3A_2033, %add3A_2086 : i32
        %add3A_2088 = arith.constant 128 : i32
        %add3A_2089 = arith.addi %add3A_2087, %add3A_2088 : i32
        %multiple_of3A_2090 = tpu.assume_multiple %add3A_2089, 8 : i32
        %swap3A_2091 = arith.index_cast %multiple_of3A_2090 : i32 to index
        %swap3A_2092 = tpu.vector_load %arg13[%swap3A_2091] {strides = array<i32>} : memref<8192xf32, #tpu.memory_space<vmem>>, vector<16xf32>,
        tpu.vector_store %arg13[%swap3A_2091], %gather3A_2037 {strides = array<i32>} : memref<8192xf32, #tpu.memory_space<vmem>>, vector<16xf32>,
        %add3A_2093 = arith.constant 0 : i32
        %add3A_2094 = arith.addi %add3A_2033, %add3A_2093 : i32
        %add3A_2095 = arith.constant 256 : i32
        %add3A_2096 = arith.addi %add3A_2094, %add3A_2095 : i32
        %multiple_of3A_2097 = tpu.assume_multiple %add3A_2096, 8 : i32
        %swap3A_2098 = arith.index_cast %multiple_of3A_2097 : i32 to index
        %swap3A_2099 = tpu.vector_load %arg13[%swap3A_2098] {strides = array<i32>} : memref<8192xf32, #tpu.memory_space<vmem>>, vector<16xf32>,
        tpu.vector_store %arg13[%swap3A_2098], %gather3A_2040 {strides = array<i32>} : memref<8192xf32, #tpu.memory_space<vmem>>, vector<16xf32>,
        %add3A_2100 = arith.constant 0 : i32
        %add3A_2101 = arith.addi %add3A_2033, %add3A_2100 : i32
        %add3A_2102 = arith.constant 384 : i32
        %add3A_2103 = arith.addi %add3A_2101, %add3A_2102 : i32
        %multiple_of3A_2104 = tpu.assume_multiple %add3A_2103, 8 : i32
        %swap3A_2105 = arith.index_cast %multiple_of3A_2104 : i32 to index
        %swap3A_2106 = tpu.vector_load %arg13[%swap3A_2105] {strides = array<i32>} : memref<8192xf32, #tpu.memory_space<vmem>>, vector<16xf32>,
        tpu.vector_store %arg13[%swap3A_2105], %gather3A_2043 {strides = array<i32>} : memref<8192xf32, #tpu.memory_space<vmem>>, vector<16xf32>,
        %add3A_2107 = arith.constant 0 : i32
        %add3A_2108 = arith.addi %add3A_2033, %add3A_2107 : i32
        %add3A_2109 = arith.constant 512 : i32
        %add3A_2110 = arith.addi %add3A_2108, %add3A_2109 : i32
        %multiple_of3A_2111 = tpu.assume_multiple %add3A_2110, 8 : i32
        %swap3A_2112 = arith.index_cast %multiple_of3A_2111 : i32 to index
        %swap3A_2113 = tpu.vector_load %arg13[%swap3A_2112] {strides = array<i32>} : memref<8192xf32, #tpu.memory_space<vmem>>, vector<16xf32>,
        tpu.vector_store %arg13[%swap3A_2112], %gather3A_2046 {strides = array<i32>} : memref<8192xf32, #tpu.memory_space<vmem>>, vector<16xf32>,
        %add3A_2114 = arith.constant 0 : i32
        %add3A_2115 = arith.addi %add3A_2033, %add3A_2114 : i32
        %add3A_2116 = arith.constant 640 : i32
        %add3A_2117 = arith.addi %add3A_2115, %add3A_2116 : i32
        %multiple_of3A_2118 = tpu.assume_multiple %add3A_2117, 8 : i32
        %swap3A_2119 = arith.index_cast %multiple_of3A_2118 : i32 to index
        %swap3A_2120 = tpu.vector_load %arg13[%swap3A_2119] {strides = array<i32>} : memref<8192xf32, #tpu.memory_space<vmem>>, vector<16xf32>,
        tpu.vector_store %arg13[%swap3A_2119], %gather3A_2049 {strides = array<i32>} : memref<8192xf32, #tpu.memory_space<vmem>>, vector<16xf32>,
        %add3A_2121 = arith.constant 0 : i32
        %add3A_2122 = arith.addi %add3A_2033, %add3A_2121 : i32
        %add3A_2123 = arith.constant 768 : i32
        %add3A_2124 = arith.addi %add3A_2122, %add3A_2123 : i32
        %multiple_of3A_2125 = tpu.assume_multiple %add3A_2124, 8 : i32
        %swap3A_2126 = arith.index_cast %multiple_of3A_2125 : i32 to index
        %swap3A_2127 = tpu.vector_load %arg13[%swap3A_2126] {strides = array<i32>} : memref<8192xf32, #tpu.memory_space<vmem>>, vector<16xf32>,
        tpu.vector_store %arg13[%swap3A_2126], %gather3A_2052 {strides = array<i32>} : memref<8192xf32, #tpu.memory_space<vmem>>, vector<16xf32>,
        %add3A_2128 = arith.constant 0 : i32
        %add3A_2129 = arith.addi %add3A_2033, %add3A_2128 : i32
        %add3A_2130 = arith.constant 896 : i32
        %add3A_2131 = arith.addi %add3A_2129, %add3A_2130 : i32
        %multiple_of3A_2132 = tpu.assume_multiple %add3A_2131, 8 : i32
        %swap3A_2133 = arith.index_cast %multiple_of3A_2132 : i32 to index
        %swap3A_2134 = tpu.vector_load %arg13[%swap3A_2133] {strides = array<i32>} : memref<8192xf32, #tpu.memory_space<vmem>>, vector<16xf32>,
        tpu.vector_store %arg13[%swap3A_2133], %gather3A_2055 {strides = array<i32>} : memref<8192xf32, #tpu.memory_space<vmem>>, vector<16xf32>,
        %add3A_2135 = arith.constant 2048 : i32
        %add3A_2136 = arith.addi %add3A_2033, %add3A_2135 : i32
        %add3A_2137 = arith.constant 0 : i32
        %add3A_2138 = arith.addi %add3A_2136, %add3A_2137 : i32
        %multiple_of3A_2139 = tpu.assume_multiple %add3A_2138, 8 : i32
        %swap3A_2140 = arith.index_cast %multiple_of3A_2139 : i32 to index
        %swap3A_2141 = tpu.vector_load %arg13[%swap3A_2140] {strides = array<i32>} : memref<8192xf32, #tpu.memory_space<vmem>>, vector<16xf32>,
        tpu.vector_store %arg13[%swap3A_2140], %gather3A_2058 {strides = array<i32>} : memref<8192xf32, #tpu.memory_space<vmem>>, vector<16xf32>,
        %add3A_2142 = arith.constant 2048 : i32
        %add3A_2143 = arith.addi %add3A_2033, %add3A_2142 : i32
        %add3A_2144 = arith.constant 128 : i32
        %add3A_2145 = arith.addi %add3A_2143, %add3A_2144 : i32
        %multiple_of3A_2146 = tpu.assume_multiple %add3A_2145, 8 : i32
        %swap3A_2147 = arith.index_cast %multiple_of3A_2146 : i32 to index
        %swap3A_2148 = tpu.vector_load %arg13[%swap3A_2147] {strides = array<i32>} : memref<8192xf32, #tpu.memory_space<vmem>>, vector<16xf32>,
        tpu.vector_store %arg13[%swap3A_2147], %gather3A_2061 {strides = array<i32>} : memref<8192xf32, #tpu.memory_space<vmem>>, vector<16xf32>,
        %add3A_2149 = arith.constant 2048 : i32
        %add3A_2150 = arith.addi %add3A_2033, %add3A_2149 : i32
        %add3A_2151 = arith.constant 256 : i32
        %add3A_2152 = arith.addi %add3A_2150, %add3A_2151 : i32
        %multiple_of3A_2153 = tpu.assume_multiple %add3A_2152, 8 : i32
        %swap3A_2154 = arith.index_cast %multiple_of3A_2153 : i32 to index
        %swap3A_2155 = tpu.vector_load %arg13[%swap3A_2154] {strides = array<i32>} : memref<8192xf32, #tpu.memory_space<vmem>>, vector<16xf32>,
        tpu.vector_store %arg13[%swap3A_2154], %gather3A_2064 {strides = array<i32>} : memref<8192xf32, #tpu.memory_space<vmem>>, vector<16xf32>,
        %add3A_2156 = arith.constant 2048 : i32
        %add3A_2157 = arith.addi %add3A_2033, %add3A_2156 : i32
        %add3A_2158 = arith.constant 384 : i32
        %add3A_2159 = arith.addi %add3A_2157, %add3A_2158 : i32
        %multiple_of3A_2160 = tpu.assume_multiple %add3A_2159, 8 : i32
        %swap3A_2161 = arith.index_cast %multiple_of3A_2160 : i32 to index
        %swap3A_2162 = tpu.vector_load %arg13[%swap3A_2161] {strides = array<i32>} : memref<8192xf32, #tpu.memory_space<vmem>>, vector<16xf32>,
        tpu.vector_store %arg13[%swap3A_2161], %gather3A_2067 {strides = array<i32>} : memref<8192xf32, #tpu.memory_space<vmem>>, vector<16xf32>,
        %add3A_2163 = arith.constant 2048 : i32
        %add3A_2164 = arith.addi %add3A_2033, %add3A_2163 : i32
        %add3A_2165 = arith.constant 512 : i32
        %add3A_2166 = arith.addi %add3A_2164, %add3A_2165 : i32
        %multiple_of3A_2167 = tpu.assume_multiple %add3A_2166, 8 : i32
        %swap3A_2168 = arith.index_cast %multiple_of3A_2167 : i32 to index
        %swap3A_2169 = tpu.vector_load %arg13[%swap3A_2168] {strides = array<i32>} : memref<8192xf32, #tpu.memory_space<vmem>>, vector<16xf32>,
        tpu.vector_store %arg13[%swap3A_2168], %gather3A_2070 {strides = array<i32>} : memref<8192xf32, #tpu.memory_space<vmem>>, vector<16xf32>,
        %add3A_2170 = arith.constant 2048 : i32
        %add3A_2171 = arith.addi %add3A_2033, %add3A_2170 : i32
        %add3A_2172 = arith.constant 640 : i32
        %add3A_2173 = arith.addi %add3A_2171, %add3A_2172 : i32
        %multiple_of3A_2174 = tpu.assume_multiple %add3A_2173, 8 : i32
        %swap3A_2175 = arith.index_cast %multiple_of3A_2174 : i32 to index
        %swap3A_2176 = tpu.vector_load %arg13[%swap3A_2175] {strides = array<i32>} : memref<8192xf32, #tpu.memory_space<vmem>>, vector<16xf32>,
        tpu.vector_store %arg13[%swap3A_2175], %gather3A_2073 {strides = array<i32>} : memref<8192xf32, #tpu.memory_space<vmem>>, vector<16xf32>,
        %add3A_2177 = arith.constant 2048 : i32
        %add3A_2178 = arith.addi %add3A_2033, %add3A_2177 : i32
        %add3A_2179 = arith.constant 768 : i32
        %add3A_2180 = arith.addi %add3A_2178, %add3A_2179 : i32
        %multiple_of3A_2181 = tpu.assume_multiple %add3A_2180, 8 : i32
        %swap3A_2182 = arith.index_cast %multiple_of3A_2181 : i32 to index
        %swap3A_2183 = tpu.vector_load %arg13[%swap3A_2182] {strides = array<i32>} : memref<8192xf32, #tpu.memory_space<vmem>>, vector<16xf32>,
        tpu.vector_store %arg13[%swap3A_2182], %gather3A_2076 {strides = array<i32>} : memref<8192xf32, #tpu.memory_space<vmem>>, vector<16xf32>,
        %add3A_2184 = arith.constant 2048 : i32
        %add3A_2185 = arith.addi %add3A_2033, %add3A_2184 : i32
        %add3A_2186 = arith.constant 896 : i32
        %add3A_2187 = arith.addi %add3A_2185, %add3A_2186 : i32
        %multiple_of3A_2188 = tpu.assume_multiple %add3A_2187, 8 : i32
        %swap3A_2189 = arith.index_cast %multiple_of3A_2188 : i32 to index
        %swap3A_2190 = tpu.vector_load %arg13[%swap3A_2189] {strides = array<i32>} : memref<8192xf32, #tpu.memory_space<vmem>>, vector<16xf32>,
        tpu.vector_store %arg13[%swap3A_2189], %gather3A_2079 {strides = array<i32>} : memref<8192xf32, #tpu.memory_space<vmem>>, vector<16xf32>,
        %broadcast_in_dim3A_2191 = arith.constant 16 : i32
        %broadcast_in_dim3A_2192 = vector.broadcast %broadcast_in_dim3A_2191 : i32 to vector<16xi32>
        %gather3A_2193 = tpu.vector_load_idx %arg9[%add3A_2025, %broadcast_in_dim3A_2192] : memref<256x32xf32, #tpu.memory_space<vmem>>[vector<16xi32>, vector<16xi32>], vector<16xf32>,
        %broadcast_in_dim3A_2194 = arith.constant 17 : i32
        %broadcast_in_dim3A_2195 = vector.broadcast %broadcast_in_dim3A_2194 : i32 to vector<16xi32>
        %gather3A_2196 = tpu.vector_load_idx %arg9[%add3A_2025, %broadcast_in_dim3A_2195] : memref<256x32xf32, #tpu.memory_space<vmem>>[vector<16xi32>, vector<16xi32>], vector<16xf32>,
        %broadcast_in_dim3A_2197 = arith.constant 18 : i32
        %broadcast_in_dim3A_2198 = vector.broadcast %broadcast_in_dim3A_2197 : i32 to vector<16xi32>
        %gather3A_2199 = tpu.vector_load_idx %arg9[%add3A_2025, %broadcast_in_dim3A_2198] : memref<256x32xf32, #tpu.memory_space<vmem>>[vector<16xi32>, vector<16xi32>], vector<16xf32>,
        %broadcast_in_dim3A_2200 = arith.constant 19 : i32
        %broadcast_in_dim3A_2201 = vector.broadcast %broadcast_in_dim3A_2200 : i32 to vector<16xi32>
        %gather3A_2202 = tpu.vector_load_idx %arg9[%add3A_2025, %broadcast_in_dim3A_2201] : memref<256x32xf32, #tpu.memory_space<vmem>>[vector<16xi32>, vector<16xi32>], vector<16xf32>,
        %broadcast_in_dim3A_2203 = arith.constant 20 : i32
        %broadcast_in_dim3A_2204 = vector.broadcast %broadcast_in_dim3A_2203 : i32 to vector<16xi32>
        %gather3A_2205 = tpu.vector_load_idx %arg9[%add3A_2025, %broadcast_in_dim3A_2204] : memref<256x32xf32, #tpu.memory_space<vmem>>[vector<16xi32>, vector<16xi32>], vector<16xf32>,
        %broadcast_in_dim3A_2206 = arith.constant 21 : i32
        %broadcast_in_dim3A_2207 = vector.broadcast %broadcast_in_dim3A_2206 : i32 to vector<16xi32>
        %gather3A_2208 = tpu.vector_load_idx %arg9[%add3A_2025, %broadcast_in_dim3A_2207] : memref<256x32xf32, #tpu.memory_space<vmem>>[vector<16xi32>, vector<16xi32>], vector<16xf32>,
        %broadcast_in_dim3A_2209 = arith.constant 22 : i32
        %broadcast_in_dim3A_2210 = vector.broadcast %broadcast_in_dim3A_2209 : i32 to vector<16xi32>
        %gather3A_2211 = tpu.vector_load_idx %arg9[%add3A_2025, %broadcast_in_dim3A_2210] : memref<256x32xf32, #tpu.memory_space<vmem>>[vector<16xi32>, vector<16xi32>], vector<16xf32>,
        %broadcast_in_dim3A_2212 = arith.constant 23 : i32
        %broadcast_in_dim3A_2213 = vector.broadcast %broadcast_in_dim3A_2212 : i32 to vector<16xi32>
        %gather3A_2214 = tpu.vector_load_idx %arg9[%add3A_2025, %broadcast_in_dim3A_2213] : memref<256x32xf32, #tpu.memory_space<vmem>>[vector<16xi32>, vector<16xi32>], vector<16xf32>,
        %broadcast_in_dim3A_2215 = arith.constant 24 : i32
        %broadcast_in_dim3A_2216 = vector.broadcast %broadcast_in_dim3A_2215 : i32 to vector<16xi32>
        %gather3A_2217 = tpu.vector_load_idx %arg9[%add3A_2025, %broadcast_in_dim3A_2216] : memref<256x32xf32, #tpu.memory_space<vmem>>[vector<16xi32>, vector<16xi32>], vector<16xf32>,
        %broadcast_in_dim3A_2218 = arith.constant 25 : i32
        %broadcast_in_dim3A_2219 = vector.broadcast %broadcast_in_dim3A_2218 : i32 to vector<16xi32>
        %gather3A_2220 = tpu.vector_load_idx %arg9[%add3A_2025, %broadcast_in_dim3A_2219] : memref<256x32xf32, #tpu.memory_space<vmem>>[vector<16xi32>, vector<16xi32>], vector<16xf32>,
        %broadcast_in_dim3A_2221 = arith.constant 26 : i32
        %broadcast_in_dim3A_2222 = vector.broadcast %broadcast_in_dim3A_2221 : i32 to vector<16xi32>
        %gather3A_2223 = tpu.vector_load_idx %arg9[%add3A_2025, %broadcast_in_dim3A_2222] : memref<256x32xf32, #tpu.memory_space<vmem>>[vector<16xi32>, vector<16xi32>], vector<16xf32>,
        %broadcast_in_dim3A_2224 = arith.constant 27 : i32
        %broadcast_in_dim3A_2225 = vector.broadcast %broadcast_in_dim3A_2224 : i32 to vector<16xi32>
        %gather3A_2226 = tpu.vector_load_idx %arg9[%add3A_2025, %broadcast_in_dim3A_2225] : memref<256x32xf32, #tpu.memory_space<vmem>>[vector<16xi32>, vector<16xi32>], vector<16xf32>,
        %broadcast_in_dim3A_2227 = arith.constant 28 : i32
        %broadcast_in_dim3A_2228 = vector.broadcast %broadcast_in_dim3A_2227 : i32 to vector<16xi32>
        %gather3A_2229 = tpu.vector_load_idx %arg9[%add3A_2025, %broadcast_in_dim3A_2228] : memref<256x32xf32, #tpu.memory_space<vmem>>[vector<16xi32>, vector<16xi32>], vector<16xf32>,
        %broadcast_in_dim3A_2230 = arith.constant 29 : i32
        %broadcast_in_dim3A_2231 = vector.broadcast %broadcast_in_dim3A_2230 : i32 to vector<16xi32>
        %gather3A_2232 = tpu.vector_load_idx %arg9[%add3A_2025, %broadcast_in_dim3A_2231] : memref<256x32xf32, #tpu.memory_space<vmem>>[vector<16xi32>, vector<16xi32>], vector<16xf32>,
        %broadcast_in_dim3A_2233 = arith.constant 30 : i32
        %broadcast_in_dim3A_2234 = vector.broadcast %broadcast_in_dim3A_2233 : i32 to vector<16xi32>
        %gather3A_2235 = tpu.vector_load_idx %arg9[%add3A_2025, %broadcast_in_dim3A_2234] : memref<256x32xf32, #tpu.memory_space<vmem>>[vector<16xi32>, vector<16xi32>], vector<16xf32>,
        %broadcast_in_dim3A_2236 = arith.constant 31 : i32
        %broadcast_in_dim3A_2237 = vector.broadcast %broadcast_in_dim3A_2236 : i32 to vector<16xi32>
        %gather3A_2238 = tpu.vector_load_idx %arg9[%add3A_2025, %broadcast_in_dim3A_2237] : memref<256x32xf32, #tpu.memory_space<vmem>>[vector<16xi32>, vector<16xi32>], vector<16xf32>,
        %add3A_2239 = arith.constant 4096 : i32
        %add3A_2240 = arith.addi %add3A_2033, %add3A_2239 : i32
        %add3A_2241 = arith.constant 0 : i32
        %add3A_2242 = arith.addi %add3A_2240, %add3A_2241 : i32
        %multiple_of3A_2243 = tpu.assume_multiple %add3A_2242, 8 : i32
        %swap3A_2244 = arith.index_cast %multiple_of3A_2243 : i32 to index
        %swap3A_2245 = tpu.vector_load %arg13[%swap3A_2244] {strides = array<i32>} : memref<8192xf32, #tpu.memory_space<vmem>>, vector<16xf32>,
        tpu.vector_store %arg13[%swap3A_2244], %gather3A_2193 {strides = array<i32>} : memref<8192xf32, #tpu.memory_space<vmem>>, vector<16xf32>,
        %add3A_2246 = arith.constant 4096 : i32
        %add3A_2247 = arith.addi %add3A_2033, %add3A_2246 : i32
        %add3A_2248 = arith.constant 128 : i32
        %add3A_2249 = arith.addi %add3A_2247, %add3A_2248 : i32
        %multiple_of3A_2250 = tpu.assume_multiple %add3A_2249, 8 : i32
        %swap3A_2251 = arith.index_cast %multiple_of3A_2250 : i32 to index
        %swap3A_2252 = tpu.vector_load %arg13[%swap3A_2251] {strides = array<i32>} : memref<8192xf32, #tpu.memory_space<vmem>>, vector<16xf32>,
        tpu.vector_store %arg13[%swap3A_2251], %gather3A_2196 {strides = array<i32>} : memref<8192xf32, #tpu.memory_space<vmem>>, vector<16xf32>,
        %add3A_2253 = arith.constant 4096 : i32
        %add3A_2254 = arith.addi %add3A_2033, %add3A_2253 : i32
        %add3A_2255 = arith.constant 256 : i32
        %add3A_2256 = arith.addi %add3A_2254, %add3A_2255 : i32
        %multiple_of3A_2257 = tpu.assume_multiple %add3A_2256, 8 : i32
        %swap3A_2258 = arith.index_cast %multiple_of3A_2257 : i32 to index
        %swap3A_2259 = tpu.vector_load %arg13[%swap3A_2258] {strides = array<i32>} : memref<8192xf32, #tpu.memory_space<vmem>>, vector<16xf32>,
        tpu.vector_store %arg13[%swap3A_2258], %gather3A_2199 {strides = array<i32>} : memref<8192xf32, #tpu.memory_space<vmem>>, vector<16xf32>,
        %add3A_2260 = arith.constant 4096 : i32
        %add3A_2261 = arith.addi %add3A_2033, %add3A_2260 : i32
        %add3A_2262 = arith.constant 384 : i32
        %add3A_2263 = arith.addi %add3A_2261, %add3A_2262 : i32
        %multiple_of3A_2264 = tpu.assume_multiple %add3A_2263, 8 : i32
        %swap3A_2265 = arith.index_cast %multiple_of3A_2264 : i32 to index
        %swap3A_2266 = tpu.vector_load %arg13[%swap3A_2265] {strides = array<i32>} : memref<8192xf32, #tpu.memory_space<vmem>>, vector<16xf32>,
        tpu.vector_store %arg13[%swap3A_2265], %gather3A_2202 {strides = array<i32>} : memref<8192xf32, #tpu.memory_space<vmem>>, vector<16xf32>,
        %add3A_2267 = arith.constant 4096 : i32
        %add3A_2268 = arith.addi %add3A_2033, %add3A_2267 : i32
        %add3A_2269 = arith.constant 512 : i32
        %add3A_2270 = arith.addi %add3A_2268, %add3A_2269 : i32
        %multiple_of3A_2271 = tpu.assume_multiple %add3A_2270, 8 : i32
        %swap3A_2272 = arith.index_cast %multiple_of3A_2271 : i32 to index
        %swap3A_2273 = tpu.vector_load %arg13[%swap3A_2272] {strides = array<i32>} : memref<8192xf32, #tpu.memory_space<vmem>>, vector<16xf32>,
        tpu.vector_store %arg13[%swap3A_2272], %gather3A_2205 {strides = array<i32>} : memref<8192xf32, #tpu.memory_space<vmem>>, vector<16xf32>,
        %add3A_2274 = arith.constant 4096 : i32
        %add3A_2275 = arith.addi %add3A_2033, %add3A_2274 : i32
        %add3A_2276 = arith.constant 640 : i32
        %add3A_2277 = arith.addi %add3A_2275, %add3A_2276 : i32
        %multiple_of3A_2278 = tpu.assume_multiple %add3A_2277, 8 : i32
        %swap3A_2279 = arith.index_cast %multiple_of3A_2278 : i32 to index
        %swap3A_2280 = tpu.vector_load %arg13[%swap3A_2279] {strides = array<i32>} : memref<8192xf32, #tpu.memory_space<vmem>>, vector<16xf32>,
        tpu.vector_store %arg13[%swap3A_2279], %gather3A_2208 {strides = array<i32>} : memref<8192xf32, #tpu.memory_space<vmem>>, vector<16xf32>,
        %add3A_2281 = arith.constant 4096 : i32
        %add3A_2282 = arith.addi %add3A_2033, %add3A_2281 : i32
        %add3A_2283 = arith.constant 768 : i32
        %add3A_2284 = arith.addi %add3A_2282, %add3A_2283 : i32
        %multiple_of3A_2285 = tpu.assume_multiple %add3A_2284, 8 : i32
        %swap3A_2286 = arith.index_cast %multiple_of3A_2285 : i32 to index
        %swap3A_2287 = tpu.vector_load %arg13[%swap3A_2286] {strides = array<i32>} : memref<8192xf32, #tpu.memory_space<vmem>>, vector<16xf32>,
        tpu.vector_store %arg13[%swap3A_2286], %gather3A_2211 {strides = array<i32>} : memref<8192xf32, #tpu.memory_space<vmem>>, vector<16xf32>,
        %add3A_2288 = arith.constant 4096 : i32
        %add3A_2289 = arith.addi %add3A_2033, %add3A_2288 : i32
        %add3A_2290 = arith.constant 896 : i32
        %add3A_2291 = arith.addi %add3A_2289, %add3A_2290 : i32
        %multiple_of3A_2292 = tpu.assume_multiple %add3A_2291, 8 : i32
        %swap3A_2293 = arith.index_cast %multiple_of3A_2292 : i32 to index
        %swap3A_2294 = tpu.vector_load %arg13[%swap3A_2293] {strides = array<i32>} : memref<8192xf32, #tpu.memory_space<vmem>>, vector<16xf32>,
        tpu.vector_store %arg13[%swap3A_2293], %gather3A_2214 {strides = array<i32>} : memref<8192xf32, #tpu.memory_space<vmem>>, vector<16xf32>,
        %add3A_2295 = arith.constant 6144 : i32
        %add3A_2296 = arith.addi %add3A_2033, %add3A_2295 : i32
        %add3A_2297 = arith.constant 0 : i32
        %add3A_2298 = arith.addi %add3A_2296, %add3A_2297 : i32
        %multiple_of3A_2299 = tpu.assume_multiple %add3A_2298, 8 : i32
        %swap3A_2300 = arith.index_cast %multiple_of3A_2299 : i32 to index
        %swap3A_2301 = tpu.vector_load %arg13[%swap3A_2300] {strides = array<i32>} : memref<8192xf32, #tpu.memory_space<vmem>>, vector<16xf32>,
        tpu.vector_store %arg13[%swap3A_2300], %gather3A_2217 {strides = array<i32>} : memref<8192xf32, #tpu.memory_space<vmem>>, vector<16xf32>,
        %add3A_2302 = arith.constant 6144 : i32
        %add3A_2303 = arith.addi %add3A_2033, %add3A_2302 : i32
        %add3A_2304 = arith.constant 128 : i32
        %add3A_2305 = arith.addi %add3A_2303, %add3A_2304 : i32
        %multiple_of3A_2306 = tpu.assume_multiple %add3A_2305, 8 : i32
        %swap3A_2307 = arith.index_cast %multiple_of3A_2306 : i32 to index
        %swap3A_2308 = tpu.vector_load %arg13[%swap3A_2307] {strides = array<i32>} : memref<8192xf32, #tpu.memory_space<vmem>>, vector<16xf32>,
        tpu.vector_store %arg13[%swap3A_2307], %gather3A_2220 {strides = array<i32>} : memref<8192xf32, #tpu.memory_space<vmem>>, vector<16xf32>,
        %add3A_2309 = arith.constant 6144 : i32
        %add3A_2310 = arith.addi %add3A_2033, %add3A_2309 : i32
        %add3A_2311 = arith.constant 256 : i32
        %add3A_2312 = arith.addi %add3A_2310, %add3A_2311 : i32
        %multiple_of3A_2313 = tpu.assume_multiple %add3A_2312, 8 : i32
        %swap3A_2314 = arith.index_cast %multiple_of3A_2313 : i32 to index
        %swap3A_2315 = tpu.vector_load %arg13[%swap3A_2314] {strides = array<i32>} : memref<8192xf32, #tpu.memory_space<vmem>>, vector<16xf32>,
        tpu.vector_store %arg13[%swap3A_2314], %gather3A_2223 {strides = array<i32>} : memref<8192xf32, #tpu.memory_space<vmem>>, vector<16xf32>,
        %add3A_2316 = arith.constant 6144 : i32
        %add3A_2317 = arith.addi %add3A_2033, %add3A_2316 : i32
        %add3A_2318 = arith.constant 384 : i32
        %add3A_2319 = arith.addi %add3A_2317, %add3A_2318 : i32
        %multiple_of3A_2320 = tpu.assume_multiple %add3A_2319, 8 : i32
        %swap3A_2321 = arith.index_cast %multiple_of3A_2320 : i32 to index
        %swap3A_2322 = tpu.vector_load %arg13[%swap3A_2321] {strides = array<i32>} : memref<8192xf32, #tpu.memory_space<vmem>>, vector<16xf32>,
        tpu.vector_store %arg13[%swap3A_2321], %gather3A_2226 {strides = array<i32>} : memref<8192xf32, #tpu.memory_space<vmem>>, vector<16xf32>,
        %add3A_2323 = arith.constant 6144 : i32
        %add3A_2324 = arith.addi %add3A_2033, %add3A_2323 : i32
        %add3A_2325 = arith.constant 512 : i32
        %add3A_2326 = arith.addi %add3A_2324, %add3A_2325 : i32
        %multiple_of3A_2327 = tpu.assume_multiple %add3A_2326, 8 : i32
        %swap3A_2328 = arith.index_cast %multiple_of3A_2327 : i32 to index
        %swap3A_2329 = tpu.vector_load %arg13[%swap3A_2328] {strides = array<i32>} : memref<8192xf32, #tpu.memory_space<vmem>>, vector<16xf32>,
        tpu.vector_store %arg13[%swap3A_2328], %gather3A_2229 {strides = array<i32>} : memref<8192xf32, #tpu.memory_space<vmem>>, vector<16xf32>,
        %add3A_2330 = arith.constant 6144 : i32
        %add3A_2331 = arith.addi %add3A_2033, %add3A_2330 : i32
        %add3A_2332 = arith.constant 640 : i32
        %add3A_2333 = arith.addi %add3A_2331, %add3A_2332 : i32
        %multiple_of3A_2334 = tpu.assume_multiple %add3A_2333, 8 : i32
        %swap3A_2335 = arith.index_cast %multiple_of3A_2334 : i32 to index
        %swap3A_2336 = tpu.vector_load %arg13[%swap3A_2335] {strides = array<i32>} : memref<8192xf32, #tpu.memory_space<vmem>>, vector<16xf32>,
        tpu.vector_store %arg13[%swap3A_2335], %gather3A_2232 {strides = array<i32>} : memref<8192xf32, #tpu.memory_space<vmem>>, vector<16xf32>,
        %add3A_2337 = arith.constant 6144 : i32
        %add3A_2338 = arith.addi %add3A_2033, %add3A_2337 : i32
        %add3A_2339 = arith.constant 768 : i32
        %add3A_2340 = arith.addi %add3A_2338, %add3A_2339 : i32
        %multiple_of3A_2341 = tpu.assume_multiple %add3A_2340, 8 : i32
        %swap3A_2342 = arith.index_cast %multiple_of3A_2341 : i32 to index
        %swap3A_2343 = tpu.vector_load %arg13[%swap3A_2342] {strides = array<i32>} : memref<8192xf32, #tpu.memory_space<vmem>>, vector<16xf32>,
        tpu.vector_store %arg13[%swap3A_2342], %gather3A_2235 {strides = array<i32>} : memref<8192xf32, #tpu.memory_space<vmem>>, vector<16xf32>,
        %add3A_2344 = arith.constant 6144 : i32
        %add3A_2345 = arith.addi %add3A_2033, %add3A_2344 : i32
        %add3A_2346 = arith.constant 896 : i32
        %add3A_2347 = arith.addi %add3A_2345, %add3A_2346 : i32
        %multiple_of3A_2348 = tpu.assume_multiple %add3A_2347, 8 : i32
        %swap3A_2349 = arith.index_cast %multiple_of3A_2348 : i32 to index
        %swap3A_2350 = tpu.vector_load %arg13[%swap3A_2349] {strides = array<i32>} : memref<8192xf32, #tpu.memory_space<vmem>>, vector<16xf32>,
        tpu.vector_store %arg13[%swap3A_2349], %gather3A_2238 {strides = array<i32>} : memref<8192xf32, #tpu.memory_space<vmem>>, vector<16xf32>,
      }
      %scan3A_1789 = arith.constant 16 : i32
      %jit3A_1790 = arith.constant 64 : i32
      %div3A_1791 = arith.divsi %add3A_1762, %jit3A_1790 : i32
      %sign3A_1792 = arith.constant 0 : i32
      %sign3A_1793 = arith.cmpi sgt, %add3A_1762, %sign3A_1792 : i32
      %sign3A_1794 = arith.extui %sign3A_1793 : i1 to i32
      %sign3A_1795 = arith.constant 0 : i32
      %sign3A_1796 = arith.cmpi slt, %add3A_1762, %sign3A_1795 : i32
      %sign3A_1797 = arith.extui %sign3A_1796 : i1 to i32
      %sign3A_1798 = arith.subi %sign3A_1794, %sign3A_1797 : i32
      %sign3A_1799 = arith.constant 0 : i32
      %sign3A_1800 = arith.cmpi sgt, %jit3A_1790, %sign3A_1799 : i32
      %sign3A_1801 = arith.extui %sign3A_1800 : i1 to i32
      %sign3A_1802 = arith.constant 0 : i32
      %sign3A_1803 = arith.cmpi slt, %jit3A_1790, %sign3A_1802 : i32
      %sign3A_1804 = arith.extui %sign3A_1803 : i1 to i32
      %sign3A_1805 = arith.subi %sign3A_1801, %sign3A_1804 : i32
      %ne3A_1806 = arith.cmpi ne, %sign3A_1798, %sign3A_1805 : i32
      %rem3A_1807 = arith.remsi %add3A_1762, %jit3A_1790 : i32
      %ne3A_1808 = arith.constant 0 : i32
      %ne3A_1809 = arith.cmpi ne, %rem3A_1807, %ne3A_1808 : i32
      %and3A_1810 = arith.andi %ne3A_1806, %ne3A_1809 : i1
      %sub3A_1811 = arith.constant 1 : i32
      %sub3A_1812 = arith.subi %div3A_1791, %sub3A_1811 : i32
      %select_n3A_1813 = arith.select %and3A_1810, %sub3A_1812, %div3A_1791 : i32
      %jit3A_1814 = arith.constant 64 : i32
      %eq3A_1815 = arith.constant 0 : i32
      %eq3A_1816 = arith.cmpi eq, %jit3A_1814, %eq3A_1815 : i32
      %jit3A_1817 = arith.constant 1 : i32
      %select_n3A_1818 = arith.select %eq3A_1816, %jit3A_1817, %jit3A_1814 : i32
      %rem3A_1819 = arith.remsi %add3A_1762, %select_n3A_1818 : i32
      %ne3A_1820 = arith.constant 0 : i32
      %ne3A_1821 = arith.cmpi ne, %rem3A_1819, %ne3A_1820 : i32
      %lt3A_1822 = arith.constant 0 : i32
      %lt3A_1823 = arith.cmpi slt, %rem3A_1819, %lt3A_1822 : i32
      %lt3A_1824 = arith.constant 0 : i32
      %lt3A_1825 = arith.cmpi slt, %select_n3A_1818, %lt3A_1824 : i32
      %ne3A_1826 = arith.xori %lt3A_1823, %lt3A_1825 : i1
      %and3A_1827 = arith.andi %ne3A_1826, %ne3A_1821 : i1
      %add3A_1828 = arith.addi %rem3A_1819, %select_n3A_1818 : i32
      %select_n3A_1829 = arith.select %and3A_1827, %add3A_1828, %rem3A_1819 : i32
      %mul3A_1830 = arith.constant 4 : i32
      %mul3A_1831 = arith.muli %select_n3A_1813, %mul3A_1830 : i32
      %add3A_1832 = arith.constant 0 : i32
      %add3A_1833 = arith.addi %mul3A_1831, %add3A_1832 : i32
      %mul3A_1834 = arith.constant 128 : i32
      %mul3A_1835 = arith.muli %add3A_1833, %mul3A_1834 : i32
      %mul3A_1836 = arith.constant 2 : i32
      %mul3A_1837 = arith.muli %mul3A_1836, %select_n3A_1829 : i32
      %add3A_1838 = arith.addi %mul3A_1835, %mul3A_1837 : i32
      %mul3A_1839 = arith.constant 1024 : i32
      %mul3A_1840 = arith.muli %add3A_1838, %mul3A_1839 : i32
      %multiple_of3A_1841 = tpu.assume_multiple %mul3A_1840, 8 : i32
      %dma_start3A_1842 = arith.constant 0 : i32
      %dma_start3A_1843 = tpu.memref_slice %arg13[%dma_start3A_1842] : memref<8192xf32, #tpu.memory_space<vmem>> -> memref<2048xf32, #tpu.memory_space<vmem>>
      %dma_start3A_1844 = tpu.memref_slice %arg4[%multiple_of3A_1841] : memref<26214400xf32, #tpu.memory_space<hbm>> -> memref<2048xf32, #tpu.memory_space<hbm>>
      %dma_start3A_1845 = tpu.memref_slice %arg4[%multiple_of3A_1841] : memref<26214400xf32, #tpu.memory_space<hbm>> -> memref<2048xf32, #tpu.memory_space<hbm>>
      %dma_start3A_1846 = arith.constant 0 : i32
      %dma_start3A_1847 = tpu.memref_slice %arg13[%dma_start3A_1846] : memref<8192xf32, #tpu.memory_space<vmem>> -> memref<2048xf32, #tpu.memory_space<vmem>>
      tpu.enqueue_dma source(%dma_start3A_1847 : memref<2048xf32, #tpu.memory_space<vmem>>) target(%dma_start3A_1845 : memref<2048xf32, #tpu.memory_space<hbm>>) target_semaphore(%arg21 : memref<!tpu.dma_semaphore, #tpu.memory_space<semaphore_mem>>)
      %jit3A_1848 = arith.constant 64 : i32
      %div3A_1849 = arith.divsi %add3A_1762, %jit3A_1848 : i32
      %sign3A_1850 = arith.constant 0 : i32
      %sign3A_1851 = arith.cmpi sgt, %add3A_1762, %sign3A_1850 : i32
      %sign3A_1852 = arith.extui %sign3A_1851 : i1 to i32
      %sign3A_1853 = arith.constant 0 : i32
      %sign3A_1854 = arith.cmpi slt, %add3A_1762, %sign3A_1853 : i32
      %sign3A_1855 = arith.extui %sign3A_1854 : i1 to i32
      %sign3A_1856 = arith.subi %sign3A_1852, %sign3A_1855 : i32
      %sign3A_1857 = arith.constant 0 : i32
      %sign3A_1858 = arith.cmpi sgt, %jit3A_1848, %sign3A_1857 : i32
      %sign3A_1859 = arith.extui %sign3A_1858 : i1 to i32
      %sign3A_1860 = arith.constant 0 : i32
      %sign3A_1861 = arith.cmpi slt, %jit3A_1848, %sign3A_1860 : i32
      %sign3A_1862 = arith.extui %sign3A_1861 : i1 to i32
      %sign3A_1863 = arith.subi %sign3A_1859, %sign3A_1862 : i32
      %ne3A_1864 = arith.cmpi ne, %sign3A_1856, %sign3A_1863 : i32
      %rem3A_1865 = arith.remsi %add3A_1762, %jit3A_1848 : i32
      %ne3A_1866 = arith.constant 0 : i32
      %ne3A_1867 = arith.cmpi ne, %rem3A_1865, %ne3A_1866 : i32
      %and3A_1868 = arith.andi %ne3A_1864, %ne3A_1867 : i1
      %sub3A_1869 = arith.constant 1 : i32
      %sub3A_1870 = arith.subi %div3A_1849, %sub3A_1869 : i32
      %select_n3A_1871 = arith.select %and3A_1868, %sub3A_1870, %div3A_1849 : i32
      %jit3A_1872 = arith.constant 64 : i32
      %eq3A_1873 = arith.constant 0 : i32
      %eq3A_1874 = arith.cmpi eq, %jit3A_1872, %eq3A_1873 : i32
      %jit3A_1875 = arith.constant 1 : i32
      %select_n3A_1876 = arith.select %eq3A_1874, %jit3A_1875, %jit3A_1872 : i32
      %rem3A_1877 = arith.remsi %add3A_1762, %select_n3A_1876 : i32
      %ne3A_1878 = arith.constant 0 : i32
      %ne3A_1879 = arith.cmpi ne, %rem3A_1877, %ne3A_1878 : i32
      %lt3A_1880 = arith.constant 0 : i32
      %lt3A_1881 = arith.cmpi slt, %rem3A_1877, %lt3A_1880 : i32
      %lt3A_1882 = arith.constant 0 : i32
      %lt3A_1883 = arith.cmpi slt, %select_n3A_1876, %lt3A_1882 : i32
      %ne3A_1884 = arith.xori %lt3A_1881, %lt3A_1883 : i1
      %and3A_1885 = arith.andi %ne3A_1884, %ne3A_1879 : i1
      %add3A_1886 = arith.addi %rem3A_1877, %select_n3A_1876 : i32
      %select_n3A_1887 = arith.select %and3A_1885, %add3A_1886, %rem3A_1877 : i32
      %mul3A_1888 = arith.constant 4 : i32
      %mul3A_1889 = arith.muli %select_n3A_1871, %mul3A_1888 : i32
      %add3A_1890 = arith.constant 1 : i32
      %add3A_1891 = arith.addi %mul3A_1889, %add3A_1890 : i32
      %mul3A_1892 = arith.constant 128 : i32
      %mul3A_1893 = arith.muli %add3A_1891, %mul3A_1892 : i32
      %mul3A_1894 = arith.constant 2 : i32
      %mul3A_1895 = arith.muli %mul3A_1894, %select_n3A_1887 : i32
      %add3A_1896 = arith.addi %mul3A_1893, %mul3A_1895 : i32
      %mul3A_1897 = arith.constant 1024 : i32
      %mul3A_1898 = arith.muli %add3A_1896, %mul3A_1897 : i32
      %multiple_of3A_1899 = tpu.assume_multiple %mul3A_1898, 8 : i32
      %dma_start3A_1900 = arith.constant 2048 : i32
      %dma_start3A_1901 = tpu.memref_slice %arg13[%dma_start3A_1900] : memref<8192xf32, #tpu.memory_space<vmem>> -> memref<2048xf32, #tpu.memory_space<vmem>>
      %dma_start3A_1902 = tpu.memref_slice %arg4[%multiple_of3A_1899] : memref<26214400xf32, #tpu.memory_space<hbm>> -> memref<2048xf32, #tpu.memory_space<hbm>>
      %dma_start3A_1903 = tpu.memref_slice %arg4[%multiple_of3A_1899] : memref<26214400xf32, #tpu.memory_space<hbm>> -> memref<2048xf32, #tpu.memory_space<hbm>>
      %dma_start3A_1904 = arith.constant 2048 : i32
      %dma_start3A_1905 = tpu.memref_slice %arg13[%dma_start3A_1904] : memref<8192xf32, #tpu.memory_space<vmem>> -> memref<2048xf32, #tpu.memory_space<vmem>>
      tpu.enqueue_dma source(%dma_start3A_1905 : memref<2048xf32, #tpu.memory_space<vmem>>) target(%dma_start3A_1903 : memref<2048xf32, #tpu.memory_space<hbm>>) target_semaphore(%arg21 : memref<!tpu.dma_semaphore, #tpu.memory_space<semaphore_mem>>)
      %jit3A_1906 = arith.constant 64 : i32
      %div3A_1907 = arith.divsi %add3A_1762, %jit3A_1906 : i32
      %sign3A_1908 = arith.constant 0 : i32
      %sign3A_1909 = arith.cmpi sgt, %add3A_1762, %sign3A_1908 : i32
      %sign3A_1910 = arith.extui %sign3A_1909 : i1 to i32
      %sign3A_1911 = arith.constant 0 : i32
      %sign3A_1912 = arith.cmpi slt, %add3A_1762, %sign3A_1911 : i32
      %sign3A_1913 = arith.extui %sign3A_1912 : i1 to i32
      %sign3A_1914 = arith.subi %sign3A_1910, %sign3A_1913 : i32
      %sign3A_1915 = arith.constant 0 : i32
      %sign3A_1916 = arith.cmpi sgt, %jit3A_1906, %sign3A_1915 : i32
      %sign3A_1917 = arith.extui %sign3A_1916 : i1 to i32
      %sign3A_1918 = arith.constant 0 : i32
      %sign3A_1919 = arith.cmpi slt, %jit3A_1906, %sign3A_1918 : i32
      %sign3A_1920 = arith.extui %sign3A_1919 : i1 to i32
      %sign3A_1921 = arith.subi %sign3A_1917, %sign3A_1920 : i32
      %ne3A_1922 = arith.cmpi ne, %sign3A_1914, %sign3A_1921 : i32
      %rem3A_1923 = arith.remsi %add3A_1762, %jit3A_1906 : i32
      %ne3A_1924 = arith.constant 0 : i32
      %ne3A_1925 = arith.cmpi ne, %rem3A_1923, %ne3A_1924 : i32
      %and3A_1926 = arith.andi %ne3A_1922, %ne3A_1925 : i1
      %sub3A_1927 = arith.constant 1 : i32
      %sub3A_1928 = arith.subi %div3A_1907, %sub3A_1927 : i32
      %select_n3A_1929 = arith.select %and3A_1926, %sub3A_1928, %div3A_1907 : i32
      %jit3A_1930 = arith.constant 64 : i32
      %eq3A_1931 = arith.constant 0 : i32
      %eq3A_1932 = arith.cmpi eq, %jit3A_1930, %eq3A_1931 : i32
      %jit3A_1933 = arith.constant 1 : i32
      %select_n3A_1934 = arith.select %eq3A_1932, %jit3A_1933, %jit3A_1930 : i32
      %rem3A_1935 = arith.remsi %add3A_1762, %select_n3A_1934 : i32
      %ne3A_1936 = arith.constant 0 : i32
      %ne3A_1937 = arith.cmpi ne, %rem3A_1935, %ne3A_1936 : i32
      %lt3A_1938 = arith.constant 0 : i32
      %lt3A_1939 = arith.cmpi slt, %rem3A_1935, %lt3A_1938 : i32
      %lt3A_1940 = arith.constant 0 : i32
      %lt3A_1941 = arith.cmpi slt, %select_n3A_1934, %lt3A_1940 : i32
      %ne3A_1942 = arith.xori %lt3A_1939, %lt3A_1941 : i1
      %and3A_1943 = arith.andi %ne3A_1942, %ne3A_1937 : i1
      %add3A_1944 = arith.addi %rem3A_1935, %select_n3A_1934 : i32
      %select_n3A_1945 = arith.select %and3A_1943, %add3A_1944, %rem3A_1935 : i32
      %mul3A_1946 = arith.constant 4 : i32
      %mul3A_1947 = arith.muli %select_n3A_1929, %mul3A_1946 : i32
      %add3A_1948 = arith.constant 2 : i32
      %add3A_1949 = arith.addi %mul3A_1947, %add3A_1948 : i32
      %mul3A_1950 = arith.constant 128 : i32
      %mul3A_1951 = arith.muli %add3A_1949, %mul3A_1950 : i32
      %mul3A_1952 = arith.constant 2 : i32
      %mul3A_1953 = arith.muli %mul3A_1952, %select_n3A_1945 : i32
      %add3A_1954 = arith.addi %mul3A_1951, %mul3A_1953 : i32
      %mul3A_1955 = arith.constant 1024 : i32
      %mul3A_1956 = arith.muli %add3A_1954, %mul3A_1955 : i32
      %multiple_of3A_1957 = tpu.assume_multiple %mul3A_1956, 8 : i32
      %dma_start3A_1958 = arith.constant 4096 : i32
      %dma_start3A_1959 = tpu.memref_slice %arg13[%dma_start3A_1958] : memref<8192xf32, #tpu.memory_space<vmem>> -> memref<2048xf32, #tpu.memory_space<vmem>>
      %dma_start3A_1960 = tpu.memref_slice %arg4[%multiple_of3A_1957] : memref<26214400xf32, #tpu.memory_space<hbm>> -> memref<2048xf32, #tpu.memory_space<hbm>>
      %dma_start3A_1961 = tpu.memref_slice %arg4[%multiple_of3A_1957] : memref<26214400xf32, #tpu.memory_space<hbm>> -> memref<2048xf32, #tpu.memory_space<hbm>>
      %dma_start3A_1962 = arith.constant 4096 : i32
      %dma_start3A_1963 = tpu.memref_slice %arg13[%dma_start3A_1962] : memref<8192xf32, #tpu.memory_space<vmem>> -> memref<2048xf32, #tpu.memory_space<vmem>>
      tpu.enqueue_dma source(%dma_start3A_1963 : memref<2048xf32, #tpu.memory_space<vmem>>) target(%dma_start3A_1961 : memref<2048xf32, #tpu.memory_space<hbm>>) target_semaphore(%arg21 : memref<!tpu.dma_semaphore, #tpu.memory_space<semaphore_mem>>)
      %jit3A_1964 = arith.constant 64 : i32
      %div3A_1965 = arith.divsi %add3A_1762, %jit3A_1964 : i32
      %sign3A_1966 = arith.constant 0 : i32
      %sign3A_1967 = arith.cmpi sgt, %add3A_1762, %sign3A_1966 : i32
      %sign3A_1968 = arith.extui %sign3A_1967 : i1 to i32
      %sign3A_1969 = arith.constant 0 : i32
      %sign3A_1970 = arith.cmpi slt, %add3A_1762, %sign3A_1969 : i32
      %sign3A_1971 = arith.extui %sign3A_1970 : i1 to i32
      %sign3A_1972 = arith.subi %sign3A_1968, %sign3A_1971 : i32
      %sign3A_1973 = arith.constant 0 : i32
      %sign3A_1974 = arith.cmpi sgt, %jit3A_1964, %sign3A_1973 : i32
      %sign3A_1975 = arith.extui %sign3A_1974 : i1 to i32
      %sign3A_1976 = arith.constant 0 : i32
      %sign3A_1977 = arith.cmpi slt, %jit3A_1964, %sign3A_1976 : i32
      %sign3A_1978 = arith.extui %sign3A_1977 : i1 to i32
      %sign3A_1979 = arith.subi %sign3A_1975, %sign3A_1978 : i32
      %ne3A_1980 = arith.cmpi ne, %sign3A_1972, %sign3A_1979 : i32
      %rem3A_1981 = arith.remsi %add3A_1762, %jit3A_1964 : i32
      %ne3A_1982 = arith.constant 0 : i32
      %ne3A_1983 = arith.cmpi ne, %rem3A_1981, %ne3A_1982 : i32
      %and3A_1984 = arith.andi %ne3A_1980, %ne3A_1983 : i1
      %sub3A_1985 = arith.constant 1 : i32
      %sub3A_1986 = arith.subi %div3A_1965, %sub3A_1985 : i32
      %select_n3A_1987 = arith.select %and3A_1984, %sub3A_1986, %div3A_1965 : i32
      %jit3A_1988 = arith.constant 64 : i32
      %eq3A_1989 = arith.constant 0 : i32
      %eq3A_1990 = arith.cmpi eq, %jit3A_1988, %eq3A_1989 : i32
      %jit3A_1991 = arith.constant 1 : i32
      %select_n3A_1992 = arith.select %eq3A_1990, %jit3A_1991, %jit3A_1988 : i32
      %rem3A_1993 = arith.remsi %add3A_1762, %select_n3A_1992 : i32
      %ne3A_1994 = arith.constant 0 : i32
      %ne3A_1995 = arith.cmpi ne, %rem3A_1993, %ne3A_1994 : i32
      %lt3A_1996 = arith.constant 0 : i32
      %lt3A_1997 = arith.cmpi slt, %rem3A_1993, %lt3A_1996 : i32
      %lt3A_1998 = arith.constant 0 : i32
      %lt3A_1999 = arith.cmpi slt, %select_n3A_1992, %lt3A_1998 : i32
      %ne3A_2000 = arith.xori %lt3A_1997, %lt3A_1999 : i1
      %and3A_2001 = arith.andi %ne3A_2000, %ne3A_1995 : i1
      %add3A_2002 = arith.addi %rem3A_1993, %select_n3A_1992 : i32
      %select_n3A_2003 = arith.select %and3A_2001, %add3A_2002, %rem3A_1993 : i32
      %mul3A_2004 = arith.constant 4 : i32
      %mul3A_2005 = arith.muli %select_n3A_1987, %mul3A_2004 : i32
      %add3A_2006 = arith.constant 3 : i32
      %add3A_2007 = arith.addi %mul3A_2005, %add3A_2006 : i32
      %mul3A_2008 = arith.constant 128 : i32
      %mul3A_2009 = arith.muli %add3A_2007, %mul3A_2008 : i32
      %mul3A_2010 = arith.constant 2 : i32
      %mul3A_2011 = arith.muli %mul3A_2010, %select_n3A_2003 : i32
      %add3A_2012 = arith.addi %mul3A_2009, %mul3A_2011 : i32
      %mul3A_2013 = arith.constant 1024 : i32
      %mul3A_2014 = arith.muli %add3A_2012, %mul3A_2013 : i32
      %multiple_of3A_2015 = tpu.assume_multiple %mul3A_2014, 8 : i32
      %dma_start3A_2016 = arith.constant 6144 : i32
      %dma_start3A_2017 = tpu.memref_slice %arg13[%dma_start3A_2016] : memref<8192xf32, #tpu.memory_space<vmem>> -> memref<2048xf32, #tpu.memory_space<vmem>>
      %dma_start3A_2018 = tpu.memref_slice %arg4[%multiple_of3A_2015] : memref<26214400xf32, #tpu.memory_space<hbm>> -> memref<2048xf32, #tpu.memory_space<hbm>>
      %dma_start3A_2019 = tpu.memref_slice %arg4[%multiple_of3A_2015] : memref<26214400xf32, #tpu.memory_space<hbm>> -> memref<2048xf32, #tpu.memory_space<hbm>>
      %dma_start3A_2020 = arith.constant 6144 : i32
      %dma_start3A_2021 = tpu.memref_slice %arg13[%dma_start3A_2020] : memref<8192xf32, #tpu.memory_space<vmem>> -> memref<2048xf32, #tpu.memory_space<vmem>>
      tpu.enqueue_dma source(%dma_start3A_2021 : memref<2048xf32, #tpu.memory_space<vmem>>) target(%dma_start3A_2019 : memref<2048xf32, #tpu.memory_space<hbm>>) target_semaphore(%arg21 : memref<!tpu.dma_semaphore, #tpu.memory_space<semaphore_mem>>)
    }
    %scan3A_26 = arith.constant 25 : i32
    %add3A_27 = arith.constant 100 : i32
    %add3A_28 = arith.addi %mul3A_2, %add3A_27 : i32
    %sub3A = arith.constant 4 : i32
    %sub3A_29 = arith.subi %add3A_28, %sub3A : i32
    %add3A_30 = arith.constant 0 : i32
    %add3A_31 = arith.addi %sub3A_29, %add3A_30 : i32
    %jit3A = arith.constant 64 : i32
    %div3A = arith.divsi %add3A_31, %jit3A : i32
    %sign3A = arith.constant 0 : i32
    %sign3A_32 = arith.cmpi sgt, %add3A_31, %sign3A : i32
    %sign3A_33 = arith.extui %sign3A_32 : i1 to i32
    %sign3A_34 = arith.constant 0 : i32
    %sign3A_35 = arith.cmpi slt, %add3A_31, %sign3A_34 : i32
    %sign3A_36 = arith.extui %sign3A_35 : i1 to i32
    %sign3A_37 = arith.subi %sign3A_33, %sign3A_36 : i32
    %sign3A_38 = arith.constant 0 : i32
    %sign3A_39 = arith.cmpi sgt, %jit3A, %sign3A_38 : i32
    %sign3A_40 = arith.extui %sign3A_39 : i1 to i32
    %sign3A_41 = arith.constant 0 : i32
    %sign3A_42 = arith.cmpi slt, %jit3A, %sign3A_41 : i32
    %sign3A_43 = arith.extui %sign3A_42 : i1 to i32
    %sign3A_44 = arith.subi %sign3A_40, %sign3A_43 : i32
    %ne3A = arith.cmpi ne, %sign3A_37, %sign3A_44 : i32
    %rem3A = arith.remsi %add3A_31, %jit3A : i32
    %ne3A_45 = arith.constant 0 : i32
    %ne3A_46 = arith.cmpi ne, %rem3A, %ne3A_45 : i32
    %and3A = arith.andi %ne3A, %ne3A_46 : i1
    %sub3A_47 = arith.constant 1 : i32
    %sub3A_48 = arith.subi %div3A, %sub3A_47 : i32
    %select_n3A = arith.select %and3A, %sub3A_48, %div3A : i32
    %jit3A_49 = arith.constant 64 : i32
    %eq3A = arith.constant 0 : i32
    %eq3A_50 = arith.cmpi eq, %jit3A_49, %eq3A : i32
    %jit3A_51 = arith.constant 1 : i32
    %select_n3A_52 = arith.select %eq3A_50, %jit3A_51, %jit3A_49 : i32
    %rem3A_53 = arith.remsi %add3A_31, %select_n3A_52 : i32
    %ne3A_54 = arith.constant 0 : i32
    %ne3A_55 = arith.cmpi ne, %rem3A_53, %ne3A_54 : i32
    %lt3A = arith.constant 0 : i32
    %lt3A_56 = arith.cmpi slt, %rem3A_53, %lt3A : i32
    %lt3A_57 = arith.constant 0 : i32
    %lt3A_58 = arith.cmpi slt, %select_n3A_52, %lt3A_57 : i32
    %ne3A_59 = arith.xori %lt3A_56, %lt3A_58 : i1
    %and3A_60 = arith.andi %ne3A_59, %ne3A_55 : i1
    %add3A_61 = arith.addi %rem3A_53, %select_n3A_52 : i32
    %select_n3A_62 = arith.select %and3A_60, %add3A_61, %rem3A_53 : i32
    %mul3A_63 = arith.constant 4 : i32
    %mul3A_64 = arith.muli %select_n3A, %mul3A_63 : i32
    %add3A_65 = arith.constant 0 : i32
    %add3A_66 = arith.addi %mul3A_64, %add3A_65 : i32
    %mul3A_67 = arith.constant 128 : i32
    %mul3A_68 = arith.muli %add3A_66, %mul3A_67 : i32
    %mul3A_69 = arith.constant 2 : i32
    %mul3A_70 = arith.muli %mul3A_69, %select_n3A_62 : i32
    %add3A_71 = arith.addi %mul3A_68, %mul3A_70 : i32
    %mul3A_72 = arith.constant 1024 : i32
    %mul3A_73 = arith.muli %add3A_71, %mul3A_72 : i32
    %multiple_of3A_74 = tpu.assume_multiple %mul3A_73, 8 : i32
    %dma_wait3A = arith.constant 0 : i32
    %dma_wait3A_75 = tpu.memref_slice %arg10[%dma_wait3A] : memref<8192xf32, #tpu.memory_space<vmem>> -> memref<2048xf32, #tpu.memory_space<vmem>>
    %dma_wait3A_76 = tpu.memref_slice %arg4[%multiple_of3A_74] : memref<26214400xf32, #tpu.memory_space<hbm>> -> memref<2048xf32, #tpu.memory_space<hbm>>
    %dma_wait3A_77 = tpu.memref_slice %arg4[%multiple_of3A_74] : memref<26214400xf32, #tpu.memory_space<hbm>> -> memref<2048xf32, #tpu.memory_space<hbm>>
    %dma_wait3A_78 = arith.constant 0 : i32
    %dma_wait3A_79 = tpu.memref_slice %arg10[%dma_wait3A_78] : memref<8192xf32, #tpu.memory_space<vmem>> -> memref<2048xf32, #tpu.memory_space<vmem>>
    tpu.wait_dma2 semaphore(%arg18 : memref<!tpu.dma_semaphore, #tpu.memory_space<semaphore_mem>>) src(%dma_wait3A_79 : memref<2048xf32, #tpu.memory_space<vmem>>) dst(%dma_wait3A_77 : memref<2048xf32, #tpu.memory_space<hbm>>)
    %jit3A_80 = arith.constant 64 : i32
    %div3A_81 = arith.divsi %add3A_31, %jit3A_80 : i32
    %sign3A_82 = arith.constant 0 : i32
    %sign3A_83 = arith.cmpi sgt, %add3A_31, %sign3A_82 : i32
    %sign3A_84 = arith.extui %sign3A_83 : i1 to i32
    %sign3A_85 = arith.constant 0 : i32
    %sign3A_86 = arith.cmpi slt, %add3A_31, %sign3A_85 : i32
    %sign3A_87 = arith.extui %sign3A_86 : i1 to i32
    %sign3A_88 = arith.subi %sign3A_84, %sign3A_87 : i32
    %sign3A_89 = arith.constant 0 : i32
    %sign3A_90 = arith.cmpi sgt, %jit3A_80, %sign3A_89 : i32
    %sign3A_91 = arith.extui %sign3A_90 : i1 to i32
    %sign3A_92 = arith.constant 0 : i32
    %sign3A_93 = arith.cmpi slt, %jit3A_80, %sign3A_92 : i32
    %sign3A_94 = arith.extui %sign3A_93 : i1 to i32
    %sign3A_95 = arith.subi %sign3A_91, %sign3A_94 : i32
    %ne3A_96 = arith.cmpi ne, %sign3A_88, %sign3A_95 : i32
    %rem3A_97 = arith.remsi %add3A_31, %jit3A_80 : i32
    %ne3A_98 = arith.constant 0 : i32
    %ne3A_99 = arith.cmpi ne, %rem3A_97, %ne3A_98 : i32
    %and3A_100 = arith.andi %ne3A_96, %ne3A_99 : i1
    %sub3A_101 = arith.constant 1 : i32
    %sub3A_102 = arith.subi %div3A_81, %sub3A_101 : i32
    %select_n3A_103 = arith.select %and3A_100, %sub3A_102, %div3A_81 : i32
    %jit3A_104 = arith.constant 64 : i32
    %eq3A_105 = arith.constant 0 : i32
    %eq3A_106 = arith.cmpi eq, %jit3A_104, %eq3A_105 : i32
    %jit3A_107 = arith.constant 1 : i32
    %select_n3A_108 = arith.select %eq3A_106, %jit3A_107, %jit3A_104 : i32
    %rem3A_109 = arith.remsi %add3A_31, %select_n3A_108 : i32
    %ne3A_110 = arith.constant 0 : i32
    %ne3A_111 = arith.cmpi ne, %rem3A_109, %ne3A_110 : i32
    %lt3A_112 = arith.constant 0 : i32
    %lt3A_113 = arith.cmpi slt, %rem3A_109, %lt3A_112 : i32
    %lt3A_114 = arith.constant 0 : i32
    %lt3A_115 = arith.cmpi slt, %select_n3A_108, %lt3A_114 : i32
    %ne3A_116 = arith.xori %lt3A_113, %lt3A_115 : i1
    %and3A_117 = arith.andi %ne3A_116, %ne3A_111 : i1
    %add3A_118 = arith.addi %rem3A_109, %select_n3A_108 : i32
    %select_n3A_119 = arith.select %and3A_117, %add3A_118, %rem3A_109 : i32
    %mul3A_120 = arith.constant 4 : i32
    %mul3A_121 = arith.muli %select_n3A_103, %mul3A_120 : i32
    %add3A_122 = arith.constant 1 : i32
    %add3A_123 = arith.addi %mul3A_121, %add3A_122 : i32
    %mul3A_124 = arith.constant 128 : i32
    %mul3A_125 = arith.muli %add3A_123, %mul3A_124 : i32
    %mul3A_126 = arith.constant 2 : i32
    %mul3A_127 = arith.muli %mul3A_126, %select_n3A_119 : i32
    %add3A_128 = arith.addi %mul3A_125, %mul3A_127 : i32
    %mul3A_129 = arith.constant 1024 : i32
    %mul3A_130 = arith.muli %add3A_128, %mul3A_129 : i32
    %multiple_of3A_131 = tpu.assume_multiple %mul3A_130, 8 : i32
    %dma_wait3A_132 = arith.constant 2048 : i32
    %dma_wait3A_133 = tpu.memref_slice %arg10[%dma_wait3A_132] : memref<8192xf32, #tpu.memory_space<vmem>> -> memref<2048xf32, #tpu.memory_space<vmem>>
    %dma_wait3A_134 = tpu.memref_slice %arg4[%multiple_of3A_131] : memref<26214400xf32, #tpu.memory_space<hbm>> -> memref<2048xf32, #tpu.memory_space<hbm>>
    %dma_wait3A_135 = tpu.memref_slice %arg4[%multiple_of3A_131] : memref<26214400xf32, #tpu.memory_space<hbm>> -> memref<2048xf32, #tpu.memory_space<hbm>>
    %dma_wait3A_136 = arith.constant 2048 : i32
    %dma_wait3A_137 = tpu.memref_slice %arg10[%dma_wait3A_136] : memref<8192xf32, #tpu.memory_space<vmem>> -> memref<2048xf32, #tpu.memory_space<vmem>>
    tpu.wait_dma2 semaphore(%arg18 : memref<!tpu.dma_semaphore, #tpu.memory_space<semaphore_mem>>) src(%dma_wait3A_137 : memref<2048xf32, #tpu.memory_space<vmem>>) dst(%dma_wait3A_135 : memref<2048xf32, #tpu.memory_space<hbm>>)
    %jit3A_138 = arith.constant 64 : i32
    %div3A_139 = arith.divsi %add3A_31, %jit3A_138 : i32
    %sign3A_140 = arith.constant 0 : i32
    %sign3A_141 = arith.cmpi sgt, %add3A_31, %sign3A_140 : i32
    %sign3A_142 = arith.extui %sign3A_141 : i1 to i32
    %sign3A_143 = arith.constant 0 : i32
    %sign3A_144 = arith.cmpi slt, %add3A_31, %sign3A_143 : i32
    %sign3A_145 = arith.extui %sign3A_144 : i1 to i32
    %sign3A_146 = arith.subi %sign3A_142, %sign3A_145 : i32
    %sign3A_147 = arith.constant 0 : i32
    %sign3A_148 = arith.cmpi sgt, %jit3A_138, %sign3A_147 : i32
    %sign3A_149 = arith.extui %sign3A_148 : i1 to i32
    %sign3A_150 = arith.constant 0 : i32
    %sign3A_151 = arith.cmpi slt, %jit3A_138, %sign3A_150 : i32
    %sign3A_152 = arith.extui %sign3A_151 : i1 to i32
    %sign3A_153 = arith.subi %sign3A_149, %sign3A_152 : i32
    %ne3A_154 = arith.cmpi ne, %sign3A_146, %sign3A_153 : i32
    %rem3A_155 = arith.remsi %add3A_31, %jit3A_138 : i32
    %ne3A_156 = arith.constant 0 : i32
    %ne3A_157 = arith.cmpi ne, %rem3A_155, %ne3A_156 : i32
    %and3A_158 = arith.andi %ne3A_154, %ne3A_157 : i1
    %sub3A_159 = arith.constant 1 : i32
    %sub3A_160 = arith.subi %div3A_139, %sub3A_159 : i32
    %select_n3A_161 = arith.select %and3A_158, %sub3A_160, %div3A_139 : i32
    %jit3A_162 = arith.constant 64 : i32
    %eq3A_163 = arith.constant 0 : i32
    %eq3A_164 = arith.cmpi eq, %jit3A_162, %eq3A_163 : i32
    %jit3A_165 = arith.constant 1 : i32
    %select_n3A_166 = arith.select %eq3A_164, %jit3A_165, %jit3A_162 : i32
    %rem3A_167 = arith.remsi %add3A_31, %select_n3A_166 : i32
    %ne3A_168 = arith.constant 0 : i32
    %ne3A_169 = arith.cmpi ne, %rem3A_167, %ne3A_168 : i32
    %lt3A_170 = arith.constant 0 : i32
    %lt3A_171 = arith.cmpi slt, %rem3A_167, %lt3A_170 : i32
    %lt3A_172 = arith.constant 0 : i32
    %lt3A_173 = arith.cmpi slt, %select_n3A_166, %lt3A_172 : i32
    %ne3A_174 = arith.xori %lt3A_171, %lt3A_173 : i1
    %and3A_175 = arith.andi %ne3A_174, %ne3A_169 : i1
    %add3A_176 = arith.addi %rem3A_167, %select_n3A_166 : i32
    %select_n3A_177 = arith.select %and3A_175, %add3A_176, %rem3A_167 : i32
    %mul3A_178 = arith.constant 4 : i32
    %mul3A_179 = arith.muli %select_n3A_161, %mul3A_178 : i32
    %add3A_180 = arith.constant 2 : i32
    %add3A_181 = arith.addi %mul3A_179, %add3A_180 : i32
    %mul3A_182 = arith.constant 128 : i32
    %mul3A_183 = arith.muli %add3A_181, %mul3A_182 : i32
    %mul3A_184 = arith.constant 2 : i32
    %mul3A_185 = arith.muli %mul3A_184, %select_n3A_177 : i32
    %add3A_186 = arith.addi %mul3A_183, %mul3A_185 : i32
    %mul3A_187 = arith.constant 1024 : i32
    %mul3A_188 = arith.muli %add3A_186, %mul3A_187 : i32
    %multiple_of3A_189 = tpu.assume_multiple %mul3A_188, 8 : i32
    %dma_wait3A_190 = arith.constant 4096 : i32
    %dma_wait3A_191 = tpu.memref_slice %arg10[%dma_wait3A_190] : memref<8192xf32, #tpu.memory_space<vmem>> -> memref<2048xf32, #tpu.memory_space<vmem>>
    %dma_wait3A_192 = tpu.memref_slice %arg4[%multiple_of3A_189] : memref<26214400xf32, #tpu.memory_space<hbm>> -> memref<2048xf32, #tpu.memory_space<hbm>>
    %dma_wait3A_193 = tpu.memref_slice %arg4[%multiple_of3A_189] : memref<26214400xf32, #tpu.memory_space<hbm>> -> memref<2048xf32, #tpu.memory_space<hbm>>
    %dma_wait3A_194 = arith.constant 4096 : i32
    %dma_wait3A_195 = tpu.memref_slice %arg10[%dma_wait3A_194] : memref<8192xf32, #tpu.memory_space<vmem>> -> memref<2048xf32, #tpu.memory_space<vmem>>
    tpu.wait_dma2 semaphore(%arg18 : memref<!tpu.dma_semaphore, #tpu.memory_space<semaphore_mem>>) src(%dma_wait3A_195 : memref<2048xf32, #tpu.memory_space<vmem>>) dst(%dma_wait3A_193 : memref<2048xf32, #tpu.memory_space<hbm>>)
    %jit3A_196 = arith.constant 64 : i32
    %div3A_197 = arith.divsi %add3A_31, %jit3A_196 : i32
    %sign3A_198 = arith.constant 0 : i32
    %sign3A_199 = arith.cmpi sgt, %add3A_31, %sign3A_198 : i32
    %sign3A_200 = arith.extui %sign3A_199 : i1 to i32
    %sign3A_201 = arith.constant 0 : i32
    %sign3A_202 = arith.cmpi slt, %add3A_31, %sign3A_201 : i32
    %sign3A_203 = arith.extui %sign3A_202 : i1 to i32
    %sign3A_204 = arith.subi %sign3A_200, %sign3A_203 : i32
    %sign3A_205 = arith.constant 0 : i32
    %sign3A_206 = arith.cmpi sgt, %jit3A_196, %sign3A_205 : i32
    %sign3A_207 = arith.extui %sign3A_206 : i1 to i32
    %sign3A_208 = arith.constant 0 : i32
    %sign3A_209 = arith.cmpi slt, %jit3A_196, %sign3A_208 : i32
    %sign3A_210 = arith.extui %sign3A_209 : i1 to i32
    %sign3A_211 = arith.subi %sign3A_207, %sign3A_210 : i32
    %ne3A_212 = arith.cmpi ne, %sign3A_204, %sign3A_211 : i32
    %rem3A_213 = arith.remsi %add3A_31, %jit3A_196 : i32
    %ne3A_214 = arith.constant 0 : i32
    %ne3A_215 = arith.cmpi ne, %rem3A_213, %ne3A_214 : i32
    %and3A_216 = arith.andi %ne3A_212, %ne3A_215 : i1
    %sub3A_217 = arith.constant 1 : i32
    %sub3A_218 = arith.subi %div3A_197, %sub3A_217 : i32
    %select_n3A_219 = arith.select %and3A_216, %sub3A_218, %div3A_197 : i32
    %jit3A_220 = arith.constant 64 : i32
    %eq3A_221 = arith.constant 0 : i32
    %eq3A_222 = arith.cmpi eq, %jit3A_220, %eq3A_221 : i32
    %jit3A_223 = arith.constant 1 : i32
    %select_n3A_224 = arith.select %eq3A_222, %jit3A_223, %jit3A_220 : i32
    %rem3A_225 = arith.remsi %add3A_31, %select_n3A_224 : i32
    %ne3A_226 = arith.constant 0 : i32
    %ne3A_227 = arith.cmpi ne, %rem3A_225, %ne3A_226 : i32
    %lt3A_228 = arith.constant 0 : i32
    %lt3A_229 = arith.cmpi slt, %rem3A_225, %lt3A_228 : i32
    %lt3A_230 = arith.constant 0 : i32
    %lt3A_231 = arith.cmpi slt, %select_n3A_224, %lt3A_230 : i32
    %ne3A_232 = arith.xori %lt3A_229, %lt3A_231 : i1
    %and3A_233 = arith.andi %ne3A_232, %ne3A_227 : i1
    %add3A_234 = arith.addi %rem3A_225, %select_n3A_224 : i32
    %select_n3A_235 = arith.select %and3A_233, %add3A_234, %rem3A_225 : i32
    %mul3A_236 = arith.constant 4 : i32
    %mul3A_237 = arith.muli %select_n3A_219, %mul3A_236 : i32
    %add3A_238 = arith.constant 3 : i32
    %add3A_239 = arith.addi %mul3A_237, %add3A_238 : i32
    %mul3A_240 = arith.constant 128 : i32
    %mul3A_241 = arith.muli %add3A_239, %mul3A_240 : i32
    %mul3A_242 = arith.constant 2 : i32
    %mul3A_243 = arith.muli %mul3A_242, %select_n3A_235 : i32
    %add3A_244 = arith.addi %mul3A_241, %mul3A_243 : i32
    %mul3A_245 = arith.constant 1024 : i32
    %mul3A_246 = arith.muli %add3A_244, %mul3A_245 : i32
    %multiple_of3A_247 = tpu.assume_multiple %mul3A_246, 8 : i32
    %dma_wait3A_248 = arith.constant 6144 : i32
    %dma_wait3A_249 = tpu.memref_slice %arg10[%dma_wait3A_248] : memref<8192xf32, #tpu.memory_space<vmem>> -> memref<2048xf32, #tpu.memory_space<vmem>>
    %dma_wait3A_250 = tpu.memref_slice %arg4[%multiple_of3A_247] : memref<26214400xf32, #tpu.memory_space<hbm>> -> memref<2048xf32, #tpu.memory_space<hbm>>
    %dma_wait3A_251 = tpu.memref_slice %arg4[%multiple_of3A_247] : memref<26214400xf32, #tpu.memory_space<hbm>> -> memref<2048xf32, #tpu.memory_space<hbm>>
    %dma_wait3A_252 = arith.constant 6144 : i32
    %dma_wait3A_253 = tpu.memref_slice %arg10[%dma_wait3A_252] : memref<8192xf32, #tpu.memory_space<vmem>> -> memref<2048xf32, #tpu.memory_space<vmem>>
    tpu.wait_dma2 semaphore(%arg18 : memref<!tpu.dma_semaphore, #tpu.memory_space<semaphore_mem>>) src(%dma_wait3A_253 : memref<2048xf32, #tpu.memory_space<vmem>>) dst(%dma_wait3A_251 : memref<2048xf32, #tpu.memory_space<hbm>>)
    %add3A_254 = arith.constant 100 : i32
    %add3A_255 = arith.addi %mul3A_2, %add3A_254 : i32
    %sub3A_256 = arith.constant 4 : i32
    %sub3A_257 = arith.subi %add3A_255, %sub3A_256 : i32
    %add3A_258 = arith.constant 1 : i32
    %add3A_259 = arith.addi %sub3A_257, %add3A_258 : i32
    %jit3A_260 = arith.constant 64 : i32
    %div3A_261 = arith.divsi %add3A_259, %jit3A_260 : i32
    %sign3A_262 = arith.constant 0 : i32
    %sign3A_263 = arith.cmpi sgt, %add3A_259, %sign3A_262 : i32
    %sign3A_264 = arith.extui %sign3A_263 : i1 to i32
    %sign3A_265 = arith.constant 0 : i32
    %sign3A_266 = arith.cmpi slt, %add3A_259, %sign3A_265 : i32
    %sign3A_267 = arith.extui %sign3A_266 : i1 to i32
    %sign3A_268 = arith.subi %sign3A_264, %sign3A_267 : i32
    %sign3A_269 = arith.constant 0 : i32
    %sign3A_270 = arith.cmpi sgt, %jit3A_260, %sign3A_269 : i32
    %sign3A_271 = arith.extui %sign3A_270 : i1 to i32
    %sign3A_272 = arith.constant 0 : i32
    %sign3A_273 = arith.cmpi slt, %jit3A_260, %sign3A_272 : i32
    %sign3A_274 = arith.extui %sign3A_273 : i1 to i32
    %sign3A_275 = arith.subi %sign3A_271, %sign3A_274 : i32
    %ne3A_276 = arith.cmpi ne, %sign3A_268, %sign3A_275 : i32
    %rem3A_277 = arith.remsi %add3A_259, %jit3A_260 : i32
    %ne3A_278 = arith.constant 0 : i32
    %ne3A_279 = arith.cmpi ne, %rem3A_277, %ne3A_278 : i32
    %and3A_280 = arith.andi %ne3A_276, %ne3A_279 : i1
    %sub3A_281 = arith.constant 1 : i32
    %sub3A_282 = arith.subi %div3A_261, %sub3A_281 : i32
    %select_n3A_283 = arith.select %and3A_280, %sub3A_282, %div3A_261 : i32
    %jit3A_284 = arith.constant 64 : i32
    %eq3A_285 = arith.constant 0 : i32
    %eq3A_286 = arith.cmpi eq, %jit3A_284, %eq3A_285 : i32
    %jit3A_287 = arith.constant 1 : i32
    %select_n3A_288 = arith.select %eq3A_286, %jit3A_287, %jit3A_284 : i32
    %rem3A_289 = arith.remsi %add3A_259, %select_n3A_288 : i32
    %ne3A_290 = arith.constant 0 : i32
    %ne3A_291 = arith.cmpi ne, %rem3A_289, %ne3A_290 : i32
    %lt3A_292 = arith.constant 0 : i32
    %lt3A_293 = arith.cmpi slt, %rem3A_289, %lt3A_292 : i32
    %lt3A_294 = arith.constant 0 : i32
    %lt3A_295 = arith.cmpi slt, %select_n3A_288, %lt3A_294 : i32
    %ne3A_296 = arith.xori %lt3A_293, %lt3A_295 : i1
    %and3A_297 = arith.andi %ne3A_296, %ne3A_291 : i1
    %add3A_298 = arith.addi %rem3A_289, %select_n3A_288 : i32
    %select_n3A_299 = arith.select %and3A_297, %add3A_298, %rem3A_289 : i32
    %mul3A_300 = arith.constant 4 : i32
    %mul3A_301 = arith.muli %select_n3A_283, %mul3A_300 : i32
    %add3A_302 = arith.constant 0 : i32
    %add3A_303 = arith.addi %mul3A_301, %add3A_302 : i32
    %mul3A_304 = arith.constant 128 : i32
    %mul3A_305 = arith.muli %add3A_303, %mul3A_304 : i32
    %mul3A_306 = arith.constant 2 : i32
    %mul3A_307 = arith.muli %mul3A_306, %select_n3A_299 : i32
    %add3A_308 = arith.addi %mul3A_305, %mul3A_307 : i32
    %mul3A_309 = arith.constant 1024 : i32
    %mul3A_310 = arith.muli %add3A_308, %mul3A_309 : i32
    %multiple_of3A_311 = tpu.assume_multiple %mul3A_310, 8 : i32
    %dma_wait3A_312 = arith.constant 0 : i32
    %dma_wait3A_313 = tpu.memref_slice %arg11[%dma_wait3A_312] : memref<8192xf32, #tpu.memory_space<vmem>> -> memref<2048xf32, #tpu.memory_space<vmem>>
    %dma_wait3A_314 = tpu.memref_slice %arg4[%multiple_of3A_311] : memref<26214400xf32, #tpu.memory_space<hbm>> -> memref<2048xf32, #tpu.memory_space<hbm>>
    %dma_wait3A_315 = tpu.memref_slice %arg4[%multiple_of3A_311] : memref<26214400xf32, #tpu.memory_space<hbm>> -> memref<2048xf32, #tpu.memory_space<hbm>>
    %dma_wait3A_316 = arith.constant 0 : i32
    %dma_wait3A_317 = tpu.memref_slice %arg11[%dma_wait3A_316] : memref<8192xf32, #tpu.memory_space<vmem>> -> memref<2048xf32, #tpu.memory_space<vmem>>
    tpu.wait_dma2 semaphore(%arg19 : memref<!tpu.dma_semaphore, #tpu.memory_space<semaphore_mem>>) src(%dma_wait3A_317 : memref<2048xf32, #tpu.memory_space<vmem>>) dst(%dma_wait3A_315 : memref<2048xf32, #tpu.memory_space<hbm>>)
    %jit3A_318 = arith.constant 64 : i32
    %div3A_319 = arith.divsi %add3A_259, %jit3A_318 : i32
    %sign3A_320 = arith.constant 0 : i32
    %sign3A_321 = arith.cmpi sgt, %add3A_259, %sign3A_320 : i32
    %sign3A_322 = arith.extui %sign3A_321 : i1 to i32
    %sign3A_323 = arith.constant 0 : i32
    %sign3A_324 = arith.cmpi slt, %add3A_259, %sign3A_323 : i32
    %sign3A_325 = arith.extui %sign3A_324 : i1 to i32
    %sign3A_326 = arith.subi %sign3A_322, %sign3A_325 : i32
    %sign3A_327 = arith.constant 0 : i32
    %sign3A_328 = arith.cmpi sgt, %jit3A_318, %sign3A_327 : i32
    %sign3A_329 = arith.extui %sign3A_328 : i1 to i32
    %sign3A_330 = arith.constant 0 : i32
    %sign3A_331 = arith.cmpi slt, %jit3A_318, %sign3A_330 : i32
    %sign3A_332 = arith.extui %sign3A_331 : i1 to i32
    %sign3A_333 = arith.subi %sign3A_329, %sign3A_332 : i32
    %ne3A_334 = arith.cmpi ne, %sign3A_326, %sign3A_333 : i32
    %rem3A_335 = arith.remsi %add3A_259, %jit3A_318 : i32
    %ne3A_336 = arith.constant 0 : i32
    %ne3A_337 = arith.cmpi ne, %rem3A_335, %ne3A_336 : i32
    %and3A_338 = arith.andi %ne3A_334, %ne3A_337 : i1
    %sub3A_339 = arith.constant 1 : i32
    %sub3A_340 = arith.subi %div3A_319, %sub3A_339 : i32
    %select_n3A_341 = arith.select %and3A_338, %sub3A_340, %div3A_319 : i32
    %jit3A_342 = arith.constant 64 : i32
    %eq3A_343 = arith.constant 0 : i32
    %eq3A_344 = arith.cmpi eq, %jit3A_342, %eq3A_343 : i32
    %jit3A_345 = arith.constant 1 : i32
    %select_n3A_346 = arith.select %eq3A_344, %jit3A_345, %jit3A_342 : i32
    %rem3A_347 = arith.remsi %add3A_259, %select_n3A_346 : i32
    %ne3A_348 = arith.constant 0 : i32
    %ne3A_349 = arith.cmpi ne, %rem3A_347, %ne3A_348 : i32
    %lt3A_350 = arith.constant 0 : i32
    %lt3A_351 = arith.cmpi slt, %rem3A_347, %lt3A_350 : i32
    %lt3A_352 = arith.constant 0 : i32
    %lt3A_353 = arith.cmpi slt, %select_n3A_346, %lt3A_352 : i32
    %ne3A_354 = arith.xori %lt3A_351, %lt3A_353 : i1
    %and3A_355 = arith.andi %ne3A_354, %ne3A_349 : i1
    %add3A_356 = arith.addi %rem3A_347, %select_n3A_346 : i32
    %select_n3A_357 = arith.select %and3A_355, %add3A_356, %rem3A_347 : i32
    %mul3A_358 = arith.constant 4 : i32
    %mul3A_359 = arith.muli %select_n3A_341, %mul3A_358 : i32
    %add3A_360 = arith.constant 1 : i32
    %add3A_361 = arith.addi %mul3A_359, %add3A_360 : i32
    %mul3A_362 = arith.constant 128 : i32
    %mul3A_363 = arith.muli %add3A_361, %mul3A_362 : i32
    %mul3A_364 = arith.constant 2 : i32
    %mul3A_365 = arith.muli %mul3A_364, %select_n3A_357 : i32
    %add3A_366 = arith.addi %mul3A_363, %mul3A_365 : i32
    %mul3A_367 = arith.constant 1024 : i32
    %mul3A_368 = arith.muli %add3A_366, %mul3A_367 : i32
    %multiple_of3A_369 = tpu.assume_multiple %mul3A_368, 8 : i32
    %dma_wait3A_370 = arith.constant 2048 : i32
    %dma_wait3A_371 = tpu.memref_slice %arg11[%dma_wait3A_370] : memref<8192xf32, #tpu.memory_space<vmem>> -> memref<2048xf32, #tpu.memory_space<vmem>>
    %dma_wait3A_372 = tpu.memref_slice %arg4[%multiple_of3A_369] : memref<26214400xf32, #tpu.memory_space<hbm>> -> memref<2048xf32, #tpu.memory_space<hbm>>
    %dma_wait3A_373 = tpu.memref_slice %arg4[%multiple_of3A_369] : memref<26214400xf32, #tpu.memory_space<hbm>> -> memref<2048xf32, #tpu.memory_space<hbm>>
    %dma_wait3A_374 = arith.constant 2048 : i32
    %dma_wait3A_375 = tpu.memref_slice %arg11[%dma_wait3A_374] : memref<8192xf32, #tpu.memory_space<vmem>> -> memref<2048xf32, #tpu.memory_space<vmem>>
    tpu.wait_dma2 semaphore(%arg19 : memref<!tpu.dma_semaphore, #tpu.memory_space<semaphore_mem>>) src(%dma_wait3A_375 : memref<2048xf32, #tpu.memory_space<vmem>>) dst(%dma_wait3A_373 : memref<2048xf32, #tpu.memory_space<hbm>>)
    %jit3A_376 = arith.constant 64 : i32
    %div3A_377 = arith.divsi %add3A_259, %jit3A_376 : i32
    %sign3A_378 = arith.constant 0 : i32
    %sign3A_379 = arith.cmpi sgt, %add3A_259, %sign3A_378 : i32
    %sign3A_380 = arith.extui %sign3A_379 : i1 to i32
    %sign3A_381 = arith.constant 0 : i32
    %sign3A_382 = arith.cmpi slt, %add3A_259, %sign3A_381 : i32
    %sign3A_383 = arith.extui %sign3A_382 : i1 to i32
    %sign3A_384 = arith.subi %sign3A_380, %sign3A_383 : i32
    %sign3A_385 = arith.constant 0 : i32
    %sign3A_386 = arith.cmpi sgt, %jit3A_376, %sign3A_385 : i32
    %sign3A_387 = arith.extui %sign3A_386 : i1 to i32
    %sign3A_388 = arith.constant 0 : i32
    %sign3A_389 = arith.cmpi slt, %jit3A_376, %sign3A_388 : i32
    %sign3A_390 = arith.extui %sign3A_389 : i1 to i32
    %sign3A_391 = arith.subi %sign3A_387, %sign3A_390 : i32
    %ne3A_392 = arith.cmpi ne, %sign3A_384, %sign3A_391 : i32
    %rem3A_393 = arith.remsi %add3A_259, %jit3A_376 : i32
    %ne3A_394 = arith.constant 0 : i32
    %ne3A_395 = arith.cmpi ne, %rem3A_393, %ne3A_394 : i32
    %and3A_396 = arith.andi %ne3A_392, %ne3A_395 : i1
    %sub3A_397 = arith.constant 1 : i32
    %sub3A_398 = arith.subi %div3A_377, %sub3A_397 : i32
    %select_n3A_399 = arith.select %and3A_396, %sub3A_398, %div3A_377 : i32
    %jit3A_400 = arith.constant 64 : i32
    %eq3A_401 = arith.constant 0 : i32
    %eq3A_402 = arith.cmpi eq, %jit3A_400, %eq3A_401 : i32
    %jit3A_403 = arith.constant 1 : i32
    %select_n3A_404 = arith.select %eq3A_402, %jit3A_403, %jit3A_400 : i32
    %rem3A_405 = arith.remsi %add3A_259, %select_n3A_404 : i32
    %ne3A_406 = arith.constant 0 : i32
    %ne3A_407 = arith.cmpi ne, %rem3A_405, %ne3A_406 : i32
    %lt3A_408 = arith.constant 0 : i32
    %lt3A_409 = arith.cmpi slt, %rem3A_405, %lt3A_408 : i32
    %lt3A_410 = arith.constant 0 : i32
    %lt3A_411 = arith.cmpi slt, %select_n3A_404, %lt3A_410 : i32
    %ne3A_412 = arith.xori %lt3A_409, %lt3A_411 : i1
    %and3A_413 = arith.andi %ne3A_412, %ne3A_407 : i1
    %add3A_414 = arith.addi %rem3A_405, %select_n3A_404 : i32
    %select_n3A_415 = arith.select %and3A_413, %add3A_414, %rem3A_405 : i32
    %mul3A_416 = arith.constant 4 : i32
    %mul3A_417 = arith.muli %select_n3A_399, %mul3A_416 : i32
    %add3A_418 = arith.constant 2 : i32
    %add3A_419 = arith.addi %mul3A_417, %add3A_418 : i32
    %mul3A_420 = arith.constant 128 : i32
    %mul3A_421 = arith.muli %add3A_419, %mul3A_420 : i32
    %mul3A_422 = arith.constant 2 : i32
    %mul3A_423 = arith.muli %mul3A_422, %select_n3A_415 : i32
    %add3A_424 = arith.addi %mul3A_421, %mul3A_423 : i32
    %mul3A_425 = arith.constant 1024 : i32
    %mul3A_426 = arith.muli %add3A_424, %mul3A_425 : i32
    %multiple_of3A_427 = tpu.assume_multiple %mul3A_426, 8 : i32
    %dma_wait3A_428 = arith.constant 4096 : i32
    %dma_wait3A_429 = tpu.memref_slice %arg11[%dma_wait3A_428] : memref<8192xf32, #tpu.memory_space<vmem>> -> memref<2048xf32, #tpu.memory_space<vmem>>
    %dma_wait3A_430 = tpu.memref_slice %arg4[%multiple_of3A_427] : memref<26214400xf32, #tpu.memory_space<hbm>> -> memref<2048xf32, #tpu.memory_space<hbm>>
    %dma_wait3A_431 = tpu.memref_slice %arg4[%multiple_of3A_427] : memref<26214400xf32, #tpu.memory_space<hbm>> -> memref<2048xf32, #tpu.memory_space<hbm>>
    %dma_wait3A_432 = arith.constant 4096 : i32
    %dma_wait3A_433 = tpu.memref_slice %arg11[%dma_wait3A_432] : memref<8192xf32, #tpu.memory_space<vmem>> -> memref<2048xf32, #tpu.memory_space<vmem>>
    tpu.wait_dma2 semaphore(%arg19 : memref<!tpu.dma_semaphore, #tpu.memory_space<semaphore_mem>>) src(%dma_wait3A_433 : memref<2048xf32, #tpu.memory_space<vmem>>) dst(%dma_wait3A_431 : memref<2048xf32, #tpu.memory_space<hbm>>)
    %jit3A_434 = arith.constant 64 : i32
    %div3A_435 = arith.divsi %add3A_259, %jit3A_434 : i32
    %sign3A_436 = arith.constant 0 : i32
    %sign3A_437 = arith.cmpi sgt, %add3A_259, %sign3A_436 : i32
    %sign3A_438 = arith.extui %sign3A_437 : i1 to i32
    %sign3A_439 = arith.constant 0 : i32
    %sign3A_440 = arith.cmpi slt, %add3A_259, %sign3A_439 : i32
    %sign3A_441 = arith.extui %sign3A_440 : i1 to i32
    %sign3A_442 = arith.subi %sign3A_438, %sign3A_441 : i32
    %sign3A_443 = arith.constant 0 : i32
    %sign3A_444 = arith.cmpi sgt, %jit3A_434, %sign3A_443 : i32
    %sign3A_445 = arith.extui %sign3A_444 : i1 to i32
    %sign3A_446 = arith.constant 0 : i32
    %sign3A_447 = arith.cmpi slt, %jit3A_434, %sign3A_446 : i32
    %sign3A_448 = arith.extui %sign3A_447 : i1 to i32
    %sign3A_449 = arith.subi %sign3A_445, %sign3A_448 : i32
    %ne3A_450 = arith.cmpi ne, %sign3A_442, %sign3A_449 : i32
    %rem3A_451 = arith.remsi %add3A_259, %jit3A_434 : i32
    %ne3A_452 = arith.constant 0 : i32
    %ne3A_453 = arith.cmpi ne, %rem3A_451, %ne3A_452 : i32
    %and3A_454 = arith.andi %ne3A_450, %ne3A_453 : i1
    %sub3A_455 = arith.constant 1 : i32
    %sub3A_456 = arith.subi %div3A_435, %sub3A_455 : i32
    %select_n3A_457 = arith.select %and3A_454, %sub3A_456, %div3A_435 : i32
    %jit3A_458 = arith.constant 64 : i32
    %eq3A_459 = arith.constant 0 : i32
    %eq3A_460 = arith.cmpi eq, %jit3A_458, %eq3A_459 : i32
    %jit3A_461 = arith.constant 1 : i32
    %select_n3A_462 = arith.select %eq3A_460, %jit3A_461, %jit3A_458 : i32
    %rem3A_463 = arith.remsi %add3A_259, %select_n3A_462 : i32
    %ne3A_464 = arith.constant 0 : i32
    %ne3A_465 = arith.cmpi ne, %rem3A_463, %ne3A_464 : i32
    %lt3A_466 = arith.constant 0 : i32
    %lt3A_467 = arith.cmpi slt, %rem3A_463, %lt3A_466 : i32
    %lt3A_468 = arith.constant 0 : i32
    %lt3A_469 = arith.cmpi slt, %select_n3A_462, %lt3A_468 : i32
    %ne3A_470 = arith.xori %lt3A_467, %lt3A_469 : i1
    %and3A_471 = arith.andi %ne3A_470, %ne3A_465 : i1
    %add3A_472 = arith.addi %rem3A_463, %select_n3A_462 : i32
    %select_n3A_473 = arith.select %and3A_471, %add3A_472, %rem3A_463 : i32
    %mul3A_474 = arith.constant 4 : i32
    %mul3A_475 = arith.muli %select_n3A_457, %mul3A_474 : i32
    %add3A_476 = arith.constant 3 : i32
    %add3A_477 = arith.addi %mul3A_475, %add3A_476 : i32
    %mul3A_478 = arith.constant 128 : i32
    %mul3A_479 = arith.muli %add3A_477, %mul3A_478 : i32
    %mul3A_480 = arith.constant 2 : i32
    %mul3A_481 = arith.muli %mul3A_480, %select_n3A_473 : i32
    %add3A_482 = arith.addi %mul3A_479, %mul3A_481 : i32
    %mul3A_483 = arith.constant 1024 : i32
    %mul3A_484 = arith.muli %add3A_482, %mul3A_483 : i32
    %multiple_of3A_485 = tpu.assume_multiple %mul3A_484, 8 : i32
    %dma_wait3A_486 = arith.constant 6144 : i32
    %dma_wait3A_487 = tpu.memref_slice %arg11[%dma_wait3A_486] : memref<8192xf32, #tpu.memory_space<vmem>> -> memref<2048xf32, #tpu.memory_space<vmem>>
    %dma_wait3A_488 = tpu.memref_slice %arg4[%multiple_of3A_485] : memref<26214400xf32, #tpu.memory_space<hbm>> -> memref<2048xf32, #tpu.memory_space<hbm>>
    %dma_wait3A_489 = tpu.memref_slice %arg4[%multiple_of3A_485] : memref<26214400xf32, #tpu.memory_space<hbm>> -> memref<2048xf32, #tpu.memory_space<hbm>>
    %dma_wait3A_490 = arith.constant 6144 : i32
    %dma_wait3A_491 = tpu.memref_slice %arg11[%dma_wait3A_490] : memref<8192xf32, #tpu.memory_space<vmem>> -> memref<2048xf32, #tpu.memory_space<vmem>>
    tpu.wait_dma2 semaphore(%arg19 : memref<!tpu.dma_semaphore, #tpu.memory_space<semaphore_mem>>) src(%dma_wait3A_491 : memref<2048xf32, #tpu.memory_space<vmem>>) dst(%dma_wait3A_489 : memref<2048xf32, #tpu.memory_space<hbm>>)
    %add3A_492 = arith.constant 100 : i32
    %add3A_493 = arith.addi %mul3A_2, %add3A_492 : i32
    %sub3A_494 = arith.constant 4 : i32
    %sub3A_495 = arith.subi %add3A_493, %sub3A_494 : i32
    %add3A_496 = arith.constant 2 : i32
    %add3A_497 = arith.addi %sub3A_495, %add3A_496 : i32
    %jit3A_498 = arith.constant 64 : i32
    %div3A_499 = arith.divsi %add3A_497, %jit3A_498 : i32
    %sign3A_500 = arith.constant 0 : i32
    %sign3A_501 = arith.cmpi sgt, %add3A_497, %sign3A_500 : i32
    %sign3A_502 = arith.extui %sign3A_501 : i1 to i32
    %sign3A_503 = arith.constant 0 : i32
    %sign3A_504 = arith.cmpi slt, %add3A_497, %sign3A_503 : i32
    %sign3A_505 = arith.extui %sign3A_504 : i1 to i32
    %sign3A_506 = arith.subi %sign3A_502, %sign3A_505 : i32
    %sign3A_507 = arith.constant 0 : i32
    %sign3A_508 = arith.cmpi sgt, %jit3A_498, %sign3A_507 : i32
    %sign3A_509 = arith.extui %sign3A_508 : i1 to i32
    %sign3A_510 = arith.constant 0 : i32
    %sign3A_511 = arith.cmpi slt, %jit3A_498, %sign3A_510 : i32
    %sign3A_512 = arith.extui %sign3A_511 : i1 to i32
    %sign3A_513 = arith.subi %sign3A_509, %sign3A_512 : i32
    %ne3A_514 = arith.cmpi ne, %sign3A_506, %sign3A_513 : i32
    %rem3A_515 = arith.remsi %add3A_497, %jit3A_498 : i32
    %ne3A_516 = arith.constant 0 : i32
    %ne3A_517 = arith.cmpi ne, %rem3A_515, %ne3A_516 : i32
    %and3A_518 = arith.andi %ne3A_514, %ne3A_517 : i1
    %sub3A_519 = arith.constant 1 : i32
    %sub3A_520 = arith.subi %div3A_499, %sub3A_519 : i32
    %select_n3A_521 = arith.select %and3A_518, %sub3A_520, %div3A_499 : i32
    %jit3A_522 = arith.constant 64 : i32
    %eq3A_523 = arith.constant 0 : i32
    %eq3A_524 = arith.cmpi eq, %jit3A_522, %eq3A_523 : i32
    %jit3A_525 = arith.constant 1 : i32
    %select_n3A_526 = arith.select %eq3A_524, %jit3A_525, %jit3A_522 : i32
    %rem3A_527 = arith.remsi %add3A_497, %select_n3A_526 : i32
    %ne3A_528 = arith.constant 0 : i32
    %ne3A_529 = arith.cmpi ne, %rem3A_527, %ne3A_528 : i32
    %lt3A_530 = arith.constant 0 : i32
    %lt3A_531 = arith.cmpi slt, %rem3A_527, %lt3A_530 : i32
    %lt3A_532 = arith.constant 0 : i32
    %lt3A_533 = arith.cmpi slt, %select_n3A_526, %lt3A_532 : i32
    %ne3A_534 = arith.xori %lt3A_531, %lt3A_533 : i1
    %and3A_535 = arith.andi %ne3A_534, %ne3A_529 : i1
    %add3A_536 = arith.addi %rem3A_527, %select_n3A_526 : i32
    %select_n3A_537 = arith.select %and3A_535, %add3A_536, %rem3A_527 : i32
    %mul3A_538 = arith.constant 4 : i32
    %mul3A_539 = arith.muli %select_n3A_521, %mul3A_538 : i32
    %add3A_540 = arith.constant 0 : i32
    %add3A_541 = arith.addi %mul3A_539, %add3A_540 : i32
    %mul3A_542 = arith.constant 128 : i32
    %mul3A_543 = arith.muli %add3A_541, %mul3A_542 : i32
    %mul3A_544 = arith.constant 2 : i32
    %mul3A_545 = arith.muli %mul3A_544, %select_n3A_537 : i32
    %add3A_546 = arith.addi %mul3A_543, %mul3A_545 : i32
    %mul3A_547 = arith.constant 1024 : i32
    %mul3A_548 = arith.muli %add3A_546, %mul3A_547 : i32
    %multiple_of3A_549 = tpu.assume_multiple %mul3A_548, 8 : i32
    %dma_wait3A_550 = arith.constant 0 : i32
    %dma_wait3A_551 = tpu.memref_slice %arg12[%dma_wait3A_550] : memref<8192xf32, #tpu.memory_space<vmem>> -> memref<2048xf32, #tpu.memory_space<vmem>>
    %dma_wait3A_552 = tpu.memref_slice %arg4[%multiple_of3A_549] : memref<26214400xf32, #tpu.memory_space<hbm>> -> memref<2048xf32, #tpu.memory_space<hbm>>
    %dma_wait3A_553 = tpu.memref_slice %arg4[%multiple_of3A_549] : memref<26214400xf32, #tpu.memory_space<hbm>> -> memref<2048xf32, #tpu.memory_space<hbm>>
    %dma_wait3A_554 = arith.constant 0 : i32
    %dma_wait3A_555 = tpu.memref_slice %arg12[%dma_wait3A_554] : memref<8192xf32, #tpu.memory_space<vmem>> -> memref<2048xf32, #tpu.memory_space<vmem>>
    tpu.wait_dma2 semaphore(%arg20 : memref<!tpu.dma_semaphore, #tpu.memory_space<semaphore_mem>>) src(%dma_wait3A_555 : memref<2048xf32, #tpu.memory_space<vmem>>) dst(%dma_wait3A_553 : memref<2048xf32, #tpu.memory_space<hbm>>)
    %jit3A_556 = arith.constant 64 : i32
    %div3A_557 = arith.divsi %add3A_497, %jit3A_556 : i32
    %sign3A_558 = arith.constant 0 : i32
    %sign3A_559 = arith.cmpi sgt, %add3A_497, %sign3A_558 : i32
    %sign3A_560 = arith.extui %sign3A_559 : i1 to i32
    %sign3A_561 = arith.constant 0 : i32
    %sign3A_562 = arith.cmpi slt, %add3A_497, %sign3A_561 : i32
    %sign3A_563 = arith.extui %sign3A_562 : i1 to i32
    %sign3A_564 = arith.subi %sign3A_560, %sign3A_563 : i32
    %sign3A_565 = arith.constant 0 : i32
    %sign3A_566 = arith.cmpi sgt, %jit3A_556, %sign3A_565 : i32
    %sign3A_567 = arith.extui %sign3A_566 : i1 to i32
    %sign3A_568 = arith.constant 0 : i32
    %sign3A_569 = arith.cmpi slt, %jit3A_556, %sign3A_568 : i32
    %sign3A_570 = arith.extui %sign3A_569 : i1 to i32
    %sign3A_571 = arith.subi %sign3A_567, %sign3A_570 : i32
    %ne3A_572 = arith.cmpi ne, %sign3A_564, %sign3A_571 : i32
    %rem3A_573 = arith.remsi %add3A_497, %jit3A_556 : i32
    %ne3A_574 = arith.constant 0 : i32
    %ne3A_575 = arith.cmpi ne, %rem3A_573, %ne3A_574 : i32
    %and3A_576 = arith.andi %ne3A_572, %ne3A_575 : i1
    %sub3A_577 = arith.constant 1 : i32
    %sub3A_578 = arith.subi %div3A_557, %sub3A_577 : i32
    %select_n3A_579 = arith.select %and3A_576, %sub3A_578, %div3A_557 : i32
    %jit3A_580 = arith.constant 64 : i32
    %eq3A_581 = arith.constant 0 : i32
    %eq3A_582 = arith.cmpi eq, %jit3A_580, %eq3A_581 : i32
    %jit3A_583 = arith.constant 1 : i32
    %select_n3A_584 = arith.select %eq3A_582, %jit3A_583, %jit3A_580 : i32
    %rem3A_585 = arith.remsi %add3A_497, %select_n3A_584 : i32
    %ne3A_586 = arith.constant 0 : i32
    %ne3A_587 = arith.cmpi ne, %rem3A_585, %ne3A_586 : i32
    %lt3A_588 = arith.constant 0 : i32
    %lt3A_589 = arith.cmpi slt, %rem3A_585, %lt3A_588 : i32
    %lt3A_590 = arith.constant 0 : i32
    %lt3A_591 = arith.cmpi slt, %select_n3A_584, %lt3A_590 : i32
    %ne3A_592 = arith.xori %lt3A_589, %lt3A_591 : i1
    %and3A_593 = arith.andi %ne3A_592, %ne3A_587 : i1
    %add3A_594 = arith.addi %rem3A_585, %select_n3A_584 : i32
    %select_n3A_595 = arith.select %and3A_593, %add3A_594, %rem3A_585 : i32
    %mul3A_596 = arith.constant 4 : i32
    %mul3A_597 = arith.muli %select_n3A_579, %mul3A_596 : i32
    %add3A_598 = arith.constant 1 : i32
    %add3A_599 = arith.addi %mul3A_597, %add3A_598 : i32
    %mul3A_600 = arith.constant 128 : i32
    %mul3A_601 = arith.muli %add3A_599, %mul3A_600 : i32
    %mul3A_602 = arith.constant 2 : i32
    %mul3A_603 = arith.muli %mul3A_602, %select_n3A_595 : i32
    %add3A_604 = arith.addi %mul3A_601, %mul3A_603 : i32
    %mul3A_605 = arith.constant 1024 : i32
    %mul3A_606 = arith.muli %add3A_604, %mul3A_605 : i32
    %multiple_of3A_607 = tpu.assume_multiple %mul3A_606, 8 : i32
    %dma_wait3A_608 = arith.constant 2048 : i32
    %dma_wait3A_609 = tpu.memref_slice %arg12[%dma_wait3A_608] : memref<8192xf32, #tpu.memory_space<vmem>> -> memref<2048xf32, #tpu.memory_space<vmem>>
    %dma_wait3A_610 = tpu.memref_slice %arg4[%multiple_of3A_607] : memref<26214400xf32, #tpu.memory_space<hbm>> -> memref<2048xf32, #tpu.memory_space<hbm>>
    %dma_wait3A_611 = tpu.memref_slice %arg4[%multiple_of3A_607] : memref<26214400xf32, #tpu.memory_space<hbm>> -> memref<2048xf32, #tpu.memory_space<hbm>>
    %dma_wait3A_612 = arith.constant 2048 : i32
    %dma_wait3A_613 = tpu.memref_slice %arg12[%dma_wait3A_612] : memref<8192xf32, #tpu.memory_space<vmem>> -> memref<2048xf32, #tpu.memory_space<vmem>>
    tpu.wait_dma2 semaphore(%arg20 : memref<!tpu.dma_semaphore, #tpu.memory_space<semaphore_mem>>) src(%dma_wait3A_613 : memref<2048xf32, #tpu.memory_space<vmem>>) dst(%dma_wait3A_611 : memref<2048xf32, #tpu.memory_space<hbm>>)
    %jit3A_614 = arith.constant 64 : i32
    %div3A_615 = arith.divsi %add3A_497, %jit3A_614 : i32
    %sign3A_616 = arith.constant 0 : i32
    %sign3A_617 = arith.cmpi sgt, %add3A_497, %sign3A_616 : i32
    %sign3A_618 = arith.extui %sign3A_617 : i1 to i32
    %sign3A_619 = arith.constant 0 : i32
    %sign3A_620 = arith.cmpi slt, %add3A_497, %sign3A_619 : i32
    %sign3A_621 = arith.extui %sign3A_620 : i1 to i32
    %sign3A_622 = arith.subi %sign3A_618, %sign3A_621 : i32
    %sign3A_623 = arith.constant 0 : i32
    %sign3A_624 = arith.cmpi sgt, %jit3A_614, %sign3A_623 : i32
    %sign3A_625 = arith.extui %sign3A_624 : i1 to i32
    %sign3A_626 = arith.constant 0 : i32
    %sign3A_627 = arith.cmpi slt, %jit3A_614, %sign3A_626 : i32
    %sign3A_628 = arith.extui %sign3A_627 : i1 to i32
    %sign3A_629 = arith.subi %sign3A_625, %sign3A_628 : i32
    %ne3A_630 = arith.cmpi ne, %sign3A_622, %sign3A_629 : i32
    %rem3A_631 = arith.remsi %add3A_497, %jit3A_614 : i32
    %ne3A_632 = arith.constant 0 : i32
    %ne3A_633 = arith.cmpi ne, %rem3A_631, %ne3A_632 : i32
    %and3A_634 = arith.andi %ne3A_630, %ne3A_633 : i1
    %sub3A_635 = arith.constant 1 : i32
    %sub3A_636 = arith.subi %div3A_615, %sub3A_635 : i32
    %select_n3A_637 = arith.select %and3A_634, %sub3A_636, %div3A_615 : i32
    %jit3A_638 = arith.constant 64 : i32
    %eq3A_639 = arith.constant 0 : i32
    %eq3A_640 = arith.cmpi eq, %jit3A_638, %eq3A_639 : i32
    %jit3A_641 = arith.constant 1 : i32
    %select_n3A_642 = arith.select %eq3A_640, %jit3A_641, %jit3A_638 : i32
    %rem3A_643 = arith.remsi %add3A_497, %select_n3A_642 : i32
    %ne3A_644 = arith.constant 0 : i32
    %ne3A_645 = arith.cmpi ne, %rem3A_643, %ne3A_644 : i32
    %lt3A_646 = arith.constant 0 : i32
    %lt3A_647 = arith.cmpi slt, %rem3A_643, %lt3A_646 : i32
    %lt3A_648 = arith.constant 0 : i32
    %lt3A_649 = arith.cmpi slt, %select_n3A_642, %lt3A_648 : i32
    %ne3A_650 = arith.xori %lt3A_647, %lt3A_649 : i1
    %and3A_651 = arith.andi %ne3A_650, %ne3A_645 : i1
    %add3A_652 = arith.addi %rem3A_643, %select_n3A_642 : i32
    %select_n3A_653 = arith.select %and3A_651, %add3A_652, %rem3A_643 : i32
    %mul3A_654 = arith.constant 4 : i32
    %mul3A_655 = arith.muli %select_n3A_637, %mul3A_654 : i32
    %add3A_656 = arith.constant 2 : i32
    %add3A_657 = arith.addi %mul3A_655, %add3A_656 : i32
    %mul3A_658 = arith.constant 128 : i32
    %mul3A_659 = arith.muli %add3A_657, %mul3A_658 : i32
    %mul3A_660 = arith.constant 2 : i32
    %mul3A_661 = arith.muli %mul3A_660, %select_n3A_653 : i32
    %add3A_662 = arith.addi %mul3A_659, %mul3A_661 : i32
    %mul3A_663 = arith.constant 1024 : i32
    %mul3A_664 = arith.muli %add3A_662, %mul3A_663 : i32
    %multiple_of3A_665 = tpu.assume_multiple %mul3A_664, 8 : i32
    %dma_wait3A_666 = arith.constant 4096 : i32
    %dma_wait3A_667 = tpu.memref_slice %arg12[%dma_wait3A_666] : memref<8192xf32, #tpu.memory_space<vmem>> -> memref<2048xf32, #tpu.memory_space<vmem>>
    %dma_wait3A_668 = tpu.memref_slice %arg4[%multiple_of3A_665] : memref<26214400xf32, #tpu.memory_space<hbm>> -> memref<2048xf32, #tpu.memory_space<hbm>>
    %dma_wait3A_669 = tpu.memref_slice %arg4[%multiple_of3A_665] : memref<26214400xf32, #tpu.memory_space<hbm>> -> memref<2048xf32, #tpu.memory_space<hbm>>
    %dma_wait3A_670 = arith.constant 4096 : i32
    %dma_wait3A_671 = tpu.memref_slice %arg12[%dma_wait3A_670] : memref<8192xf32, #tpu.memory_space<vmem>> -> memref<2048xf32, #tpu.memory_space<vmem>>
    tpu.wait_dma2 semaphore(%arg20 : memref<!tpu.dma_semaphore, #tpu.memory_space<semaphore_mem>>) src(%dma_wait3A_671 : memref<2048xf32, #tpu.memory_space<vmem>>) dst(%dma_wait3A_669 : memref<2048xf32, #tpu.memory_space<hbm>>)
    %jit3A_672 = arith.constant 64 : i32
    %div3A_673 = arith.divsi %add3A_497, %jit3A_672 : i32
    %sign3A_674 = arith.constant 0 : i32
    %sign3A_675 = arith.cmpi sgt, %add3A_497, %sign3A_674 : i32
    %sign3A_676 = arith.extui %sign3A_675 : i1 to i32
    %sign3A_677 = arith.constant 0 : i32
    %sign3A_678 = arith.cmpi slt, %add3A_497, %sign3A_677 : i32
    %sign3A_679 = arith.extui %sign3A_678 : i1 to i32
    %sign3A_680 = arith.subi %sign3A_676, %sign3A_679 : i32
    %sign3A_681 = arith.constant 0 : i32
    %sign3A_682 = arith.cmpi sgt, %jit3A_672, %sign3A_681 : i32
    %sign3A_683 = arith.extui %sign3A_682 : i1 to i32
    %sign3A_684 = arith.constant 0 : i32
    %sign3A_685 = arith.cmpi slt, %jit3A_672, %sign3A_684 : i32
    %sign3A_686 = arith.extui %sign3A_685 : i1 to i32
    %sign3A_687 = arith.subi %sign3A_683, %sign3A_686 : i32
    %ne3A_688 = arith.cmpi ne, %sign3A_680, %sign3A_687 : i32
    %rem3A_689 = arith.remsi %add3A_497, %jit3A_672 : i32
    %ne3A_690 = arith.constant 0 : i32
    %ne3A_691 = arith.cmpi ne, %rem3A_689, %ne3A_690 : i32
    %and3A_692 = arith.andi %ne3A_688, %ne3A_691 : i1
    %sub3A_693 = arith.constant 1 : i32
    %sub3A_694 = arith.subi %div3A_673, %sub3A_693 : i32
    %select_n3A_695 = arith.select %and3A_692, %sub3A_694, %div3A_673 : i32
    %jit3A_696 = arith.constant 64 : i32
    %eq3A_697 = arith.constant 0 : i32
    %eq3A_698 = arith.cmpi eq, %jit3A_696, %eq3A_697 : i32
    %jit3A_699 = arith.constant 1 : i32
    %select_n3A_700 = arith.select %eq3A_698, %jit3A_699, %jit3A_696 : i32
    %rem3A_701 = arith.remsi %add3A_497, %select_n3A_700 : i32
    %ne3A_702 = arith.constant 0 : i32
    %ne3A_703 = arith.cmpi ne, %rem3A_701, %ne3A_702 : i32
    %lt3A_704 = arith.constant 0 : i32
    %lt3A_705 = arith.cmpi slt, %rem3A_701, %lt3A_704 : i32
    %lt3A_706 = arith.constant 0 : i32
    %lt3A_707 = arith.cmpi slt, %select_n3A_700, %lt3A_706 : i32
    %ne3A_708 = arith.xori %lt3A_705, %lt3A_707 : i1
    %and3A_709 = arith.andi %ne3A_708, %ne3A_703 : i1
    %add3A_710 = arith.addi %rem3A_701, %select_n3A_700 : i32
    %select_n3A_711 = arith.select %and3A_709, %add3A_710, %rem3A_701 : i32
    %mul3A_712 = arith.constant 4 : i32
    %mul3A_713 = arith.muli %select_n3A_695, %mul3A_712 : i32
    %add3A_714 = arith.constant 3 : i32
    %add3A_715 = arith.addi %mul3A_713, %add3A_714 : i32
    %mul3A_716 = arith.constant 128 : i32
    %mul3A_717 = arith.muli %add3A_715, %mul3A_716 : i32
    %mul3A_718 = arith.constant 2 : i32
    %mul3A_719 = arith.muli %mul3A_718, %select_n3A_711 : i32
    %add3A_720 = arith.addi %mul3A_717, %mul3A_719 : i32
    %mul3A_721 = arith.constant 1024 : i32
    %mul3A_722 = arith.muli %add3A_720, %mul3A_721 : i32
    %multiple_of3A_723 = tpu.assume_multiple %mul3A_722, 8 : i32
    %dma_wait3A_724 = arith.constant 6144 : i32
    %dma_wait3A_725 = tpu.memref_slice %arg12[%dma_wait3A_724] : memref<8192xf32, #tpu.memory_space<vmem>> -> memref<2048xf32, #tpu.memory_space<vmem>>
    %dma_wait3A_726 = tpu.memref_slice %arg4[%multiple_of3A_723] : memref<26214400xf32, #tpu.memory_space<hbm>> -> memref<2048xf32, #tpu.memory_space<hbm>>
    %dma_wait3A_727 = tpu.memref_slice %arg4[%multiple_of3A_723] : memref<26214400xf32, #tpu.memory_space<hbm>> -> memref<2048xf32, #tpu.memory_space<hbm>>
    %dma_wait3A_728 = arith.constant 6144 : i32
    %dma_wait3A_729 = tpu.memref_slice %arg12[%dma_wait3A_728] : memref<8192xf32, #tpu.memory_space<vmem>> -> memref<2048xf32, #tpu.memory_space<vmem>>
    tpu.wait_dma2 semaphore(%arg20 : memref<!tpu.dma_semaphore, #tpu.memory_space<semaphore_mem>>) src(%dma_wait3A_729 : memref<2048xf32, #tpu.memory_space<vmem>>) dst(%dma_wait3A_727 : memref<2048xf32, #tpu.memory_space<hbm>>)
    %add3A_730 = arith.constant 100 : i32
    %add3A_731 = arith.addi %mul3A_2, %add3A_730 : i32
    %sub3A_732 = arith.constant 4 : i32
    %sub3A_733 = arith.subi %add3A_731, %sub3A_732 : i32
    %add3A_734 = arith.constant 3 : i32
    %add3A_735 = arith.addi %sub3A_733, %add3A_734 : i32
    %jit3A_736 = arith.constant 64 : i32
    %div3A_737 = arith.divsi %add3A_735, %jit3A_736 : i32
    %sign3A_738 = arith.constant 0 : i32
    %sign3A_739 = arith.cmpi sgt, %add3A_735, %sign3A_738 : i32
    %sign3A_740 = arith.extui %sign3A_739 : i1 to i32
    %sign3A_741 = arith.constant 0 : i32
    %sign3A_742 = arith.cmpi slt, %add3A_735, %sign3A_741 : i32
    %sign3A_743 = arith.extui %sign3A_742 : i1 to i32
    %sign3A_744 = arith.subi %sign3A_740, %sign3A_743 : i32
    %sign3A_745 = arith.constant 0 : i32
    %sign3A_746 = arith.cmpi sgt, %jit3A_736, %sign3A_745 : i32
    %sign3A_747 = arith.extui %sign3A_746 : i1 to i32
    %sign3A_748 = arith.constant 0 : i32
    %sign3A_749 = arith.cmpi slt, %jit3A_736, %sign3A_748 : i32
    %sign3A_750 = arith.extui %sign3A_749 : i1 to i32
    %sign3A_751 = arith.subi %sign3A_747, %sign3A_750 : i32
    %ne3A_752 = arith.cmpi ne, %sign3A_744, %sign3A_751 : i32
    %rem3A_753 = arith.remsi %add3A_735, %jit3A_736 : i32
    %ne3A_754 = arith.constant 0 : i32
    %ne3A_755 = arith.cmpi ne, %rem3A_753, %ne3A_754 : i32
    %and3A_756 = arith.andi %ne3A_752, %ne3A_755 : i1
    %sub3A_757 = arith.constant 1 : i32
    %sub3A_758 = arith.subi %div3A_737, %sub3A_757 : i32
    %select_n3A_759 = arith.select %and3A_756, %sub3A_758, %div3A_737 : i32
    %jit3A_760 = arith.constant 64 : i32
    %eq3A_761 = arith.constant 0 : i32
    %eq3A_762 = arith.cmpi eq, %jit3A_760, %eq3A_761 : i32
    %jit3A_763 = arith.constant 1 : i32
    %select_n3A_764 = arith.select %eq3A_762, %jit3A_763, %jit3A_760 : i32
    %rem3A_765 = arith.remsi %add3A_735, %select_n3A_764 : i32
    %ne3A_766 = arith.constant 0 : i32
    %ne3A_767 = arith.cmpi ne, %rem3A_765, %ne3A_766 : i32
    %lt3A_768 = arith.constant 0 : i32
    %lt3A_769 = arith.cmpi slt, %rem3A_765, %lt3A_768 : i32
    %lt3A_770 = arith.constant 0 : i32
    %lt3A_771 = arith.cmpi slt, %select_n3A_764, %lt3A_770 : i32
    %ne3A_772 = arith.xori %lt3A_769, %lt3A_771 : i1
    %and3A_773 = arith.andi %ne3A_772, %ne3A_767 : i1
    %add3A_774 = arith.addi %rem3A_765, %select_n3A_764 : i32
    %select_n3A_775 = arith.select %and3A_773, %add3A_774, %rem3A_765 : i32
    %mul3A_776 = arith.constant 4 : i32
    %mul3A_777 = arith.muli %select_n3A_759, %mul3A_776 : i32
    %add3A_778 = arith.constant 0 : i32
    %add3A_779 = arith.addi %mul3A_777, %add3A_778 : i32
    %mul3A_780 = arith.constant 128 : i32
    %mul3A_781 = arith.muli %add3A_779, %mul3A_780 : i32
    %mul3A_782 = arith.constant 2 : i32
    %mul3A_783 = arith.muli %mul3A_782, %select_n3A_775 : i32
    %add3A_784 = arith.addi %mul3A_781, %mul3A_783 : i32
    %mul3A_785 = arith.constant 1024 : i32
    %mul3A_786 = arith.muli %add3A_784, %mul3A_785 : i32
    %multiple_of3A_787 = tpu.assume_multiple %mul3A_786, 8 : i32
    %dma_wait3A_788 = arith.constant 0 : i32
    %dma_wait3A_789 = tpu.memref_slice %arg13[%dma_wait3A_788] : memref<8192xf32, #tpu.memory_space<vmem>> -> memref<2048xf32, #tpu.memory_space<vmem>>
    %dma_wait3A_790 = tpu.memref_slice %arg4[%multiple_of3A_787] : memref<26214400xf32, #tpu.memory_space<hbm>> -> memref<2048xf32, #tpu.memory_space<hbm>>
    %dma_wait3A_791 = tpu.memref_slice %arg4[%multiple_of3A_787] : memref<26214400xf32, #tpu.memory_space<hbm>> -> memref<2048xf32, #tpu.memory_space<hbm>>
    %dma_wait3A_792 = arith.constant 0 : i32
    %dma_wait3A_793 = tpu.memref_slice %arg13[%dma_wait3A_792] : memref<8192xf32, #tpu.memory_space<vmem>> -> memref<2048xf32, #tpu.memory_space<vmem>>
    tpu.wait_dma2 semaphore(%arg21 : memref<!tpu.dma_semaphore, #tpu.memory_space<semaphore_mem>>) src(%dma_wait3A_793 : memref<2048xf32, #tpu.memory_space<vmem>>) dst(%dma_wait3A_791 : memref<2048xf32, #tpu.memory_space<hbm>>)
    %jit3A_794 = arith.constant 64 : i32
    %div3A_795 = arith.divsi %add3A_735, %jit3A_794 : i32
    %sign3A_796 = arith.constant 0 : i32
    %sign3A_797 = arith.cmpi sgt, %add3A_735, %sign3A_796 : i32
    %sign3A_798 = arith.extui %sign3A_797 : i1 to i32
    %sign3A_799 = arith.constant 0 : i32
    %sign3A_800 = arith.cmpi slt, %add3A_735, %sign3A_799 : i32
    %sign3A_801 = arith.extui %sign3A_800 : i1 to i32
    %sign3A_802 = arith.subi %sign3A_798, %sign3A_801 : i32
    %sign3A_803 = arith.constant 0 : i32
    %sign3A_804 = arith.cmpi sgt, %jit3A_794, %sign3A_803 : i32
    %sign3A_805 = arith.extui %sign3A_804 : i1 to i32
    %sign3A_806 = arith.constant 0 : i32
    %sign3A_807 = arith.cmpi slt, %jit3A_794, %sign3A_806 : i32
    %sign3A_808 = arith.extui %sign3A_807 : i1 to i32
    %sign3A_809 = arith.subi %sign3A_805, %sign3A_808 : i32
    %ne3A_810 = arith.cmpi ne, %sign3A_802, %sign3A_809 : i32
    %rem3A_811 = arith.remsi %add3A_735, %jit3A_794 : i32
    %ne3A_812 = arith.constant 0 : i32
    %ne3A_813 = arith.cmpi ne, %rem3A_811, %ne3A_812 : i32
    %and3A_814 = arith.andi %ne3A_810, %ne3A_813 : i1
    %sub3A_815 = arith.constant 1 : i32
    %sub3A_816 = arith.subi %div3A_795, %sub3A_815 : i32
    %select_n3A_817 = arith.select %and3A_814, %sub3A_816, %div3A_795 : i32
    %jit3A_818 = arith.constant 64 : i32
    %eq3A_819 = arith.constant 0 : i32
    %eq3A_820 = arith.cmpi eq, %jit3A_818, %eq3A_819 : i32
    %jit3A_821 = arith.constant 1 : i32
    %select_n3A_822 = arith.select %eq3A_820, %jit3A_821, %jit3A_818 : i32
    %rem3A_823 = arith.remsi %add3A_735, %select_n3A_822 : i32
    %ne3A_824 = arith.constant 0 : i32
    %ne3A_825 = arith.cmpi ne, %rem3A_823, %ne3A_824 : i32
    %lt3A_826 = arith.constant 0 : i32
    %lt3A_827 = arith.cmpi slt, %rem3A_823, %lt3A_826 : i32
    %lt3A_828 = arith.constant 0 : i32
    %lt3A_829 = arith.cmpi slt, %select_n3A_822, %lt3A_828 : i32
    %ne3A_830 = arith.xori %lt3A_827, %lt3A_829 : i1
    %and3A_831 = arith.andi %ne3A_830, %ne3A_825 : i1
    %add3A_832 = arith.addi %rem3A_823, %select_n3A_822 : i32
    %select_n3A_833 = arith.select %and3A_831, %add3A_832, %rem3A_823 : i32
    %mul3A_834 = arith.constant 4 : i32
    %mul3A_835 = arith.muli %select_n3A_817, %mul3A_834 : i32
    %add3A_836 = arith.constant 1 : i32
    %add3A_837 = arith.addi %mul3A_835, %add3A_836 : i32
    %mul3A_838 = arith.constant 128 : i32
    %mul3A_839 = arith.muli %add3A_837, %mul3A_838 : i32
    %mul3A_840 = arith.constant 2 : i32
    %mul3A_841 = arith.muli %mul3A_840, %select_n3A_833 : i32
    %add3A_842 = arith.addi %mul3A_839, %mul3A_841 : i32
    %mul3A_843 = arith.constant 1024 : i32
    %mul3A_844 = arith.muli %add3A_842, %mul3A_843 : i32
    %multiple_of3A_845 = tpu.assume_multiple %mul3A_844, 8 : i32
    %dma_wait3A_846 = arith.constant 2048 : i32
    %dma_wait3A_847 = tpu.memref_slice %arg13[%dma_wait3A_846] : memref<8192xf32, #tpu.memory_space<vmem>> -> memref<2048xf32, #tpu.memory_space<vmem>>
    %dma_wait3A_848 = tpu.memref_slice %arg4[%multiple_of3A_845] : memref<26214400xf32, #tpu.memory_space<hbm>> -> memref<2048xf32, #tpu.memory_space<hbm>>
    %dma_wait3A_849 = tpu.memref_slice %arg4[%multiple_of3A_845] : memref<26214400xf32, #tpu.memory_space<hbm>> -> memref<2048xf32, #tpu.memory_space<hbm>>
    %dma_wait3A_850 = arith.constant 2048 : i32
    %dma_wait3A_851 = tpu.memref_slice %arg13[%dma_wait3A_850] : memref<8192xf32, #tpu.memory_space<vmem>> -> memref<2048xf32, #tpu.memory_space<vmem>>
    tpu.wait_dma2 semaphore(%arg21 : memref<!tpu.dma_semaphore, #tpu.memory_space<semaphore_mem>>) src(%dma_wait3A_851 : memref<2048xf32, #tpu.memory_space<vmem>>) dst(%dma_wait3A_849 : memref<2048xf32, #tpu.memory_space<hbm>>)
    %jit3A_852 = arith.constant 64 : i32
    %div3A_853 = arith.divsi %add3A_735, %jit3A_852 : i32
    %sign3A_854 = arith.constant 0 : i32
    %sign3A_855 = arith.cmpi sgt, %add3A_735, %sign3A_854 : i32
    %sign3A_856 = arith.extui %sign3A_855 : i1 to i32
    %sign3A_857 = arith.constant 0 : i32
    %sign3A_858 = arith.cmpi slt, %add3A_735, %sign3A_857 : i32
    %sign3A_859 = arith.extui %sign3A_858 : i1 to i32
    %sign3A_860 = arith.subi %sign3A_856, %sign3A_859 : i32
    %sign3A_861 = arith.constant 0 : i32
    %sign3A_862 = arith.cmpi sgt, %jit3A_852, %sign3A_861 : i32
    %sign3A_863 = arith.extui %sign3A_862 : i1 to i32
    %sign3A_864 = arith.constant 0 : i32
    %sign3A_865 = arith.cmpi slt, %jit3A_852, %sign3A_864 : i32
    %sign3A_866 = arith.extui %sign3A_865 : i1 to i32
    %sign3A_867 = arith.subi %sign3A_863, %sign3A_866 : i32
    %ne3A_868 = arith.cmpi ne, %sign3A_860, %sign3A_867 : i32
    %rem3A_869 = arith.remsi %add3A_735, %jit3A_852 : i32
    %ne3A_870 = arith.constant 0 : i32
    %ne3A_871 = arith.cmpi ne, %rem3A_869, %ne3A_870 : i32
    %and3A_872 = arith.andi %ne3A_868, %ne3A_871 : i1
    %sub3A_873 = arith.constant 1 : i32
    %sub3A_874 = arith.subi %div3A_853, %sub3A_873 : i32
    %select_n3A_875 = arith.select %and3A_872, %sub3A_874, %div3A_853 : i32
    %jit3A_876 = arith.constant 64 : i32
    %eq3A_877 = arith.constant 0 : i32
    %eq3A_878 = arith.cmpi eq, %jit3A_876, %eq3A_877 : i32
    %jit3A_879 = arith.constant 1 : i32
    %select_n3A_880 = arith.select %eq3A_878, %jit3A_879, %jit3A_876 : i32
    %rem3A_881 = arith.remsi %add3A_735, %select_n3A_880 : i32
    %ne3A_882 = arith.constant 0 : i32
    %ne3A_883 = arith.cmpi ne, %rem3A_881, %ne3A_882 : i32
    %lt3A_884 = arith.constant 0 : i32
    %lt3A_885 = arith.cmpi slt, %rem3A_881, %lt3A_884 : i32
    %lt3A_886 = arith.constant 0 : i32
    %lt3A_887 = arith.cmpi slt, %select_n3A_880, %lt3A_886 : i32
    %ne3A_888 = arith.xori %lt3A_885, %lt3A_887 : i1
    %and3A_889 = arith.andi %ne3A_888, %ne3A_883 : i1
    %add3A_890 = arith.addi %rem3A_881, %select_n3A_880 : i32
    %select_n3A_891 = arith.select %and3A_889, %add3A_890, %rem3A_881 : i32
    %mul3A_892 = arith.constant 4 : i32
    %mul3A_893 = arith.muli %select_n3A_875, %mul3A_892 : i32
    %add3A_894 = arith.constant 2 : i32
    %add3A_895 = arith.addi %mul3A_893, %add3A_894 : i32
    %mul3A_896 = arith.constant 128 : i32
    %mul3A_897 = arith.muli %add3A_895, %mul3A_896 : i32
    %mul3A_898 = arith.constant 2 : i32
    %mul3A_899 = arith.muli %mul3A_898, %select_n3A_891 : i32
    %add3A_900 = arith.addi %mul3A_897, %mul3A_899 : i32
    %mul3A_901 = arith.constant 1024 : i32
    %mul3A_902 = arith.muli %add3A_900, %mul3A_901 : i32
    %multiple_of3A_903 = tpu.assume_multiple %mul3A_902, 8 : i32
    %dma_wait3A_904 = arith.constant 4096 : i32
    %dma_wait3A_905 = tpu.memref_slice %arg13[%dma_wait3A_904] : memref<8192xf32, #tpu.memory_space<vmem>> -> memref<2048xf32, #tpu.memory_space<vmem>>
    %dma_wait3A_906 = tpu.memref_slice %arg4[%multiple_of3A_903] : memref<26214400xf32, #tpu.memory_space<hbm>> -> memref<2048xf32, #tpu.memory_space<hbm>>
    %dma_wait3A_907 = tpu.memref_slice %arg4[%multiple_of3A_903] : memref<26214400xf32, #tpu.memory_space<hbm>> -> memref<2048xf32, #tpu.memory_space<hbm>>
    %dma_wait3A_908 = arith.constant 4096 : i32
    %dma_wait3A_909 = tpu.memref_slice %arg13[%dma_wait3A_908] : memref<8192xf32, #tpu.memory_space<vmem>> -> memref<2048xf32, #tpu.memory_space<vmem>>
    tpu.wait_dma2 semaphore(%arg21 : memref<!tpu.dma_semaphore, #tpu.memory_space<semaphore_mem>>) src(%dma_wait3A_909 : memref<2048xf32, #tpu.memory_space<vmem>>) dst(%dma_wait3A_907 : memref<2048xf32, #tpu.memory_space<hbm>>)
    %jit3A_910 = arith.constant 64 : i32
    %div3A_911 = arith.divsi %add3A_735, %jit3A_910 : i32
    %sign3A_912 = arith.constant 0 : i32
    %sign3A_913 = arith.cmpi sgt, %add3A_735, %sign3A_912 : i32
    %sign3A_914 = arith.extui %sign3A_913 : i1 to i32
    %sign3A_915 = arith.constant 0 : i32
    %sign3A_916 = arith.cmpi slt, %add3A_735, %sign3A_915 : i32
    %sign3A_917 = arith.extui %sign3A_916 : i1 to i32
    %sign3A_918 = arith.subi %sign3A_914, %sign3A_917 : i32
    %sign3A_919 = arith.constant 0 : i32
    %sign3A_920 = arith.cmpi sgt, %jit3A_910, %sign3A_919 : i32
    %sign3A_921 = arith.extui %sign3A_920 : i1 to i32
    %sign3A_922 = arith.constant 0 : i32
    %sign3A_923 = arith.cmpi slt, %jit3A_910, %sign3A_922 : i32
    %sign3A_924 = arith.extui %sign3A_923 : i1 to i32
    %sign3A_925 = arith.subi %sign3A_921, %sign3A_924 : i32
    %ne3A_926 = arith.cmpi ne, %sign3A_918, %sign3A_925 : i32
    %rem3A_927 = arith.remsi %add3A_735, %jit3A_910 : i32
    %ne3A_928 = arith.constant 0 : i32
    %ne3A_929 = arith.cmpi ne, %rem3A_927, %ne3A_928 : i32
    %and3A_930 = arith.andi %ne3A_926, %ne3A_929 : i1
    %sub3A_931 = arith.constant 1 : i32
    %sub3A_932 = arith.subi %div3A_911, %sub3A_931 : i32
    %select_n3A_933 = arith.select %and3A_930, %sub3A_932, %div3A_911 : i32
    %jit3A_934 = arith.constant 64 : i32
    %eq3A_935 = arith.constant 0 : i32
    %eq3A_936 = arith.cmpi eq, %jit3A_934, %eq3A_935 : i32
    %jit3A_937 = arith.constant 1 : i32
    %select_n3A_938 = arith.select %eq3A_936, %jit3A_937, %jit3A_934 : i32
    %rem3A_939 = arith.remsi %add3A_735, %select_n3A_938 : i32
    %ne3A_940 = arith.constant 0 : i32
    %ne3A_941 = arith.cmpi ne, %rem3A_939, %ne3A_940 : i32
    %lt3A_942 = arith.constant 0 : i32
    %lt3A_943 = arith.cmpi slt, %rem3A_939, %lt3A_942 : i32
    %lt3A_944 = arith.constant 0 : i32
    %lt3A_945 = arith.cmpi slt, %select_n3A_938, %lt3A_944 : i32
    %ne3A_946 = arith.xori %lt3A_943, %lt3A_945 : i1
    %and3A_947 = arith.andi %ne3A_946, %ne3A_941 : i1
    %add3A_948 = arith.addi %rem3A_939, %select_n3A_938 : i32
    %select_n3A_949 = arith.select %and3A_947, %add3A_948, %rem3A_939 : i32
    %mul3A_950 = arith.constant 4 : i32
    %mul3A_951 = arith.muli %select_n3A_933, %mul3A_950 : i32
    %add3A_952 = arith.constant 3 : i32
    %add3A_953 = arith.addi %mul3A_951, %add3A_952 : i32
    %mul3A_954 = arith.constant 128 : i32
    %mul3A_955 = arith.muli %add3A_953, %mul3A_954 : i32
    %mul3A_956 = arith.constant 2 : i32
    %mul3A_957 = arith.muli %mul3A_956, %select_n3A_949 : i32
    %add3A_958 = arith.addi %mul3A_955, %mul3A_957 : i32
    %mul3A_959 = arith.constant 1024 : i32
    %mul3A_960 = arith.muli %add3A_958, %mul3A_959 : i32
    %multiple_of3A_961 = tpu.assume_multiple %mul3A_960, 8 : i32
    %dma_wait3A_962 = arith.constant 6144 : i32
    %dma_wait3A_963 = tpu.memref_slice %arg13[%dma_wait3A_962] : memref<8192xf32, #tpu.memory_space<vmem>> -> memref<2048xf32, #tpu.memory_space<vmem>>
    %dma_wait3A_964 = tpu.memref_slice %arg4[%multiple_of3A_961] : memref<26214400xf32, #tpu.memory_space<hbm>> -> memref<2048xf32, #tpu.memory_space<hbm>>
    %dma_wait3A_965 = tpu.memref_slice %arg4[%multiple_of3A_961] : memref<26214400xf32, #tpu.memory_space<hbm>> -> memref<2048xf32, #tpu.memory_space<hbm>>
    %dma_wait3A_966 = arith.constant 6144 : i32
    %dma_wait3A_967 = tpu.memref_slice %arg13[%dma_wait3A_966] : memref<8192xf32, #tpu.memory_space<vmem>> -> memref<2048xf32, #tpu.memory_space<vmem>>
    tpu.wait_dma2 semaphore(%arg21 : memref<!tpu.dma_semaphore, #tpu.memory_space<semaphore_mem>>) src(%dma_wait3A_967 : memref<2048xf32, #tpu.memory_space<vmem>>) dst(%dma_wait3A_965 : memref<2048xf32, #tpu.memory_space<hbm>>)
    return
  }
}

</mosaic_0001>

<sc_bundles>
// kernel: _emb_lookup.3.cloned.1.call-start
scs
__scs_entry_jumppad:
0x0: {  	(pc) =	sbr.rel $0x88, $3  }
0x1: {  	(tag) =	ssettag $0x0;
	lr =	simm.s32 $0x1  }
0x2: {  	[smem:$0x3F9F] =	sst lr;
	_ =	strace $0xD0000000  }
0x3: {  	_ = 	snop  }
0x4: {  	_ = 	snop  }
0x5: {  	_ = 	snop  }
0x6: {  	_ = 	snop  }
0x7: {  	_ = 	snop  }
__scs_overlays_trampoline_lowered:
0x8: {  	[smem:$0x3FAE] =	sst s0  }
0x9: {  	[smem:$0x3FAF] =	sst s1  }
0xa: {  	[smem:$0x3FB0] =	sst s2  }
0xb: {  	[smem:$0x3FB1] =	sst s3  }
0xc: {  	[smem:$0x3FB2] =	sst s4  }
0xd: {  	[smem:$0x3FB3] =	sst s5  }
0xe: {  	[smem:$0x3FB4] =	sst s6  }
0xf: {  	[smem:$0x3FB5] =	sst s7  }
0x10: {  	[smem:$0x3FB6] =	sst s8  }
0x11: {  	[smem:$0x3FB7] =	sst s9;
	s0 =	simm.s32 @!p0 $0x0  }
0x12: {  	s1 =	sld [smem:$0x3F9D];
	s0 =	simm.s32 @p0 $0x1  }
0x13: {  	[smem:$0x3FB8] =	sst s0;
	s0 =	simm.s32 @!p1 $0x0  }
0x14: {  	s2 =	sld [smem:$0x3F9C];
	s0 =	simm.s32 @p1 $0x1  }
0x15: {  	[smem:$0x3FB9] =	sst s0;
	s0 =	simm.s32 @!p2 $0x0  }
0x16: {  	s3 =	sld [smem:$0x3FDB];
	s0 =	simm.s32 @p2 $0x1  }
0x17: {  	s4 =	simm.s32 $0x1BF5;
	[smem:$0x3FBB] =	sst s0  }
0x18: {  	s0 =	sld [smem:$0x3F9E];
	_ =	swait.ge [sflag:s4], $0x0  }
0x19: {  	s7 =	sld [smem:$0x3F9F]  }
0x1a: {  	s8 =	sadd.s32 $0xFFFFE003, lr  }
0x1b: {  	s9 =	sadd.s32 $0xFFFFFEF7, lr;
	s5 =	simm.s32 $0xFFFFFFFF;
	p2 =	slt.u32 s8, $0xFFFFF086  }
0x1c: {  	p1 =	slt.u32 s9, $0xF7A;
	s5 =	simm.s32 @!p2 $0x0  }
0x1d: {  	s5 =	simm.s32 @p1 $0x1;
	p0 =	seq.s32 s7, s2  }
0x1e: {  	s7 =	smul.u32 @!p0 $0xF7A, s2;
	p2 =	seq.s32 @!p0 s5, $0x0  }
0x1f: {  	s9 =	smul.u32 $0xF7A, s1;
	s8 =	simm.s32 @!p0 $0x1BF5;
	p2 =	por !p2, p0  }
0x20: {  	[sflag:s8] =	ssyncset.s32 @!p0 $0xFFFFF086;
	s6 =	sadd.s32 @!p0 s3, s7;
	s7 =	simm.s32 @!p0 $0x108  }
0x21: {  	s3 =	sadd.s32 s3, s9;
	s6 =	sadd.s32 @!p0 $0x88, s6;
	s7 =	simm.s32 @p2 $0x1082  }
0x22: {  	[simem:s7], [sflag:s8] =	dma.local @!p0 [hbm:s6], $0xF7A  }
0x23: {  	s9 =	sor.u32 $0xD0000000, s2;
	s6 =	simm.s32 $0x108;
	_ =	swait.ge @!p0 [sflag:s8], $0x0  }
0x24: {  	s3 =	sadd.s32 $0x88, s3;
	s6 =	simm.s32 @!p1 $0x1082;
	[sflag:s4] =	ssyncset.s32 $0xFFFFF086  }
0x25: {  	[simem:s6], [sflag:s4] =	dma.local [hbm:s3], $0xF7A  }
0x26: {  	[smem:$0x3F9F] =	sst s1;
	(tag) =	ssettag s2;
	_ =	strace s9  }
0x27: {  	s1 =	sld [smem:$0x3FAF]  }
0x28: {  	s2 =	sld [smem:$0x3FB0]  }
0x29: {  	s4 =	sld [smem:$0x3FB2]  }
0x2a: {  	p0 =	seq.s32 s5, $0x0;
	s5 =	sld [smem:$0x3FB3]  }
0x2b: {  	s6 =	sld [smem:$0x3FB4]  }
0x2c: {  	s7 =	sld [smem:$0x3FB5]  }
0x2d: {  	s3 =	simm.s32 $0x108;
	s8 =	sld [smem:$0x3FB6]  }
0x2e: {  	s3 =	simm.s32 @!p0 $0x1082;
	s9 =	sld [smem:$0x3FB7]  }
0x2f: {  	lr =	sadd.s32 s0, s3;
	s0 =	sld [smem:$0x3FAE]  }
0x30: {  	s3 =	sld [smem:$0x3FB1]  }
0x31: {  	[smem:$0x3FBA] =	sst s10  }
0x32: {  	s10 =	sld [smem:$0x3FB8];
	_ =	sdelay $0x3  }
0x33: {  	p0 =	seq.s32 s10, $0x1;
	s10 =	sld [smem:$0x3FBA];
	_ =	sdelay $0x3  }
0x34: {  	[smem:$0x3FBA] =	sst s10  }
0x35: {  	s10 =	sld [smem:$0x3FB9];
	_ =	sdelay $0x3  }
0x36: {  	p1 =	seq.s32 s10, $0x1;
	s10 =	sld [smem:$0x3FBA];
	_ =	sdelay $0x3  }
0x37: {  	[smem:$0x3FBA] =	sst s10  }
0x38: {  	s10 =	sld [smem:$0x3FBB]  }
0x39: {  	_ = 	snop;
	(pc) =	sbr.ind lr, $3  }
0x3a: {  	_ = 	snop  }
0x3b: {  	_ = 	snop  }
0x3c: {  	p2 =	seq.s32 s10, $0x1;
	s10 =	sld [smem:$0x3FBA]  }
0x3d: {  	_ =	shalt  }
0x3e: {  	_ =	shalt  }
0x3f: {  	_ =	shalt  }
0x40: {  	_ =	shalt  }
0x41: {  	_ =	shalt  }
0x42: {  	_ =	shalt  }
0x43: {  	_ =	shalt  }
0x44: {  	_ =	shalt  }
0x45: {  	_ =	shalt  }
0x46: {  	_ =	shalt  }
0x47: {  	_ =	shalt  }
0x48: {  	_ =	shalt  }
0x49: {  	_ =	shalt  }
0x4a: {  	_ =	shalt  }
0x4b: {  	_ =	shalt  }
0x4c: {  	_ =	shalt  }
0x4d: {  	_ =	shalt  }
0x4e: {  	_ =	shalt  }
0x4f: {  	_ =	shalt  }
0x50: {  	_ =	shalt  }
0x51: {  	_ =	shalt  }
0x52: {  	_ =	shalt  }
0x53: {  	_ =	shalt  }
0x54: {  	_ =	shalt  }
0x55: {  	_ =	shalt  }
0x56: {  	_ =	shalt  }
0x57: {  	_ =	shalt  }
0x58: {  	_ =	shalt  }
0x59: {  	_ =	shalt  }
0x5a: {  	_ =	shalt  }
0x5b: {  	_ =	shalt  }
0x5c: {  	_ =	shalt  }
0x5d: {  	_ =	shalt  }
0x5e: {  	_ =	shalt  }
0x5f: {  	_ =	shalt  }
0x60: {  	_ =	shalt  }
0x61: {  	_ =	shalt  }
0x62: {  	_ =	shalt  }
0x63: {  	_ =	shalt  }
0x64: {  	_ =	shalt  }
0x65: {  	_ =	shalt  }
0x66: {  	_ =	shalt  }
0x67: {  	_ =	shalt  }
0x68: {  	_ =	shalt  }
0x69: {  	_ =	shalt  }
0x6a: {  	_ =	shalt  }
0x6b: {  	_ =	shalt  }
0x6c: {  	_ =	shalt  }
0x6d: {  	_ =	shalt  }
0x6e: {  	_ =	shalt  }
0x6f: {  	_ =	shalt  }
0x70: {  	_ =	shalt  }
0x71: {  	_ =	shalt  }
0x72: {  	_ =	shalt  }
0x73: {  	_ =	shalt  }
0x74: {  	_ =	shalt  }
0x75: {  	_ =	shalt  }
0x76: {  	_ =	shalt  }
0x77: {  	_ =	shalt  }
0x78: {  	_ =	shalt  }
0x79: {  	_ =	shalt  }
0x7a: {  	_ =	shalt  }
0x7b: {  	_ =	shalt  }
0x7c: {  	_ =	shalt  }
0x7d: {  	_ =	shalt  }
0x7e: {  	_ =	shalt  }
0x7f: {  	_ =	shalt  }
0x80: {  	_ =	shalt  }
0x81: {  	_ =	shalt  }
0x82: {  	_ =	shalt  }
0x83: {  	_ =	shalt  }
0x84: {  	_ =	shalt  }
0x85: {  	_ =	shalt  }
0x86: {  	_ =	shalt  }
0x87: {  	_ =	shalt  }
.Lfunc_end0:
.L_simem_size_0:
called_computation_lowered:
.L_overlay_start_0:
0x88: {  	s2 =	sld [smem:$0x3FD9]  }
0x89: {  	s3 =	sld [smem:$0x3FFE];
	_ =	sdelay $0x1  }
0x8a: {  	s1 =	srdreg.scid  }
0x8b: {  	s0 =	sand.u32 $0x1, s1  }
0x8c: {  	s17 =	sshll.u32 s0, $0xA;
	s2 =	sadd.s32 s3, s2  }
0x8d: {  	s2 =	sadd.s32 s2, s17  }
0x8e: {  	[smem:$0x3FC6] =	sst s2  }
0x8f: {  	_ = 	snop  }
0x90: {  	s2 =	sld [smem:$0x3FC8]  }
0x91: {  	s18 =	sld [smem:$0x3FD0];
	(tm) =	ssettm $0x1  }
0x92: {  	s4 =	sld [smem:$0x3FFB];
	_ =	sdelay $0x3  }
0x93: {  	_ =	strace s4  }
0x94: {  	s4 =	sld [smem:$0x3FFC];
	_ =	sdelay $0x3  }
0x95: {  	_ =	strace s4  }
0x96: {  	s4 =	sld [smem:$0x3FFD];
	_ =	sdelay $0x3  }
0x97: {  	_ =	strace s4  }
0x98: {  	_ =	strace $0x8FFFFFFF  }
0x99: {  	s19 =	sld [smem:$0x3FDB];
	_ =	sdelay $0x1  }
0x9a: {  	s5 =	simm.s32 $_scs_section_size  }
0x9b: {  	s6 =	simm.s32 $_size__tile_overlayer_lowered;
	s7 =	simm.s32 $_tile_overlayer_lowered  }
0x9c: {  	s22 =	simm.s32 $0x1BFF;
	s21 =	sshll.u32 s7, $0x1;
	s4 =	sadd.s32 s5, s19  }
0x9d: {  	s8 =	simm.s32 $0x0;
	s20 =	sshll.u32 s6, $0x1;
	s6 =	sadd.s32 s21, s4  }
0x9e: {  	[timem:s8], [sflag:s22] =	dma.local [hbm:s6], s20  }
0x9f: {  	_ =	swait.ge [sflag:s22], s20  }
0xa0: {  	s5 =	ssub.s32 $0x0, s20;
	[sflag:s22] =	ssyncset.done $0x0  }
0xa1: {  	[sflag:s22] =	ssyncadd.s32 s5;
	_ =	sdelay $0x1  }
0xa2: {  	s23 =	simm.s32 $0x1B8B  }
0xa3: {  	_ =	swait.ge [sflag:s23], $0x1  }
0xa4: {  	[sflag:s23] =	ssyncset.done $0x0  }
0xa5: {  	s25 =	simm.s32 $0x1B8E;
	s24 =	sld [smem:$0x3FFE];
	[sflag:s23] =	ssyncadd.s32 $0xFFFFFFFF  }
0xa6: {  	s26 =	simm.s32 $execute0_lowered;
	[smem:$0x3FD2] =	sst s25  }
0xa7: {  	s6 =	sshll.u32 s26, $0x1;
	_ =	strace $0x80000046;
	[dreg:$0x1] =	wrdreg $0xFFFFFFFF  }
0xa8: {  	s28 =	simm.s32 $_size_execute0_lowered;
	s4 =	sadd.s32 s4, s6;
	[dreg:$0x0] =	wrdreg $0x0  }
0xa9: {  	s6 =	sshll.u32 s28, $0x1;
	[dreg:$0x2] =	wrdreg s4  }
0xaa: {  	[dreg:$0x3] =	wrdreg s6  }
0xab: {  	[dreg:$0x4] =	wrdreg $0xC0  }
0xac: {  	_ =	task [dreg:s8], $0x5FFFF  }
0xad: {  	[dreg:$0x1] =	wrdreg $0xFFFFFFFF  }
0xae: {  	[dreg:$0x0] =	wrdreg $0x60  }
0xaf: {  	[dreg:$0x2] =	wrdreg s24  }
0xb0: {  	[dreg:$0x3] =	wrdreg s2  }
0xb1: {  	[dreg:$0x4] =	wrdreg s18  }
0xb2: {  	[dreg:$0x5] =	wrdreg $0x9  }
0xb3: {  	_ =	task.clear_ibuf [dreg:s8], $0x6FFFF;
	_ =	strace $0x90000046  }
0xb4: {  	s29 =	simm.s32 $0x9;
	_ =	strace $0x80000048  }
0xb5: {  	_ =	swait.ge [sflag:s29], $0x1  }
0xb6: {  	[sflag:s29] =	ssyncadd.s32 $0xFFFFFFFF  }
0xb7: {  	_ =	strace $0x90000048  }
0xb8: {  	_ =	sfence  }
0xb9: {  	s30 =	sld [smem:$0x0];
	_ =	sdelay $0x2  }
0xba: {  	s31 =	sshll.u32 s1, $0xD;
	s1 =	sshrl.u32 s1, $0x2  }
0xbb: {  	s3 =	sand.u32 $0x4000, s31;
	s1 =	sadd.s32 s1, s30  }
0xbc: {  	s0 =	sor.u32 s3, s0;
	s1 =	sshll.u32 s1, $0x11  }
0xbd: {  	s0 =	sor.u32 s1, s0  }
0xbe: {  	s0 =	sadd.s32 $0x8F2B, s0  }
0xbf: {  	[sflag:s0] =	ssyncadd.remote.s32 $0x1  }
0xc0: {  	_ =	sfence.sel $0xFFFF  }
0xc1: {  	[dreg:$0x0] =	wrdreg $0xFFFFFFFF;
	(pc) =	sbr.abs _section_cstart, $3  }
0xc2: {  	[dreg:$0x1] =	wrdreg $0xFFFFFFFF  }
0xc3: {  	_ =	task.clear_ibuf [dreg:s8], $0x2FFFF;
	_ =	strace $0x9FFFFFFF  }
0xc4: {  	(tm) =	ssettm $0x7FFFFFFF  }
0xc5: {  	_ =	shalt  }
tec
execute0_lowered:
.L_overlay_start_1:
0x0: {  	(tag) =	ssettag $0x1  }
0x1: {  	s0 =	rddreg [dreg:$0x0]  }
0x2: {  	s1 =	rddreg [dreg:$0x1];
	s3 =	srdreg.scid  }
0x3: {  	s5 =	stileid.u32;
	s2 =	rddreg [dreg:$0x2]  }
0x4: {  	s12 =	simm.s32 $0x100;
	s13 =	simm.s32 $0x6400;
	s14 =	simm.s32 $0x8400  }
0x5: {  	s16 =	simm.s32 $0xA400;
	s17 =	simm.s32 $0xC400;
	s18 =	simm.s32 $0x1  }
0x6: {  	s23 =	simm.s32 $0x2;
	s24 =	simm.s32 $0x6;
	s30 =	simm.s32 $0x3  }
0x7: {  	s31 =	simm.s32 $0x7;
	s10 =	simm.s32 $0x4;
	s11 =	simm.s32 $0x8  }
0x8: {  	s19 =	simm.s32 $0x14400;
	s20 =	simm.s32 $0x14C00;
	s21 =	simm.s32 $0x15400  }
0x9: {  	s22 =	simm.s32 $0x15C00;
	s4 =	sand.u32 $0x1, s3;
	s5 =	sshll.u32 s5, $0x1  }
0xa: {  	s3 =	simm.s32 $0x0;
	s8 =	sadd.s32 $0x8000, s2;
	s5 =	sor.u32 s4, s5  }
0xb: {  	s9 =	sadd.s32 $0xC000, s2;
	s6 =	ssub.s32 $0x2, s4;
	s7 =	smul.u32 $0xC80, s5  }
0xc: {  	[smem:$0x7FF] =	sst s3;
	s4 =	sadd.s32 $0xF42800, s0;
	s29 =	sshrl.u32 s6, $0x1  }
0xd: {  	_ =	strace $0x80000047;
	s0 =	ssub.s32 s6, s29;
	s1 =	sadd.s32 s1, s7  }
0xe: {  	v0 =	vlaneseq.u32;
	s5 =	smul.u32 $0x64, s5;
	s0 =	smax.u32 s0, $0x1;
	[dreg:$0x4] =	wrdreg s1  }
0xf: {  	v0 =	vmul.u32 $0x20, v0;
	s7 =	sadd.s32 $0x4000, s2;
	[dreg:$0x5] =	wrdreg s0;
	s1 =	simm.s32 $0x0  }
.LBB2_1:
0x10: {  	[dreg:$0x6] =	wrdreg s1  }
0x11: {  	s0 =	rddreg [dreg:$0x4];
	s28 =	simm.s32 $0x9  }
0x12: {  	[tilespmem:s3], [sflag:$0x9] =	stream.linear.gather [hbm4b:s0+s3], $0x6400, $0x38;
	[tilespmem:$0x16400] =	vst v63  }
0x13: {  	_ =	swait.ge [sflag:s28], $0x6400  }
0x14: {  	[sflag:s28] =	ssyncset.done $0x0  }
0x15: {  	[sflag:s28] =	ssyncadd.s32 $0xFFFF9C00  }
0x16: {  	[tilespmem:s13], [sflag:$0x1] =	stream.indirect.gather [hbm4b:s4+s12], $0x20, s3, s12, $0xb8;
	[tilespmem:$0x16400] =	vst v63  }
0x17: {  	_ = 	snop  }
0x18: {  	[tilespmem:s14], [sflag:$0x2] =	stream.indirect.gather [hbm4b:s4+s12], $0x20, s12, s12, $0xb8;
	[tilespmem:$0x16400] =	vst v63  }
0x19: {  	s29 =	simm.s32 $0x200;
	s25 =	simm.s32 $0x0  }
0x1a: {  	[tilespmem:s16], [sflag:$0x3] =	stream.indirect.gather [hbm4b:s4+s12], $0x20, s29, s12, $0xb8;
	[tilespmem:$0x16400] =	vst v63  }
.LBB2_2:
0x1b: {  	s26 =	sshllo.u32 s25, $0x2  }
0x1c: {  	s0 =	sshll.u32 s26, $0x8  }
0x1d: {  	s0 =	sand.u32 $0x3FFFFF00, s0  }
0x1e: {  	[tilespmem:s17], [sflag:$0x4] =	stream.indirect.gather [hbm4b:s4+s12], $0x20, s0, s12, $0xb8;
	[tilespmem:$0x16400] =	vst v63  }
0x1f: {  	_ =	swait.ge [sflag:s18], $0x2000  }
0x20: {  	p0 =	seq.s32 s25, $0x0;
	[sflag:s18] =	ssyncset.done $0x0  }
0x21: {  	s0 =	simm.s32 @!p0 $0x5;
	[sflag:s18] =	ssyncadd.s32 $0xFFFFE000  }
0x22: {  	_ =	swait.ge @!p0 [sflag:s0], $0x800  }
0x23: {  	[sflag:s0] =	ssyncset.done @!p0 $0x0  }
0x24: {  	[sflag:s0] =	ssyncadd.s32 @!p0 $0xFFFFF800  }
0x25: {  	_ =	swait.ge @!p0 [sflag:s0], $0x800  }
0x26: {  	[sflag:s0] =	ssyncset.done @!p0 $0x0  }
0x27: {  	[sflag:s0] =	ssyncadd.s32 @!p0 $0xFFFFF800  }
0x28: {  	_ =	swait.ge @!p0 [sflag:s0], $0x800  }
0x29: {  	[sflag:s0] =	ssyncset.done @!p0 $0x0  }
0x2a: {  	[sflag:s0] =	ssyncadd.s32 @!p0 $0xFFFFF800  }
0x2b: {  	_ =	swait.ge @!p0 [sflag:s0], $0x800  }
0x2c: {  	s28 =	sshll.u32 s25, $0x2;
	s1 =	simm.s32 $0x0;
	[sflag:s0] =	ssyncset.done @!p0 $0x0  }
0x2d: {  	s29 =	sadd.s32 s5, s28;
	[sflag:s0] =	ssyncadd.s32 @!p0 $0xFFFFF800;
	s0 =	simm.s32 $0x0  }
.LBB2_3:
0x2e: {  	v1 =	vmov s0  }
0x2f: {  	v1 =	vshll.u32 v1, $0x5  }
0x30: {  	v1 =	vor.u32 v0, v1  }
0x31: {  	v2 =	vor.u32 $0x1, v1  }
0x32: {  	v3 =	vor.u32 $0x2, v1  }
0x33: {  	v4 =	vor.u32 $0x3, v1  }
0x34: {  	v5 =	vor.u32 $0x4, v1  }
0x35: {  	v7 =	vor.u32 $0x5, v1;
	v6 =	vld.idx.msk [tilespmem:v1+s13+$0x0], $0xffff  }
0x36: {  	v8 =	vor.u32 $0x6, v1;
	v2 =	vld.idx.msk [tilespmem:v2+s13+$0x0], $0xffff  }
0x37: {  	v9 =	vor.u32 $0x7, v1;
	v3 =	vld.idx.msk [tilespmem:v3+s13+$0x0], $0xffff  }
0x38: {  	v10 =	vor.u32 $0x8, v1;
	v4 =	vld.idx.msk [tilespmem:v4+s13+$0x0], $0xffff  }
0x39: {  	v11 =	vor.u32 $0x9, v1;
	v5 =	vld.idx.msk [tilespmem:v5+s13+$0x0], $0xffff  }
0x3a: {  	v12 =	vor.u32 $0xA, v1;
	v7 =	vld.idx.msk [tilespmem:v7+s13+$0x0], $0xffff  }
0x3b: {  	v13 =	vor.u32 $0xB, v1;
	v8 =	vld.idx.msk [tilespmem:v8+s13+$0x0], $0xffff  }
0x3c: {  	v14 =	vor.u32 $0xC, v1;
	v9 =	vld.idx.msk [tilespmem:v9+s13+$0x0], $0xffff  }
0x3d: {  	v15 =	vor.u32 $0xD, v1;
	v10 =	vld.idx.msk [tilespmem:v10+s13+$0x0], $0xffff  }
0x3e: {  	v16 =	vor.u32 $0xE, v1;
	v11 =	vld.idx.msk [tilespmem:v11+s13+$0x0], $0xffff  }
0x3f: {  	v17 =	vor.u32 $0xF, v1;
	v12 =	vld.idx.msk [tilespmem:v12+s13+$0x0], $0xffff  }
0x40: {  	v13 =	vld.idx.msk [tilespmem:v13+s13+$0x0], $0xffff  }
0x41: {  	v14 =	vld.idx.msk [tilespmem:v14+s13+$0x0], $0xffff  }
0x42: {  	s15 =	sand.u32 $0x400, s1;
	s6 =	sand.u32 $0x70, s0;
	v15 =	vld.idx.msk [tilespmem:v15+s13+$0x0], $0xffff  }
0x43: {  	s15 =	sor.u32 s6, s15;
	v16 =	vld.idx.msk [tilespmem:v16+s13+$0x0], $0xffff  }
0x44: {  	v17 =	vld.idx.msk [tilespmem:v17+s13+$0x0], $0xffff;
	[tilespmem:s15+$0xE400] =	vst v6  }
0x45: {  	[tilespmem:s15+$0xE480] =	vst v2  }
0x46: {  	[tilespmem:s15+$0xE500] =	vst v3  }
0x47: {  	[tilespmem:s15+$0xE580] =	vst v4  }
0x48: {  	[tilespmem:s15+$0xE600] =	vst v5  }
0x49: {  	[tilespmem:s15+$0xE680] =	vst v7  }
0x4a: {  	[tilespmem:s15+$0xE700] =	vst v8  }
0x4b: {  	[tilespmem:s15+$0xE780] =	vst v9  }
0x4c: {  	[tilespmem:s15+$0xEC00] =	vst v10  }
0x4d: {  	[tilespmem:s15+$0xEC80] =	vst v11  }
0x4e: {  	[tilespmem:s15+$0xED00] =	vst v12  }
0x4f: {  	v51 =	vor.u32 $0x12, v1;
	[tilespmem:s15+$0xED80] =	vst v13  }
0x50: {  	v52 =	vor.u32 $0x13, v1;
	[tilespmem:s15+$0xEE00] =	vst v14  }
0x51: {  	v53 =	vor.u32 $0x14, v1;
	[tilespmem:s15+$0xEE80] =	vst v15  }
0x52: {  	v54 =	vor.u32 $0x15, v1;
	[tilespmem:s15+$0xEF00] =	vst v16  }
0x53: {  	v55 =	vor.u32 $0x16, v1;
	[tilespmem:s15+$0xEF80] =	vst v17  }
0x54: {  	v56 =	vor.u32 $0x17, v1;
	v4 =	vld.idx.msk [tilespmem:v51+s13+$0x0], $0xffff  }
0x55: {  	v57 =	vor.u32 $0x18, v1;
	v5 =	vld.idx.msk [tilespmem:v52+s13+$0x0], $0xffff  }
0x56: {  	v58 =	vor.u32 $0x19, v1;
	v6 =	vld.idx.msk [tilespmem:v53+s13+$0x0], $0xffff  }
0x57: {  	v59 =	vor.u32 $0x1A, v1;
	v7 =	vld.idx.msk [tilespmem:v54+s13+$0x0], $0xffff  }
0x58: {  	v60 =	vor.u32 $0x1B, v1;
	v8 =	vld.idx.msk [tilespmem:v55+s13+$0x0], $0xffff  }
0x59: {  	v61 =	vor.u32 $0x1C, v1;
	v9 =	vld.idx.msk [tilespmem:v56+s13+$0x0], $0xffff  }
0x5a: {  	v62 =	vor.u32 $0x1D, v1;
	v10 =	vld.idx.msk [tilespmem:v57+s13+$0x0], $0xffff  }
0x5b: {  	v63 =	vor.u32 $0x1E, v1;
	v11 =	vld.idx.msk [tilespmem:v58+s13+$0x0], $0xffff  }
0x5c: {  	v2 =	vor.u32 $0x10, v1;
	v12 =	vld.idx.msk [tilespmem:v59+s13+$0x0], $0xffff  }
0x5d: {  	v3 =	vor.u32 $0x11, v1;
	v13 =	vld.idx.msk [tilespmem:v60+s13+$0x0], $0xffff  }
0x5e: {  	v1 =	vor.u32 $0x1F, v1;
	v14 =	vld.idx.msk [tilespmem:v61+s13+$0x0], $0xffff  }
0x5f: {  	v15 =	vld.idx.msk [tilespmem:v62+s13+$0x0], $0xffff  }
0x60: {  	v16 =	vld.idx.msk [tilespmem:v63+s13+$0x0], $0xffff  }
0x61: {  	v2 =	vld.idx.msk [tilespmem:v2+s13+$0x0], $0xffff  }
0x62: {  	v3 =	vld.idx.msk [tilespmem:v3+s13+$0x0], $0xffff  }
0x63: {  	v1 =	vld.idx.msk [tilespmem:v1+s13+$0x0], $0xffff;
	[tilespmem:s15+$0xF500] =	vst v4  }
0x64: {  	[tilespmem:s15+$0xF580] =	vst v5  }
0x65: {  	[tilespmem:s15+$0xF600] =	vst v6  }
0x66: {  	[tilespmem:s15+$0xF680] =	vst v7  }
0x67: {  	[tilespmem:s15+$0xF700] =	vst v8  }
0x68: {  	[tilespmem:s15+$0xF780] =	vst v9  }
0x69: {  	[tilespmem:s15+$0xFC00] =	vst v10  }
0x6a: {  	[tilespmem:s15+$0xFC80] =	vst v11  }
0x6b: {  	[tilespmem:s15+$0xFD00] =	vst v12  }
0x6c: {  	[tilespmem:s15+$0xFD80] =	vst v13  }
0x6d: {  	p1 =	sne.s32 s0, $0xF0;
	[tilespmem:s15+$0xFE00] =	vst v14  }
.Ltmp0:
0x6e: {  	[tilespmem:s15+$0xFE80] =	vst v15;
	(pc) =	sbr.rel @p1 .LBB2_3-.Ltmp0, $4  }
0x6f: {  	[tilespmem:s15+$0xFF00] =	vst v16  }
0x70: {  	[tilespmem:s15+$0xF400] =	vst v2  }
0x71: {  	[tilespmem:s15+$0xF480] =	vst v3  }
0x72: {  	s1 =	sadd.s32 $0x80, s1;
	s0 =	sadd.s32 $0x10, s0;
	[tilespmem:s15+$0xFF80] =	vst v1  }
0x73: {  	s0 =	sshll.u32 s29, $0x8;
	s1 =	sshll.u32 s29, $0xA  }
0x74: {  	s0 =	sand.u32 $0x3C00, s0;
	s1 =	sand.u32 $0x7FFF0000, s1  }
0x75: {  	s0 =	sor.u32 s0, s1  }
0x76: {  	s6 =	simm.s32 $0xE400;
	s1 =	sadd.s32 s2, s0  }
0x77: {  	[hbm4b:s1+s3] =	stream.linear.scatter [tilespmem:s6], [sflag:$0x5], $0x800, $0x38;
	[tilespmem:$0x16400] =	vst v63  }
0x78: {  	s29 =	simm.s32 $0xEC00;
	p1 =	sne.s32 s25, $0x18;
	s15 =	sadd.s32 s0, s7  }
0x79: {  	[hbm4b:s15+s3] =	stream.linear.scatter [tilespmem:s29], [sflag:$0x5], $0x800, $0x38;
	[tilespmem:$0x16400] =	vst v63  }
.Ltmp1:
0x7a: {  	_ = 	snop;
	(pc) =	sbr.rel @p1 .LBB2_6-.Ltmp1, $4  }
0x7b: {  	s6 =	sadd.s32 s0, s8;
	s15 =	simm.s32 $0xF400  }
0x7c: {  	[hbm4b:s6+s3] =	stream.linear.scatter [tilespmem:s15], [sflag:$0x5], $0x800, $0x38;
	[tilespmem:$0x16400] =	vst v63  }
0x7d: {  	s0 =	sadd.s32 s0, s9;
	s29 =	simm.s32 $0xFC00  }
0x7e: {  	[hbm4b:s0+s3] =	stream.linear.scatter [tilespmem:s29], [sflag:$0x5], $0x800, $0x38;
	[tilespmem:$0x16400] =	vst v63  }
.Ltmp2:
0x7f: {  	(pc) =	sbr.rel .LBB2_7-.Ltmp2, $4  }
0x80: {  	_ = 	snop  }
0x81: {  	_ =	swait.ge [sflag:s23], $0x2000  }
0x82: {  	[sflag:s23] =	ssyncset.done $0x0  }
0x83: {  	[sflag:s23] =	ssyncadd.s32 $0xFFFFE000  }
.LBB2_6:
0x84: {  	s0 =	sshll.u32 s25, $0xA  }
0x85: {  	s0 =	sand.u32 $0x3FFFFC00, s0  }
.Ltmp3:
0x86: {  	s0 =	sadd.s32 $0x400, s0;
	(pc) =	sbr.rel @p0 .LBB2_8-.Ltmp3, $4  }
0x87: {  	[tilespmem:s13], [sflag:$0x1] =	stream.indirect.gather [hbm4b:s4+s12], $0x20, s0, s12, $0xb8;
	[tilespmem:$0x16400] =	vst v63  }
0x88: {  	_ =	swait.ge [sflag:s23], $0x2000  }
0x89: {  	[sflag:s23] =	ssyncset.done $0x0  }
0x8a: {  	[sflag:s23] =	ssyncadd.s32 $0xFFFFE000  }
.LBB2_7:
0x8b: {  	_ =	swait.ge [sflag:s24], $0x800  }
0x8c: {  	[sflag:s24] =	ssyncset.done $0x0  }
0x8d: {  	[sflag:s24] =	ssyncadd.s32 $0xFFFFF800  }
0x8e: {  	_ =	swait.ge [sflag:s24], $0x800  }
0x8f: {  	[sflag:s24] =	ssyncset.done $0x0  }
0x90: {  	[sflag:s24] =	ssyncadd.s32 $0xFFFFF800  }
0x91: {  	_ =	swait.ge [sflag:s24], $0x800  }
0x92: {  	[sflag:s24] =	ssyncset.done $0x0  }
0x93: {  	[sflag:s24] =	ssyncadd.s32 $0xFFFFF800  }
0x94: {  	_ =	swait.ge [sflag:s24], $0x800  }
0x95: {  	[sflag:s24] =	ssyncset.done $0x0  }
0x96: {  	[sflag:s24] =	ssyncadd.s32 $0xFFFFF800  }
.LBB2_8:
0x97: {  	s28 =	sadd.s32 s28, s5  }
0x98: {  	s1 =	simm.s32 $0x0;
	s0 =	simm.s32 $0x0;
	s29 =	sadd.s32 $0x1, s28  }
.LBB2_9:
0x99: {  	v1 =	vmov s0  }
0x9a: {  	v1 =	vshll.u32 v1, $0x5  }
0x9b: {  	v1 =	vor.u32 v0, v1  }
0x9c: {  	v2 =	vor.u32 $0x1, v1  }
0x9d: {  	v3 =	vor.u32 $0x2, v1  }
0x9e: {  	v4 =	vor.u32 $0x3, v1  }
0x9f: {  	v5 =	vor.u32 $0x4, v1  }
0xa0: {  	v7 =	vor.u32 $0x5, v1;
	v6 =	vld.idx.msk [tilespmem:v1+s14+$0x0], $0xffff  }
0xa1: {  	v8 =	vor.u32 $0x6, v1;
	v2 =	vld.idx.msk [tilespmem:v2+s14+$0x0], $0xffff  }
0xa2: {  	v9 =	vor.u32 $0x7, v1;
	v3 =	vld.idx.msk [tilespmem:v3+s14+$0x0], $0xffff  }
0xa3: {  	v10 =	vor.u32 $0x8, v1;
	v4 =	vld.idx.msk [tilespmem:v4+s14+$0x0], $0xffff  }
0xa4: {  	v11 =	vor.u32 $0x9, v1;
	v5 =	vld.idx.msk [tilespmem:v5+s14+$0x0], $0xffff  }
0xa5: {  	v12 =	vor.u32 $0xA, v1;
	v7 =	vld.idx.msk [tilespmem:v7+s14+$0x0], $0xffff  }
0xa6: {  	v13 =	vor.u32 $0xB, v1;
	v8 =	vld.idx.msk [tilespmem:v8+s14+$0x0], $0xffff  }
0xa7: {  	v14 =	vor.u32 $0xC, v1;
	v9 =	vld.idx.msk [tilespmem:v9+s14+$0x0], $0xffff  }
0xa8: {  	v15 =	vor.u32 $0xD, v1;
	v10 =	vld.idx.msk [tilespmem:v10+s14+$0x0], $0xffff  }
0xa9: {  	v16 =	vor.u32 $0xE, v1;
	v11 =	vld.idx.msk [tilespmem:v11+s14+$0x0], $0xffff  }
0xaa: {  	v17 =	vor.u32 $0xF, v1;
	v12 =	vld.idx.msk [tilespmem:v12+s14+$0x0], $0xffff  }
0xab: {  	v13 =	vld.idx.msk [tilespmem:v13+s14+$0x0], $0xffff  }
0xac: {  	v14 =	vld.idx.msk [tilespmem:v14+s14+$0x0], $0xffff  }
0xad: {  	s6 =	sand.u32 $0x400, s1;
	s15 =	sand.u32 $0x70, s0;
	v15 =	vld.idx.msk [tilespmem:v15+s14+$0x0], $0xffff  }
0xae: {  	s6 =	sor.u32 s15, s6;
	v16 =	vld.idx.msk [tilespmem:v16+s14+$0x0], $0xffff  }
0xaf: {  	s15 =	sadd.s32 $0x10400, s6;
	v17 =	vld.idx.msk [tilespmem:v17+s14+$0x0], $0xffff;
	[tilespmem:s6+$0x10400] =	vst v6  }
0xb0: {  	[tilespmem:s15+$0x80] =	vst v2  }
0xb1: {  	[tilespmem:s15+$0x100] =	vst v3  }
0xb2: {  	[tilespmem:s15+$0x180] =	vst v4  }
0xb3: {  	[tilespmem:s15+$0x200] =	vst v5  }
0xb4: {  	[tilespmem:s15+$0x280] =	vst v7  }
0xb5: {  	[tilespmem:s15+$0x300] =	vst v8  }
0xb6: {  	[tilespmem:s15+$0x380] =	vst v9  }
0xb7: {  	[tilespmem:s15+$0x800] =	vst v10  }
0xb8: {  	[tilespmem:s15+$0x880] =	vst v11  }
0xb9: {  	[tilespmem:s15+$0x900] =	vst v12  }
0xba: {  	v51 =	vor.u32 $0x12, v1;
	[tilespmem:s15+$0x980] =	vst v13  }
0xbb: {  	v52 =	vor.u32 $0x13, v1;
	[tilespmem:s15+$0xA00] =	vst v14  }
0xbc: {  	v53 =	vor.u32 $0x14, v1;
	[tilespmem:s15+$0xA80] =	vst v15  }
0xbd: {  	v54 =	vor.u32 $0x15, v1;
	[tilespmem:s15+$0xB00] =	vst v16  }
0xbe: {  	v55 =	vor.u32 $0x16, v1;
	[tilespmem:s15+$0xB80] =	vst v17  }
0xbf: {  	v56 =	vor.u32 $0x17, v1;
	v4 =	vld.idx.msk [tilespmem:v51+s14+$0x0], $0xffff  }
0xc0: {  	v57 =	vor.u32 $0x18, v1;
	v5 =	vld.idx.msk [tilespmem:v52+s14+$0x0], $0xffff  }
0xc1: {  	v58 =	vor.u32 $0x19, v1;
	v6 =	vld.idx.msk [tilespmem:v53+s14+$0x0], $0xffff  }
0xc2: {  	v59 =	vor.u32 $0x1A, v1;
	v7 =	vld.idx.msk [tilespmem:v54+s14+$0x0], $0xffff  }
0xc3: {  	v60 =	vor.u32 $0x1B, v1;
	v8 =	vld.idx.msk [tilespmem:v55+s14+$0x0], $0xffff  }
0xc4: {  	v61 =	vor.u32 $0x1C, v1;
	v9 =	vld.idx.msk [tilespmem:v56+s14+$0x0], $0xffff  }
0xc5: {  	v62 =	vor.u32 $0x1D, v1;
	v10 =	vld.idx.msk [tilespmem:v57+s14+$0x0], $0xffff  }
0xc6: {  	v63 =	vor.u32 $0x1E, v1;
	v11 =	vld.idx.msk [tilespmem:v58+s14+$0x0], $0xffff  }
0xc7: {  	v2 =	vor.u32 $0x10, v1;
	v12 =	vld.idx.msk [tilespmem:v59+s14+$0x0], $0xffff  }
0xc8: {  	v3 =	vor.u32 $0x11, v1;
	v13 =	vld.idx.msk [tilespmem:v60+s14+$0x0], $0xffff  }
0xc9: {  	v1 =	vor.u32 $0x1F, v1;
	v14 =	vld.idx.msk [tilespmem:v61+s14+$0x0], $0xffff  }
0xca: {  	v15 =	vld.idx.msk [tilespmem:v62+s14+$0x0], $0xffff  }
0xcb: {  	v16 =	vld.idx.msk [tilespmem:v63+s14+$0x0], $0xffff  }
0xcc: {  	v2 =	vld.idx.msk [tilespmem:v2+s14+$0x0], $0xffff  }
0xcd: {  	v3 =	vld.idx.msk [tilespmem:v3+s14+$0x0], $0xffff  }
0xce: {  	v1 =	vld.idx.msk [tilespmem:v1+s14+$0x0], $0xffff;
	[tilespmem:s15+$0x1100] =	vst v4  }
0xcf: {  	[tilespmem:s15+$0x1180] =	vst v5  }
0xd0: {  	[tilespmem:s15+$0x1200] =	vst v6  }
0xd1: {  	[tilespmem:s15+$0x1280] =	vst v7  }
0xd2: {  	[tilespmem:s15+$0x1300] =	vst v8  }
0xd3: {  	[tilespmem:s15+$0x1380] =	vst v9  }
0xd4: {  	[tilespmem:s15+$0x1800] =	vst v10  }
0xd5: {  	[tilespmem:s15+$0x1880] =	vst v11  }
0xd6: {  	[tilespmem:s15+$0x1900] =	vst v12  }
0xd7: {  	[tilespmem:s15+$0x1980] =	vst v13  }
0xd8: {  	p2 =	sne.s32 s0, $0xF0;
	[tilespmem:s15+$0x1A00] =	vst v14  }
.Ltmp4:
0xd9: {  	[tilespmem:s15+$0x1A80] =	vst v15;
	(pc) =	sbr.rel @p2 .LBB2_9-.Ltmp4, $4  }
0xda: {  	[tilespmem:s15+$0x1B00] =	vst v16  }
0xdb: {  	[tilespmem:s15+$0x1000] =	vst v2  }
0xdc: {  	[tilespmem:s15+$0x1080] =	vst v3  }
0xdd: {  	s1 =	sadd.s32 $0x80, s1;
	s0 =	sadd.s32 $0x10, s0;
	[tilespmem:s15+$0x1B80] =	vst v1  }
0xde: {  	s0 =	sshll.u32 s29, $0x8;
	s1 =	sshll.u32 s29, $0xA  }
0xdf: {  	s0 =	sand.u32 $0x3D00, s0;
	s1 =	sand.u32 $0x7FFF0000, s1  }
0xe0: {  	s0 =	sor.u32 s0, s1  }
0xe1: {  	s6 =	simm.s32 $0x10400;
	s1 =	sadd.s32 s2, s0  }
0xe2: {  	[hbm4b:s1+s3] =	stream.linear.scatter [tilespmem:s6], [sflag:$0x6], $0x800, $0x38;
	[tilespmem:$0x16400] =	vst v63  }
0xe3: {  	s29 =	simm.s32 $0x10C00;
	s15 =	sadd.s32 s0, s7  }
0xe4: {  	[hbm4b:s15+s3] =	stream.linear.scatter [tilespmem:s29], [sflag:$0x6], $0x800, $0x38;
	[tilespmem:$0x16400] =	vst v63  }
.Ltmp5:
0xe5: {  	_ = 	snop;
	(pc) =	sbr.rel @p1 .LBB2_12-.Ltmp5, $4  }
0xe6: {  	s6 =	sadd.s32 s0, s8;
	s15 =	simm.s32 $0x11400  }
0xe7: {  	[hbm4b:s6+s3] =	stream.linear.scatter [tilespmem:s15], [sflag:$0x6], $0x800, $0x38;
	[tilespmem:$0x16400] =	vst v63  }
0xe8: {  	s0 =	sadd.s32 s0, s9;
	s29 =	simm.s32 $0x11C00  }
0xe9: {  	[hbm4b:s0+s3] =	stream.linear.scatter [tilespmem:s29], [sflag:$0x6], $0x800, $0x38;
	[tilespmem:$0x16400] =	vst v63  }
.Ltmp6:
0xea: {  	(pc) =	sbr.rel .LBB2_13-.Ltmp6, $4  }
0xeb: {  	_ = 	snop  }
0xec: {  	_ =	swait.ge [sflag:s30], $0x2000  }
0xed: {  	[sflag:s30] =	ssyncset.done $0x0  }
0xee: {  	[sflag:s30] =	ssyncadd.s32 $0xFFFFE000  }
.LBB2_12:
0xef: {  	s0 =	sshll.u32 s25, $0xA  }
0xf0: {  	s0 =	sand.u32 $0x3FFFFC00, s0  }
.Ltmp7:
0xf1: {  	s0 =	sadd.s32 $0x500, s0;
	(pc) =	sbr.rel @p0 .LBB2_14-.Ltmp7, $4  }
0xf2: {  	[tilespmem:s14], [sflag:$0x2] =	stream.indirect.gather [hbm4b:s4+s12], $0x20, s0, s12, $0xb8;
	[tilespmem:$0x16400] =	vst v63  }
0xf3: {  	_ =	swait.ge [sflag:s30], $0x2000  }
0xf4: {  	[sflag:s30] =	ssyncset.done $0x0  }
0xf5: {  	[sflag:s30] =	ssyncadd.s32 $0xFFFFE000  }
.LBB2_13:
0xf6: {  	_ =	swait.ge [sflag:s31], $0x800  }
0xf7: {  	[sflag:s31] =	ssyncset.done $0x0  }
0xf8: {  	[sflag:s31] =	ssyncadd.s32 $0xFFFFF800  }
0xf9: {  	_ =	swait.ge [sflag:s31], $0x800  }
0xfa: {  	[sflag:s31] =	ssyncset.done $0x0  }
0xfb: {  	[sflag:s31] =	ssyncadd.s32 $0xFFFFF800  }
0xfc: {  	_ =	swait.ge [sflag:s31], $0x800  }
0xfd: {  	[sflag:s31] =	ssyncset.done $0x0  }
0xfe: {  	[sflag:s31] =	ssyncadd.s32 $0xFFFFF800  }
0xff: {  	_ =	swait.ge [sflag:s31], $0x800  }
0x100: {  	[sflag:s31] =	ssyncset.done $0x0  }
0x101: {  	[sflag:s31] =	ssyncadd.s32 $0xFFFFF800  }
.LBB2_14:
0x102: {  	s28 =	sadd.s32 $0x2, s28;
	s1 =	simm.s32 $0x0;
	s0 =	simm.s32 $0x0  }
.LBB2_15:
0x103: {  	v1 =	vmov s0  }
0x104: {  	v1 =	vshll.u32 v1, $0x5  }
0x105: {  	v1 =	vor.u32 v0, v1  }
0x106: {  	v2 =	vor.u32 $0x1, v1  }
0x107: {  	v3 =	vor.u32 $0x2, v1  }
0x108: {  	v4 =	vor.u32 $0x3, v1  }
0x109: {  	v5 =	vor.u32 $0x4, v1  }
0x10a: {  	v7 =	vor.u32 $0x5, v1;
	v6 =	vld.idx.msk [tilespmem:v1+s16+$0x0], $0xffff  }
0x10b: {  	v8 =	vor.u32 $0x6, v1;
	v2 =	vld.idx.msk [tilespmem:v2+s16+$0x0], $0xffff  }
0x10c: {  	v9 =	vor.u32 $0x7, v1;
	v3 =	vld.idx.msk [tilespmem:v3+s16+$0x0], $0xffff  }
0x10d: {  	v10 =	vor.u32 $0x8, v1;
	v4 =	vld.idx.msk [tilespmem:v4+s16+$0x0], $0xffff  }
0x10e: {  	v11 =	vor.u32 $0x9, v1;
	v5 =	vld.idx.msk [tilespmem:v5+s16+$0x0], $0xffff  }
0x10f: {  	v12 =	vor.u32 $0xA, v1;
	v7 =	vld.idx.msk [tilespmem:v7+s16+$0x0], $0xffff  }
0x110: {  	v13 =	vor.u32 $0xB, v1;
	v8 =	vld.idx.msk [tilespmem:v8+s16+$0x0], $0xffff  }
0x111: {  	v14 =	vor.u32 $0xC, v1;
	v9 =	vld.idx.msk [tilespmem:v9+s16+$0x0], $0xffff  }
0x112: {  	v15 =	vor.u32 $0xD, v1;
	v10 =	vld.idx.msk [tilespmem:v10+s16+$0x0], $0xffff  }
0x113: {  	v16 =	vor.u32 $0xE, v1;
	v11 =	vld.idx.msk [tilespmem:v11+s16+$0x0], $0xffff  }
0x114: {  	v17 =	vor.u32 $0xF, v1;
	v12 =	vld.idx.msk [tilespmem:v12+s16+$0x0], $0xffff  }
0x115: {  	v13 =	vld.idx.msk [tilespmem:v13+s16+$0x0], $0xffff  }
0x116: {  	v14 =	vld.idx.msk [tilespmem:v14+s16+$0x0], $0xffff  }
0x117: {  	s6 =	sand.u32 $0x400, s1;
	s15 =	sand.u32 $0x70, s0;
	v15 =	vld.idx.msk [tilespmem:v15+s16+$0x0], $0xffff  }
0x118: {  	s6 =	sor.u32 s15, s6;
	v16 =	vld.idx.msk [tilespmem:v16+s16+$0x0], $0xffff  }
0x119: {  	s15 =	sadd.s32 $0x12400, s6;
	v17 =	vld.idx.msk [tilespmem:v17+s16+$0x0], $0xffff;
	[tilespmem:s6+$0x12400] =	vst v6  }
0x11a: {  	[tilespmem:s15+$0x80] =	vst v2  }
0x11b: {  	[tilespmem:s15+$0x100] =	vst v3  }
0x11c: {  	[tilespmem:s15+$0x180] =	vst v4  }
0x11d: {  	[tilespmem:s15+$0x200] =	vst v5  }
0x11e: {  	[tilespmem:s15+$0x280] =	vst v7  }
0x11f: {  	[tilespmem:s15+$0x300] =	vst v8  }
0x120: {  	[tilespmem:s15+$0x380] =	vst v9  }
0x121: {  	[tilespmem:s15+$0x800] =	vst v10  }
0x122: {  	[tilespmem:s15+$0x880] =	vst v11  }
0x123: {  	[tilespmem:s15+$0x900] =	vst v12  }
0x124: {  	v51 =	vor.u32 $0x12, v1;
	[tilespmem:s15+$0x980] =	vst v13  }
0x125: {  	v52 =	vor.u32 $0x13, v1;
	[tilespmem:s15+$0xA00] =	vst v14  }
0x126: {  	v53 =	vor.u32 $0x14, v1;
	[tilespmem:s15+$0xA80] =	vst v15  }
0x127: {  	v54 =	vor.u32 $0x15, v1;
	[tilespmem:s15+$0xB00] =	vst v16  }
0x128: {  	v55 =	vor.u32 $0x16, v1;
	[tilespmem:s15+$0xB80] =	vst v17  }
0x129: {  	v56 =	vor.u32 $0x17, v1;
	v4 =	vld.idx.msk [tilespmem:v51+s16+$0x0], $0xffff  }
0x12a: {  	v57 =	vor.u32 $0x18, v1;
	v5 =	vld.idx.msk [tilespmem:v52+s16+$0x0], $0xffff  }
0x12b: {  	v58 =	vor.u32 $0x19, v1;
	v6 =	vld.idx.msk [tilespmem:v53+s16+$0x0], $0xffff  }
0x12c: {  	v59 =	vor.u32 $0x1A, v1;
	v7 =	vld.idx.msk [tilespmem:v54+s16+$0x0], $0xffff  }
0x12d: {  	v60 =	vor.u32 $0x1B, v1;
	v8 =	vld.idx.msk [tilespmem:v55+s16+$0x0], $0xffff  }
0x12e: {  	v61 =	vor.u32 $0x1C, v1;
	v9 =	vld.idx.msk [tilespmem:v56+s16+$0x0], $0xffff  }
0x12f: {  	v62 =	vor.u32 $0x1D, v1;
	v10 =	vld.idx.msk [tilespmem:v57+s16+$0x0], $0xffff  }
0x130: {  	v63 =	vor.u32 $0x1E, v1;
	v11 =	vld.idx.msk [tilespmem:v58+s16+$0x0], $0xffff  }
0x131: {  	v2 =	vor.u32 $0x10, v1;
	v12 =	vld.idx.msk [tilespmem:v59+s16+$0x0], $0xffff  }
0x132: {  	v3 =	vor.u32 $0x11, v1;
	v13 =	vld.idx.msk [tilespmem:v60+s16+$0x0], $0xffff  }
0x133: {  	v1 =	vor.u32 $0x1F, v1;
	v14 =	vld.idx.msk [tilespmem:v61+s16+$0x0], $0xffff  }
0x134: {  	v15 =	vld.idx.msk [tilespmem:v62+s16+$0x0], $0xffff  }
0x135: {  	v16 =	vld.idx.msk [tilespmem:v63+s16+$0x0], $0xffff  }
0x136: {  	v2 =	vld.idx.msk [tilespmem:v2+s16+$0x0], $0xffff  }
0x137: {  	v3 =	vld.idx.msk [tilespmem:v3+s16+$0x0], $0xffff  }
0x138: {  	v1 =	vld.idx.msk [tilespmem:v1+s16+$0x0], $0xffff;
	[tilespmem:s15+$0x1100] =	vst v4  }
0x139: {  	[tilespmem:s15+$0x1180] =	vst v5  }
0x13a: {  	[tilespmem:s15+$0x1200] =	vst v6  }
0x13b: {  	[tilespmem:s15+$0x1280] =	vst v7  }
0x13c: {  	[tilespmem:s15+$0x1300] =	vst v8  }
0x13d: {  	[tilespmem:s15+$0x1380] =	vst v9  }
0x13e: {  	[tilespmem:s15+$0x1800] =	vst v10  }
0x13f: {  	[tilespmem:s15+$0x1880] =	vst v11  }
0x140: {  	[tilespmem:s15+$0x1900] =	vst v12  }
0x141: {  	[tilespmem:s15+$0x1980] =	vst v13  }
0x142: {  	p2 =	sne.s32 s0, $0xF0;
	[tilespmem:s15+$0x1A00] =	vst v14  }
.Ltmp8:
0x143: {  	[tilespmem:s15+$0x1A80] =	vst v15;
	(pc) =	sbr.rel @p2 .LBB2_15-.Ltmp8, $4  }
0x144: {  	[tilespmem:s15+$0x1B00] =	vst v16  }
0x145: {  	[tilespmem:s15+$0x1000] =	vst v2  }
0x146: {  	[tilespmem:s15+$0x1080] =	vst v3  }
0x147: {  	s1 =	sadd.s32 $0x80, s1;
	s0 =	sadd.s32 $0x10, s0;
	[tilespmem:s15+$0x1B80] =	vst v1  }
0x148: {  	s0 =	sshll.u32 s28, $0x8;
	s1 =	sshll.u32 s28, $0xA  }
0x149: {  	s0 =	sand.u32 $0x3E00, s0;
	s1 =	sand.u32 $0x7FFF0000, s1  }
0x14a: {  	s0 =	sor.u32 s0, s1  }
0x14b: {  	s6 =	simm.s32 $0x12400;
	s1 =	sadd.s32 s2, s0  }
0x14c: {  	[hbm4b:s1+s3] =	stream.linear.scatter [tilespmem:s6], [sflag:$0x7], $0x800, $0x38;
	[tilespmem:$0x16400] =	vst v63  }
0x14d: {  	s29 =	simm.s32 $0x12C00;
	s28 =	sadd.s32 s0, s7  }
0x14e: {  	[hbm4b:s28+s3] =	stream.linear.scatter [tilespmem:s29], [sflag:$0x7], $0x800, $0x38;
	[tilespmem:$0x16400] =	vst v63  }
.Ltmp9:
0x14f: {  	_ = 	snop;
	(pc) =	sbr.rel @p1 .LBB2_18-.Ltmp9, $4  }
0x150: {  	s15 =	sadd.s32 s0, s8;
	s28 =	simm.s32 $0x13400  }
0x151: {  	[hbm4b:s15+s3] =	stream.linear.scatter [tilespmem:s28], [sflag:$0x7], $0x800, $0x38;
	[tilespmem:$0x16400] =	vst v63  }
0x152: {  	s0 =	sadd.s32 s0, s9;
	s29 =	simm.s32 $0x13C00  }
0x153: {  	[hbm4b:s0+s3] =	stream.linear.scatter [tilespmem:s29], [sflag:$0x7], $0x800, $0x38;
	[tilespmem:$0x16400] =	vst v63  }
.Ltmp10:
0x154: {  	(pc) =	sbr.rel .LBB2_19-.Ltmp10, $4  }
0x155: {  	_ = 	snop  }
0x156: {  	_ =	swait.ge [sflag:s10], $0x2000  }
0x157: {  	[sflag:s10] =	ssyncset.done $0x0  }
0x158: {  	[sflag:s10] =	ssyncadd.s32 $0xFFFFE000  }
.LBB2_18:
0x159: {  	s0 =	sshll.u32 s25, $0xA  }
0x15a: {  	s0 =	sand.u32 $0x3FFFFC00, s0  }
.Ltmp11:
0x15b: {  	s0 =	sadd.s32 $0x600, s0;
	(pc) =	sbr.rel @p0 .LBB2_20-.Ltmp11, $4  }
0x15c: {  	[tilespmem:s16], [sflag:$0x3] =	stream.indirect.gather [hbm4b:s4+s12], $0x20, s0, s12, $0xb8;
	[tilespmem:$0x16400] =	vst v63  }
0x15d: {  	_ =	swait.ge [sflag:s10], $0x2000  }
0x15e: {  	[sflag:s10] =	ssyncset.done $0x0  }
0x15f: {  	[sflag:s10] =	ssyncadd.s32 $0xFFFFE000  }
.LBB2_19:
0x160: {  	_ =	swait.ge [sflag:s11], $0x800  }
0x161: {  	[sflag:s11] =	ssyncset.done $0x0  }
0x162: {  	[sflag:s11] =	ssyncadd.s32 $0xFFFFF800  }
0x163: {  	_ =	swait.ge [sflag:s11], $0x800  }
0x164: {  	[sflag:s11] =	ssyncset.done $0x0  }
0x165: {  	[sflag:s11] =	ssyncadd.s32 $0xFFFFF800  }
0x166: {  	_ =	swait.ge [sflag:s11], $0x800  }
0x167: {  	[sflag:s11] =	ssyncset.done $0x0  }
0x168: {  	[sflag:s11] =	ssyncadd.s32 $0xFFFFF800  }
0x169: {  	_ =	swait.ge [sflag:s11], $0x800  }
0x16a: {  	[sflag:s11] =	ssyncset.done $0x0  }
0x16b: {  	[sflag:s11] =	ssyncadd.s32 $0xFFFFF800  }
.LBB2_20:
0x16c: {  	s26 =	sadd.s32 s5, s26;
	s1 =	simm.s32 $0x0;
	s0 =	simm.s32 $0x0  }
.LBB2_21:
0x16d: {  	v1 =	vmov s0  }
0x16e: {  	v1 =	vshll.u32 v1, $0x5  }
0x16f: {  	v1 =	vor.u32 v0, v1  }
0x170: {  	v2 =	vor.u32 $0x1, v1  }
0x171: {  	v3 =	vor.u32 $0x2, v1  }
0x172: {  	v4 =	vor.u32 $0x3, v1  }
0x173: {  	v5 =	vor.u32 $0x4, v1  }
0x174: {  	v7 =	vor.u32 $0x5, v1;
	v6 =	vld.idx.msk [tilespmem:v1+s17+$0x0], $0xffff  }
0x175: {  	v8 =	vor.u32 $0x6, v1;
	v2 =	vld.idx.msk [tilespmem:v2+s17+$0x0], $0xffff  }
0x176: {  	v9 =	vor.u32 $0x7, v1;
	v3 =	vld.idx.msk [tilespmem:v3+s17+$0x0], $0xffff  }
0x177: {  	v10 =	vor.u32 $0x8, v1;
	v4 =	vld.idx.msk [tilespmem:v4+s17+$0x0], $0xffff  }
0x178: {  	v11 =	vor.u32 $0x9, v1;
	v5 =	vld.idx.msk [tilespmem:v5+s17+$0x0], $0xffff  }
0x179: {  	v12 =	vor.u32 $0xA, v1;
	v7 =	vld.idx.msk [tilespmem:v7+s17+$0x0], $0xffff  }
0x17a: {  	v13 =	vor.u32 $0xB, v1;
	v8 =	vld.idx.msk [tilespmem:v8+s17+$0x0], $0xffff  }
0x17b: {  	v14 =	vor.u32 $0xC, v1;
	v9 =	vld.idx.msk [tilespmem:v9+s17+$0x0], $0xffff  }
0x17c: {  	v15 =	vor.u32 $0xD, v1;
	v10 =	vld.idx.msk [tilespmem:v10+s17+$0x0], $0xffff  }
0x17d: {  	v16 =	vor.u32 $0xE, v1;
	v11 =	vld.idx.msk [tilespmem:v11+s17+$0x0], $0xffff  }
0x17e: {  	v17 =	vor.u32 $0xF, v1;
	v12 =	vld.idx.msk [tilespmem:v12+s17+$0x0], $0xffff  }
0x17f: {  	v13 =	vld.idx.msk [tilespmem:v13+s17+$0x0], $0xffff  }
0x180: {  	v14 =	vld.idx.msk [tilespmem:v14+s17+$0x0], $0xffff  }
0x181: {  	s6 =	sand.u32 $0x400, s1;
	s15 =	sand.u32 $0x70, s0;
	v15 =	vld.idx.msk [tilespmem:v15+s17+$0x0], $0xffff  }
0x182: {  	s6 =	sor.u32 s15, s6;
	v16 =	vld.idx.msk [tilespmem:v16+s17+$0x0], $0xffff  }
0x183: {  	s15 =	sadd.s32 $0x14400, s6;
	v17 =	vld.idx.msk [tilespmem:v17+s17+$0x0], $0xffff;
	[tilespmem:s6+$0x14400] =	vst v6  }
0x184: {  	[tilespmem:s15+$0x80] =	vst v2  }
0x185: {  	[tilespmem:s15+$0x100] =	vst v3  }
0x186: {  	[tilespmem:s15+$0x180] =	vst v4  }
0x187: {  	[tilespmem:s15+$0x200] =	vst v5  }
0x188: {  	[tilespmem:s15+$0x280] =	vst v7  }
0x189: {  	[tilespmem:s15+$0x300] =	vst v8  }
0x18a: {  	[tilespmem:s15+$0x380] =	vst v9  }
0x18b: {  	[tilespmem:s15+$0x800] =	vst v10  }
0x18c: {  	[tilespmem:s15+$0x880] =	vst v11  }
0x18d: {  	[tilespmem:s15+$0x900] =	vst v12  }
0x18e: {  	v51 =	vor.u32 $0x12, v1;
	[tilespmem:s15+$0x980] =	vst v13  }
0x18f: {  	v52 =	vor.u32 $0x13, v1;
	[tilespmem:s15+$0xA00] =	vst v14  }
0x190: {  	v53 =	vor.u32 $0x14, v1;
	[tilespmem:s15+$0xA80] =	vst v15  }
0x191: {  	v54 =	vor.u32 $0x15, v1;
	[tilespmem:s15+$0xB00] =	vst v16  }
0x192: {  	v55 =	vor.u32 $0x16, v1;
	[tilespmem:s15+$0xB80] =	vst v17  }
0x193: {  	v56 =	vor.u32 $0x17, v1;
	v4 =	vld.idx.msk [tilespmem:v51+s17+$0x0], $0xffff  }
0x194: {  	v57 =	vor.u32 $0x18, v1;
	v5 =	vld.idx.msk [tilespmem:v52+s17+$0x0], $0xffff  }
0x195: {  	v58 =	vor.u32 $0x19, v1;
	v6 =	vld.idx.msk [tilespmem:v53+s17+$0x0], $0xffff  }
0x196: {  	v59 =	vor.u32 $0x1A, v1;
	v7 =	vld.idx.msk [tilespmem:v54+s17+$0x0], $0xffff  }
0x197: {  	v60 =	vor.u32 $0x1B, v1;
	v8 =	vld.idx.msk [tilespmem:v55+s17+$0x0], $0xffff  }
0x198: {  	v61 =	vor.u32 $0x1C, v1;
	v9 =	vld.idx.msk [tilespmem:v56+s17+$0x0], $0xffff  }
0x199: {  	v62 =	vor.u32 $0x1D, v1;
	v10 =	vld.idx.msk [tilespmem:v57+s17+$0x0], $0xffff  }
0x19a: {  	v63 =	vor.u32 $0x1E, v1;
	v11 =	vld.idx.msk [tilespmem:v58+s17+$0x0], $0xffff  }
0x19b: {  	v2 =	vor.u32 $0x10, v1;
	v12 =	vld.idx.msk [tilespmem:v59+s17+$0x0], $0xffff  }
0x19c: {  	v3 =	vor.u32 $0x11, v1;
	v13 =	vld.idx.msk [tilespmem:v60+s17+$0x0], $0xffff  }
0x19d: {  	v1 =	vor.u32 $0x1F, v1;
	v14 =	vld.idx.msk [tilespmem:v61+s17+$0x0], $0xffff  }
0x19e: {  	v15 =	vld.idx.msk [tilespmem:v62+s17+$0x0], $0xffff  }
0x19f: {  	v16 =	vld.idx.msk [tilespmem:v63+s17+$0x0], $0xffff  }
0x1a0: {  	v2 =	vld.idx.msk [tilespmem:v2+s17+$0x0], $0xffff  }
0x1a1: {  	v3 =	vld.idx.msk [tilespmem:v3+s17+$0x0], $0xffff  }
0x1a2: {  	v1 =	vld.idx.msk [tilespmem:v1+s17+$0x0], $0xffff;
	[tilespmem:s15+$0x1100] =	vst v4  }
0x1a3: {  	[tilespmem:s15+$0x1180] =	vst v5  }
0x1a4: {  	[tilespmem:s15+$0x1200] =	vst v6  }
0x1a5: {  	[tilespmem:s15+$0x1280] =	vst v7  }
0x1a6: {  	[tilespmem:s15+$0x1300] =	vst v8  }
0x1a7: {  	[tilespmem:s15+$0x1380] =	vst v9  }
0x1a8: {  	[tilespmem:s15+$0x1800] =	vst v10  }
0x1a9: {  	[tilespmem:s15+$0x1880] =	vst v11  }
0x1aa: {  	[tilespmem:s15+$0x1900] =	vst v12  }
0x1ab: {  	[tilespmem:s15+$0x1980] =	vst v13  }
0x1ac: {  	p0 =	sne.s32 s0, $0xF0;
	[tilespmem:s15+$0x1A00] =	vst v14  }
.Ltmp12:
0x1ad: {  	[tilespmem:s15+$0x1A80] =	vst v15;
	(pc) =	sbr.rel @p0 .LBB2_21-.Ltmp12, $4  }
0x1ae: {  	[tilespmem:s15+$0x1B00] =	vst v16  }
0x1af: {  	[tilespmem:s15+$0x1000] =	vst v2  }
0x1b0: {  	[tilespmem:s15+$0x1080] =	vst v3  }
0x1b1: {  	s1 =	sadd.s32 $0x80, s1;
	s0 =	sadd.s32 $0x10, s0;
	[tilespmem:s15+$0x1B80] =	vst v1  }
0x1b2: {  	s0 =	sshll.u32 s26, $0x8;
	s1 =	sshll.u32 s26, $0xA  }
0x1b3: {  	s0 =	sand.u32 $0x3F00, s0;
	s1 =	sand.u32 $0x7FFF0000, s1  }
0x1b4: {  	s0 =	sor.u32 s0, s1  }
0x1b5: {  	s25 =	sadd.s32 $0x1, s25;
	s1 =	sadd.s32 s2, s0  }
0x1b6: {  	[hbm4b:s1+s3] =	stream.linear.scatter [tilespmem:s19], [sflag:$0x8], $0x800, $0x38;
	[tilespmem:$0x16400] =	vst v63  }
0x1b7: {  	p0 =	sne.s32 s25, $0x19;
	s28 =	sadd.s32 s0, s7  }
0x1b8: {  	[hbm4b:s28+s3] =	stream.linear.scatter [tilespmem:s20], [sflag:$0x8], $0x800, $0x38;
	[tilespmem:$0x16400] =	vst v63  }
.Ltmp13:
0x1b9: {  	_ = 	snop;
	(pc) =	sbr.rel @p0 .LBB2_2-.Ltmp13, $4  }
0x1ba: {  	s29 =	sadd.s32 s0, s8  }
0x1bb: {  	[hbm4b:s29+s3] =	stream.linear.scatter [tilespmem:s21], [sflag:$0x8], $0x800, $0x38;
	[tilespmem:$0x16400] =	vst v63  }
0x1bc: {  	s0 =	sadd.s32 s0, s9  }
0x1bd: {  	[hbm4b:s0+s3] =	stream.linear.scatter [tilespmem:s22], [sflag:$0x8], $0x800, $0x38;
	[tilespmem:$0x16400] =	vst v63  }
0x1be: {  	s0 =	simm.s32 $0x5  }
0x1bf: {  	_ =	swait.ge [sflag:s0], $0x800  }
0x1c0: {  	[sflag:s0] =	ssyncset.done $0x0  }
0x1c1: {  	[sflag:s0] =	ssyncadd.s32 $0xFFFFF800  }
0x1c2: {  	_ =	swait.ge [sflag:s0], $0x800  }
0x1c3: {  	[sflag:s0] =	ssyncset.done $0x0  }
0x1c4: {  	[sflag:s0] =	ssyncadd.s32 $0xFFFFF800  }
0x1c5: {  	_ =	swait.ge [sflag:s0], $0x800  }
0x1c6: {  	[sflag:s0] =	ssyncset.done $0x0  }
0x1c7: {  	[sflag:s0] =	ssyncadd.s32 $0xFFFFF800  }
0x1c8: {  	_ =	swait.ge [sflag:s0], $0x800  }
0x1c9: {  	[sflag:s0] =	ssyncset.done $0x0  }
0x1ca: {  	[sflag:s0] =	ssyncadd.s32 $0xFFFFF800  }
0x1cb: {  	_ =	swait.ge [sflag:s24], $0x800  }
0x1cc: {  	[sflag:s24] =	ssyncset.done $0x0  }
0x1cd: {  	[sflag:s24] =	ssyncadd.s32 $0xFFFFF800  }
0x1ce: {  	_ =	swait.ge [sflag:s24], $0x800  }
0x1cf: {  	[sflag:s24] =	ssyncset.done $0x0  }
0x1d0: {  	[sflag:s24] =	ssyncadd.s32 $0xFFFFF800  }
0x1d1: {  	_ =	swait.ge [sflag:s24], $0x800  }
0x1d2: {  	[sflag:s24] =	ssyncset.done $0x0  }
0x1d3: {  	[sflag:s24] =	ssyncadd.s32 $0xFFFFF800  }
0x1d4: {  	_ =	swait.ge [sflag:s24], $0x800  }
0x1d5: {  	[sflag:s24] =	ssyncset.done $0x0  }
0x1d6: {  	[sflag:s24] =	ssyncadd.s32 $0xFFFFF800  }
0x1d7: {  	_ =	swait.ge [sflag:s31], $0x800  }
0x1d8: {  	[sflag:s31] =	ssyncset.done $0x0  }
0x1d9: {  	[sflag:s31] =	ssyncadd.s32 $0xFFFFF800  }
0x1da: {  	_ =	swait.ge [sflag:s31], $0x800  }
0x1db: {  	[sflag:s31] =	ssyncset.done $0x0  }
0x1dc: {  	[sflag:s31] =	ssyncadd.s32 $0xFFFFF800  }
0x1dd: {  	_ =	swait.ge [sflag:s31], $0x800  }
0x1de: {  	[sflag:s31] =	ssyncset.done $0x0  }
0x1df: {  	[sflag:s31] =	ssyncadd.s32 $0xFFFFF800  }
0x1e0: {  	_ =	swait.ge [sflag:s31], $0x800  }
0x1e1: {  	[sflag:s31] =	ssyncset.done $0x0  }
0x1e2: {  	[sflag:s31] =	ssyncadd.s32 $0xFFFFF800  }
0x1e3: {  	_ =	swait.ge [sflag:s11], $0x800  }
0x1e4: {  	[sflag:s11] =	ssyncset.done $0x0  }
0x1e5: {  	[sflag:s11] =	ssyncadd.s32 $0xFFFFF800  }
0x1e6: {  	_ =	swait.ge [sflag:s11], $0x800  }
0x1e7: {  	[sflag:s11] =	ssyncset.done $0x0  }
0x1e8: {  	[sflag:s11] =	ssyncadd.s32 $0xFFFFF800  }
0x1e9: {  	_ =	swait.ge [sflag:s11], $0x800  }
0x1ea: {  	[sflag:s11] =	ssyncset.done $0x0  }
0x1eb: {  	[sflag:s11] =	ssyncadd.s32 $0xFFFFF800  }
0x1ec: {  	_ =	swait.ge [sflag:s11], $0x800  }
0x1ed: {  	s1 =	rddreg [dreg:$0x6]  }
0x1ee: {  	s29 =	rddreg [dreg:$0x5];
	s1 =	sadd.s32 $0x1, s1  }
0x1ef: {  	p0 =	sne.s32 s1, s29  }
.Ltmp14:
0x1f0: {  	_ = 	snop;
	(pc) =	sbr.rel @p0 .LBB2_1-.Ltmp14, $3  }
0x1f1: {  	_ =	sdelay $0x1  }
0x1f2: {  	[sflag:s11] =	ssyncset.done $0x0  }
0x1f3: {  	[sflag:s11] =	ssyncadd.s32 $0xFFFFF800  }
0x1f4: {  	_ =	sfence.sel $0x180000  }
0x1f5: {  	[bflag:$0x0] =	sbarrier.arrive $0xFFFF  }
0x1f6: {  	_ =	strace $0x90000047  }
0x1f7: {  	s0 =	stileid.u32;
	[bflag:$0x2] =	sbarrier.arrive $0xFFFF  }
0x1f8: {  	p0 =	sne.s32 s0, $0x0;
	s0 =	rddreg [dreg:$0x3]  }
0x1f9: {  	s0 =	sadd.s32 @!p0 $0x100000, s0  }
0x1fa: {  	[sflag:s0] =	ssyncadd.tile.s32 @!p0 $0x1;
	_ =	shalt  }
.Lfunc_end2:
_tile_overlayer_lowered:
.L_overlay_start_2:
0x1fb: {  	(tag) =	ssettag $0x2  }
0x1fc: {  	s0 =	rddreg [dreg:$0x0];
	s2 =	stileid.u32  }
0x1fd: {  	s1 =	rddreg [dreg:$0x1];
	p0 =	sne.s32 s2, $0x0  }
0x1fe: {  	s3 =	rddreg [dreg:$0x2];
	[bflag:$0x3] =	sbarrier.arrive $0xFFFF;
	s2 =	simm.s32 @!p0 $0x1C09  }
0x1ff: {  	[timem:s3], [sflag:s2] =	dma.local @!p0 [hbm:s0], s1  }
0x200: {  	s0 =	simm.s32 @!p0 $0x9  }
0x201: {  	_ =	swait.ge @!p0 [sflag:s0], s1  }
0x202: {  	s1 =	ssub.s32 @!p0 $0x0, s1;
	[sflag:s0] =	ssyncset.done @!p0 $0x0  }
0x203: {  	[sflag:s0] =	ssyncadd.s32 @!p0 s1  }
0x204: {  	[bflag:$0x3] =	sbarrier.arrive $0xFFFF  }
0x205: {  	_ =	shalt  }

</sc_bundles>
